<compile_context>
chip_gen: v7x
topology: tpu7x:2x2x1
jax: 0.10.2.dev20260603
libtpu: 0.0.44.dev20260713+nightly
codegen_flags: <defaults>
</compile_context>

<pallas_src>
import jax
import jax.numpy as jnp
from jax import lax
from jax.experimental import pallas as pl
from jax.experimental.pallas import tpu as pltpu
from jax.experimental.pallas import tpu_sc as plsc

_NPAD = 10240
_D = 128
_HID = 128
_EMB = 64
_NC = 2
_NS = 16
_NW = _NC * _NS
_CH = 128
_RPT = _NPAD // _NS


def _mesh():
    return plsc.VectorSubcoreMesh(core_axis_name="c", subcore_axis_name="s",
                                  num_cores=_NC, num_subcores=_NS)



def _sc_degree(dst2):
    cpt = dst2.shape[0] // _NW

    def body(dst2_hbm, out_hbm, acc, zbuf, ones_v, didx_v):
        c = lax.axis_index("c")
        s = lax.axis_index("s")
        wid = s * _NC + c

        def fill(i, carry):
            zbuf[pl.ds(i * 16, 16)] = jnp.zeros((16,), jnp.float32)
            return carry
        lax.fori_loop(0, _RPT // 16, fill, 0)

        def fill1(i, carry):
            ones_v[pl.ds(i * 16, 16)] = jnp.ones((16,), jnp.float32)
            return carry
        lax.fori_loop(0, _CH // 16, fill1, 0)

        pltpu.sync_copy(zbuf, acc.at[pl.ds(s * _RPT, _RPT)])
        pltpu.sync_copy(dst2_hbm.at[pl.ds(wid * cpt, cpt)], didx_v)
        plsc.subcore_barrier()

        def chunk(t, carry):
            pltpu.sync_copy(ones_v, acc.at[didx_v.at[t]], add=True)
            return carry
        lax.fori_loop(0, cpt, chunk, 0)
        plsc.subcore_barrier()

        pltpu.sync_copy(acc.at[pl.ds(s * _RPT, _RPT)], zbuf)
        pltpu.sync_copy(zbuf, out_hbm.at[pl.ds(c * _NPAD + s * _RPT, _RPT)])

    fn = pl.kernel(
        body,
        out_type=jax.ShapeDtypeStruct((_NC * _NPAD,), jnp.float32),
        mesh=_mesh(),
        scratch_types=[
            pltpu.VMEM_SHARED((_NPAD,), jnp.float32),
            pltpu.VMEM((_RPT,), jnp.float32),
            pltpu.VMEM((_CH,), jnp.float32),
            pltpu.VMEM((cpt, _CH), jnp.int32),
        ],
    )
    return fn(dst2)


def _sc_segsum(src2, dst2, y):
    cpt = src2.shape[0] // _NW
    f = y.shape[1]
    nvec = f // 16
    n_wo = _RPT // _CH

    assert cpt % 8 == 0
    hcpt = 40
    cpt0 = 3 * cpt // 2
    cpt1 = 2 * cpt - cpt0

    def pieces(cptc):
        out, off = [], 0
        while off < cptc:
            take = min(hcpt, cptc - off)
            out.append((off, take))
            off += take
        return out

    def body(src2_hbm, dst2_hbm, y_hbm, out_hbm, acc,
             buf_a, buf_b, sidx_v, didx_v, ga, gb, sa, sb):
        c = lax.axis_index("c")
        s = lax.axis_index("s")

        def fill(i, carry):
            buf_a[i // nvec, pl.ds((i % nvec) * 16, 16)] = (
                jnp.zeros((16,), jnp.float32))
            return carry
        lax.fori_loop(0, _CH * nvec, fill, 0)

        def zero(k, carry):
            pltpu.sync_copy(buf_a, acc.at[pl.ds(s * _RPT + k * _CH, _CH)])
            return carry
        lax.fori_loop(0, n_wo, zero, 0)
        plsc.subcore_barrier()

        def gather(t, buf, sem):
            return pltpu.async_copy(y_hbm.at[sidx_v.at[t]], buf, sem)

        def scatter(t, buf, sem):
            return pltpu.async_copy(buf, acc.at[didx_v.at[t]], sem, add=True)

        def run_range(base, take):
            n_pairs = take // 2
            pltpu.sync_copy(src2_hbm.at[pl.ds(base, take)],
                            sidx_v.at[pl.ds(0, take)])
            pltpu.sync_copy(dst2_hbm.at[pl.ds(base, take)],
                            didx_v.at[pl.ds(0, take)])
            gather(0, buf_a, ga)

            def pair(q, carry):
                t0 = q * 2
                gather(t0 + 1, buf_b, gb)
                pltpu.make_async_copy(y_hbm.at[sidx_v.at[t0]], buf_a, ga).wait()
                scatter(t0, buf_a, sa)
                pltpu.make_async_copy(y_hbm.at[sidx_v.at[t0 + 1]], buf_b,
                                      gb).wait()
                scatter(t0 + 1, buf_b, sb)
                pltpu.make_async_copy(buf_a, acc.at[didx_v.at[t0]], sa).wait()

                @pl.when(q + 1 < n_pairs)
                def _():
                    gather(t0 + 2, buf_a, ga)
                pltpu.make_async_copy(buf_b, acc.at[didx_v.at[t0 + 1]],
                                      sb).wait()
                return carry
            lax.fori_loop(0, n_pairs, pair, 0)

        pair_base = s * 2 * cpt
        if cpt0 > 0:
            @pl.when(c == 0)
            def _():
                for off, take in pieces(cpt0):
                    run_range(pair_base + off, take)
        if cpt1 > 0:
            @pl.when(c == 1)
            def _():
                for off, take in pieces(cpt1):
                    run_range(pair_base + cpt0 + off, take)
        plsc.subcore_barrier()

        def writeout(k, carry):
            r0 = s * _RPT + k * _CH
            pltpu.sync_copy(acc.at[pl.ds(r0, _CH)], buf_a)
            pltpu.sync_copy(buf_a, out_hbm.at[c, pl.ds(r0, _CH)])
            return carry
        lax.fori_loop(0, n_wo, writeout, 0)

    fn = pl.kernel(
        body,
        out_type=jax.ShapeDtypeStruct((_NC, _NPAD, f), jnp.float32),
        mesh=_mesh(),
        scratch_types=[
            pltpu.VMEM_SHARED((_NPAD, f), jnp.float32),
            pltpu.VMEM((_CH, f), jnp.float32),
            pltpu.VMEM((_CH, f), jnp.float32),
            pltpu.VMEM((hcpt, _CH), jnp.int32),
            pltpu.VMEM((hcpt, _CH), jnp.int32),
        ] + [pltpu.SemaphoreType.DMA] * 4,
    )
    return fn(src2, dst2, y)


def _sc_gather(emb, idx):
    f = emb.shape[1]
    b = idx.shape[0]
    bpw = b // _NW
    npc = bpw // _CH

    def body(emb_hbm, idx_hbm, out_hbm, idx_v, rows_v):
        c = lax.axis_index("c")
        s = lax.axis_index("s")
        wid = s * _NC + c
        pltpu.sync_copy(idx_hbm.at[pl.ds(wid * bpw, bpw)], idx_v)

        def chunk(t, carry):
            pltpu.sync_copy(emb_hbm.at[idx_v.at[pl.ds(t * _CH, _CH)]], rows_v)
            pltpu.sync_copy(rows_v,
                            out_hbm.at[pl.ds(wid * bpw + t * _CH, _CH)])
            return carry
        lax.fori_loop(0, npc, chunk, 0)

    fn = pl.kernel(
        body,
        out_type=jax.ShapeDtypeStruct((b, f), jnp.float32),
        mesh=_mesh(),
        scratch_types=[
            pltpu.VMEM((bpw,), jnp.int32),
            pltpu.VMEM((_CH, f), jnp.float32),
        ],
    )
    return fn(emb, idx)



def _tc_prep1(x, dega, degb, w1):
    br = 512

    def body(x_ref, da_ref, db_ref, w_ref, dinv_ref, y_ref):
        deg = 1.0 + da_ref[...] + db_ref[...]
        dinv = lax.rsqrt(jnp.maximum(deg, 1.0))
        dinv_ref[...] = dinv
        y_ref[...] = dinv[:, None] * jnp.dot(
            x_ref[...], w_ref[...], preferred_element_type=jnp.float32)

    return pl.pallas_call(
        body,
        grid=(_NPAD // br,),
        in_specs=[
            pl.BlockSpec((br, _D), lambda i: (i, 0)),
            pl.BlockSpec((br,), lambda i: (i,)),
            pl.BlockSpec((br,), lambda i: (i,)),
            pl.BlockSpec((_D, _HID), lambda i: (0, 0)),
        ],
        out_specs=[
            pl.BlockSpec((br,), lambda i: (i,)),
            pl.BlockSpec((br, _HID), lambda i: (i, 0)),
        ],
        out_shape=[
            jax.ShapeDtypeStruct((_NPAD,), jnp.float32),
            jax.ShapeDtypeStruct((_NPAD, _HID), jnp.float32),
        ],
    )(x, dega, degb, w1)


def _tc_prep2(z1, y1, dinv, b1, w2):
    br = 512

    def body(za_ref, zb_ref, y1_ref, dinv_ref, b_ref, w_ref, y2_ref):
        dinv = dinv_ref[...]
        pre = dinv[:, None] * (za_ref[0] + zb_ref[0] + y1_ref[...]) + b_ref[...]
        h = jnp.maximum(pre, 0.0)
        y2_ref[:, :_EMB] = dinv[:, None] * jnp.dot(
            h, w_ref[...], preferred_element_type=jnp.float32)
        y2_ref[:, _EMB:] = jnp.zeros((br, _HID - _EMB), jnp.float32)

    return pl.pallas_call(
        body,
        grid=(_NPAD // br,),
        in_specs=[
            pl.BlockSpec((1, br, _HID), lambda i: (0, i, 0)),
            pl.BlockSpec((1, br, _HID), lambda i: (1, i, 0)),
            pl.BlockSpec((br, _HID), lambda i: (i, 0)),
            pl.BlockSpec((br,), lambda i: (i,)),
            pl.BlockSpec((_HID,), lambda i: (0,)),
            pl.BlockSpec((_HID, _EMB), lambda i: (0, 0)),
        ],
        out_specs=pl.BlockSpec((br, _HID), lambda i: (i, 0)),
        out_shape=jax.ShapeDtypeStruct((_NPAD, _HID), jnp.float32),
    )(z1, z1, y1, dinv, b1, w2)


def _tc_emb(z2, y2, dinv, b2):
    br = 512

    def body(za_ref, zb_ref, y2_ref, dinv_ref, b_ref, emb_ref):
        zsum = (za_ref[0, :, :_EMB] + zb_ref[0, :, :_EMB]
                + y2_ref[:, :_EMB])
        emb_ref[:, :_EMB] = dinv_ref[...][:, None] * zsum + b_ref[...]
        emb_ref[:, _EMB:] = jnp.zeros((br, _HID - _EMB), jnp.float32)

    return pl.pallas_call(
        body,
        grid=(_NPAD // br,),
        in_specs=[
            pl.BlockSpec((1, br, _HID), lambda i: (0, i, 0)),
            pl.BlockSpec((1, br, _HID), lambda i: (1, i, 0)),
            pl.BlockSpec((br, _HID), lambda i: (i, 0)),
            pl.BlockSpec((br,), lambda i: (i,)),
            pl.BlockSpec((_EMB,), lambda i: (0,)),
        ],
        out_specs=pl.BlockSpec((br, _HID), lambda i: (i, 0)),
        out_shape=jax.ShapeDtypeStruct((_NPAD, _HID), jnp.float32),
    )(z2, z2, y2, dinv, b2)


def _tc_occ(occ_x, oW1, ob1, oW2, ob2):
    bb = 2048
    b = occ_x.shape[0]

    def body(occ_ref, w1_ref, b1_ref, w2_ref, b2_ref, out_ref):
        o = jnp.maximum(jnp.dot(occ_ref[...], w1_ref[...],
                                preferred_element_type=jnp.float32)
                        + b1_ref[...], 0.0)
        out_ref[...] = jnp.dot(
            o, w2_ref[...], preferred_element_type=jnp.float32) + b2_ref[...]

    return pl.pallas_call(
        body,
        grid=(b // bb,),
        in_specs=[pl.BlockSpec((bb, _D), lambda i: (i, 0)),
                  pl.BlockSpec((_D, _HID), lambda i: (0, 0)),
                  pl.BlockSpec((_HID,), lambda i: (0,)),
                  pl.BlockSpec((_HID, _EMB), lambda i: (0, 0)),
                  pl.BlockSpec((_EMB,), lambda i: (0,))],
        out_specs=pl.BlockSpec((bb, _EMB), lambda i: (i, 0)),
        out_shape=jax.ShapeDtypeStruct((b, _EMB), jnp.float32),
    )(occ_x, oW1, ob1, oW2, ob2)


_W_NAMES2 = ['Wv', 'bv', 'Wo', 'bo',
             'fW1', 'fb1', 'fg1', 'fbt1', 'fW2', 'fb2', 'fg2', 'fbt2',
             'mW1', 'mb1', 'mg1', 'mbt1', 'mW2', 'mb2', 'mg2', 'mbt2',
             'mW3', 'mb3', 'mg3', 'mbt3', 'mW4', 'mb4']


def _tc_head(occ_emb, sel, params):
    bb = 2048
    b = occ_emb.shape[0]
    ws = [params[n] if n != 'mW4' else params[n].reshape(-1)
          for n in _W_NAMES2]

    def body(occ_ref, sel_ref, *refs):
        w = {n: r[...] for n, r in zip(_W_NAMES2, refs[:len(_W_NAMES2)])}
        out_ref = refs[len(_W_NAMES2)]

        def dot(a, bm):
            return jnp.dot(a, bm, preferred_element_type=jnp.float32)

        def ln(x, g, bt):
            mu = jnp.mean(x, axis=-1, keepdims=True)
            var = jnp.mean((x - mu) ** 2, axis=-1, keepdims=True)
            return (x - mu) * lax.rsqrt(var + 1e-5) * g + bt

        occ_emb = occ_ref[...]
        sel = sel_ref[...][:, :_EMB]
        attn = dot(dot(sel, w['Wv']) + w['bv'], w['Wo']) + w['bo']
        fpre = (dot(sel, w['fW1'][:_EMB])
                + dot(occ_emb, w['fW1'][_EMB:2 * _EMB])
                + dot(attn, w['fW1'][2 * _EMB:]) + w['fb1'])
        f = jnp.maximum(ln(fpre, w['fg1'], w['fbt1']), 0.0)
        enh = ln(dot(f, w['fW2']) + w['fb2'], w['fg2'], w['fbt2'])
        m1 = jnp.maximum(ln(dot(enh, w['mW1'][:_EMB])
                            + dot(occ_emb, w['mW1'][_EMB:]) + w['mb1'],
                            w['mg1'], w['mbt1']), 0.0)
        m2 = jnp.maximum(ln(dot(m1, w['mW2']) + w['mb2'],
                            w['mg2'], w['mbt2']), 0.0)
        m3 = jnp.maximum(ln(dot(m2, w['mW3']) + w['mb3'],
                            w['mg3'], w['mbt3']), 0.0)
        logit = jnp.sum(m3 * w['mW4'], axis=-1) + w['mb4'][0]
        out_ref[...] = 1.0 / (1.0 + jnp.exp(-logit))

    w_specs = [pl.BlockSpec(wa.shape, (lambda i, nd=wa.ndim: (0,) * nd))
               for wa in ws]
    return pl.pallas_call(
        body,
        grid=(b // bb,),
        in_specs=[pl.BlockSpec((bb, _EMB), lambda i: (i, 0)),
                  pl.BlockSpec((bb, _HID), lambda i: (i, 0))] + w_specs,
        out_specs=pl.BlockSpec((bb,), lambda i: (i,)),
        out_shape=jax.ShapeDtypeStruct((b,), jnp.float32),
    )(occ_emb, sel, *ws)



def kernel(skill_x, occupation_x, edge_index, skill_idx, params):
    p = params
    src = edge_index[0]
    dst = edge_index[1]
    e = src.shape[0]
    n = skill_x.shape[0]

    chunks = -(-e // _CH)
    chunks_pad = -(-chunks // (_NW * 8)) * (_NW * 8)
    pad = chunks_pad * _CH - e
    src2 = jnp.concatenate([src, jnp.zeros((pad,), src.dtype)]).reshape(-1, _CH)
    dst2 = jnp.concatenate([dst, jnp.full((pad,), n, dst.dtype)]).reshape(-1, _CH)
    x_pad = jnp.concatenate(
        [skill_x, jnp.zeros((_NPAD - n, _D), skill_x.dtype)], axis=0)

    occ_emb = _tc_occ(occupation_x, p['oW1'], p['ob1'], p['oW2'], p['ob2'])
    deg2 = _sc_degree(dst2).reshape(_NC, _NPAD)
    dinv, y1 = _tc_prep1(x_pad, deg2[0], deg2[1], p['gW1'])
    z1 = _sc_segsum(src2, dst2, y1)
    y2 = _tc_prep2(z1, y1, dinv, p['gb1'], p['gW2'])
    z2 = _sc_segsum(src2, dst2, y2)
    emb = _tc_emb(z2, y2, dinv, p['gb2'])
    sel = _sc_gather(emb, skill_idx)
    return _tc_head(occ_emb, sel, p)

# --- scband reference (transcript-rebuilt; emitter-appended) ---
"""Pipeline reference for scband-skill-matching-model-33801392619945 (READ-ONLY COPY).

The authoritative reference and input builder live on the scoring server;
editing this copy changes nothing except your own understanding.
"""

import jax, jax.numpy as jnp
import numpy as np

N = 10000
E = 320000
D = 128
HID = 128
EMB = 64
B = 16384
HEADS = 4


def _p(k, shape):
    return jax.random.normal(k, shape, dtype=jnp.float32) * 0.02


def setup_inputs(seed: int = 0) -> dict:
    key = jax.random.key(seed)
    ks = jax.random.split(key, 40)
    skill_x = jax.random.normal(ks[0], (N, D), dtype=jnp.float32)
    occupation_x = jax.random.normal(ks[1], (B, D), dtype=jnp.float32)
    edge_index = jax.random.randint(ks[2], (2, E), 0, N, dtype=jnp.int32)
    skill_idx = jax.random.randint(ks[3], (B,), 0, N, dtype=jnp.int32)
    params = {
        'gW1': _p(ks[4], (D, HID)), 'gb1': jnp.zeros((HID,), jnp.float32),
        'gW2': _p(ks[5], (HID, EMB)), 'gb2': jnp.zeros((EMB,), jnp.float32),
        'oW1': _p(ks[6], (D, HID)), 'ob1': jnp.zeros((HID,), jnp.float32),
        'oW2': _p(ks[7], (HID, EMB)), 'ob2': jnp.zeros((EMB,), jnp.float32),
        'Wq': _p(ks[8], (EMB, EMB)), 'bq': jnp.zeros((EMB,), jnp.float32),
        'Wk': _p(ks[9], (EMB, EMB)), 'bk': jnp.zeros((EMB,), jnp.float32),
        'Wv': _p(ks[10], (EMB, EMB)), 'bv': jnp.zeros((EMB,), jnp.float32),
        'Wo': _p(ks[11], (EMB, EMB)), 'bo': jnp.zeros((EMB,), jnp.float32),
        'fW1': _p(ks[12], (EMB * 3, HID)), 'fb1': jnp.zeros((HID,), jnp.float32),
        'fg1': jnp.ones((HID,), jnp.float32), 'fbt1': jnp.zeros((HID,), jnp.float32),
        'fW2': _p(ks[13], (HID, EMB)), 'fb2': jnp.zeros((EMB,), jnp.float32),
        'fg2': jnp.ones((EMB,), jnp.float32), 'fbt2': jnp.zeros((EMB,), jnp.float32),
        'mW1': _p(ks[14], (EMB * 2, HID)), 'mb1': jnp.zeros((HID,), jnp.float32),
        'mg1': jnp.ones((HID,), jnp.float32), 'mbt1': jnp.zeros((HID,), jnp.float32),
        'mW2': _p(ks[15], (HID, HID // 2)), 'mb2': jnp.zeros((HID // 2,), jnp.float32),
        'mg2': jnp.ones((HID // 2,), jnp.float32), 'mbt2': jnp.zeros((HID // 2,), jnp.float32),
        'mW3': _p(ks[16], (HID // 2, HID // 4)), 'mb3': jnp.zeros((HID // 4,), jnp.float32),
        'mg3': jnp.ones((HID // 4,), jnp.float32), 'mbt3': jnp.zeros((HID // 4,), jnp.float32),
        'mW4': _p(ks[17], (HID // 4, 1)), 'mb4': jnp.zeros((1,), jnp.float32),
    }
    return {'skill_x': skill_x, 'occupation_x': occupation_x,
            'edge_index': edge_index, 'skill_idx': skill_idx, 'params': params}


def _ln(x, g, b):
    m = jnp.mean(x, axis=-1, keepdims=True)
    v = jnp.var(x, axis=-1, keepdims=True)
    return (x - m) / jnp.sqrt(v + 1e-5) * g + b


def _forward(skill_x, occ_x, p, edge_index, skill_idx):
    n = skill_x.shape[0]
    src = edge_index[0]
    dst = edge_index[1]
    sl = jnp.arange(n, dtype=src.dtype)
    s2 = jnp.concatenate([src, sl])
    d2 = jnp.concatenate([dst, sl])
    deg = jnp.zeros((n,), jnp.float32).at[d2].add(1.0)
    dinv = jax.lax.rsqrt(jnp.maximum(deg, 1.0))
    norm = dinv[s2] * dinv[d2]

    def gcn(x, W, b):
        h = x @ W
        msg = h[s2] * norm[:, None]
        return jax.ops.segment_sum(msg, d2, num_segments=n) + b

    h = jax.nn.relu(gcn(skill_x, p['gW1'], p['gb1']))
    skill_emb = gcn(h, p['gW2'], p['gb2'])

    o = jax.nn.relu(occ_x @ p['oW1'] + p['ob1'])
    occ_emb = o @ p['oW2'] + p['ob2']

    sel = skill_emb[skill_idx]

    dh = EMB // HEADS
    Q = (occ_emb @ p['Wq'] + p['bq']).reshape(-1, HEADS, dh)
    K = (sel @ p['Wk'] + p['bk']).reshape(-1, HEADS, dh)
    V = (sel @ p['Wv'] + p['bv']).reshape(-1, HEADS, dh)
    scores = jnp.sum(Q * K, axis=-1, keepdims=True) / jnp.sqrt(float(dh))
    attn = jax.nn.softmax(scores, axis=-1)
    ctx = (attn * V).reshape(-1, EMB)
    attn_out = ctx @ p['Wo'] + p['bo']

    fe_in = jnp.concatenate([sel, occ_emb, attn_out], axis=-1)
    f = jax.nn.relu(_ln(fe_in @ p['fW1'] + p['fb1'], p['fg1'], p['fbt1']))
    enh = _ln(f @ p['fW2'] + p['fb2'], p['fg2'], p['fbt2'])

    m_in = jnp.concatenate([enh, occ_emb], axis=-1)
    m = jax.nn.relu(_ln(m_in @ p['mW1'] + p['mb1'], p['mg1'], p['mbt1']))
    m = jax.nn.relu(_ln(m @ p['mW2'] + p['mb2'], p['mg2'], p['mbt2']))
    m = jax.nn.relu(_ln(m @ p['mW3'] + p['mb3'], p['mg3'], p['mbt3']))
    prob = jax.nn.sigmoid(m @ p['mW4'] + p['mb4']).squeeze(-1)
    return prob


def reference(skill_x, occupation_x, edge_index, skill_idx, params):
    return _forward(skill_x, occupation_x, params, edge_index, skill_idx)

if __name__ == "__main__":
    import jax
    _d = setup_inputs()
    print(jax.jit(kernel)(*tuple(_d.values())))

</pallas_src>

<mosaic_0001>
#map = affine_map<(d0, d1) -> (0, 0)>
#map1 = affine_map<(d0, d1) -> (0)>
module attributes {stable_mosaic.version = 14 : i64} {
  func.func @body(%arg0: i32, %arg1: i32, %arg2: memref<10240x128xf32, #tpu.memory_space<hbm>>, %arg3: memref<16384xi32, #tpu.memory_space<hbm>>, %arg4: memref<16384x128xf32, #tpu.memory_space<hbm>>, %arg5: memref<512xi32, #tpu.memory_space<vmem>>, %arg6: memref<128x128xf32, #tpu.memory_space<vmem>>) attributes {dimension_semantics = [#tpu.dimension_semantics<core_parallel>, #tpu.dimension_semantics<subcore_parallel>], iteration_bounds = array<i64: 2, 16>, scalar_prefetch = 0 : i64, scratch_operands = 2 : i64, tpu.core_type = #tpu.core_type<sc_vector_subcore>, window_params = [{transform_indices = #map}, {transform_indices = #map1}, {transform_indices = #map}]} {
    %mul3A = arith.constant 2 : i32
    %mul3A_0 = arith.muli %arg1, %mul3A : i32
    %add3A = arith.addi %mul3A_0, %arg0 : i32
    %mul3A_1 = arith.constant 512 : i32
    %mul3A_2 = arith.muli %add3A, %mul3A_1 : i32
    "tpu.region"() ({
      %run_scoped3A = tpu.sem_alloc : memref<!tpu.dma_semaphore, #tpu.memory_space<semaphore_mem>>
      %dma_start3A = tpu.memref_slice %arg3[%mul3A_2] : memref<16384xi32, #tpu.memory_space<hbm>> -> memref<512xi32, #tpu.memory_space<hbm>>
      %dma_start3A_8 = tpu.memref_slice %arg3[%mul3A_2] : memref<16384xi32, #tpu.memory_space<hbm>> -> memref<512xi32, #tpu.memory_space<hbm>>
      tpu.enqueue_dma source(%dma_start3A_8 : memref<512xi32, #tpu.memory_space<hbm>>) target(%arg5 : memref<512xi32, #tpu.memory_space<vmem>>) target_semaphore(%run_scoped3A : memref<!tpu.dma_semaphore, #tpu.memory_space<semaphore_mem>>)
      %dma_wait3A = tpu.memref_slice %arg3[%mul3A_2] : memref<16384xi32, #tpu.memory_space<hbm>> -> memref<512xi32, #tpu.memory_space<hbm>>
      %dma_wait3A_9 = tpu.memref_slice %arg3[%mul3A_2] : memref<16384xi32, #tpu.memory_space<hbm>> -> memref<512xi32, #tpu.memory_space<hbm>>
      tpu.wait_dma2 semaphore(%run_scoped3A : memref<!tpu.dma_semaphore, #tpu.memory_space<semaphore_mem>>) src(%dma_wait3A_9 : memref<512xi32, #tpu.memory_space<hbm>>) dst(%arg5 : memref<512xi32, #tpu.memory_space<vmem>>)
      tpu.yield
    }) : () -> ()
    %scan3A = arith.constant 0 : i32
    %scan3A_3 = arith.constant 0 : i32
    %scan3A_4 = arith.constant 4 : i32
    %scan3A_5 = arith.addi %scan3A_3, %scan3A_4 : i32
    %scan3A_6 = arith.constant 1 : i32
    scf.for %scan3A_8 = %scan3A_3 to %scan3A_5 step %scan3A_6  : i32 {
      %mul3A_9 = arith.constant 128 : i32
      %mul3A_10 = arith.muli %scan3A_8, %mul3A_9 : i32
      "tpu.region"() ({
        %run_scoped3A = tpu.sem_alloc : memref<!tpu.dma_semaphore, #tpu.memory_space<semaphore_mem>>
        %dma_start3A = tpu.memref_slice %arg5[%mul3A_10] : memref<512xi32, #tpu.memory_space<vmem>> -> memref<128xi32, #tpu.memory_space<vmem>>
        %dma_start3A_16 = arith.constant 0 : i32
        %dma_start3A_17 = arith.constant 0 : i32
        %dma_start3A_18 = tpu.memref_slice %arg2[%dma_start3A_16, %dma_start3A_17] : memref<10240x128xf32, #tpu.memory_space<hbm>> -> memref<10240x128xf32, #tpu.memory_space<hbm>>
        tpu.enqueue_indirect_dma source(%dma_start3A_18 : memref<10240x128xf32, #tpu.memory_space<hbm>>) target(%arg6 : memref<128x128xf32, #tpu.memory_space<vmem>>) offsets(%dma_start3A : memref<128xi32, #tpu.memory_space<vmem>>) semaphore(%run_scoped3A : memref<!tpu.dma_semaphore, #tpu.memory_space<semaphore_mem>>)
        %dma_wait3A = tpu.memref_slice %arg5[%mul3A_10] : memref<512xi32, #tpu.memory_space<vmem>> -> memref<128xi32, #tpu.memory_space<vmem>>
        %dma_wait3A_19 = arith.constant 0 : i32
        %dma_wait3A_20 = arith.constant 0 : i32
        %dma_wait3A_21 = tpu.memref_slice %arg2[%dma_wait3A_19, %dma_wait3A_20] : memref<10240x128xf32, #tpu.memory_space<hbm>> -> memref<10240x128xf32, #tpu.memory_space<hbm>>
        tpu.wait_indirect_dma semaphore(%run_scoped3A : memref<!tpu.dma_semaphore, #tpu.memory_space<semaphore_mem>>) src(%dma_wait3A_21 : memref<10240x128xf32, #tpu.memory_space<hbm>>) dst(%arg6 : memref<128x128xf32, #tpu.memory_space<vmem>>)
        tpu.yield
      }) : () -> ()
      %mul3A_11 = arith.constant 512 : i32
      %mul3A_12 = arith.muli %add3A, %mul3A_11 : i32
      %mul3A_13 = arith.constant 128 : i32
      %mul3A_14 = arith.muli %scan3A_8, %mul3A_13 : i32
      %add3A_15 = arith.addi %mul3A_12, %mul3A_14 : i32
      "tpu.region"() ({
        %run_scoped3A = tpu.sem_alloc : memref<!tpu.dma_semaphore, #tpu.memory_space<semaphore_mem>>
        %dma_start3A = arith.constant 0 : i32
        %dma_start3A_16 = tpu.memref_slice %arg4[%add3A_15, %dma_start3A] : memref<16384x128xf32, #tpu.memory_space<hbm>> -> memref<128x128xf32, #tpu.memory_space<hbm>>
        %dma_start3A_17 = arith.constant 0 : i32
        %dma_start3A_18 = tpu.memref_slice %arg4[%add3A_15, %dma_start3A_17] : memref<16384x128xf32, #tpu.memory_space<hbm>> -> memref<128x128xf32, #tpu.memory_space<hbm>>
        tpu.enqueue_dma source(%arg6 : memref<128x128xf32, #tpu.memory_space<vmem>>) target(%dma_start3A_18 : memref<128x128xf32, #tpu.memory_space<hbm>>) target_semaphore(%run_scoped3A : memref<!tpu.dma_semaphore, #tpu.memory_space<semaphore_mem>>)
        %dma_wait3A = arith.constant 0 : i32
        %dma_wait3A_19 = tpu.memref_slice %arg4[%add3A_15, %dma_wait3A] : memref<16384x128xf32, #tpu.memory_space<hbm>> -> memref<128x128xf32, #tpu.memory_space<hbm>>
        %dma_wait3A_20 = arith.constant 0 : i32
        %dma_wait3A_21 = tpu.memref_slice %arg4[%add3A_15, %dma_wait3A_20] : memref<16384x128xf32, #tpu.memory_space<hbm>> -> memref<128x128xf32, #tpu.memory_space<hbm>>
        tpu.wait_dma2 semaphore(%run_scoped3A : memref<!tpu.dma_semaphore, #tpu.memory_space<semaphore_mem>>) src(%arg6 : memref<128x128xf32, #tpu.memory_space<vmem>>) dst(%dma_wait3A_21 : memref<128x128xf32, #tpu.memory_space<hbm>>)
        tpu.yield
      }) : () -> ()
    }
    %scan3A_7 = arith.constant 4 : i32
    return
  }
}

#map = affine_map<(d0, d1) -> (0, 0)>
#map1 = affine_map<(d0, d1) -> (0, 0, 0)>
module attributes {stable_mosaic.version = 14 : i64} {
  func.func @body(%arg0: i32, %arg1: i32, %arg2: memref<2560x128xi32, #tpu.memory_space<hbm>>, %arg3: memref<2560x128xi32, #tpu.memory_space<hbm>>, %arg4: memref<10240x128xf32, #tpu.memory_space<hbm>>, %arg5: memref<2x10240x128xf32, #tpu.memory_space<hbm>>, %arg6: memref<10240x128xf32, #tpu.memory_space<vmem_shared>>, %arg7: memref<128x128xf32, #tpu.memory_space<vmem>>, %arg8: memref<128x128xf32, #tpu.memory_space<vmem>>, %arg9: memref<40x128xi32, #tpu.memory_space<vmem>>, %arg10: memref<40x128xi32, #tpu.memory_space<vmem>>, %arg11: memref<!tpu.dma_semaphore, #tpu.memory_space<semaphore_mem>>, %arg12: memref<!tpu.dma_semaphore, #tpu.memory_space<semaphore_mem>>, %arg13: memref<!tpu.dma_semaphore, #tpu.memory_space<semaphore_mem>>, %arg14: memref<!tpu.dma_semaphore, #tpu.memory_space<semaphore_mem>>) attributes {dimension_semantics = [#tpu.dimension_semantics<core_parallel>, #tpu.dimension_semantics<subcore_parallel>], iteration_bounds = array<i64: 2, 16>, scalar_prefetch = 0 : i64, scratch_operands = 9 : i64, tpu.core_type = #tpu.core_type<sc_vector_subcore>, window_params = [{transform_indices = #map}, {transform_indices = #map}, {transform_indices = #map}, {transform_indices = #map1}]} {
    %scan3A = arith.constant 0 : i32
    %scan3A_0 = arith.constant 0 : i32
    %scan3A_1 = arith.constant 1024 : i32
    %scan3A_2 = arith.addi %scan3A_0, %scan3A_1 : i32
    %scan3A_3 = arith.constant 1 : i32
    scf.for %scan3A_28 = %scan3A_0 to %scan3A_2 step %scan3A_3  : i32 {
      %broadcast_in_dim3A = arith.constant 0.000000e+00 : f32
      %broadcast_in_dim3A_29 = vector.broadcast %broadcast_in_dim3A : f32 to vector<16xf32>
      %jit3A = arith.constant 8 : i32
      %div3A = arith.divsi %scan3A_28, %jit3A : i32
      %sign3A = arith.constant 0 : i32
      %sign3A_30 = arith.cmpi sgt, %scan3A_28, %sign3A : i32
      %sign3A_31 = arith.extui %sign3A_30 : i1 to i32
      %sign3A_32 = arith.constant 0 : i32
      %sign3A_33 = arith.cmpi slt, %scan3A_28, %sign3A_32 : i32
      %sign3A_34 = arith.extui %sign3A_33 : i1 to i32
      %sign3A_35 = arith.subi %sign3A_31, %sign3A_34 : i32
      %sign3A_36 = arith.constant 0 : i32
      %sign3A_37 = arith.cmpi sgt, %jit3A, %sign3A_36 : i32
      %sign3A_38 = arith.extui %sign3A_37 : i1 to i32
      %sign3A_39 = arith.constant 0 : i32
      %sign3A_40 = arith.cmpi slt, %jit3A, %sign3A_39 : i32
      %sign3A_41 = arith.extui %sign3A_40 : i1 to i32
      %sign3A_42 = arith.subi %sign3A_38, %sign3A_41 : i32
      %ne3A = arith.cmpi ne, %sign3A_35, %sign3A_42 : i32
      %rem3A = arith.remsi %scan3A_28, %jit3A : i32
      %ne3A_43 = arith.constant 0 : i32
      %ne3A_44 = arith.cmpi ne, %rem3A, %ne3A_43 : i32
      %and3A = arith.andi %ne3A, %ne3A_44 : i1
      %sub3A = arith.constant 1 : i32
      %sub3A_45 = arith.subi %div3A, %sub3A : i32
      %select_n3A = arith.select %and3A, %sub3A_45, %div3A : i32
      %jit3A_46 = arith.constant 8 : i32
      %eq3A_47 = arith.constant 0 : i32
      %eq3A_48 = arith.cmpi eq, %jit3A_46, %eq3A_47 : i32
      %jit3A_49 = arith.constant 1 : i32
      %select_n3A_50 = arith.select %eq3A_48, %jit3A_49, %jit3A_46 : i32
      %rem3A_51 = arith.remsi %scan3A_28, %select_n3A_50 : i32
      %ne3A_52 = arith.constant 0 : i32
      %ne3A_53 = arith.cmpi ne, %rem3A_51, %ne3A_52 : i32
      %lt3A = arith.constant 0 : i32
      %lt3A_54 = arith.cmpi slt, %rem3A_51, %lt3A : i32
      %lt3A_55 = arith.constant 0 : i32
      %lt3A_56 = arith.cmpi slt, %select_n3A_50, %lt3A_55 : i32
      %ne3A_57 = arith.xori %lt3A_54, %lt3A_56 : i1
      %and3A_58 = arith.andi %ne3A_57, %ne3A_53 : i1
      %add3A = arith.addi %rem3A_51, %select_n3A_50 : i32
      %select_n3A_59 = arith.select %and3A_58, %add3A, %rem3A_51 : i32
      %mul3A_60 = arith.constant 16 : i32
      %mul3A_61 = arith.muli %select_n3A_59, %mul3A_60 : i32
      %swap3A = arith.index_cast %select_n3A : i32 to index
      %swap3A_62 = arith.index_cast %mul3A_61 : i32 to index
      %swap3A_63 = tpu.vector_load %arg7[%swap3A, %swap3A_62] {strides = array<i32>} : memref<128x128xf32, #tpu.memory_space<vmem>>, vector<1x16xf32>,
      %swap3A_64 = vector.shape_cast %swap3A_63 : vector<1x16xf32> to vector<16xf32>
      %swap3A_65 = vector.shape_cast %broadcast_in_dim3A_29 : vector<16xf32> to vector<1x16xf32>
      tpu.vector_store %arg7[%swap3A, %swap3A_62], %swap3A_65 {strides = array<i32>} : memref<128x128xf32, #tpu.memory_space<vmem>>, vector<1x16xf32>,
    }
    %scan3A_4 = arith.constant 1024 : i32
    %scan3A_5 = arith.constant 0 : i32
    %scan3A_6 = arith.constant 0 : i32
    %scan3A_7 = arith.constant 5 : i32
    %scan3A_8 = arith.addi %scan3A_6, %scan3A_7 : i32
    %scan3A_9 = arith.constant 1 : i32
    scf.for %scan3A_28 = %scan3A_6 to %scan3A_8 step %scan3A_9  : i32 {
      %mul3A_29 = arith.constant 640 : i32
      %mul3A_30 = arith.muli %arg1, %mul3A_29 : i32
      %mul3A_31 = arith.constant 128 : i32
      %mul3A_32 = arith.muli %scan3A_28, %mul3A_31 : i32
      %add3A = arith.addi %mul3A_30, %mul3A_32 : i32
      "tpu.region"() ({
        %run_scoped3A = tpu.sem_alloc : memref<!tpu.dma_semaphore, #tpu.memory_space<semaphore_mem>>
        %dma_start3A = arith.constant 0 : i32
        %dma_start3A_33 = tpu.memref_slice %arg6[%add3A, %dma_start3A] : memref<10240x128xf32, #tpu.memory_space<vmem_shared>> -> memref<128x128xf32, #tpu.memory_space<vmem_shared>>
        %dma_start3A_34 = arith.constant 0 : i32
        %dma_start3A_35 = tpu.memref_slice %arg6[%add3A, %dma_start3A_34] : memref<10240x128xf32, #tpu.memory_space<vmem_shared>> -> memref<128x128xf32, #tpu.memory_space<vmem_shared>>
        tpu.enqueue_dma source(%arg7 : memref<128x128xf32, #tpu.memory_space<vmem>>) target(%dma_start3A_35 : memref<128x128xf32, #tpu.memory_space<vmem_shared>>) target_semaphore(%run_scoped3A : memref<!tpu.dma_semaphore, #tpu.memory_space<semaphore_mem>>)
        %dma_wait3A = arith.constant 0 : i32
        %dma_wait3A_36 = tpu.memref_slice %arg6[%add3A, %dma_wait3A] : memref<10240x128xf32, #tpu.memory_space<vmem_shared>> -> memref<128x128xf32, #tpu.memory_space<vmem_shared>>
        %dma_wait3A_37 = arith.constant 0 : i32
        %dma_wait3A_38 = tpu.memref_slice %arg6[%add3A, %dma_wait3A_37] : memref<10240x128xf32, #tpu.memory_space<vmem_shared>> -> memref<128x128xf32, #tpu.memory_space<vmem_shared>>
        tpu.wait_dma2 semaphore(%run_scoped3A : memref<!tpu.dma_semaphore, #tpu.memory_space<semaphore_mem>>) src(%arg7 : memref<128x128xf32, #tpu.memory_space<vmem>>) dst(%dma_wait3A_38 : memref<128x128xf32, #tpu.memory_space<vmem_shared>>)
        tpu.yield
      }) : () -> ()
    }
    %scan3A_10 = arith.constant 5 : i32
    %barrier3A = arith.constant 0 : index
    tpu.barrier barrier_id(%barrier3A)
    %mul3A = arith.constant 2 : i32
    %mul3A_11 = arith.muli %arg1, %mul3A : i32
    %mul3A_12 = arith.constant 80 : i32
    %mul3A_13 = arith.muli %mul3A_11, %mul3A_12 : i32
    %eq3A = arith.constant 0 : i32
    %eq3A_14 = arith.cmpi eq, %arg0, %eq3A : i32
    %convert_element_type3A = arith.extui %eq3A_14 : i1 to i32
    %cond3A = arith.constant 0 : i32
    %cond3A_15 = arith.cmpi ne, %convert_element_type3A, %cond3A : i32
    scf.if %cond3A_15 {
      %add3A = arith.constant 0 : i32
      %add3A_28 = arith.addi %mul3A_13, %add3A : i32
      "tpu.region"() ({
        %run_scoped3A = tpu.sem_alloc : memref<!tpu.dma_semaphore, #tpu.memory_space<semaphore_mem>>
        %dma_start3A_71 = arith.constant 0 : i32
        %dma_start3A_72 = arith.constant 0 : i32
        %dma_start3A_73 = tpu.memref_slice %arg9[%dma_start3A_71, %dma_start3A_72] : memref<40x128xi32, #tpu.memory_space<vmem>> -> memref<40x128xi32, #tpu.memory_space<vmem>>
        %dma_start3A_74 = arith.constant 0 : i32
        %dma_start3A_75 = tpu.memref_slice %arg2[%add3A_28, %dma_start3A_74] : memref<2560x128xi32, #tpu.memory_space<hbm>> -> memref<40x128xi32, #tpu.memory_space<hbm>>
        %dma_start3A_76 = arith.constant 0 : i32
        %dma_start3A_77 = arith.constant 0 : i32
        %dma_start3A_78 = tpu.memref_slice %arg9[%dma_start3A_76, %dma_start3A_77] : memref<40x128xi32, #tpu.memory_space<vmem>> -> memref<40x128xi32, #tpu.memory_space<vmem>>
        %dma_start3A_79 = arith.constant 0 : i32
        %dma_start3A_80 = tpu.memref_slice %arg2[%add3A_28, %dma_start3A_79] : memref<2560x128xi32, #tpu.memory_space<hbm>> -> memref<40x128xi32, #tpu.memory_space<hbm>>
        tpu.enqueue_dma source(%dma_start3A_80 : memref<40x128xi32, #tpu.memory_space<hbm>>) target(%dma_start3A_78 : memref<40x128xi32, #tpu.memory_space<vmem>>) target_semaphore(%run_scoped3A : memref<!tpu.dma_semaphore, #tpu.memory_space<semaphore_mem>>)
        %dma_wait3A = arith.constant 0 : i32
        %dma_wait3A_81 = arith.constant 0 : i32
        %dma_wait3A_82 = tpu.memref_slice %arg9[%dma_wait3A, %dma_wait3A_81] : memref<40x128xi32, #tpu.memory_space<vmem>> -> memref<40x128xi32, #tpu.memory_space<vmem>>
        %dma_wait3A_83 = arith.constant 0 : i32
        %dma_wait3A_84 = tpu.memref_slice %arg2[%add3A_28, %dma_wait3A_83] : memref<2560x128xi32, #tpu.memory_space<hbm>> -> memref<40x128xi32, #tpu.memory_space<hbm>>
        %dma_wait3A_85 = arith.constant 0 : i32
        %dma_wait3A_86 = arith.constant 0 : i32
        %dma_wait3A_87 = tpu.memref_slice %arg9[%dma_wait3A_85, %dma_wait3A_86] : memref<40x128xi32, #tpu.memory_space<vmem>> -> memref<40x128xi32, #tpu.memory_space<vmem>>
        %dma_wait3A_88 = arith.constant 0 : i32
        %dma_wait3A_89 = tpu.memref_slice %arg2[%add3A_28, %dma_wait3A_88] : memref<2560x128xi32, #tpu.memory_space<hbm>> -> memref<40x128xi32, #tpu.memory_space<hbm>>
        tpu.wait_dma2 semaphore(%run_scoped3A : memref<!tpu.dma_semaphore, #tpu.memory_space<semaphore_mem>>) src(%dma_wait3A_89 : memref<40x128xi32, #tpu.memory_space<hbm>>) dst(%dma_wait3A_87 : memref<40x128xi32, #tpu.memory_space<vmem>>)
        tpu.yield
      }) : () -> ()
      "tpu.region"() ({
        %run_scoped3A = tpu.sem_alloc : memref<!tpu.dma_semaphore, #tpu.memory_space<semaphore_mem>>
        %dma_start3A_71 = arith.constant 0 : i32
        %dma_start3A_72 = arith.constant 0 : i32
        %dma_start3A_73 = tpu.memref_slice %arg10[%dma_start3A_71, %dma_start3A_72] : memref<40x128xi32, #tpu.memory_space<vmem>> -> memref<40x128xi32, #tpu.memory_space<vmem>>
        %dma_start3A_74 = arith.constant 0 : i32
        %dma_start3A_75 = tpu.memref_slice %arg3[%add3A_28, %dma_start3A_74] : memref<2560x128xi32, #tpu.memory_space<hbm>> -> memref<40x128xi32, #tpu.memory_space<hbm>>
        %dma_start3A_76 = arith.constant 0 : i32
        %dma_start3A_77 = arith.constant 0 : i32
        %dma_start3A_78 = tpu.memref_slice %arg10[%dma_start3A_76, %dma_start3A_77] : memref<40x128xi32, #tpu.memory_space<vmem>> -> memref<40x128xi32, #tpu.memory_space<vmem>>
        %dma_start3A_79 = arith.constant 0 : i32
        %dma_start3A_80 = tpu.memref_slice %arg3[%add3A_28, %dma_start3A_79] : memref<2560x128xi32, #tpu.memory_space<hbm>> -> memref<40x128xi32, #tpu.memory_space<hbm>>
        tpu.enqueue_dma source(%dma_start3A_80 : memref<40x128xi32, #tpu.memory_space<hbm>>) target(%dma_start3A_78 : memref<40x128xi32, #tpu.memory_space<vmem>>) target_semaphore(%run_scoped3A : memref<!tpu.dma_semaphore, #tpu.memory_space<semaphore_mem>>)
        %dma_wait3A = arith.constant 0 : i32
        %dma_wait3A_81 = arith.constant 0 : i32
        %dma_wait3A_82 = tpu.memref_slice %arg10[%dma_wait3A, %dma_wait3A_81] : memref<40x128xi32, #tpu.memory_space<vmem>> -> memref<40x128xi32, #tpu.memory_space<vmem>>
        %dma_wait3A_83 = arith.constant 0 : i32
        %dma_wait3A_84 = tpu.memref_slice %arg3[%add3A_28, %dma_wait3A_83] : memref<2560x128xi32, #tpu.memory_space<hbm>> -> memref<40x128xi32, #tpu.memory_space<hbm>>
        %dma_wait3A_85 = arith.constant 0 : i32
        %dma_wait3A_86 = arith.constant 0 : i32
        %dma_wait3A_87 = tpu.memref_slice %arg10[%dma_wait3A_85, %dma_wait3A_86] : memref<40x128xi32, #tpu.memory_space<vmem>> -> memref<40x128xi32, #tpu.memory_space<vmem>>
        %dma_wait3A_88 = arith.constant 0 : i32
        %dma_wait3A_89 = tpu.memref_slice %arg3[%add3A_28, %dma_wait3A_88] : memref<2560x128xi32, #tpu.memory_space<hbm>> -> memref<40x128xi32, #tpu.memory_space<hbm>>
        tpu.wait_dma2 semaphore(%run_scoped3A : memref<!tpu.dma_semaphore, #tpu.memory_space<semaphore_mem>>) src(%dma_wait3A_89 : memref<40x128xi32, #tpu.memory_space<hbm>>) dst(%dma_wait3A_87 : memref<40x128xi32, #tpu.memory_space<vmem>>)
        tpu.yield
      }) : () -> ()
      %dma_start3A = arith.constant 0 : i32
      %dma_start3A_29 = arith.constant 0 : i32
      %dma_start3A_30 = tpu.memref_slice %arg9[%dma_start3A, %dma_start3A_29] : memref<40x128xi32, #tpu.memory_space<vmem>> -> memref<1x128xi32, #tpu.memory_space<vmem>>
      %dma_start3A_31 = tpu.memref_squeeze %dma_start3A_30 : memref<1x128xi32, #tpu.memory_space<vmem>> -> memref<128xi32, #tpu.memory_space<vmem>>
      %dma_start3A_32 = arith.constant 0 : i32
      %dma_start3A_33 = arith.constant 0 : i32
      %dma_start3A_34 = tpu.memref_slice %arg4[%dma_start3A_32, %dma_start3A_33] : memref<10240x128xf32, #tpu.memory_space<hbm>> -> memref<10240x128xf32, #tpu.memory_space<hbm>>
      tpu.enqueue_indirect_dma source(%dma_start3A_34 : memref<10240x128xf32, #tpu.memory_space<hbm>>) target(%arg7 : memref<128x128xf32, #tpu.memory_space<vmem>>) offsets(%dma_start3A_31 : memref<128xi32, #tpu.memory_space<vmem>>) semaphore(%arg11 : memref<!tpu.dma_semaphore, #tpu.memory_space<semaphore_mem>>)
      %scan3A_35 = arith.constant 0 : i32
      %scan3A_36 = arith.constant 0 : i32
      %scan3A_37 = arith.constant 20 : i32
      %scan3A_38 = arith.addi %scan3A_36, %scan3A_37 : i32
      %scan3A_39 = arith.constant 1 : i32
      scf.for %scan3A_71 = %scan3A_36 to %scan3A_38 step %scan3A_39  : i32 {
        %mul3A_72 = arith.constant 2 : i32
        %mul3A_73 = arith.muli %scan3A_71, %mul3A_72 : i32
        %add3A_74 = arith.constant 1 : i32
        %add3A_75 = arith.addi %mul3A_73, %add3A_74 : i32
        %dma_start3A_76 = arith.constant 0 : i32
        %dma_start3A_77 = tpu.memref_slice %arg9[%add3A_75, %dma_start3A_76] : memref<40x128xi32, #tpu.memory_space<vmem>> -> memref<1x128xi32, #tpu.memory_space<vmem>>
        %dma_start3A_78 = tpu.memref_squeeze %dma_start3A_77 : memref<1x128xi32, #tpu.memory_space<vmem>> -> memref<128xi32, #tpu.memory_space<vmem>>
        %dma_start3A_79 = arith.constant 0 : i32
        %dma_start3A_80 = arith.constant 0 : i32
        %dma_start3A_81 = tpu.memref_slice %arg4[%dma_start3A_79, %dma_start3A_80] : memref<10240x128xf32, #tpu.memory_space<hbm>> -> memref<10240x128xf32, #tpu.memory_space<hbm>>
        tpu.enqueue_indirect_dma source(%dma_start3A_81 : memref<10240x128xf32, #tpu.memory_space<hbm>>) target(%arg8 : memref<128x128xf32, #tpu.memory_space<vmem>>) offsets(%dma_start3A_78 : memref<128xi32, #tpu.memory_space<vmem>>) semaphore(%arg12 : memref<!tpu.dma_semaphore, #tpu.memory_space<semaphore_mem>>)
        %dma_wait3A = arith.constant 0 : i32
        %dma_wait3A_82 = tpu.memref_slice %arg9[%mul3A_73, %dma_wait3A] : memref<40x128xi32, #tpu.memory_space<vmem>> -> memref<1x128xi32, #tpu.memory_space<vmem>>
        %dma_wait3A_83 = tpu.memref_squeeze %dma_wait3A_82 : memref<1x128xi32, #tpu.memory_space<vmem>> -> memref<128xi32, #tpu.memory_space<vmem>>
        %dma_wait3A_84 = arith.constant 0 : i32
        %dma_wait3A_85 = arith.constant 0 : i32
        %dma_wait3A_86 = tpu.memref_slice %arg4[%dma_wait3A_84, %dma_wait3A_85] : memref<10240x128xf32, #tpu.memory_space<hbm>> -> memref<10240x128xf32, #tpu.memory_space<hbm>>
        tpu.wait_indirect_dma semaphore(%arg11 : memref<!tpu.dma_semaphore, #tpu.memory_space<semaphore_mem>>) src(%dma_wait3A_86 : memref<10240x128xf32, #tpu.memory_space<hbm>>) dst(%arg7 : memref<128x128xf32, #tpu.memory_space<vmem>>)
        %dma_start3A_87 = arith.constant 0 : i32
        %dma_start3A_88 = tpu.memref_slice %arg10[%mul3A_73, %dma_start3A_87] : memref<40x128xi32, #tpu.memory_space<vmem>> -> memref<1x128xi32, #tpu.memory_space<vmem>>
        %dma_start3A_89 = tpu.memref_squeeze %dma_start3A_88 : memref<1x128xi32, #tpu.memory_space<vmem>> -> memref<128xi32, #tpu.memory_space<vmem>>
        %dma_start3A_90 = arith.constant 0 : i32
        %dma_start3A_91 = arith.constant 0 : i32
        %dma_start3A_92 = tpu.memref_slice %arg6[%dma_start3A_90, %dma_start3A_91] : memref<10240x128xf32, #tpu.memory_space<vmem_shared>> -> memref<10240x128xf32, #tpu.memory_space<vmem_shared>>
        tpu.enqueue_indirect_dma source(%arg7 : memref<128x128xf32, #tpu.memory_space<vmem>>) target(%dma_start3A_92 : memref<10240x128xf32, #tpu.memory_space<vmem_shared>>) offsets(%dma_start3A_89 : memref<128xi32, #tpu.memory_space<vmem>>) semaphore(%arg13 : memref<!tpu.dma_semaphore, #tpu.memory_space<semaphore_mem>>) {add = true}
        %add3A_93 = arith.constant 1 : i32
        %add3A_94 = arith.addi %mul3A_73, %add3A_93 : i32
        %dma_wait3A_95 = arith.constant 0 : i32
        %dma_wait3A_96 = tpu.memref_slice %arg9[%add3A_94, %dma_wait3A_95] : memref<40x128xi32, #tpu.memory_space<vmem>> -> memref<1x128xi32, #tpu.memory_space<vmem>>
        %dma_wait3A_97 = tpu.memref_squeeze %dma_wait3A_96 : memref<1x128xi32, #tpu.memory_space<vmem>> -> memref<128xi32, #tpu.memory_space<vmem>>
        %dma_wait3A_98 = arith.constant 0 : i32
        %dma_wait3A_99 = arith.constant 0 : i32
        %dma_wait3A_100 = tpu.memref_slice %arg4[%dma_wait3A_98, %dma_wait3A_99] : memref<10240x128xf32, #tpu.memory_space<hbm>> -> memref<10240x128xf32, #tpu.memory_space<hbm>>
        tpu.wait_indirect_dma semaphore(%arg12 : memref<!tpu.dma_semaphore, #tpu.memory_space<semaphore_mem>>) src(%dma_wait3A_100 : memref<10240x128xf32, #tpu.memory_space<hbm>>) dst(%arg8 : memref<128x128xf32, #tpu.memory_space<vmem>>)
        %add3A_101 = arith.constant 1 : i32
        %add3A_102 = arith.addi %mul3A_73, %add3A_101 : i32
        %dma_start3A_103 = arith.constant 0 : i32
        %dma_start3A_104 = tpu.memref_slice %arg10[%add3A_102, %dma_start3A_103] : memref<40x128xi32, #tpu.memory_space<vmem>> -> memref<1x128xi32, #tpu.memory_space<vmem>>
        %dma_start3A_105 = tpu.memref_squeeze %dma_start3A_104 : memref<1x128xi32, #tpu.memory_space<vmem>> -> memref<128xi32, #tpu.memory_space<vmem>>
        %dma_start3A_106 = arith.constant 0 : i32
        %dma_start3A_107 = arith.constant 0 : i32
        %dma_start3A_108 = tpu.memref_slice %arg6[%dma_start3A_106, %dma_start3A_107] : memref<10240x128xf32, #tpu.memory_space<vmem_shared>> -> memref<10240x128xf32, #tpu.memory_space<vmem_shared>>
        tpu.enqueue_indirect_dma source(%arg8 : memref<128x128xf32, #tpu.memory_space<vmem>>) target(%dma_start3A_108 : memref<10240x128xf32, #tpu.memory_space<vmem_shared>>) offsets(%dma_start3A_105 : memref<128xi32, #tpu.memory_space<vmem>>) semaphore(%arg14 : memref<!tpu.dma_semaphore, #tpu.memory_space<semaphore_mem>>) {add = true}
        %dma_wait3A_109 = arith.constant 0 : i32
        %dma_wait3A_110 = tpu.memref_slice %arg10[%mul3A_73, %dma_wait3A_109] : memref<40x128xi32, #tpu.memory_space<vmem>> -> memref<1x128xi32, #tpu.memory_space<vmem>>
        %dma_wait3A_111 = tpu.memref_squeeze %dma_wait3A_110 : memref<1x128xi32, #tpu.memory_space<vmem>> -> memref<128xi32, #tpu.memory_space<vmem>>
        %dma_wait3A_112 = arith.constant 0 : i32
        %dma_wait3A_113 = arith.constant 0 : i32
        %dma_wait3A_114 = tpu.memref_slice %arg6[%dma_wait3A_112, %dma_wait3A_113] : memref<10240x128xf32, #tpu.memory_space<vmem_shared>> -> memref<10240x128xf32, #tpu.memory_space<vmem_shared>>
        tpu.wait_indirect_dma semaphore(%arg13 : memref<!tpu.dma_semaphore, #tpu.memory_space<semaphore_mem>>) src(%arg7 : memref<128x128xf32, #tpu.memory_space<vmem>>) dst(%dma_wait3A_114 : memref<10240x128xf32, #tpu.memory_space<vmem_shared>>)
        %add3A_115 = arith.constant 1 : i32
        %add3A_116 = arith.addi %scan3A_71, %add3A_115 : i32
        %lt3A = arith.constant 20 : i32
        %lt3A_117 = arith.cmpi slt, %add3A_116, %lt3A : i32
        %convert_element_type3A_118 = arith.extui %lt3A_117 : i1 to i32
        %cond3A_119 = arith.constant 0 : i32
        %cond3A_120 = arith.cmpi ne, %convert_element_type3A_118, %cond3A_119 : i32
        scf.if %cond3A_120 {
          %add3A_129 = arith.constant 2 : i32
          %add3A_130 = arith.addi %mul3A_73, %add3A_129 : i32
          %dma_start3A_131 = arith.constant 0 : i32
          %dma_start3A_132 = tpu.memref_slice %arg9[%add3A_130, %dma_start3A_131] : memref<40x128xi32, #tpu.memory_space<vmem>> -> memref<1x128xi32, #tpu.memory_space<vmem>>
          %dma_start3A_133 = tpu.memref_squeeze %dma_start3A_132 : memref<1x128xi32, #tpu.memory_space<vmem>> -> memref<128xi32, #tpu.memory_space<vmem>>
          %dma_start3A_134 = arith.constant 0 : i32
          %dma_start3A_135 = arith.constant 0 : i32
          %dma_start3A_136 = tpu.memref_slice %arg4[%dma_start3A_134, %dma_start3A_135] : memref<10240x128xf32, #tpu.memory_space<hbm>> -> memref<10240x128xf32, #tpu.memory_space<hbm>>
          tpu.enqueue_indirect_dma source(%dma_start3A_136 : memref<10240x128xf32, #tpu.memory_space<hbm>>) target(%arg7 : memref<128x128xf32, #tpu.memory_space<vmem>>) offsets(%dma_start3A_133 : memref<128xi32, #tpu.memory_space<vmem>>) semaphore(%arg11 : memref<!tpu.dma_semaphore, #tpu.memory_space<semaphore_mem>>)
        } else {
        }
        %add3A_121 = arith.constant 1 : i32
        %add3A_122 = arith.addi %mul3A_73, %add3A_121 : i32
        %dma_wait3A_123 = arith.constant 0 : i32
        %dma_wait3A_124 = tpu.memref_slice %arg10[%add3A_122, %dma_wait3A_123] : memref<40x128xi32, #tpu.memory_space<vmem>> -> memref<1x128xi32, #tpu.memory_space<vmem>>
        %dma_wait3A_125 = tpu.memref_squeeze %dma_wait3A_124 : memref<1x128xi32, #tpu.memory_space<vmem>> -> memref<128xi32, #tpu.memory_space<vmem>>
        %dma_wait3A_126 = arith.constant 0 : i32
        %dma_wait3A_127 = arith.constant 0 : i32
        %dma_wait3A_128 = tpu.memref_slice %arg6[%dma_wait3A_126, %dma_wait3A_127] : memref<10240x128xf32, #tpu.memory_space<vmem_shared>> -> memref<10240x128xf32, #tpu.memory_space<vmem_shared>>
        tpu.wait_indirect_dma semaphore(%arg14 : memref<!tpu.dma_semaphore, #tpu.memory_space<semaphore_mem>>) src(%arg8 : memref<128x128xf32, #tpu.memory_space<vmem>>) dst(%dma_wait3A_128 : memref<10240x128xf32, #tpu.memory_space<vmem_shared>>)
      }
      %scan3A_40 = arith.constant 20 : i32
      %add3A_41 = arith.constant 40 : i32
      %add3A_42 = arith.addi %mul3A_13, %add3A_41 : i32
      "tpu.region"() ({
        %run_scoped3A = tpu.sem_alloc : memref<!tpu.dma_semaphore, #tpu.memory_space<semaphore_mem>>
        %dma_start3A_71 = arith.constant 0 : i32
        %dma_start3A_72 = arith.constant 0 : i32
        %dma_start3A_73 = tpu.memref_slice %arg9[%dma_start3A_71, %dma_start3A_72] : memref<40x128xi32, #tpu.memory_space<vmem>> -> memref<40x128xi32, #tpu.memory_space<vmem>>
        %dma_start3A_74 = arith.constant 0 : i32
        %dma_start3A_75 = tpu.memref_slice %arg2[%add3A_42, %dma_start3A_74] : memref<2560x128xi32, #tpu.memory_space<hbm>> -> memref<40x128xi32, #tpu.memory_space<hbm>>
        %dma_start3A_76 = arith.constant 0 : i32
        %dma_start3A_77 = arith.constant 0 : i32
        %dma_start3A_78 = tpu.memref_slice %arg9[%dma_start3A_76, %dma_start3A_77] : memref<40x128xi32, #tpu.memory_space<vmem>> -> memref<40x128xi32, #tpu.memory_space<vmem>>
        %dma_start3A_79 = arith.constant 0 : i32
        %dma_start3A_80 = tpu.memref_slice %arg2[%add3A_42, %dma_start3A_79] : memref<2560x128xi32, #tpu.memory_space<hbm>> -> memref<40x128xi32, #tpu.memory_space<hbm>>
        tpu.enqueue_dma source(%dma_start3A_80 : memref<40x128xi32, #tpu.memory_space<hbm>>) target(%dma_start3A_78 : memref<40x128xi32, #tpu.memory_space<vmem>>) target_semaphore(%run_scoped3A : memref<!tpu.dma_semaphore, #tpu.memory_space<semaphore_mem>>)
        %dma_wait3A = arith.constant 0 : i32
        %dma_wait3A_81 = arith.constant 0 : i32
        %dma_wait3A_82 = tpu.memref_slice %arg9[%dma_wait3A, %dma_wait3A_81] : memref<40x128xi32, #tpu.memory_space<vmem>> -> memref<40x128xi32, #tpu.memory_space<vmem>>
        %dma_wait3A_83 = arith.constant 0 : i32
        %dma_wait3A_84 = tpu.memref_slice %arg2[%add3A_42, %dma_wait3A_83] : memref<2560x128xi32, #tpu.memory_space<hbm>> -> memref<40x128xi32, #tpu.memory_space<hbm>>
        %dma_wait3A_85 = arith.constant 0 : i32
        %dma_wait3A_86 = arith.constant 0 : i32
        %dma_wait3A_87 = tpu.memref_slice %arg9[%dma_wait3A_85, %dma_wait3A_86] : memref<40x128xi32, #tpu.memory_space<vmem>> -> memref<40x128xi32, #tpu.memory_space<vmem>>
        %dma_wait3A_88 = arith.constant 0 : i32
        %dma_wait3A_89 = tpu.memref_slice %arg2[%add3A_42, %dma_wait3A_88] : memref<2560x128xi32, #tpu.memory_space<hbm>> -> memref<40x128xi32, #tpu.memory_space<hbm>>
        tpu.wait_dma2 semaphore(%run_scoped3A : memref<!tpu.dma_semaphore, #tpu.memory_space<semaphore_mem>>) src(%dma_wait3A_89 : memref<40x128xi32, #tpu.memory_space<hbm>>) dst(%dma_wait3A_87 : memref<40x128xi32, #tpu.memory_space<vmem>>)
        tpu.yield
      }) : () -> ()
      "tpu.region"() ({
        %run_scoped3A = tpu.sem_alloc : memref<!tpu.dma_semaphore, #tpu.memory_space<semaphore_mem>>
        %dma_start3A_71 = arith.constant 0 : i32
        %dma_start3A_72 = arith.constant 0 : i32
        %dma_start3A_73 = tpu.memref_slice %arg10[%dma_start3A_71, %dma_start3A_72] : memref<40x128xi32, #tpu.memory_space<vmem>> -> memref<40x128xi32, #tpu.memory_space<vmem>>
        %dma_start3A_74 = arith.constant 0 : i32
        %dma_start3A_75 = tpu.memref_slice %arg3[%add3A_42, %dma_start3A_74] : memref<2560x128xi32, #tpu.memory_space<hbm>> -> memref<40x128xi32, #tpu.memory_space<hbm>>
        %dma_start3A_76 = arith.constant 0 : i32
        %dma_start3A_77 = arith.constant 0 : i32
        %dma_start3A_78 = tpu.memref_slice %arg10[%dma_start3A_76, %dma_start3A_77] : memref<40x128xi32, #tpu.memory_space<vmem>> -> memref<40x128xi32, #tpu.memory_space<vmem>>
        %dma_start3A_79 = arith.constant 0 : i32
        %dma_start3A_80 = tpu.memref_slice %arg3[%add3A_42, %dma_start3A_79] : memref<2560x128xi32, #tpu.memory_space<hbm>> -> memref<40x128xi32, #tpu.memory_space<hbm>>
        tpu.enqueue_dma source(%dma_start3A_80 : memref<40x128xi32, #tpu.memory_space<hbm>>) target(%dma_start3A_78 : memref<40x128xi32, #tpu.memory_space<vmem>>) target_semaphore(%run_scoped3A : memref<!tpu.dma_semaphore, #tpu.memory_space<semaphore_mem>>)
        %dma_wait3A = arith.constant 0 : i32
        %dma_wait3A_81 = arith.constant 0 : i32
        %dma_wait3A_82 = tpu.memref_slice %arg10[%dma_wait3A, %dma_wait3A_81] : memref<40x128xi32, #tpu.memory_space<vmem>> -> memref<40x128xi32, #tpu.memory_space<vmem>>
        %dma_wait3A_83 = arith.constant 0 : i32
        %dma_wait3A_84 = tpu.memref_slice %arg3[%add3A_42, %dma_wait3A_83] : memref<2560x128xi32, #tpu.memory_space<hbm>> -> memref<40x128xi32, #tpu.memory_space<hbm>>
        %dma_wait3A_85 = arith.constant 0 : i32
        %dma_wait3A_86 = arith.constant 0 : i32
        %dma_wait3A_87 = tpu.memref_slice %arg10[%dma_wait3A_85, %dma_wait3A_86] : memref<40x128xi32, #tpu.memory_space<vmem>> -> memref<40x128xi32, #tpu.memory_space<vmem>>
        %dma_wait3A_88 = arith.constant 0 : i32
        %dma_wait3A_89 = tpu.memref_slice %arg3[%add3A_42, %dma_wait3A_88] : memref<2560x128xi32, #tpu.memory_space<hbm>> -> memref<40x128xi32, #tpu.memory_space<hbm>>
        tpu.wait_dma2 semaphore(%run_scoped3A : memref<!tpu.dma_semaphore, #tpu.memory_space<semaphore_mem>>) src(%dma_wait3A_89 : memref<40x128xi32, #tpu.memory_space<hbm>>) dst(%dma_wait3A_87 : memref<40x128xi32, #tpu.memory_space<vmem>>)
        tpu.yield
      }) : () -> ()
      %dma_start3A_43 = arith.constant 0 : i32
      %dma_start3A_44 = arith.constant 0 : i32
      %dma_start3A_45 = tpu.memref_slice %arg9[%dma_start3A_43, %dma_start3A_44] : memref<40x128xi32, #tpu.memory_space<vmem>> -> memref<1x128xi32, #tpu.memory_space<vmem>>
      %dma_start3A_46 = tpu.memref_squeeze %dma_start3A_45 : memref<1x128xi32, #tpu.memory_space<vmem>> -> memref<128xi32, #tpu.memory_space<vmem>>
      %dma_start3A_47 = arith.constant 0 : i32
      %dma_start3A_48 = arith.constant 0 : i32
      %dma_start3A_49 = tpu.memref_slice %arg4[%dma_start3A_47, %dma_start3A_48] : memref<10240x128xf32, #tpu.memory_space<hbm>> -> memref<10240x128xf32, #tpu.memory_space<hbm>>
      tpu.enqueue_indirect_dma source(%dma_start3A_49 : memref<10240x128xf32, #tpu.memory_space<hbm>>) target(%arg7 : memref<128x128xf32, #tpu.memory_space<vmem>>) offsets(%dma_start3A_46 : memref<128xi32, #tpu.memory_space<vmem>>) semaphore(%arg11 : memref<!tpu.dma_semaphore, #tpu.memory_space<semaphore_mem>>)
      %scan3A_50 = arith.constant 0 : i32
      %scan3A_51 = arith.constant 0 : i32
      %scan3A_52 = arith.constant 20 : i32
      %scan3A_53 = arith.addi %scan3A_51, %scan3A_52 : i32
      %scan3A_54 = arith.constant 1 : i32
      scf.for %scan3A_71 = %scan3A_51 to %scan3A_53 step %scan3A_54  : i32 {
        %mul3A_72 = arith.constant 2 : i32
        %mul3A_73 = arith.muli %scan3A_71, %mul3A_72 : i32
        %add3A_74 = arith.constant 1 : i32
        %add3A_75 = arith.addi %mul3A_73, %add3A_74 : i32
        %dma_start3A_76 = arith.constant 0 : i32
        %dma_start3A_77 = tpu.memref_slice %arg9[%add3A_75, %dma_start3A_76] : memref<40x128xi32, #tpu.memory_space<vmem>> -> memref<1x128xi32, #tpu.memory_space<vmem>>
        %dma_start3A_78 = tpu.memref_squeeze %dma_start3A_77 : memref<1x128xi32, #tpu.memory_space<vmem>> -> memref<128xi32, #tpu.memory_space<vmem>>
        %dma_start3A_79 = arith.constant 0 : i32
        %dma_start3A_80 = arith.constant 0 : i32
        %dma_start3A_81 = tpu.memref_slice %arg4[%dma_start3A_79, %dma_start3A_80] : memref<10240x128xf32, #tpu.memory_space<hbm>> -> memref<10240x128xf32, #tpu.memory_space<hbm>>
        tpu.enqueue_indirect_dma source(%dma_start3A_81 : memref<10240x128xf32, #tpu.memory_space<hbm>>) target(%arg8 : memref<128x128xf32, #tpu.memory_space<vmem>>) offsets(%dma_start3A_78 : memref<128xi32, #tpu.memory_space<vmem>>) semaphore(%arg12 : memref<!tpu.dma_semaphore, #tpu.memory_space<semaphore_mem>>)
        %dma_wait3A = arith.constant 0 : i32
        %dma_wait3A_82 = tpu.memref_slice %arg9[%mul3A_73, %dma_wait3A] : memref<40x128xi32, #tpu.memory_space<vmem>> -> memref<1x128xi32, #tpu.memory_space<vmem>>
        %dma_wait3A_83 = tpu.memref_squeeze %dma_wait3A_82 : memref<1x128xi32, #tpu.memory_space<vmem>> -> memref<128xi32, #tpu.memory_space<vmem>>
        %dma_wait3A_84 = arith.constant 0 : i32
        %dma_wait3A_85 = arith.constant 0 : i32
        %dma_wait3A_86 = tpu.memref_slice %arg4[%dma_wait3A_84, %dma_wait3A_85] : memref<10240x128xf32, #tpu.memory_space<hbm>> -> memref<10240x128xf32, #tpu.memory_space<hbm>>
        tpu.wait_indirect_dma semaphore(%arg11 : memref<!tpu.dma_semaphore, #tpu.memory_space<semaphore_mem>>) src(%dma_wait3A_86 : memref<10240x128xf32, #tpu.memory_space<hbm>>) dst(%arg7 : memref<128x128xf32, #tpu.memory_space<vmem>>)
        %dma_start3A_87 = arith.constant 0 : i32
        %dma_start3A_88 = tpu.memref_slice %arg10[%mul3A_73, %dma_start3A_87] : memref<40x128xi32, #tpu.memory_space<vmem>> -> memref<1x128xi32, #tpu.memory_space<vmem>>
        %dma_start3A_89 = tpu.memref_squeeze %dma_start3A_88 : memref<1x128xi32, #tpu.memory_space<vmem>> -> memref<128xi32, #tpu.memory_space<vmem>>
        %dma_start3A_90 = arith.constant 0 : i32
        %dma_start3A_91 = arith.constant 0 : i32
        %dma_start3A_92 = tpu.memref_slice %arg6[%dma_start3A_90, %dma_start3A_91] : memref<10240x128xf32, #tpu.memory_space<vmem_shared>> -> memref<10240x128xf32, #tpu.memory_space<vmem_shared>>
        tpu.enqueue_indirect_dma source(%arg7 : memref<128x128xf32, #tpu.memory_space<vmem>>) target(%dma_start3A_92 : memref<10240x128xf32, #tpu.memory_space<vmem_shared>>) offsets(%dma_start3A_89 : memref<128xi32, #tpu.memory_space<vmem>>) semaphore(%arg13 : memref<!tpu.dma_semaphore, #tpu.memory_space<semaphore_mem>>) {add = true}
        %add3A_93 = arith.constant 1 : i32
        %add3A_94 = arith.addi %mul3A_73, %add3A_93 : i32
        %dma_wait3A_95 = arith.constant 0 : i32
        %dma_wait3A_96 = tpu.memref_slice %arg9[%add3A_94, %dma_wait3A_95] : memref<40x128xi32, #tpu.memory_space<vmem>> -> memref<1x128xi32, #tpu.memory_space<vmem>>
        %dma_wait3A_97 = tpu.memref_squeeze %dma_wait3A_96 : memref<1x128xi32, #tpu.memory_space<vmem>> -> memref<128xi32, #tpu.memory_space<vmem>>
        %dma_wait3A_98 = arith.constant 0 : i32
        %dma_wait3A_99 = arith.constant 0 : i32
        %dma_wait3A_100 = tpu.memref_slice %arg4[%dma_wait3A_98, %dma_wait3A_99] : memref<10240x128xf32, #tpu.memory_space<hbm>> -> memref<10240x128xf32, #tpu.memory_space<hbm>>
        tpu.wait_indirect_dma semaphore(%arg12 : memref<!tpu.dma_semaphore, #tpu.memory_space<semaphore_mem>>) src(%dma_wait3A_100 : memref<10240x128xf32, #tpu.memory_space<hbm>>) dst(%arg8 : memref<128x128xf32, #tpu.memory_space<vmem>>)
        %add3A_101 = arith.constant 1 : i32
        %add3A_102 = arith.addi %mul3A_73, %add3A_101 : i32
        %dma_start3A_103 = arith.constant 0 : i32
        %dma_start3A_104 = tpu.memref_slice %arg10[%add3A_102, %dma_start3A_103] : memref<40x128xi32, #tpu.memory_space<vmem>> -> memref<1x128xi32, #tpu.memory_space<vmem>>
        %dma_start3A_105 = tpu.memref_squeeze %dma_start3A_104 : memref<1x128xi32, #tpu.memory_space<vmem>> -> memref<128xi32, #tpu.memory_space<vmem>>
        %dma_start3A_106 = arith.constant 0 : i32
        %dma_start3A_107 = arith.constant 0 : i32
        %dma_start3A_108 = tpu.memref_slice %arg6[%dma_start3A_106, %dma_start3A_107] : memref<10240x128xf32, #tpu.memory_space<vmem_shared>> -> memref<10240x128xf32, #tpu.memory_space<vmem_shared>>
        tpu.enqueue_indirect_dma source(%arg8 : memref<128x128xf32, #tpu.memory_space<vmem>>) target(%dma_start3A_108 : memref<10240x128xf32, #tpu.memory_space<vmem_shared>>) offsets(%dma_start3A_105 : memref<128xi32, #tpu.memory_space<vmem>>) semaphore(%arg14 : memref<!tpu.dma_semaphore, #tpu.memory_space<semaphore_mem>>) {add = true}
        %dma_wait3A_109 = arith.constant 0 : i32
        %dma_wait3A_110 = tpu.memref_slice %arg10[%mul3A_73, %dma_wait3A_109] : memref<40x128xi32, #tpu.memory_space<vmem>> -> memref<1x128xi32, #tpu.memory_space<vmem>>
        %dma_wait3A_111 = tpu.memref_squeeze %dma_wait3A_110 : memref<1x128xi32, #tpu.memory_space<vmem>> -> memref<128xi32, #tpu.memory_space<vmem>>
        %dma_wait3A_112 = arith.constant 0 : i32
        %dma_wait3A_113 = arith.constant 0 : i32
        %dma_wait3A_114 = tpu.memref_slice %arg6[%dma_wait3A_112, %dma_wait3A_113] : memref<10240x128xf32, #tpu.memory_space<vmem_shared>> -> memref<10240x128xf32, #tpu.memory_space<vmem_shared>>
        tpu.wait_indirect_dma semaphore(%arg13 : memref<!tpu.dma_semaphore, #tpu.memory_space<semaphore_mem>>) src(%arg7 : memref<128x128xf32, #tpu.memory_space<vmem>>) dst(%dma_wait3A_114 : memref<10240x128xf32, #tpu.memory_space<vmem_shared>>)
        %add3A_115 = arith.constant 1 : i32
        %add3A_116 = arith.addi %scan3A_71, %add3A_115 : i32
        %lt3A = arith.constant 20 : i32
        %lt3A_117 = arith.cmpi slt, %add3A_116, %lt3A : i32
        %convert_element_type3A_118 = arith.extui %lt3A_117 : i1 to i32
        %cond3A_119 = arith.constant 0 : i32
        %cond3A_120 = arith.cmpi ne, %convert_element_type3A_118, %cond3A_119 : i32
        scf.if %cond3A_120 {
          %add3A_129 = arith.constant 2 : i32
          %add3A_130 = arith.addi %mul3A_73, %add3A_129 : i32
          %dma_start3A_131 = arith.constant 0 : i32
          %dma_start3A_132 = tpu.memref_slice %arg9[%add3A_130, %dma_start3A_131] : memref<40x128xi32, #tpu.memory_space<vmem>> -> memref<1x128xi32, #tpu.memory_space<vmem>>
          %dma_start3A_133 = tpu.memref_squeeze %dma_start3A_132 : memref<1x128xi32, #tpu.memory_space<vmem>> -> memref<128xi32, #tpu.memory_space<vmem>>
          %dma_start3A_134 = arith.constant 0 : i32
          %dma_start3A_135 = arith.constant 0 : i32
          %dma_start3A_136 = tpu.memref_slice %arg4[%dma_start3A_134, %dma_start3A_135] : memref<10240x128xf32, #tpu.memory_space<hbm>> -> memref<10240x128xf32, #tpu.memory_space<hbm>>
          tpu.enqueue_indirect_dma source(%dma_start3A_136 : memref<10240x128xf32, #tpu.memory_space<hbm>>) target(%arg7 : memref<128x128xf32, #tpu.memory_space<vmem>>) offsets(%dma_start3A_133 : memref<128xi32, #tpu.memory_space<vmem>>) semaphore(%arg11 : memref<!tpu.dma_semaphore, #tpu.memory_space<semaphore_mem>>)
        } else {
        }
        %add3A_121 = arith.constant 1 : i32
        %add3A_122 = arith.addi %mul3A_73, %add3A_121 : i32
        %dma_wait3A_123 = arith.constant 0 : i32
        %dma_wait3A_124 = tpu.memref_slice %arg10[%add3A_122, %dma_wait3A_123] : memref<40x128xi32, #tpu.memory_space<vmem>> -> memref<1x128xi32, #tpu.memory_space<vmem>>
        %dma_wait3A_125 = tpu.memref_squeeze %dma_wait3A_124 : memref<1x128xi32, #tpu.memory_space<vmem>> -> memref<128xi32, #tpu.memory_space<vmem>>
        %dma_wait3A_126 = arith.constant 0 : i32
        %dma_wait3A_127 = arith.constant 0 : i32
        %dma_wait3A_128 = tpu.memref_slice %arg6[%dma_wait3A_126, %dma_wait3A_127] : memref<10240x128xf32, #tpu.memory_space<vmem_shared>> -> memref<10240x128xf32, #tpu.memory_space<vmem_shared>>
        tpu.wait_indirect_dma semaphore(%arg14 : memref<!tpu.dma_semaphore, #tpu.memory_space<semaphore_mem>>) src(%arg8 : memref<128x128xf32, #tpu.memory_space<vmem>>) dst(%dma_wait3A_128 : memref<10240x128xf32, #tpu.memory_space<vmem_shared>>)
      }
      %scan3A_55 = arith.constant 20 : i32
      %add3A_56 = arith.constant 80 : i32
      %add3A_57 = arith.addi %mul3A_13, %add3A_56 : i32
      "tpu.region"() ({
        %run_scoped3A = tpu.sem_alloc : memref<!tpu.dma_semaphore, #tpu.memory_space<semaphore_mem>>
        %dma_start3A_71 = arith.constant 0 : i32
        %dma_start3A_72 = arith.constant 0 : i32
        %dma_start3A_73 = tpu.memref_slice %arg9[%dma_start3A_71, %dma_start3A_72] : memref<40x128xi32, #tpu.memory_space<vmem>> -> memref<40x128xi32, #tpu.memory_space<vmem>>
        %dma_start3A_74 = arith.constant 0 : i32
        %dma_start3A_75 = tpu.memref_slice %arg2[%add3A_57, %dma_start3A_74] : memref<2560x128xi32, #tpu.memory_space<hbm>> -> memref<40x128xi32, #tpu.memory_space<hbm>>
        %dma_start3A_76 = arith.constant 0 : i32
        %dma_start3A_77 = arith.constant 0 : i32
        %dma_start3A_78 = tpu.memref_slice %arg9[%dma_start3A_76, %dma_start3A_77] : memref<40x128xi32, #tpu.memory_space<vmem>> -> memref<40x128xi32, #tpu.memory_space<vmem>>
        %dma_start3A_79 = arith.constant 0 : i32
        %dma_start3A_80 = tpu.memref_slice %arg2[%add3A_57, %dma_start3A_79] : memref<2560x128xi32, #tpu.memory_space<hbm>> -> memref<40x128xi32, #tpu.memory_space<hbm>>
        tpu.enqueue_dma source(%dma_start3A_80 : memref<40x128xi32, #tpu.memory_space<hbm>>) target(%dma_start3A_78 : memref<40x128xi32, #tpu.memory_space<vmem>>) target_semaphore(%run_scoped3A : memref<!tpu.dma_semaphore, #tpu.memory_space<semaphore_mem>>)
        %dma_wait3A = arith.constant 0 : i32
        %dma_wait3A_81 = arith.constant 0 : i32
        %dma_wait3A_82 = tpu.memref_slice %arg9[%dma_wait3A, %dma_wait3A_81] : memref<40x128xi32, #tpu.memory_space<vmem>> -> memref<40x128xi32, #tpu.memory_space<vmem>>
        %dma_wait3A_83 = arith.constant 0 : i32
        %dma_wait3A_84 = tpu.memref_slice %arg2[%add3A_57, %dma_wait3A_83] : memref<2560x128xi32, #tpu.memory_space<hbm>> -> memref<40x128xi32, #tpu.memory_space<hbm>>
        %dma_wait3A_85 = arith.constant 0 : i32
        %dma_wait3A_86 = arith.constant 0 : i32
        %dma_wait3A_87 = tpu.memref_slice %arg9[%dma_wait3A_85, %dma_wait3A_86] : memref<40x128xi32, #tpu.memory_space<vmem>> -> memref<40x128xi32, #tpu.memory_space<vmem>>
        %dma_wait3A_88 = arith.constant 0 : i32
        %dma_wait3A_89 = tpu.memref_slice %arg2[%add3A_57, %dma_wait3A_88] : memref<2560x128xi32, #tpu.memory_space<hbm>> -> memref<40x128xi32, #tpu.memory_space<hbm>>
        tpu.wait_dma2 semaphore(%run_scoped3A : memref<!tpu.dma_semaphore, #tpu.memory_space<semaphore_mem>>) src(%dma_wait3A_89 : memref<40x128xi32, #tpu.memory_space<hbm>>) dst(%dma_wait3A_87 : memref<40x128xi32, #tpu.memory_space<vmem>>)
        tpu.yield
      }) : () -> ()
      "tpu.region"() ({
        %run_scoped3A = tpu.sem_alloc : memref<!tpu.dma_semaphore, #tpu.memory_space<semaphore_mem>>
        %dma_start3A_71 = arith.constant 0 : i32
        %dma_start3A_72 = arith.constant 0 : i32
        %dma_start3A_73 = tpu.memref_slice %arg10[%dma_start3A_71, %dma_start3A_72] : memref<40x128xi32, #tpu.memory_space<vmem>> -> memref<40x128xi32, #tpu.memory_space<vmem>>
        %dma_start3A_74 = arith.constant 0 : i32
        %dma_start3A_75 = tpu.memref_slice %arg3[%add3A_57, %dma_start3A_74] : memref<2560x128xi32, #tpu.memory_space<hbm>> -> memref<40x128xi32, #tpu.memory_space<hbm>>
        %dma_start3A_76 = arith.constant 0 : i32
        %dma_start3A_77 = arith.constant 0 : i32
        %dma_start3A_78 = tpu.memref_slice %arg10[%dma_start3A_76, %dma_start3A_77] : memref<40x128xi32, #tpu.memory_space<vmem>> -> memref<40x128xi32, #tpu.memory_space<vmem>>
        %dma_start3A_79 = arith.constant 0 : i32
        %dma_start3A_80 = tpu.memref_slice %arg3[%add3A_57, %dma_start3A_79] : memref<2560x128xi32, #tpu.memory_space<hbm>> -> memref<40x128xi32, #tpu.memory_space<hbm>>
        tpu.enqueue_dma source(%dma_start3A_80 : memref<40x128xi32, #tpu.memory_space<hbm>>) target(%dma_start3A_78 : memref<40x128xi32, #tpu.memory_space<vmem>>) target_semaphore(%run_scoped3A : memref<!tpu.dma_semaphore, #tpu.memory_space<semaphore_mem>>)
        %dma_wait3A = arith.constant 0 : i32
        %dma_wait3A_81 = arith.constant 0 : i32
        %dma_wait3A_82 = tpu.memref_slice %arg10[%dma_wait3A, %dma_wait3A_81] : memref<40x128xi32, #tpu.memory_space<vmem>> -> memref<40x128xi32, #tpu.memory_space<vmem>>
        %dma_wait3A_83 = arith.constant 0 : i32
        %dma_wait3A_84 = tpu.memref_slice %arg3[%add3A_57, %dma_wait3A_83] : memref<2560x128xi32, #tpu.memory_space<hbm>> -> memref<40x128xi32, #tpu.memory_space<hbm>>
        %dma_wait3A_85 = arith.constant 0 : i32
        %dma_wait3A_86 = arith.constant 0 : i32
        %dma_wait3A_87 = tpu.memref_slice %arg10[%dma_wait3A_85, %dma_wait3A_86] : memref<40x128xi32, #tpu.memory_space<vmem>> -> memref<40x128xi32, #tpu.memory_space<vmem>>
        %dma_wait3A_88 = arith.constant 0 : i32
        %dma_wait3A_89 = tpu.memref_slice %arg3[%add3A_57, %dma_wait3A_88] : memref<2560x128xi32, #tpu.memory_space<hbm>> -> memref<40x128xi32, #tpu.memory_space<hbm>>
        tpu.wait_dma2 semaphore(%run_scoped3A : memref<!tpu.dma_semaphore, #tpu.memory_space<semaphore_mem>>) src(%dma_wait3A_89 : memref<40x128xi32, #tpu.memory_space<hbm>>) dst(%dma_wait3A_87 : memref<40x128xi32, #tpu.memory_space<vmem>>)
        tpu.yield
      }) : () -> ()
      %dma_start3A_58 = arith.constant 0 : i32
      %dma_start3A_59 = arith.constant 0 : i32
      %dma_start3A_60 = tpu.memref_slice %arg9[%dma_start3A_58, %dma_start3A_59] : memref<40x128xi32, #tpu.memory_space<vmem>> -> memref<1x128xi32, #tpu.memory_space<vmem>>
      %dma_start3A_61 = tpu.memref_squeeze %dma_start3A_60 : memref<1x128xi32, #tpu.memory_space<vmem>> -> memref<128xi32, #tpu.memory_space<vmem>>
      %dma_start3A_62 = arith.constant 0 : i32
      %dma_start3A_63 = arith.constant 0 : i32
      %dma_start3A_64 = tpu.memref_slice %arg4[%dma_start3A_62, %dma_start3A_63] : memref<10240x128xf32, #tpu.memory_space<hbm>> -> memref<10240x128xf32, #tpu.memory_space<hbm>>
      tpu.enqueue_indirect_dma source(%dma_start3A_64 : memref<10240x128xf32, #tpu.memory_space<hbm>>) target(%arg7 : memref<128x128xf32, #tpu.memory_space<vmem>>) offsets(%dma_start3A_61 : memref<128xi32, #tpu.memory_space<vmem>>) semaphore(%arg11 : memref<!tpu.dma_semaphore, #tpu.memory_space<semaphore_mem>>)
      %scan3A_65 = arith.constant 0 : i32
      %scan3A_66 = arith.constant 0 : i32
      %scan3A_67 = arith.constant 20 : i32
      %scan3A_68 = arith.addi %scan3A_66, %scan3A_67 : i32
      %scan3A_69 = arith.constant 1 : i32
      scf.for %scan3A_71 = %scan3A_66 to %scan3A_68 step %scan3A_69  : i32 {
        %mul3A_72 = arith.constant 2 : i32
        %mul3A_73 = arith.muli %scan3A_71, %mul3A_72 : i32
        %add3A_74 = arith.constant 1 : i32
        %add3A_75 = arith.addi %mul3A_73, %add3A_74 : i32
        %dma_start3A_76 = arith.constant 0 : i32
        %dma_start3A_77 = tpu.memref_slice %arg9[%add3A_75, %dma_start3A_76] : memref<40x128xi32, #tpu.memory_space<vmem>> -> memref<1x128xi32, #tpu.memory_space<vmem>>
        %dma_start3A_78 = tpu.memref_squeeze %dma_start3A_77 : memref<1x128xi32, #tpu.memory_space<vmem>> -> memref<128xi32, #tpu.memory_space<vmem>>
        %dma_start3A_79 = arith.constant 0 : i32
        %dma_start3A_80 = arith.constant 0 : i32
        %dma_start3A_81 = tpu.memref_slice %arg4[%dma_start3A_79, %dma_start3A_80] : memref<10240x128xf32, #tpu.memory_space<hbm>> -> memref<10240x128xf32, #tpu.memory_space<hbm>>
        tpu.enqueue_indirect_dma source(%dma_start3A_81 : memref<10240x128xf32, #tpu.memory_space<hbm>>) target(%arg8 : memref<128x128xf32, #tpu.memory_space<vmem>>) offsets(%dma_start3A_78 : memref<128xi32, #tpu.memory_space<vmem>>) semaphore(%arg12 : memref<!tpu.dma_semaphore, #tpu.memory_space<semaphore_mem>>)
        %dma_wait3A = arith.constant 0 : i32
        %dma_wait3A_82 = tpu.memref_slice %arg9[%mul3A_73, %dma_wait3A] : memref<40x128xi32, #tpu.memory_space<vmem>> -> memref<1x128xi32, #tpu.memory_space<vmem>>
        %dma_wait3A_83 = tpu.memref_squeeze %dma_wait3A_82 : memref<1x128xi32, #tpu.memory_space<vmem>> -> memref<128xi32, #tpu.memory_space<vmem>>
        %dma_wait3A_84 = arith.constant 0 : i32
        %dma_wait3A_85 = arith.constant 0 : i32
        %dma_wait3A_86 = tpu.memref_slice %arg4[%dma_wait3A_84, %dma_wait3A_85] : memref<10240x128xf32, #tpu.memory_space<hbm>> -> memref<10240x128xf32, #tpu.memory_space<hbm>>
        tpu.wait_indirect_dma semaphore(%arg11 : memref<!tpu.dma_semaphore, #tpu.memory_space<semaphore_mem>>) src(%dma_wait3A_86 : memref<10240x128xf32, #tpu.memory_space<hbm>>) dst(%arg7 : memref<128x128xf32, #tpu.memory_space<vmem>>)
        %dma_start3A_87 = arith.constant 0 : i32
        %dma_start3A_88 = tpu.memref_slice %arg10[%mul3A_73, %dma_start3A_87] : memref<40x128xi32, #tpu.memory_space<vmem>> -> memref<1x128xi32, #tpu.memory_space<vmem>>
        %dma_start3A_89 = tpu.memref_squeeze %dma_start3A_88 : memref<1x128xi32, #tpu.memory_space<vmem>> -> memref<128xi32, #tpu.memory_space<vmem>>
        %dma_start3A_90 = arith.constant 0 : i32
        %dma_start3A_91 = arith.constant 0 : i32
        %dma_start3A_92 = tpu.memref_slice %arg6[%dma_start3A_90, %dma_start3A_91] : memref<10240x128xf32, #tpu.memory_space<vmem_shared>> -> memref<10240x128xf32, #tpu.memory_space<vmem_shared>>
        tpu.enqueue_indirect_dma source(%arg7 : memref<128x128xf32, #tpu.memory_space<vmem>>) target(%dma_start3A_92 : memref<10240x128xf32, #tpu.memory_space<vmem_shared>>) offsets(%dma_start3A_89 : memref<128xi32, #tpu.memory_space<vmem>>) semaphore(%arg13 : memref<!tpu.dma_semaphore, #tpu.memory_space<semaphore_mem>>) {add = true}
        %add3A_93 = arith.constant 1 : i32
        %add3A_94 = arith.addi %mul3A_73, %add3A_93 : i32
        %dma_wait3A_95 = arith.constant 0 : i32
        %dma_wait3A_96 = tpu.memref_slice %arg9[%add3A_94, %dma_wait3A_95] : memref<40x128xi32, #tpu.memory_space<vmem>> -> memref<1x128xi32, #tpu.memory_space<vmem>>
        %dma_wait3A_97 = tpu.memref_squeeze %dma_wait3A_96 : memref<1x128xi32, #tpu.memory_space<vmem>> -> memref<128xi32, #tpu.memory_space<vmem>>
        %dma_wait3A_98 = arith.constant 0 : i32
        %dma_wait3A_99 = arith.constant 0 : i32
        %dma_wait3A_100 = tpu.memref_slice %arg4[%dma_wait3A_98, %dma_wait3A_99] : memref<10240x128xf32, #tpu.memory_space<hbm>> -> memref<10240x128xf32, #tpu.memory_space<hbm>>
        tpu.wait_indirect_dma semaphore(%arg12 : memref<!tpu.dma_semaphore, #tpu.memory_space<semaphore_mem>>) src(%dma_wait3A_100 : memref<10240x128xf32, #tpu.memory_space<hbm>>) dst(%arg8 : memref<128x128xf32, #tpu.memory_space<vmem>>)
        %add3A_101 = arith.constant 1 : i32
        %add3A_102 = arith.addi %mul3A_73, %add3A_101 : i32
        %dma_start3A_103 = arith.constant 0 : i32
        %dma_start3A_104 = tpu.memref_slice %arg10[%add3A_102, %dma_start3A_103] : memref<40x128xi32, #tpu.memory_space<vmem>> -> memref<1x128xi32, #tpu.memory_space<vmem>>
        %dma_start3A_105 = tpu.memref_squeeze %dma_start3A_104 : memref<1x128xi32, #tpu.memory_space<vmem>> -> memref<128xi32, #tpu.memory_space<vmem>>
        %dma_start3A_106 = arith.constant 0 : i32
        %dma_start3A_107 = arith.constant 0 : i32
        %dma_start3A_108 = tpu.memref_slice %arg6[%dma_start3A_106, %dma_start3A_107] : memref<10240x128xf32, #tpu.memory_space<vmem_shared>> -> memref<10240x128xf32, #tpu.memory_space<vmem_shared>>
        tpu.enqueue_indirect_dma source(%arg8 : memref<128x128xf32, #tpu.memory_space<vmem>>) target(%dma_start3A_108 : memref<10240x128xf32, #tpu.memory_space<vmem_shared>>) offsets(%dma_start3A_105 : memref<128xi32, #tpu.memory_space<vmem>>) semaphore(%arg14 : memref<!tpu.dma_semaphore, #tpu.memory_space<semaphore_mem>>) {add = true}
        %dma_wait3A_109 = arith.constant 0 : i32
        %dma_wait3A_110 = tpu.memref_slice %arg10[%mul3A_73, %dma_wait3A_109] : memref<40x128xi32, #tpu.memory_space<vmem>> -> memref<1x128xi32, #tpu.memory_space<vmem>>
        %dma_wait3A_111 = tpu.memref_squeeze %dma_wait3A_110 : memref<1x128xi32, #tpu.memory_space<vmem>> -> memref<128xi32, #tpu.memory_space<vmem>>
        %dma_wait3A_112 = arith.constant 0 : i32
        %dma_wait3A_113 = arith.constant 0 : i32
        %dma_wait3A_114 = tpu.memref_slice %arg6[%dma_wait3A_112, %dma_wait3A_113] : memref<10240x128xf32, #tpu.memory_space<vmem_shared>> -> memref<10240x128xf32, #tpu.memory_space<vmem_shared>>
        tpu.wait_indirect_dma semaphore(%arg13 : memref<!tpu.dma_semaphore, #tpu.memory_space<semaphore_mem>>) src(%arg7 : memref<128x128xf32, #tpu.memory_space<vmem>>) dst(%dma_wait3A_114 : memref<10240x128xf32, #tpu.memory_space<vmem_shared>>)
        %add3A_115 = arith.constant 1 : i32
        %add3A_116 = arith.addi %scan3A_71, %add3A_115 : i32
        %lt3A = arith.constant 20 : i32
        %lt3A_117 = arith.cmpi slt, %add3A_116, %lt3A : i32
        %convert_element_type3A_118 = arith.extui %lt3A_117 : i1 to i32
        %cond3A_119 = arith.constant 0 : i32
        %cond3A_120 = arith.cmpi ne, %convert_element_type3A_118, %cond3A_119 : i32
        scf.if %cond3A_120 {
          %add3A_129 = arith.constant 2 : i32
          %add3A_130 = arith.addi %mul3A_73, %add3A_129 : i32
          %dma_start3A_131 = arith.constant 0 : i32
          %dma_start3A_132 = tpu.memref_slice %arg9[%add3A_130, %dma_start3A_131] : memref<40x128xi32, #tpu.memory_space<vmem>> -> memref<1x128xi32, #tpu.memory_space<vmem>>
          %dma_start3A_133 = tpu.memref_squeeze %dma_start3A_132 : memref<1x128xi32, #tpu.memory_space<vmem>> -> memref<128xi32, #tpu.memory_space<vmem>>
          %dma_start3A_134 = arith.constant 0 : i32
          %dma_start3A_135 = arith.constant 0 : i32
          %dma_start3A_136 = tpu.memref_slice %arg4[%dma_start3A_134, %dma_start3A_135] : memref<10240x128xf32, #tpu.memory_space<hbm>> -> memref<10240x128xf32, #tpu.memory_space<hbm>>
          tpu.enqueue_indirect_dma source(%dma_start3A_136 : memref<10240x128xf32, #tpu.memory_space<hbm>>) target(%arg7 : memref<128x128xf32, #tpu.memory_space<vmem>>) offsets(%dma_start3A_133 : memref<128xi32, #tpu.memory_space<vmem>>) semaphore(%arg11 : memref<!tpu.dma_semaphore, #tpu.memory_space<semaphore_mem>>)
        } else {
        }
        %add3A_121 = arith.constant 1 : i32
        %add3A_122 = arith.addi %mul3A_73, %add3A_121 : i32
        %dma_wait3A_123 = arith.constant 0 : i32
        %dma_wait3A_124 = tpu.memref_slice %arg10[%add3A_122, %dma_wait3A_123] : memref<40x128xi32, #tpu.memory_space<vmem>> -> memref<1x128xi32, #tpu.memory_space<vmem>>
        %dma_wait3A_125 = tpu.memref_squeeze %dma_wait3A_124 : memref<1x128xi32, #tpu.memory_space<vmem>> -> memref<128xi32, #tpu.memory_space<vmem>>
        %dma_wait3A_126 = arith.constant 0 : i32
        %dma_wait3A_127 = arith.constant 0 : i32
        %dma_wait3A_128 = tpu.memref_slice %arg6[%dma_wait3A_126, %dma_wait3A_127] : memref<10240x128xf32, #tpu.memory_space<vmem_shared>> -> memref<10240x128xf32, #tpu.memory_space<vmem_shared>>
        tpu.wait_indirect_dma semaphore(%arg14 : memref<!tpu.dma_semaphore, #tpu.memory_space<semaphore_mem>>) src(%arg8 : memref<128x128xf32, #tpu.memory_space<vmem>>) dst(%dma_wait3A_128 : memref<10240x128xf32, #tpu.memory_space<vmem_shared>>)
      }
      %scan3A_70 = arith.constant 20 : i32
    } else {
    }
    %eq3A_16 = arith.constant 1 : i32
    %eq3A_17 = arith.cmpi eq, %arg0, %eq3A_16 : i32
    %convert_element_type3A_18 = arith.extui %eq3A_17 : i1 to i32
    %cond3A_19 = arith.constant 0 : i32
    %cond3A_20 = arith.cmpi ne, %convert_element_type3A_18, %cond3A_19 : i32
    scf.if %cond3A_20 {
      %add3A = arith.constant 120 : i32
      %add3A_28 = arith.addi %mul3A_13, %add3A : i32
      %add3A_29 = arith.constant 0 : i32
      %add3A_30 = arith.addi %add3A_28, %add3A_29 : i32
      "tpu.region"() ({
        %run_scoped3A = tpu.sem_alloc : memref<!tpu.dma_semaphore, #tpu.memory_space<semaphore_mem>>
        %dma_start3A_43 = arith.constant 0 : i32
        %dma_start3A_44 = arith.constant 0 : i32
        %dma_start3A_45 = tpu.memref_slice %arg9[%dma_start3A_43, %dma_start3A_44] : memref<40x128xi32, #tpu.memory_space<vmem>> -> memref<40x128xi32, #tpu.memory_space<vmem>>
        %dma_start3A_46 = arith.constant 0 : i32
        %dma_start3A_47 = tpu.memref_slice %arg2[%add3A_30, %dma_start3A_46] : memref<2560x128xi32, #tpu.memory_space<hbm>> -> memref<40x128xi32, #tpu.memory_space<hbm>>
        %dma_start3A_48 = arith.constant 0 : i32
        %dma_start3A_49 = arith.constant 0 : i32
        %dma_start3A_50 = tpu.memref_slice %arg9[%dma_start3A_48, %dma_start3A_49] : memref<40x128xi32, #tpu.memory_space<vmem>> -> memref<40x128xi32, #tpu.memory_space<vmem>>
        %dma_start3A_51 = arith.constant 0 : i32
        %dma_start3A_52 = tpu.memref_slice %arg2[%add3A_30, %dma_start3A_51] : memref<2560x128xi32, #tpu.memory_space<hbm>> -> memref<40x128xi32, #tpu.memory_space<hbm>>
        tpu.enqueue_dma source(%dma_start3A_52 : memref<40x128xi32, #tpu.memory_space<hbm>>) target(%dma_start3A_50 : memref<40x128xi32, #tpu.memory_space<vmem>>) target_semaphore(%run_scoped3A : memref<!tpu.dma_semaphore, #tpu.memory_space<semaphore_mem>>)
        %dma_wait3A = arith.constant 0 : i32
        %dma_wait3A_53 = arith.constant 0 : i32
        %dma_wait3A_54 = tpu.memref_slice %arg9[%dma_wait3A, %dma_wait3A_53] : memref<40x128xi32, #tpu.memory_space<vmem>> -> memref<40x128xi32, #tpu.memory_space<vmem>>
        %dma_wait3A_55 = arith.constant 0 : i32
        %dma_wait3A_56 = tpu.memref_slice %arg2[%add3A_30, %dma_wait3A_55] : memref<2560x128xi32, #tpu.memory_space<hbm>> -> memref<40x128xi32, #tpu.memory_space<hbm>>
        %dma_wait3A_57 = arith.constant 0 : i32
        %dma_wait3A_58 = arith.constant 0 : i32
        %dma_wait3A_59 = tpu.memref_slice %arg9[%dma_wait3A_57, %dma_wait3A_58] : memref<40x128xi32, #tpu.memory_space<vmem>> -> memref<40x128xi32, #tpu.memory_space<vmem>>
        %dma_wait3A_60 = arith.constant 0 : i32
        %dma_wait3A_61 = tpu.memref_slice %arg2[%add3A_30, %dma_wait3A_60] : memref<2560x128xi32, #tpu.memory_space<hbm>> -> memref<40x128xi32, #tpu.memory_space<hbm>>
        tpu.wait_dma2 semaphore(%run_scoped3A : memref<!tpu.dma_semaphore, #tpu.memory_space<semaphore_mem>>) src(%dma_wait3A_61 : memref<40x128xi32, #tpu.memory_space<hbm>>) dst(%dma_wait3A_59 : memref<40x128xi32, #tpu.memory_space<vmem>>)
        tpu.yield
      }) : () -> ()
      "tpu.region"() ({
        %run_scoped3A = tpu.sem_alloc : memref<!tpu.dma_semaphore, #tpu.memory_space<semaphore_mem>>
        %dma_start3A_43 = arith.constant 0 : i32
        %dma_start3A_44 = arith.constant 0 : i32
        %dma_start3A_45 = tpu.memref_slice %arg10[%dma_start3A_43, %dma_start3A_44] : memref<40x128xi32, #tpu.memory_space<vmem>> -> memref<40x128xi32, #tpu.memory_space<vmem>>
        %dma_start3A_46 = arith.constant 0 : i32
        %dma_start3A_47 = tpu.memref_slice %arg3[%add3A_30, %dma_start3A_46] : memref<2560x128xi32, #tpu.memory_space<hbm>> -> memref<40x128xi32, #tpu.memory_space<hbm>>
        %dma_start3A_48 = arith.constant 0 : i32
        %dma_start3A_49 = arith.constant 0 : i32
        %dma_start3A_50 = tpu.memref_slice %arg10[%dma_start3A_48, %dma_start3A_49] : memref<40x128xi32, #tpu.memory_space<vmem>> -> memref<40x128xi32, #tpu.memory_space<vmem>>
        %dma_start3A_51 = arith.constant 0 : i32
        %dma_start3A_52 = tpu.memref_slice %arg3[%add3A_30, %dma_start3A_51] : memref<2560x128xi32, #tpu.memory_space<hbm>> -> memref<40x128xi32, #tpu.memory_space<hbm>>
        tpu.enqueue_dma source(%dma_start3A_52 : memref<40x128xi32, #tpu.memory_space<hbm>>) target(%dma_start3A_50 : memref<40x128xi32, #tpu.memory_space<vmem>>) target_semaphore(%run_scoped3A : memref<!tpu.dma_semaphore, #tpu.memory_space<semaphore_mem>>)
        %dma_wait3A = arith.constant 0 : i32
        %dma_wait3A_53 = arith.constant 0 : i32
        %dma_wait3A_54 = tpu.memref_slice %arg10[%dma_wait3A, %dma_wait3A_53] : memref<40x128xi32, #tpu.memory_space<vmem>> -> memref<40x128xi32, #tpu.memory_space<vmem>>
        %dma_wait3A_55 = arith.constant 0 : i32
        %dma_wait3A_56 = tpu.memref_slice %arg3[%add3A_30, %dma_wait3A_55] : memref<2560x128xi32, #tpu.memory_space<hbm>> -> memref<40x128xi32, #tpu.memory_space<hbm>>
        %dma_wait3A_57 = arith.constant 0 : i32
        %dma_wait3A_58 = arith.constant 0 : i32
        %dma_wait3A_59 = tpu.memref_slice %arg10[%dma_wait3A_57, %dma_wait3A_58] : memref<40x128xi32, #tpu.memory_space<vmem>> -> memref<40x128xi32, #tpu.memory_space<vmem>>
        %dma_wait3A_60 = arith.constant 0 : i32
        %dma_wait3A_61 = tpu.memref_slice %arg3[%add3A_30, %dma_wait3A_60] : memref<2560x128xi32, #tpu.memory_space<hbm>> -> memref<40x128xi32, #tpu.memory_space<hbm>>
        tpu.wait_dma2 semaphore(%run_scoped3A : memref<!tpu.dma_semaphore, #tpu.memory_space<semaphore_mem>>) src(%dma_wait3A_61 : memref<40x128xi32, #tpu.memory_space<hbm>>) dst(%dma_wait3A_59 : memref<40x128xi32, #tpu.memory_space<vmem>>)
        tpu.yield
      }) : () -> ()
      %dma_start3A = arith.constant 0 : i32
      %dma_start3A_31 = arith.constant 0 : i32
      %dma_start3A_32 = tpu.memref_slice %arg9[%dma_start3A, %dma_start3A_31] : memref<40x128xi32, #tpu.memory_space<vmem>> -> memref<1x128xi32, #tpu.memory_space<vmem>>
      %dma_start3A_33 = tpu.memref_squeeze %dma_start3A_32 : memref<1x128xi32, #tpu.memory_space<vmem>> -> memref<128xi32, #tpu.memory_space<vmem>>
      %dma_start3A_34 = arith.constant 0 : i32
      %dma_start3A_35 = arith.constant 0 : i32
      %dma_start3A_36 = tpu.memref_slice %arg4[%dma_start3A_34, %dma_start3A_35] : memref<10240x128xf32, #tpu.memory_space<hbm>> -> memref<10240x128xf32, #tpu.memory_space<hbm>>
      tpu.enqueue_indirect_dma source(%dma_start3A_36 : memref<10240x128xf32, #tpu.memory_space<hbm>>) target(%arg7 : memref<128x128xf32, #tpu.memory_space<vmem>>) offsets(%dma_start3A_33 : memref<128xi32, #tpu.memory_space<vmem>>) semaphore(%arg11 : memref<!tpu.dma_semaphore, #tpu.memory_space<semaphore_mem>>)
      %scan3A_37 = arith.constant 0 : i32
      %scan3A_38 = arith.constant 0 : i32
      %scan3A_39 = arith.constant 20 : i32
      %scan3A_40 = arith.addi %scan3A_38, %scan3A_39 : i32
      %scan3A_41 = arith.constant 1 : i32
      scf.for %scan3A_43 = %scan3A_38 to %scan3A_40 step %scan3A_41  : i32 {
        %mul3A_44 = arith.constant 2 : i32
        %mul3A_45 = arith.muli %scan3A_43, %mul3A_44 : i32
        %add3A_46 = arith.constant 1 : i32
        %add3A_47 = arith.addi %mul3A_45, %add3A_46 : i32
        %dma_start3A_48 = arith.constant 0 : i32
        %dma_start3A_49 = tpu.memref_slice %arg9[%add3A_47, %dma_start3A_48] : memref<40x128xi32, #tpu.memory_space<vmem>> -> memref<1x128xi32, #tpu.memory_space<vmem>>
        %dma_start3A_50 = tpu.memref_squeeze %dma_start3A_49 : memref<1x128xi32, #tpu.memory_space<vmem>> -> memref<128xi32, #tpu.memory_space<vmem>>
        %dma_start3A_51 = arith.constant 0 : i32
        %dma_start3A_52 = arith.constant 0 : i32
        %dma_start3A_53 = tpu.memref_slice %arg4[%dma_start3A_51, %dma_start3A_52] : memref<10240x128xf32, #tpu.memory_space<hbm>> -> memref<10240x128xf32, #tpu.memory_space<hbm>>
        tpu.enqueue_indirect_dma source(%dma_start3A_53 : memref<10240x128xf32, #tpu.memory_space<hbm>>) target(%arg8 : memref<128x128xf32, #tpu.memory_space<vmem>>) offsets(%dma_start3A_50 : memref<128xi32, #tpu.memory_space<vmem>>) semaphore(%arg12 : memref<!tpu.dma_semaphore, #tpu.memory_space<semaphore_mem>>)
        %dma_wait3A = arith.constant 0 : i32
        %dma_wait3A_54 = tpu.memref_slice %arg9[%mul3A_45, %dma_wait3A] : memref<40x128xi32, #tpu.memory_space<vmem>> -> memref<1x128xi32, #tpu.memory_space<vmem>>
        %dma_wait3A_55 = tpu.memref_squeeze %dma_wait3A_54 : memref<1x128xi32, #tpu.memory_space<vmem>> -> memref<128xi32, #tpu.memory_space<vmem>>
        %dma_wait3A_56 = arith.constant 0 : i32
        %dma_wait3A_57 = arith.constant 0 : i32
        %dma_wait3A_58 = tpu.memref_slice %arg4[%dma_wait3A_56, %dma_wait3A_57] : memref<10240x128xf32, #tpu.memory_space<hbm>> -> memref<10240x128xf32, #tpu.memory_space<hbm>>
        tpu.wait_indirect_dma semaphore(%arg11 : memref<!tpu.dma_semaphore, #tpu.memory_space<semaphore_mem>>) src(%dma_wait3A_58 : memref<10240x128xf32, #tpu.memory_space<hbm>>) dst(%arg7 : memref<128x128xf32, #tpu.memory_space<vmem>>)
        %dma_start3A_59 = arith.constant 0 : i32
        %dma_start3A_60 = tpu.memref_slice %arg10[%mul3A_45, %dma_start3A_59] : memref<40x128xi32, #tpu.memory_space<vmem>> -> memref<1x128xi32, #tpu.memory_space<vmem>>
        %dma_start3A_61 = tpu.memref_squeeze %dma_start3A_60 : memref<1x128xi32, #tpu.memory_space<vmem>> -> memref<128xi32, #tpu.memory_space<vmem>>
        %dma_start3A_62 = arith.constant 0 : i32
        %dma_start3A_63 = arith.constant 0 : i32
        %dma_start3A_64 = tpu.memref_slice %arg6[%dma_start3A_62, %dma_start3A_63] : memref<10240x128xf32, #tpu.memory_space<vmem_shared>> -> memref<10240x128xf32, #tpu.memory_space<vmem_shared>>
        tpu.enqueue_indirect_dma source(%arg7 : memref<128x128xf32, #tpu.memory_space<vmem>>) target(%dma_start3A_64 : memref<10240x128xf32, #tpu.memory_space<vmem_shared>>) offsets(%dma_start3A_61 : memref<128xi32, #tpu.memory_space<vmem>>) semaphore(%arg13 : memref<!tpu.dma_semaphore, #tpu.memory_space<semaphore_mem>>) {add = true}
        %add3A_65 = arith.constant 1 : i32
        %add3A_66 = arith.addi %mul3A_45, %add3A_65 : i32
        %dma_wait3A_67 = arith.constant 0 : i32
        %dma_wait3A_68 = tpu.memref_slice %arg9[%add3A_66, %dma_wait3A_67] : memref<40x128xi32, #tpu.memory_space<vmem>> -> memref<1x128xi32, #tpu.memory_space<vmem>>
        %dma_wait3A_69 = tpu.memref_squeeze %dma_wait3A_68 : memref<1x128xi32, #tpu.memory_space<vmem>> -> memref<128xi32, #tpu.memory_space<vmem>>
        %dma_wait3A_70 = arith.constant 0 : i32
        %dma_wait3A_71 = arith.constant 0 : i32
        %dma_wait3A_72 = tpu.memref_slice %arg4[%dma_wait3A_70, %dma_wait3A_71] : memref<10240x128xf32, #tpu.memory_space<hbm>> -> memref<10240x128xf32, #tpu.memory_space<hbm>>
        tpu.wait_indirect_dma semaphore(%arg12 : memref<!tpu.dma_semaphore, #tpu.memory_space<semaphore_mem>>) src(%dma_wait3A_72 : memref<10240x128xf32, #tpu.memory_space<hbm>>) dst(%arg8 : memref<128x128xf32, #tpu.memory_space<vmem>>)
        %add3A_73 = arith.constant 1 : i32
        %add3A_74 = arith.addi %mul3A_45, %add3A_73 : i32
        %dma_start3A_75 = arith.constant 0 : i32
        %dma_start3A_76 = tpu.memref_slice %arg10[%add3A_74, %dma_start3A_75] : memref<40x128xi32, #tpu.memory_space<vmem>> -> memref<1x128xi32, #tpu.memory_space<vmem>>
        %dma_start3A_77 = tpu.memref_squeeze %dma_start3A_76 : memref<1x128xi32, #tpu.memory_space<vmem>> -> memref<128xi32, #tpu.memory_space<vmem>>
        %dma_start3A_78 = arith.constant 0 : i32
        %dma_start3A_79 = arith.constant 0 : i32
        %dma_start3A_80 = tpu.memref_slice %arg6[%dma_start3A_78, %dma_start3A_79] : memref<10240x128xf32, #tpu.memory_space<vmem_shared>> -> memref<10240x128xf32, #tpu.memory_space<vmem_shared>>
        tpu.enqueue_indirect_dma source(%arg8 : memref<128x128xf32, #tpu.memory_space<vmem>>) target(%dma_start3A_80 : memref<10240x128xf32, #tpu.memory_space<vmem_shared>>) offsets(%dma_start3A_77 : memref<128xi32, #tpu.memory_space<vmem>>) semaphore(%arg14 : memref<!tpu.dma_semaphore, #tpu.memory_space<semaphore_mem>>) {add = true}
        %dma_wait3A_81 = arith.constant 0 : i32
        %dma_wait3A_82 = tpu.memref_slice %arg10[%mul3A_45, %dma_wait3A_81] : memref<40x128xi32, #tpu.memory_space<vmem>> -> memref<1x128xi32, #tpu.memory_space<vmem>>
        %dma_wait3A_83 = tpu.memref_squeeze %dma_wait3A_82 : memref<1x128xi32, #tpu.memory_space<vmem>> -> memref<128xi32, #tpu.memory_space<vmem>>
        %dma_wait3A_84 = arith.constant 0 : i32
        %dma_wait3A_85 = arith.constant 0 : i32
        %dma_wait3A_86 = tpu.memref_slice %arg6[%dma_wait3A_84, %dma_wait3A_85] : memref<10240x128xf32, #tpu.memory_space<vmem_shared>> -> memref<10240x128xf32, #tpu.memory_space<vmem_shared>>
        tpu.wait_indirect_dma semaphore(%arg13 : memref<!tpu.dma_semaphore, #tpu.memory_space<semaphore_mem>>) src(%arg7 : memref<128x128xf32, #tpu.memory_space<vmem>>) dst(%dma_wait3A_86 : memref<10240x128xf32, #tpu.memory_space<vmem_shared>>)
        %add3A_87 = arith.constant 1 : i32
        %add3A_88 = arith.addi %scan3A_43, %add3A_87 : i32
        %lt3A = arith.constant 20 : i32
        %lt3A_89 = arith.cmpi slt, %add3A_88, %lt3A : i32
        %convert_element_type3A_90 = arith.extui %lt3A_89 : i1 to i32
        %cond3A_91 = arith.constant 0 : i32
        %cond3A_92 = arith.cmpi ne, %convert_element_type3A_90, %cond3A_91 : i32
        scf.if %cond3A_92 {
          %add3A_101 = arith.constant 2 : i32
          %add3A_102 = arith.addi %mul3A_45, %add3A_101 : i32
          %dma_start3A_103 = arith.constant 0 : i32
          %dma_start3A_104 = tpu.memref_slice %arg9[%add3A_102, %dma_start3A_103] : memref<40x128xi32, #tpu.memory_space<vmem>> -> memref<1x128xi32, #tpu.memory_space<vmem>>
          %dma_start3A_105 = tpu.memref_squeeze %dma_start3A_104 : memref<1x128xi32, #tpu.memory_space<vmem>> -> memref<128xi32, #tpu.memory_space<vmem>>
          %dma_start3A_106 = arith.constant 0 : i32
          %dma_start3A_107 = arith.constant 0 : i32
          %dma_start3A_108 = tpu.memref_slice %arg4[%dma_start3A_106, %dma_start3A_107] : memref<10240x128xf32, #tpu.memory_space<hbm>> -> memref<10240x128xf32, #tpu.memory_space<hbm>>
          tpu.enqueue_indirect_dma source(%dma_start3A_108 : memref<10240x128xf32, #tpu.memory_space<hbm>>) target(%arg7 : memref<128x128xf32, #tpu.memory_space<vmem>>) offsets(%dma_start3A_105 : memref<128xi32, #tpu.memory_space<vmem>>) semaphore(%arg11 : memref<!tpu.dma_semaphore, #tpu.memory_space<semaphore_mem>>)
        } else {
        }
        %add3A_93 = arith.constant 1 : i32
        %add3A_94 = arith.addi %mul3A_45, %add3A_93 : i32
        %dma_wait3A_95 = arith.constant 0 : i32
        %dma_wait3A_96 = tpu.memref_slice %arg10[%add3A_94, %dma_wait3A_95] : memref<40x128xi32, #tpu.memory_space<vmem>> -> memref<1x128xi32, #tpu.memory_space<vmem>>
        %dma_wait3A_97 = tpu.memref_squeeze %dma_wait3A_96 : memref<1x128xi32, #tpu.memory_space<vmem>> -> memref<128xi32, #tpu.memory_space<vmem>>
        %dma_wait3A_98 = arith.constant 0 : i32
        %dma_wait3A_99 = arith.constant 0 : i32
        %dma_wait3A_100 = tpu.memref_slice %arg6[%dma_wait3A_98, %dma_wait3A_99] : memref<10240x128xf32, #tpu.memory_space<vmem_shared>> -> memref<10240x128xf32, #tpu.memory_space<vmem_shared>>
        tpu.wait_indirect_dma semaphore(%arg14 : memref<!tpu.dma_semaphore, #tpu.memory_space<semaphore_mem>>) src(%arg8 : memref<128x128xf32, #tpu.memory_space<vmem>>) dst(%dma_wait3A_100 : memref<10240x128xf32, #tpu.memory_space<vmem_shared>>)
      }
      %scan3A_42 = arith.constant 20 : i32
    } else {
    }
    %barrier3A_21 = arith.constant 0 : index
    tpu.barrier barrier_id(%barrier3A_21)
    %scan3A_22 = arith.constant 0 : i32
    %scan3A_23 = arith.constant 0 : i32
    %scan3A_24 = arith.constant 5 : i32
    %scan3A_25 = arith.addi %scan3A_23, %scan3A_24 : i32
    %scan3A_26 = arith.constant 1 : i32
    scf.for %scan3A_28 = %scan3A_23 to %scan3A_25 step %scan3A_26  : i32 {
      %mul3A_29 = arith.constant 640 : i32
      %mul3A_30 = arith.muli %arg1, %mul3A_29 : i32
      %mul3A_31 = arith.constant 128 : i32
      %mul3A_32 = arith.muli %scan3A_28, %mul3A_31 : i32
      %add3A = arith.addi %mul3A_30, %mul3A_32 : i32
      "tpu.region"() ({
        %run_scoped3A = tpu.sem_alloc : memref<!tpu.dma_semaphore, #tpu.memory_space<semaphore_mem>>
        %dma_start3A = arith.constant 0 : i32
        %dma_start3A_33 = tpu.memref_slice %arg6[%add3A, %dma_start3A] : memref<10240x128xf32, #tpu.memory_space<vmem_shared>> -> memref<128x128xf32, #tpu.memory_space<vmem_shared>>
        %dma_start3A_34 = arith.constant 0 : i32
        %dma_start3A_35 = tpu.memref_slice %arg6[%add3A, %dma_start3A_34] : memref<10240x128xf32, #tpu.memory_space<vmem_shared>> -> memref<128x128xf32, #tpu.memory_space<vmem_shared>>
        tpu.enqueue_dma source(%dma_start3A_35 : memref<128x128xf32, #tpu.memory_space<vmem_shared>>) target(%arg7 : memref<128x128xf32, #tpu.memory_space<vmem>>) target_semaphore(%run_scoped3A : memref<!tpu.dma_semaphore, #tpu.memory_space<semaphore_mem>>)
        %dma_wait3A = arith.constant 0 : i32
        %dma_wait3A_36 = tpu.memref_slice %arg6[%add3A, %dma_wait3A] : memref<10240x128xf32, #tpu.memory_space<vmem_shared>> -> memref<128x128xf32, #tpu.memory_space<vmem_shared>>
        %dma_wait3A_37 = arith.constant 0 : i32
        %dma_wait3A_38 = tpu.memref_slice %arg6[%add3A, %dma_wait3A_37] : memref<10240x128xf32, #tpu.memory_space<vmem_shared>> -> memref<128x128xf32, #tpu.memory_space<vmem_shared>>
        tpu.wait_dma2 semaphore(%run_scoped3A : memref<!tpu.dma_semaphore, #tpu.memory_space<semaphore_mem>>) src(%dma_wait3A_38 : memref<128x128xf32, #tpu.memory_space<vmem_shared>>) dst(%arg7 : memref<128x128xf32, #tpu.memory_space<vmem>>)
        tpu.yield
      }) : () -> ()
      "tpu.region"() ({
        %run_scoped3A = tpu.sem_alloc : memref<!tpu.dma_semaphore, #tpu.memory_space<semaphore_mem>>
        %dma_start3A = arith.constant 0 : i32
        %dma_start3A_33 = tpu.memref_slice %arg5[%arg0, %add3A, %dma_start3A] : memref<2x10240x128xf32, #tpu.memory_space<hbm>> -> memref<1x128x128xf32, #tpu.memory_space<hbm>>
        %dma_start3A_34 = tpu.memref_squeeze %dma_start3A_33 : memref<1x128x128xf32, #tpu.memory_space<hbm>> -> memref<128x128xf32, #tpu.memory_space<hbm>>
        %dma_start3A_35 = arith.constant 0 : i32
        %dma_start3A_36 = tpu.memref_slice %arg5[%arg0, %add3A, %dma_start3A_35] : memref<2x10240x128xf32, #tpu.memory_space<hbm>> -> memref<1x128x128xf32, #tpu.memory_space<hbm>>
        %dma_start3A_37 = tpu.memref_squeeze %dma_start3A_36 : memref<1x128x128xf32, #tpu.memory_space<hbm>> -> memref<128x128xf32, #tpu.memory_space<hbm>>
        tpu.enqueue_dma source(%arg7 : memref<128x128xf32, #tpu.memory_space<vmem>>) target(%dma_start3A_37 : memref<128x128xf32, #tpu.memory_space<hbm>>) target_semaphore(%run_scoped3A : memref<!tpu.dma_semaphore, #tpu.memory_space<semaphore_mem>>)
        %dma_wait3A = arith.constant 0 : i32
        %dma_wait3A_38 = tpu.memref_slice %arg5[%arg0, %add3A, %dma_wait3A] : memref<2x10240x128xf32, #tpu.memory_space<hbm>> -> memref<1x128x128xf32, #tpu.memory_space<hbm>>
        %dma_wait3A_39 = tpu.memref_squeeze %dma_wait3A_38 : memref<1x128x128xf32, #tpu.memory_space<hbm>> -> memref<128x128xf32, #tpu.memory_space<hbm>>
        %dma_wait3A_40 = arith.constant 0 : i32
        %dma_wait3A_41 = tpu.memref_slice %arg5[%arg0, %add3A, %dma_wait3A_40] : memref<2x10240x128xf32, #tpu.memory_space<hbm>> -> memref<1x128x128xf32, #tpu.memory_space<hbm>>
        %dma_wait3A_42 = tpu.memref_squeeze %dma_wait3A_41 : memref<1x128x128xf32, #tpu.memory_space<hbm>> -> memref<128x128xf32, #tpu.memory_space<hbm>>
        tpu.wait_dma2 semaphore(%run_scoped3A : memref<!tpu.dma_semaphore, #tpu.memory_space<semaphore_mem>>) src(%arg7 : memref<128x128xf32, #tpu.memory_space<vmem>>) dst(%dma_wait3A_42 : memref<128x128xf32, #tpu.memory_space<hbm>>)
        tpu.yield
      }) : () -> ()
    }
    %scan3A_27 = arith.constant 5 : i32
    return
  }
}

#map = affine_map<(d0, d1) -> (0, 0)>
#map1 = affine_map<(d0, d1) -> (0)>
module attributes {stable_mosaic.version = 14 : i64} {
  func.func @body(%arg0: i32, %arg1: i32, %arg2: memref<2560x128xi32, #tpu.memory_space<hbm>>, %arg3: memref<20480xf32, #tpu.memory_space<hbm>>, %arg4: memref<10240xf32, #tpu.memory_space<vmem_shared>>, %arg5: memref<640xf32, #tpu.memory_space<vmem>>, %arg6: memref<128xf32, #tpu.memory_space<vmem>>, %arg7: memref<80x128xi32, #tpu.memory_space<vmem>>) attributes {dimension_semantics = [#tpu.dimension_semantics<core_parallel>, #tpu.dimension_semantics<subcore_parallel>], iteration_bounds = array<i64: 2, 16>, scalar_prefetch = 0 : i64, scratch_operands = 4 : i64, tpu.core_type = #tpu.core_type<sc_vector_subcore>, window_params = [{transform_indices = #map}, {transform_indices = #map1}]} {
    %mul3A = arith.constant 2 : i32
    %mul3A_0 = arith.muli %arg1, %mul3A : i32
    %add3A = arith.addi %mul3A_0, %arg0 : i32
    %scan3A = arith.constant 0 : i32
    %scan3A_1 = arith.constant 0 : i32
    %scan3A_2 = arith.constant 40 : i32
    %scan3A_3 = arith.addi %scan3A_1, %scan3A_2 : i32
    %scan3A_4 = arith.constant 1 : i32
    scf.for %scan3A_30 = %scan3A_1 to %scan3A_3 step %scan3A_4  : i32 {
      %broadcast_in_dim3A = arith.constant 0.000000e+00 : f32
      %broadcast_in_dim3A_31 = vector.broadcast %broadcast_in_dim3A : f32 to vector<16xf32>
      %mul3A_32 = arith.constant 16 : i32
      %mul3A_33 = arith.muli %scan3A_30, %mul3A_32 : i32
      %swap3A = arith.index_cast %mul3A_33 : i32 to index
      %swap3A_34 = tpu.vector_load %arg5[%swap3A] {strides = array<i32>} : memref<640xf32, #tpu.memory_space<vmem>>, vector<16xf32>,
      %swap3A_35 = vector.shape_cast %swap3A_34 : vector<16xf32> to vector<16xf32>
      %swap3A_36 = vector.shape_cast %broadcast_in_dim3A_31 : vector<16xf32> to vector<16xf32>
      tpu.vector_store %arg5[%swap3A], %swap3A_36 {strides = array<i32>} : memref<640xf32, #tpu.memory_space<vmem>>, vector<16xf32>,
    }
    %scan3A_5 = arith.constant 40 : i32
    %scan3A_6 = arith.constant 0 : i32
    %scan3A_7 = arith.constant 0 : i32
    %scan3A_8 = arith.constant 8 : i32
    %scan3A_9 = arith.addi %scan3A_7, %scan3A_8 : i32
    %scan3A_10 = arith.constant 1 : i32
    scf.for %scan3A_30 = %scan3A_7 to %scan3A_9 step %scan3A_10  : i32 {
      %broadcast_in_dim3A = arith.constant 1.000000e+00 : f32
      %broadcast_in_dim3A_31 = vector.broadcast %broadcast_in_dim3A : f32 to vector<16xf32>
      %mul3A_32 = arith.constant 16 : i32
      %mul3A_33 = arith.muli %scan3A_30, %mul3A_32 : i32
      %swap3A = arith.index_cast %mul3A_33 : i32 to index
      %swap3A_34 = tpu.vector_load %arg6[%swap3A] {strides = array<i32>} : memref<128xf32, #tpu.memory_space<vmem>>, vector<16xf32>,
      %swap3A_35 = vector.shape_cast %swap3A_34 : vector<16xf32> to vector<16xf32>
      %swap3A_36 = vector.shape_cast %broadcast_in_dim3A_31 : vector<16xf32> to vector<16xf32>
      tpu.vector_store %arg6[%swap3A], %swap3A_36 {strides = array<i32>} : memref<128xf32, #tpu.memory_space<vmem>>, vector<16xf32>,
    }
    %scan3A_11 = arith.constant 8 : i32
    %mul3A_12 = arith.constant 640 : i32
    %mul3A_13 = arith.muli %arg1, %mul3A_12 : i32
    "tpu.region"() ({
      %run_scoped3A = tpu.sem_alloc : memref<!tpu.dma_semaphore, #tpu.memory_space<semaphore_mem>>
      %dma_start3A = tpu.memref_slice %arg4[%mul3A_13] : memref<10240xf32, #tpu.memory_space<vmem_shared>> -> memref<640xf32, #tpu.memory_space<vmem_shared>>
      %dma_start3A_30 = tpu.memref_slice %arg4[%mul3A_13] : memref<10240xf32, #tpu.memory_space<vmem_shared>> -> memref<640xf32, #tpu.memory_space<vmem_shared>>
      tpu.enqueue_dma source(%arg5 : memref<640xf32, #tpu.memory_space<vmem>>) target(%dma_start3A_30 : memref<640xf32, #tpu.memory_space<vmem_shared>>) target_semaphore(%run_scoped3A : memref<!tpu.dma_semaphore, #tpu.memory_space<semaphore_mem>>)
      %dma_wait3A = tpu.memref_slice %arg4[%mul3A_13] : memref<10240xf32, #tpu.memory_space<vmem_shared>> -> memref<640xf32, #tpu.memory_space<vmem_shared>>
      %dma_wait3A_31 = tpu.memref_slice %arg4[%mul3A_13] : memref<10240xf32, #tpu.memory_space<vmem_shared>> -> memref<640xf32, #tpu.memory_space<vmem_shared>>
      tpu.wait_dma2 semaphore(%run_scoped3A : memref<!tpu.dma_semaphore, #tpu.memory_space<semaphore_mem>>) src(%arg5 : memref<640xf32, #tpu.memory_space<vmem>>) dst(%dma_wait3A_31 : memref<640xf32, #tpu.memory_space<vmem_shared>>)
      tpu.yield
    }) : () -> ()
    %mul3A_14 = arith.constant 80 : i32
    %mul3A_15 = arith.muli %add3A, %mul3A_14 : i32
    "tpu.region"() ({
      %run_scoped3A = tpu.sem_alloc : memref<!tpu.dma_semaphore, #tpu.memory_space<semaphore_mem>>
      %dma_start3A = arith.constant 0 : i32
      %dma_start3A_30 = tpu.memref_slice %arg2[%mul3A_15, %dma_start3A] : memref<2560x128xi32, #tpu.memory_space<hbm>> -> memref<80x128xi32, #tpu.memory_space<hbm>>
      %dma_start3A_31 = arith.constant 0 : i32
      %dma_start3A_32 = tpu.memref_slice %arg2[%mul3A_15, %dma_start3A_31] : memref<2560x128xi32, #tpu.memory_space<hbm>> -> memref<80x128xi32, #tpu.memory_space<hbm>>
      tpu.enqueue_dma source(%dma_start3A_32 : memref<80x128xi32, #tpu.memory_space<hbm>>) target(%arg7 : memref<80x128xi32, #tpu.memory_space<vmem>>) target_semaphore(%run_scoped3A : memref<!tpu.dma_semaphore, #tpu.memory_space<semaphore_mem>>)
      %dma_wait3A = arith.constant 0 : i32
      %dma_wait3A_33 = tpu.memref_slice %arg2[%mul3A_15, %dma_wait3A] : memref<2560x128xi32, #tpu.memory_space<hbm>> -> memref<80x128xi32, #tpu.memory_space<hbm>>
      %dma_wait3A_34 = arith.constant 0 : i32
      %dma_wait3A_35 = tpu.memref_slice %arg2[%mul3A_15, %dma_wait3A_34] : memref<2560x128xi32, #tpu.memory_space<hbm>> -> memref<80x128xi32, #tpu.memory_space<hbm>>
      tpu.wait_dma2 semaphore(%run_scoped3A : memref<!tpu.dma_semaphore, #tpu.memory_space<semaphore_mem>>) src(%dma_wait3A_35 : memref<80x128xi32, #tpu.memory_space<hbm>>) dst(%arg7 : memref<80x128xi32, #tpu.memory_space<vmem>>)
      tpu.yield
    }) : () -> ()
    %barrier3A = arith.constant 0 : index
    tpu.barrier barrier_id(%barrier3A)
    %scan3A_16 = arith.constant 0 : i32
    %scan3A_17 = arith.constant 0 : i32
    %scan3A_18 = arith.constant 80 : i32
    %scan3A_19 = arith.addi %scan3A_17, %scan3A_18 : i32
    %scan3A_20 = arith.constant 1 : i32
    scf.for %scan3A_30 = %scan3A_17 to %scan3A_19 step %scan3A_20  : i32 {
      "tpu.region"() ({
        %run_scoped3A = tpu.sem_alloc : memref<!tpu.dma_semaphore, #tpu.memory_space<semaphore_mem>>
        %dma_start3A = arith.constant 0 : i32
        %dma_start3A_31 = tpu.memref_slice %arg7[%scan3A_30, %dma_start3A] : memref<80x128xi32, #tpu.memory_space<vmem>> -> memref<1x128xi32, #tpu.memory_space<vmem>>
        %dma_start3A_32 = tpu.memref_squeeze %dma_start3A_31 : memref<1x128xi32, #tpu.memory_space<vmem>> -> memref<128xi32, #tpu.memory_space<vmem>>
        %dma_start3A_33 = arith.constant 0 : i32
        %dma_start3A_34 = tpu.memref_slice %arg4[%dma_start3A_33] : memref<10240xf32, #tpu.memory_space<vmem_shared>> -> memref<10240xf32, #tpu.memory_space<vmem_shared>>
        tpu.enqueue_indirect_dma source(%arg6 : memref<128xf32, #tpu.memory_space<vmem>>) target(%dma_start3A_34 : memref<10240xf32, #tpu.memory_space<vmem_shared>>) offsets(%dma_start3A_32 : memref<128xi32, #tpu.memory_space<vmem>>) semaphore(%run_scoped3A : memref<!tpu.dma_semaphore, #tpu.memory_space<semaphore_mem>>) {add = true}
        %dma_wait3A = arith.constant 0 : i32
        %dma_wait3A_35 = tpu.memref_slice %arg7[%scan3A_30, %dma_wait3A] : memref<80x128xi32, #tpu.memory_space<vmem>> -> memref<1x128xi32, #tpu.memory_space<vmem>>
        %dma_wait3A_36 = tpu.memref_squeeze %dma_wait3A_35 : memref<1x128xi32, #tpu.memory_space<vmem>> -> memref<128xi32, #tpu.memory_space<vmem>>
        %dma_wait3A_37 = arith.constant 0 : i32
        %dma_wait3A_38 = tpu.memref_slice %arg4[%dma_wait3A_37] : memref<10240xf32, #tpu.memory_space<vmem_shared>> -> memref<10240xf32, #tpu.memory_space<vmem_shared>>
        tpu.wait_indirect_dma semaphore(%run_scoped3A : memref<!tpu.dma_semaphore, #tpu.memory_space<semaphore_mem>>) src(%arg6 : memref<128xf32, #tpu.memory_space<vmem>>) dst(%dma_wait3A_38 : memref<10240xf32, #tpu.memory_space<vmem_shared>>)
        tpu.yield
      }) : () -> ()
    }
    %scan3A_21 = arith.constant 80 : i32
    %barrier3A_22 = arith.constant 0 : index
    tpu.barrier barrier_id(%barrier3A_22)
    %mul3A_23 = arith.constant 640 : i32
    %mul3A_24 = arith.muli %arg1, %mul3A_23 : i32
    "tpu.region"() ({
      %run_scoped3A = tpu.sem_alloc : memref<!tpu.dma_semaphore, #tpu.memory_space<semaphore_mem>>
      %dma_start3A = tpu.memref_slice %arg4[%mul3A_24] : memref<10240xf32, #tpu.memory_space<vmem_shared>> -> memref<640xf32, #tpu.memory_space<vmem_shared>>
      %dma_start3A_30 = tpu.memref_slice %arg4[%mul3A_24] : memref<10240xf32, #tpu.memory_space<vmem_shared>> -> memref<640xf32, #tpu.memory_space<vmem_shared>>
      tpu.enqueue_dma source(%dma_start3A_30 : memref<640xf32, #tpu.memory_space<vmem_shared>>) target(%arg5 : memref<640xf32, #tpu.memory_space<vmem>>) target_semaphore(%run_scoped3A : memref<!tpu.dma_semaphore, #tpu.memory_space<semaphore_mem>>)
      %dma_wait3A = tpu.memref_slice %arg4[%mul3A_24] : memref<10240xf32, #tpu.memory_space<vmem_shared>> -> memref<640xf32, #tpu.memory_space<vmem_shared>>
      %dma_wait3A_31 = tpu.memref_slice %arg4[%mul3A_24] : memref<10240xf32, #tpu.memory_space<vmem_shared>> -> memref<640xf32, #tpu.memory_space<vmem_shared>>
      tpu.wait_dma2 semaphore(%run_scoped3A : memref<!tpu.dma_semaphore, #tpu.memory_space<semaphore_mem>>) src(%dma_wait3A_31 : memref<640xf32, #tpu.memory_space<vmem_shared>>) dst(%arg5 : memref<640xf32, #tpu.memory_space<vmem>>)
      tpu.yield
    }) : () -> ()
    %mul3A_25 = arith.constant 10240 : i32
    %mul3A_26 = arith.muli %arg0, %mul3A_25 : i32
    %mul3A_27 = arith.constant 640 : i32
    %mul3A_28 = arith.muli %arg1, %mul3A_27 : i32
    %add3A_29 = arith.addi %mul3A_26, %mul3A_28 : i32
    "tpu.region"() ({
      %run_scoped3A = tpu.sem_alloc : memref<!tpu.dma_semaphore, #tpu.memory_space<semaphore_mem>>
      %dma_start3A = tpu.memref_slice %arg3[%add3A_29] : memref<20480xf32, #tpu.memory_space<hbm>> -> memref<640xf32, #tpu.memory_space<hbm>>
      %dma_start3A_30 = tpu.memref_slice %arg3[%add3A_29] : memref<20480xf32, #tpu.memory_space<hbm>> -> memref<640xf32, #tpu.memory_space<hbm>>
      tpu.enqueue_dma source(%arg5 : memref<640xf32, #tpu.memory_space<vmem>>) target(%dma_start3A_30 : memref<640xf32, #tpu.memory_space<hbm>>) target_semaphore(%run_scoped3A : memref<!tpu.dma_semaphore, #tpu.memory_space<semaphore_mem>>)
      %dma_wait3A = tpu.memref_slice %arg3[%add3A_29] : memref<20480xf32, #tpu.memory_space<hbm>> -> memref<640xf32, #tpu.memory_space<hbm>>
      %dma_wait3A_31 = tpu.memref_slice %arg3[%add3A_29] : memref<20480xf32, #tpu.memory_space<hbm>> -> memref<640xf32, #tpu.memory_space<hbm>>
      tpu.wait_dma2 semaphore(%run_scoped3A : memref<!tpu.dma_semaphore, #tpu.memory_space<semaphore_mem>>) src(%arg5 : memref<640xf32, #tpu.memory_space<vmem>>) dst(%dma_wait3A_31 : memref<640xf32, #tpu.memory_space<hbm>>)
      tpu.yield
    }) : () -> ()
    return
  }
}

#map = affine_map<(d0, d1) -> (0, 0)>
#map1 = affine_map<(d0, d1) -> (0, 0, 0)>
module attributes {stable_mosaic.version = 14 : i64} {
  func.func @body(%arg0: i32, %arg1: i32, %arg2: memref<2560x128xi32, #tpu.memory_space<hbm>>, %arg3: memref<2560x128xi32, #tpu.memory_space<hbm>>, %arg4: memref<10240x128xf32, #tpu.memory_space<hbm>>, %arg5: memref<2x10240x128xf32, #tpu.memory_space<hbm>>, %arg6: memref<10240x128xf32, #tpu.memory_space<vmem_shared>>, %arg7: memref<128x128xf32, #tpu.memory_space<vmem>>, %arg8: memref<128x128xf32, #tpu.memory_space<vmem>>, %arg9: memref<40x128xi32, #tpu.memory_space<vmem>>, %arg10: memref<40x128xi32, #tpu.memory_space<vmem>>, %arg11: memref<!tpu.dma_semaphore, #tpu.memory_space<semaphore_mem>>, %arg12: memref<!tpu.dma_semaphore, #tpu.memory_space<semaphore_mem>>, %arg13: memref<!tpu.dma_semaphore, #tpu.memory_space<semaphore_mem>>, %arg14: memref<!tpu.dma_semaphore, #tpu.memory_space<semaphore_mem>>) attributes {dimension_semantics = [#tpu.dimension_semantics<core_parallel>, #tpu.dimension_semantics<subcore_parallel>], iteration_bounds = array<i64: 2, 16>, scalar_prefetch = 0 : i64, scratch_operands = 9 : i64, tpu.core_type = #tpu.core_type<sc_vector_subcore>, window_params = [{transform_indices = #map}, {transform_indices = #map}, {transform_indices = #map}, {transform_indices = #map1}]} {
    %scan3A = arith.constant 0 : i32
    %scan3A_0 = arith.constant 0 : i32
    %scan3A_1 = arith.constant 1024 : i32
    %scan3A_2 = arith.addi %scan3A_0, %scan3A_1 : i32
    %scan3A_3 = arith.constant 1 : i32
    scf.for %scan3A_28 = %scan3A_0 to %scan3A_2 step %scan3A_3  : i32 {
      %broadcast_in_dim3A = arith.constant 0.000000e+00 : f32
      %broadcast_in_dim3A_29 = vector.broadcast %broadcast_in_dim3A : f32 to vector<16xf32>
      %jit3A = arith.constant 8 : i32
      %div3A = arith.divsi %scan3A_28, %jit3A : i32
      %sign3A = arith.constant 0 : i32
      %sign3A_30 = arith.cmpi sgt, %scan3A_28, %sign3A : i32
      %sign3A_31 = arith.extui %sign3A_30 : i1 to i32
      %sign3A_32 = arith.constant 0 : i32
      %sign3A_33 = arith.cmpi slt, %scan3A_28, %sign3A_32 : i32
      %sign3A_34 = arith.extui %sign3A_33 : i1 to i32
      %sign3A_35 = arith.subi %sign3A_31, %sign3A_34 : i32
      %sign3A_36 = arith.constant 0 : i32
      %sign3A_37 = arith.cmpi sgt, %jit3A, %sign3A_36 : i32
      %sign3A_38 = arith.extui %sign3A_37 : i1 to i32
      %sign3A_39 = arith.constant 0 : i32
      %sign3A_40 = arith.cmpi slt, %jit3A, %sign3A_39 : i32
      %sign3A_41 = arith.extui %sign3A_40 : i1 to i32
      %sign3A_42 = arith.subi %sign3A_38, %sign3A_41 : i32
      %ne3A = arith.cmpi ne, %sign3A_35, %sign3A_42 : i32
      %rem3A = arith.remsi %scan3A_28, %jit3A : i32
      %ne3A_43 = arith.constant 0 : i32
      %ne3A_44 = arith.cmpi ne, %rem3A, %ne3A_43 : i32
      %and3A = arith.andi %ne3A, %ne3A_44 : i1
      %sub3A = arith.constant 1 : i32
      %sub3A_45 = arith.subi %div3A, %sub3A : i32
      %select_n3A = arith.select %and3A, %sub3A_45, %div3A : i32
      %jit3A_46 = arith.constant 8 : i32
      %eq3A_47 = arith.constant 0 : i32
      %eq3A_48 = arith.cmpi eq, %jit3A_46, %eq3A_47 : i32
      %jit3A_49 = arith.constant 1 : i32
      %select_n3A_50 = arith.select %eq3A_48, %jit3A_49, %jit3A_46 : i32
      %rem3A_51 = arith.remsi %scan3A_28, %select_n3A_50 : i32
      %ne3A_52 = arith.constant 0 : i32
      %ne3A_53 = arith.cmpi ne, %rem3A_51, %ne3A_52 : i32
      %lt3A = arith.constant 0 : i32
      %lt3A_54 = arith.cmpi slt, %rem3A_51, %lt3A : i32
      %lt3A_55 = arith.constant 0 : i32
      %lt3A_56 = arith.cmpi slt, %select_n3A_50, %lt3A_55 : i32
      %ne3A_57 = arith.xori %lt3A_54, %lt3A_56 : i1
      %and3A_58 = arith.andi %ne3A_57, %ne3A_53 : i1
      %add3A = arith.addi %rem3A_51, %select_n3A_50 : i32
      %select_n3A_59 = arith.select %and3A_58, %add3A, %rem3A_51 : i32
      %mul3A_60 = arith.constant 16 : i32
      %mul3A_61 = arith.muli %select_n3A_59, %mul3A_60 : i32
      %swap3A = arith.index_cast %select_n3A : i32 to index
      %swap3A_62 = arith.index_cast %mul3A_61 : i32 to index
      %swap3A_63 = tpu.vector_load %arg7[%swap3A, %swap3A_62] {strides = array<i32>} : memref<128x128xf32, #tpu.memory_space<vmem>>, vector<1x16xf32>,
      %swap3A_64 = vector.shape_cast %swap3A_63 : vector<1x16xf32> to vector<16xf32>
      %swap3A_65 = vector.shape_cast %broadcast_in_dim3A_29 : vector<16xf32> to vector<1x16xf32>
      tpu.vector_store %arg7[%swap3A, %swap3A_62], %swap3A_65 {strides = array<i32>} : memref<128x128xf32, #tpu.memory_space<vmem>>, vector<1x16xf32>,
    }
    %scan3A_4 = arith.constant 1024 : i32
    %scan3A_5 = arith.constant 0 : i32
    %scan3A_6 = arith.constant 0 : i32
    %scan3A_7 = arith.constant 5 : i32
    %scan3A_8 = arith.addi %scan3A_6, %scan3A_7 : i32
    %scan3A_9 = arith.constant 1 : i32
    scf.for %scan3A_28 = %scan3A_6 to %scan3A_8 step %scan3A_9  : i32 {
      %mul3A_29 = arith.constant 640 : i32
      %mul3A_30 = arith.muli %arg1, %mul3A_29 : i32
      %mul3A_31 = arith.constant 128 : i32
      %mul3A_32 = arith.muli %scan3A_28, %mul3A_31 : i32
      %add3A = arith.addi %mul3A_30, %mul3A_32 : i32
      "tpu.region"() ({
        %run_scoped3A = tpu.sem_alloc : memref<!tpu.dma_semaphore, #tpu.memory_space<semaphore_mem>>
        %dma_start3A = arith.constant 0 : i32
        %dma_start3A_33 = tpu.memref_slice %arg6[%add3A, %dma_start3A] : memref<10240x128xf32, #tpu.memory_space<vmem_shared>> -> memref<128x128xf32, #tpu.memory_space<vmem_shared>>
        %dma_start3A_34 = arith.constant 0 : i32
        %dma_start3A_35 = tpu.memref_slice %arg6[%add3A, %dma_start3A_34] : memref<10240x128xf32, #tpu.memory_space<vmem_shared>> -> memref<128x128xf32, #tpu.memory_space<vmem_shared>>
        tpu.enqueue_dma source(%arg7 : memref<128x128xf32, #tpu.memory_space<vmem>>) target(%dma_start3A_35 : memref<128x128xf32, #tpu.memory_space<vmem_shared>>) target_semaphore(%run_scoped3A : memref<!tpu.dma_semaphore, #tpu.memory_space<semaphore_mem>>)
        %dma_wait3A = arith.constant 0 : i32
        %dma_wait3A_36 = tpu.memref_slice %arg6[%add3A, %dma_wait3A] : memref<10240x128xf32, #tpu.memory_space<vmem_shared>> -> memref<128x128xf32, #tpu.memory_space<vmem_shared>>
        %dma_wait3A_37 = arith.constant 0 : i32
        %dma_wait3A_38 = tpu.memref_slice %arg6[%add3A, %dma_wait3A_37] : memref<10240x128xf32, #tpu.memory_space<vmem_shared>> -> memref<128x128xf32, #tpu.memory_space<vmem_shared>>
        tpu.wait_dma2 semaphore(%run_scoped3A : memref<!tpu.dma_semaphore, #tpu.memory_space<semaphore_mem>>) src(%arg7 : memref<128x128xf32, #tpu.memory_space<vmem>>) dst(%dma_wait3A_38 : memref<128x128xf32, #tpu.memory_space<vmem_shared>>)
        tpu.yield
      }) : () -> ()
    }
    %scan3A_10 = arith.constant 5 : i32
    %barrier3A = arith.constant 0 : index
    tpu.barrier barrier_id(%barrier3A)
    %mul3A = arith.constant 2 : i32
    %mul3A_11 = arith.muli %arg1, %mul3A : i32
    %mul3A_12 = arith.constant 80 : i32
    %mul3A_13 = arith.muli %mul3A_11, %mul3A_12 : i32
    %eq3A = arith.constant 0 : i32
    %eq3A_14 = arith.cmpi eq, %arg0, %eq3A : i32
    %convert_element_type3A = arith.extui %eq3A_14 : i1 to i32
    %cond3A = arith.constant 0 : i32
    %cond3A_15 = arith.cmpi ne, %convert_element_type3A, %cond3A : i32
    scf.if %cond3A_15 {
      %add3A = arith.constant 0 : i32
      %add3A_28 = arith.addi %mul3A_13, %add3A : i32
      "tpu.region"() ({
        %run_scoped3A = tpu.sem_alloc : memref<!tpu.dma_semaphore, #tpu.memory_space<semaphore_mem>>
        %dma_start3A_71 = arith.constant 0 : i32
        %dma_start3A_72 = arith.constant 0 : i32
        %dma_start3A_73 = tpu.memref_slice %arg9[%dma_start3A_71, %dma_start3A_72] : memref<40x128xi32, #tpu.memory_space<vmem>> -> memref<40x128xi32, #tpu.memory_space<vmem>>
        %dma_start3A_74 = arith.constant 0 : i32
        %dma_start3A_75 = tpu.memref_slice %arg2[%add3A_28, %dma_start3A_74] : memref<2560x128xi32, #tpu.memory_space<hbm>> -> memref<40x128xi32, #tpu.memory_space<hbm>>
        %dma_start3A_76 = arith.constant 0 : i32
        %dma_start3A_77 = arith.constant 0 : i32
        %dma_start3A_78 = tpu.memref_slice %arg9[%dma_start3A_76, %dma_start3A_77] : memref<40x128xi32, #tpu.memory_space<vmem>> -> memref<40x128xi32, #tpu.memory_space<vmem>>
        %dma_start3A_79 = arith.constant 0 : i32
        %dma_start3A_80 = tpu.memref_slice %arg2[%add3A_28, %dma_start3A_79] : memref<2560x128xi32, #tpu.memory_space<hbm>> -> memref<40x128xi32, #tpu.memory_space<hbm>>
        tpu.enqueue_dma source(%dma_start3A_80 : memref<40x128xi32, #tpu.memory_space<hbm>>) target(%dma_start3A_78 : memref<40x128xi32, #tpu.memory_space<vmem>>) target_semaphore(%run_scoped3A : memref<!tpu.dma_semaphore, #tpu.memory_space<semaphore_mem>>)
        %dma_wait3A = arith.constant 0 : i32
        %dma_wait3A_81 = arith.constant 0 : i32
        %dma_wait3A_82 = tpu.memref_slice %arg9[%dma_wait3A, %dma_wait3A_81] : memref<40x128xi32, #tpu.memory_space<vmem>> -> memref<40x128xi32, #tpu.memory_space<vmem>>
        %dma_wait3A_83 = arith.constant 0 : i32
        %dma_wait3A_84 = tpu.memref_slice %arg2[%add3A_28, %dma_wait3A_83] : memref<2560x128xi32, #tpu.memory_space<hbm>> -> memref<40x128xi32, #tpu.memory_space<hbm>>
        %dma_wait3A_85 = arith.constant 0 : i32
        %dma_wait3A_86 = arith.constant 0 : i32
        %dma_wait3A_87 = tpu.memref_slice %arg9[%dma_wait3A_85, %dma_wait3A_86] : memref<40x128xi32, #tpu.memory_space<vmem>> -> memref<40x128xi32, #tpu.memory_space<vmem>>
        %dma_wait3A_88 = arith.constant 0 : i32
        %dma_wait3A_89 = tpu.memref_slice %arg2[%add3A_28, %dma_wait3A_88] : memref<2560x128xi32, #tpu.memory_space<hbm>> -> memref<40x128xi32, #tpu.memory_space<hbm>>
        tpu.wait_dma2 semaphore(%run_scoped3A : memref<!tpu.dma_semaphore, #tpu.memory_space<semaphore_mem>>) src(%dma_wait3A_89 : memref<40x128xi32, #tpu.memory_space<hbm>>) dst(%dma_wait3A_87 : memref<40x128xi32, #tpu.memory_space<vmem>>)
        tpu.yield
      }) : () -> ()
      "tpu.region"() ({
        %run_scoped3A = tpu.sem_alloc : memref<!tpu.dma_semaphore, #tpu.memory_space<semaphore_mem>>
        %dma_start3A_71 = arith.constant 0 : i32
        %dma_start3A_72 = arith.constant 0 : i32
        %dma_start3A_73 = tpu.memref_slice %arg10[%dma_start3A_71, %dma_start3A_72] : memref<40x128xi32, #tpu.memory_space<vmem>> -> memref<40x128xi32, #tpu.memory_space<vmem>>
        %dma_start3A_74 = arith.constant 0 : i32
        %dma_start3A_75 = tpu.memref_slice %arg3[%add3A_28, %dma_start3A_74] : memref<2560x128xi32, #tpu.memory_space<hbm>> -> memref<40x128xi32, #tpu.memory_space<hbm>>
        %dma_start3A_76 = arith.constant 0 : i32
        %dma_start3A_77 = arith.constant 0 : i32
        %dma_start3A_78 = tpu.memref_slice %arg10[%dma_start3A_76, %dma_start3A_77] : memref<40x128xi32, #tpu.memory_space<vmem>> -> memref<40x128xi32, #tpu.memory_space<vmem>>
        %dma_start3A_79 = arith.constant 0 : i32
        %dma_start3A_80 = tpu.memref_slice %arg3[%add3A_28, %dma_start3A_79] : memref<2560x128xi32, #tpu.memory_space<hbm>> -> memref<40x128xi32, #tpu.memory_space<hbm>>
        tpu.enqueue_dma source(%dma_start3A_80 : memref<40x128xi32, #tpu.memory_space<hbm>>) target(%dma_start3A_78 : memref<40x128xi32, #tpu.memory_space<vmem>>) target_semaphore(%run_scoped3A : memref<!tpu.dma_semaphore, #tpu.memory_space<semaphore_mem>>)
        %dma_wait3A = arith.constant 0 : i32
        %dma_wait3A_81 = arith.constant 0 : i32
        %dma_wait3A_82 = tpu.memref_slice %arg10[%dma_wait3A, %dma_wait3A_81] : memref<40x128xi32, #tpu.memory_space<vmem>> -> memref<40x128xi32, #tpu.memory_space<vmem>>
        %dma_wait3A_83 = arith.constant 0 : i32
        %dma_wait3A_84 = tpu.memref_slice %arg3[%add3A_28, %dma_wait3A_83] : memref<2560x128xi32, #tpu.memory_space<hbm>> -> memref<40x128xi32, #tpu.memory_space<hbm>>
        %dma_wait3A_85 = arith.constant 0 : i32
        %dma_wait3A_86 = arith.constant 0 : i32
        %dma_wait3A_87 = tpu.memref_slice %arg10[%dma_wait3A_85, %dma_wait3A_86] : memref<40x128xi32, #tpu.memory_space<vmem>> -> memref<40x128xi32, #tpu.memory_space<vmem>>
        %dma_wait3A_88 = arith.constant 0 : i32
        %dma_wait3A_89 = tpu.memref_slice %arg3[%add3A_28, %dma_wait3A_88] : memref<2560x128xi32, #tpu.memory_space<hbm>> -> memref<40x128xi32, #tpu.memory_space<hbm>>
        tpu.wait_dma2 semaphore(%run_scoped3A : memref<!tpu.dma_semaphore, #tpu.memory_space<semaphore_mem>>) src(%dma_wait3A_89 : memref<40x128xi32, #tpu.memory_space<hbm>>) dst(%dma_wait3A_87 : memref<40x128xi32, #tpu.memory_space<vmem>>)
        tpu.yield
      }) : () -> ()
      %dma_start3A = arith.constant 0 : i32
      %dma_start3A_29 = arith.constant 0 : i32
      %dma_start3A_30 = tpu.memref_slice %arg9[%dma_start3A, %dma_start3A_29] : memref<40x128xi32, #tpu.memory_space<vmem>> -> memref<1x128xi32, #tpu.memory_space<vmem>>
      %dma_start3A_31 = tpu.memref_squeeze %dma_start3A_30 : memref<1x128xi32, #tpu.memory_space<vmem>> -> memref<128xi32, #tpu.memory_space<vmem>>
      %dma_start3A_32 = arith.constant 0 : i32
      %dma_start3A_33 = arith.constant 0 : i32
      %dma_start3A_34 = tpu.memref_slice %arg4[%dma_start3A_32, %dma_start3A_33] : memref<10240x128xf32, #tpu.memory_space<hbm>> -> memref<10240x128xf32, #tpu.memory_space<hbm>>
      tpu.enqueue_indirect_dma source(%dma_start3A_34 : memref<10240x128xf32, #tpu.memory_space<hbm>>) target(%arg7 : memref<128x128xf32, #tpu.memory_space<vmem>>) offsets(%dma_start3A_31 : memref<128xi32, #tpu.memory_space<vmem>>) semaphore(%arg11 : memref<!tpu.dma_semaphore, #tpu.memory_space<semaphore_mem>>)
      %scan3A_35 = arith.constant 0 : i32
      %scan3A_36 = arith.constant 0 : i32
      %scan3A_37 = arith.constant 20 : i32
      %scan3A_38 = arith.addi %scan3A_36, %scan3A_37 : i32
      %scan3A_39 = arith.constant 1 : i32
      scf.for %scan3A_71 = %scan3A_36 to %scan3A_38 step %scan3A_39  : i32 {
        %mul3A_72 = arith.constant 2 : i32
        %mul3A_73 = arith.muli %scan3A_71, %mul3A_72 : i32
        %add3A_74 = arith.constant 1 : i32
        %add3A_75 = arith.addi %mul3A_73, %add3A_74 : i32
        %dma_start3A_76 = arith.constant 0 : i32
        %dma_start3A_77 = tpu.memref_slice %arg9[%add3A_75, %dma_start3A_76] : memref<40x128xi32, #tpu.memory_space<vmem>> -> memref<1x128xi32, #tpu.memory_space<vmem>>
        %dma_start3A_78 = tpu.memref_squeeze %dma_start3A_77 : memref<1x128xi32, #tpu.memory_space<vmem>> -> memref<128xi32, #tpu.memory_space<vmem>>
        %dma_start3A_79 = arith.constant 0 : i32
        %dma_start3A_80 = arith.constant 0 : i32
        %dma_start3A_81 = tpu.memref_slice %arg4[%dma_start3A_79, %dma_start3A_80] : memref<10240x128xf32, #tpu.memory_space<hbm>> -> memref<10240x128xf32, #tpu.memory_space<hbm>>
        tpu.enqueue_indirect_dma source(%dma_start3A_81 : memref<10240x128xf32, #tpu.memory_space<hbm>>) target(%arg8 : memref<128x128xf32, #tpu.memory_space<vmem>>) offsets(%dma_start3A_78 : memref<128xi32, #tpu.memory_space<vmem>>) semaphore(%arg12 : memref<!tpu.dma_semaphore, #tpu.memory_space<semaphore_mem>>)
        %dma_wait3A = arith.constant 0 : i32
        %dma_wait3A_82 = tpu.memref_slice %arg9[%mul3A_73, %dma_wait3A] : memref<40x128xi32, #tpu.memory_space<vmem>> -> memref<1x128xi32, #tpu.memory_space<vmem>>
        %dma_wait3A_83 = tpu.memref_squeeze %dma_wait3A_82 : memref<1x128xi32, #tpu.memory_space<vmem>> -> memref<128xi32, #tpu.memory_space<vmem>>
        %dma_wait3A_84 = arith.constant 0 : i32
        %dma_wait3A_85 = arith.constant 0 : i32
        %dma_wait3A_86 = tpu.memref_slice %arg4[%dma_wait3A_84, %dma_wait3A_85] : memref<10240x128xf32, #tpu.memory_space<hbm>> -> memref<10240x128xf32, #tpu.memory_space<hbm>>
        tpu.wait_indirect_dma semaphore(%arg11 : memref<!tpu.dma_semaphore, #tpu.memory_space<semaphore_mem>>) src(%dma_wait3A_86 : memref<10240x128xf32, #tpu.memory_space<hbm>>) dst(%arg7 : memref<128x128xf32, #tpu.memory_space<vmem>>)
        %dma_start3A_87 = arith.constant 0 : i32
        %dma_start3A_88 = tpu.memref_slice %arg10[%mul3A_73, %dma_start3A_87] : memref<40x128xi32, #tpu.memory_space<vmem>> -> memref<1x128xi32, #tpu.memory_space<vmem>>
        %dma_start3A_89 = tpu.memref_squeeze %dma_start3A_88 : memref<1x128xi32, #tpu.memory_space<vmem>> -> memref<128xi32, #tpu.memory_space<vmem>>
        %dma_start3A_90 = arith.constant 0 : i32
        %dma_start3A_91 = arith.constant 0 : i32
        %dma_start3A_92 = tpu.memref_slice %arg6[%dma_start3A_90, %dma_start3A_91] : memref<10240x128xf32, #tpu.memory_space<vmem_shared>> -> memref<10240x128xf32, #tpu.memory_space<vmem_shared>>
        tpu.enqueue_indirect_dma source(%arg7 : memref<128x128xf32, #tpu.memory_space<vmem>>) target(%dma_start3A_92 : memref<10240x128xf32, #tpu.memory_space<vmem_shared>>) offsets(%dma_start3A_89 : memref<128xi32, #tpu.memory_space<vmem>>) semaphore(%arg13 : memref<!tpu.dma_semaphore, #tpu.memory_space<semaphore_mem>>) {add = true}
        %add3A_93 = arith.constant 1 : i32
        %add3A_94 = arith.addi %mul3A_73, %add3A_93 : i32
        %dma_wait3A_95 = arith.constant 0 : i32
        %dma_wait3A_96 = tpu.memref_slice %arg9[%add3A_94, %dma_wait3A_95] : memref<40x128xi32, #tpu.memory_space<vmem>> -> memref<1x128xi32, #tpu.memory_space<vmem>>
        %dma_wait3A_97 = tpu.memref_squeeze %dma_wait3A_96 : memref<1x128xi32, #tpu.memory_space<vmem>> -> memref<128xi32, #tpu.memory_space<vmem>>
        %dma_wait3A_98 = arith.constant 0 : i32
        %dma_wait3A_99 = arith.constant 0 : i32
        %dma_wait3A_100 = tpu.memref_slice %arg4[%dma_wait3A_98, %dma_wait3A_99] : memref<10240x128xf32, #tpu.memory_space<hbm>> -> memref<10240x128xf32, #tpu.memory_space<hbm>>
        tpu.wait_indirect_dma semaphore(%arg12 : memref<!tpu.dma_semaphore, #tpu.memory_space<semaphore_mem>>) src(%dma_wait3A_100 : memref<10240x128xf32, #tpu.memory_space<hbm>>) dst(%arg8 : memref<128x128xf32, #tpu.memory_space<vmem>>)
        %add3A_101 = arith.constant 1 : i32
        %add3A_102 = arith.addi %mul3A_73, %add3A_101 : i32
        %dma_start3A_103 = arith.constant 0 : i32
        %dma_start3A_104 = tpu.memref_slice %arg10[%add3A_102, %dma_start3A_103] : memref<40x128xi32, #tpu.memory_space<vmem>> -> memref<1x128xi32, #tpu.memory_space<vmem>>
        %dma_start3A_105 = tpu.memref_squeeze %dma_start3A_104 : memref<1x128xi32, #tpu.memory_space<vmem>> -> memref<128xi32, #tpu.memory_space<vmem>>
        %dma_start3A_106 = arith.constant 0 : i32
        %dma_start3A_107 = arith.constant 0 : i32
        %dma_start3A_108 = tpu.memref_slice %arg6[%dma_start3A_106, %dma_start3A_107] : memref<10240x128xf32, #tpu.memory_space<vmem_shared>> -> memref<10240x128xf32, #tpu.memory_space<vmem_shared>>
        tpu.enqueue_indirect_dma source(%arg8 : memref<128x128xf32, #tpu.memory_space<vmem>>) target(%dma_start3A_108 : memref<10240x128xf32, #tpu.memory_space<vmem_shared>>) offsets(%dma_start3A_105 : memref<128xi32, #tpu.memory_space<vmem>>) semaphore(%arg14 : memref<!tpu.dma_semaphore, #tpu.memory_space<semaphore_mem>>) {add = true}
        %dma_wait3A_109 = arith.constant 0 : i32
        %dma_wait3A_110 = tpu.memref_slice %arg10[%mul3A_73, %dma_wait3A_109] : memref<40x128xi32, #tpu.memory_space<vmem>> -> memref<1x128xi32, #tpu.memory_space<vmem>>
        %dma_wait3A_111 = tpu.memref_squeeze %dma_wait3A_110 : memref<1x128xi32, #tpu.memory_space<vmem>> -> memref<128xi32, #tpu.memory_space<vmem>>
        %dma_wait3A_112 = arith.constant 0 : i32
        %dma_wait3A_113 = arith.constant 0 : i32
        %dma_wait3A_114 = tpu.memref_slice %arg6[%dma_wait3A_112, %dma_wait3A_113] : memref<10240x128xf32, #tpu.memory_space<vmem_shared>> -> memref<10240x128xf32, #tpu.memory_space<vmem_shared>>
        tpu.wait_indirect_dma semaphore(%arg13 : memref<!tpu.dma_semaphore, #tpu.memory_space<semaphore_mem>>) src(%arg7 : memref<128x128xf32, #tpu.memory_space<vmem>>) dst(%dma_wait3A_114 : memref<10240x128xf32, #tpu.memory_space<vmem_shared>>)
        %add3A_115 = arith.constant 1 : i32
        %add3A_116 = arith.addi %scan3A_71, %add3A_115 : i32
        %lt3A = arith.constant 20 : i32
        %lt3A_117 = arith.cmpi slt, %add3A_116, %lt3A : i32
        %convert_element_type3A_118 = arith.extui %lt3A_117 : i1 to i32
        %cond3A_119 = arith.constant 0 : i32
        %cond3A_120 = arith.cmpi ne, %convert_element_type3A_118, %cond3A_119 : i32
        scf.if %cond3A_120 {
          %add3A_129 = arith.constant 2 : i32
          %add3A_130 = arith.addi %mul3A_73, %add3A_129 : i32
          %dma_start3A_131 = arith.constant 0 : i32
          %dma_start3A_132 = tpu.memref_slice %arg9[%add3A_130, %dma_start3A_131] : memref<40x128xi32, #tpu.memory_space<vmem>> -> memref<1x128xi32, #tpu.memory_space<vmem>>
          %dma_start3A_133 = tpu.memref_squeeze %dma_start3A_132 : memref<1x128xi32, #tpu.memory_space<vmem>> -> memref<128xi32, #tpu.memory_space<vmem>>
          %dma_start3A_134 = arith.constant 0 : i32
          %dma_start3A_135 = arith.constant 0 : i32
          %dma_start3A_136 = tpu.memref_slice %arg4[%dma_start3A_134, %dma_start3A_135] : memref<10240x128xf32, #tpu.memory_space<hbm>> -> memref<10240x128xf32, #tpu.memory_space<hbm>>
          tpu.enqueue_indirect_dma source(%dma_start3A_136 : memref<10240x128xf32, #tpu.memory_space<hbm>>) target(%arg7 : memref<128x128xf32, #tpu.memory_space<vmem>>) offsets(%dma_start3A_133 : memref<128xi32, #tpu.memory_space<vmem>>) semaphore(%arg11 : memref<!tpu.dma_semaphore, #tpu.memory_space<semaphore_mem>>)
        } else {
        }
        %add3A_121 = arith.constant 1 : i32
        %add3A_122 = arith.addi %mul3A_73, %add3A_121 : i32
        %dma_wait3A_123 = arith.constant 0 : i32
        %dma_wait3A_124 = tpu.memref_slice %arg10[%add3A_122, %dma_wait3A_123] : memref<40x128xi32, #tpu.memory_space<vmem>> -> memref<1x128xi32, #tpu.memory_space<vmem>>
        %dma_wait3A_125 = tpu.memref_squeeze %dma_wait3A_124 : memref<1x128xi32, #tpu.memory_space<vmem>> -> memref<128xi32, #tpu.memory_space<vmem>>
        %dma_wait3A_126 = arith.constant 0 : i32
        %dma_wait3A_127 = arith.constant 0 : i32
        %dma_wait3A_128 = tpu.memref_slice %arg6[%dma_wait3A_126, %dma_wait3A_127] : memref<10240x128xf32, #tpu.memory_space<vmem_shared>> -> memref<10240x128xf32, #tpu.memory_space<vmem_shared>>
        tpu.wait_indirect_dma semaphore(%arg14 : memref<!tpu.dma_semaphore, #tpu.memory_space<semaphore_mem>>) src(%arg8 : memref<128x128xf32, #tpu.memory_space<vmem>>) dst(%dma_wait3A_128 : memref<10240x128xf32, #tpu.memory_space<vmem_shared>>)
      }
      %scan3A_40 = arith.constant 20 : i32
      %add3A_41 = arith.constant 40 : i32
      %add3A_42 = arith.addi %mul3A_13, %add3A_41 : i32
      "tpu.region"() ({
        %run_scoped3A = tpu.sem_alloc : memref<!tpu.dma_semaphore, #tpu.memory_space<semaphore_mem>>
        %dma_start3A_71 = arith.constant 0 : i32
        %dma_start3A_72 = arith.constant 0 : i32
        %dma_start3A_73 = tpu.memref_slice %arg9[%dma_start3A_71, %dma_start3A_72] : memref<40x128xi32, #tpu.memory_space<vmem>> -> memref<40x128xi32, #tpu.memory_space<vmem>>
        %dma_start3A_74 = arith.constant 0 : i32
        %dma_start3A_75 = tpu.memref_slice %arg2[%add3A_42, %dma_start3A_74] : memref<2560x128xi32, #tpu.memory_space<hbm>> -> memref<40x128xi32, #tpu.memory_space<hbm>>
        %dma_start3A_76 = arith.constant 0 : i32
        %dma_start3A_77 = arith.constant 0 : i32
        %dma_start3A_78 = tpu.memref_slice %arg9[%dma_start3A_76, %dma_start3A_77] : memref<40x128xi32, #tpu.memory_space<vmem>> -> memref<40x128xi32, #tpu.memory_space<vmem>>
        %dma_start3A_79 = arith.constant 0 : i32
        %dma_start3A_80 = tpu.memref_slice %arg2[%add3A_42, %dma_start3A_79] : memref<2560x128xi32, #tpu.memory_space<hbm>> -> memref<40x128xi32, #tpu.memory_space<hbm>>
        tpu.enqueue_dma source(%dma_start3A_80 : memref<40x128xi32, #tpu.memory_space<hbm>>) target(%dma_start3A_78 : memref<40x128xi32, #tpu.memory_space<vmem>>) target_semaphore(%run_scoped3A : memref<!tpu.dma_semaphore, #tpu.memory_space<semaphore_mem>>)
        %dma_wait3A = arith.constant 0 : i32
        %dma_wait3A_81 = arith.constant 0 : i32
        %dma_wait3A_82 = tpu.memref_slice %arg9[%dma_wait3A, %dma_wait3A_81] : memref<40x128xi32, #tpu.memory_space<vmem>> -> memref<40x128xi32, #tpu.memory_space<vmem>>
        %dma_wait3A_83 = arith.constant 0 : i32
        %dma_wait3A_84 = tpu.memref_slice %arg2[%add3A_42, %dma_wait3A_83] : memref<2560x128xi32, #tpu.memory_space<hbm>> -> memref<40x128xi32, #tpu.memory_space<hbm>>
        %dma_wait3A_85 = arith.constant 0 : i32
        %dma_wait3A_86 = arith.constant 0 : i32
        %dma_wait3A_87 = tpu.memref_slice %arg9[%dma_wait3A_85, %dma_wait3A_86] : memref<40x128xi32, #tpu.memory_space<vmem>> -> memref<40x128xi32, #tpu.memory_space<vmem>>
        %dma_wait3A_88 = arith.constant 0 : i32
        %dma_wait3A_89 = tpu.memref_slice %arg2[%add3A_42, %dma_wait3A_88] : memref<2560x128xi32, #tpu.memory_space<hbm>> -> memref<40x128xi32, #tpu.memory_space<hbm>>
        tpu.wait_dma2 semaphore(%run_scoped3A : memref<!tpu.dma_semaphore, #tpu.memory_space<semaphore_mem>>) src(%dma_wait3A_89 : memref<40x128xi32, #tpu.memory_space<hbm>>) dst(%dma_wait3A_87 : memref<40x128xi32, #tpu.memory_space<vmem>>)
        tpu.yield
      }) : () -> ()
      "tpu.region"() ({
        %run_scoped3A = tpu.sem_alloc : memref<!tpu.dma_semaphore, #tpu.memory_space<semaphore_mem>>
        %dma_start3A_71 = arith.constant 0 : i32
        %dma_start3A_72 = arith.constant 0 : i32
        %dma_start3A_73 = tpu.memref_slice %arg10[%dma_start3A_71, %dma_start3A_72] : memref<40x128xi32, #tpu.memory_space<vmem>> -> memref<40x128xi32, #tpu.memory_space<vmem>>
        %dma_start3A_74 = arith.constant 0 : i32
        %dma_start3A_75 = tpu.memref_slice %arg3[%add3A_42, %dma_start3A_74] : memref<2560x128xi32, #tpu.memory_space<hbm>> -> memref<40x128xi32, #tpu.memory_space<hbm>>
        %dma_start3A_76 = arith.constant 0 : i32
        %dma_start3A_77 = arith.constant 0 : i32
        %dma_start3A_78 = tpu.memref_slice %arg10[%dma_start3A_76, %dma_start3A_77] : memref<40x128xi32, #tpu.memory_space<vmem>> -> memref<40x128xi32, #tpu.memory_space<vmem>>
        %dma_start3A_79 = arith.constant 0 : i32
        %dma_start3A_80 = tpu.memref_slice %arg3[%add3A_42, %dma_start3A_79] : memref<2560x128xi32, #tpu.memory_space<hbm>> -> memref<40x128xi32, #tpu.memory_space<hbm>>
        tpu.enqueue_dma source(%dma_start3A_80 : memref<40x128xi32, #tpu.memory_space<hbm>>) target(%dma_start3A_78 : memref<40x128xi32, #tpu.memory_space<vmem>>) target_semaphore(%run_scoped3A : memref<!tpu.dma_semaphore, #tpu.memory_space<semaphore_mem>>)
        %dma_wait3A = arith.constant 0 : i32
        %dma_wait3A_81 = arith.constant 0 : i32
        %dma_wait3A_82 = tpu.memref_slice %arg10[%dma_wait3A, %dma_wait3A_81] : memref<40x128xi32, #tpu.memory_space<vmem>> -> memref<40x128xi32, #tpu.memory_space<vmem>>
        %dma_wait3A_83 = arith.constant 0 : i32
        %dma_wait3A_84 = tpu.memref_slice %arg3[%add3A_42, %dma_wait3A_83] : memref<2560x128xi32, #tpu.memory_space<hbm>> -> memref<40x128xi32, #tpu.memory_space<hbm>>
        %dma_wait3A_85 = arith.constant 0 : i32
        %dma_wait3A_86 = arith.constant 0 : i32
        %dma_wait3A_87 = tpu.memref_slice %arg10[%dma_wait3A_85, %dma_wait3A_86] : memref<40x128xi32, #tpu.memory_space<vmem>> -> memref<40x128xi32, #tpu.memory_space<vmem>>
        %dma_wait3A_88 = arith.constant 0 : i32
        %dma_wait3A_89 = tpu.memref_slice %arg3[%add3A_42, %dma_wait3A_88] : memref<2560x128xi32, #tpu.memory_space<hbm>> -> memref<40x128xi32, #tpu.memory_space<hbm>>
        tpu.wait_dma2 semaphore(%run_scoped3A : memref<!tpu.dma_semaphore, #tpu.memory_space<semaphore_mem>>) src(%dma_wait3A_89 : memref<40x128xi32, #tpu.memory_space<hbm>>) dst(%dma_wait3A_87 : memref<40x128xi32, #tpu.memory_space<vmem>>)
        tpu.yield
      }) : () -> ()
      %dma_start3A_43 = arith.constant 0 : i32
      %dma_start3A_44 = arith.constant 0 : i32
      %dma_start3A_45 = tpu.memref_slice %arg9[%dma_start3A_43, %dma_start3A_44] : memref<40x128xi32, #tpu.memory_space<vmem>> -> memref<1x128xi32, #tpu.memory_space<vmem>>
      %dma_start3A_46 = tpu.memref_squeeze %dma_start3A_45 : memref<1x128xi32, #tpu.memory_space<vmem>> -> memref<128xi32, #tpu.memory_space<vmem>>
      %dma_start3A_47 = arith.constant 0 : i32
      %dma_start3A_48 = arith.constant 0 : i32
      %dma_start3A_49 = tpu.memref_slice %arg4[%dma_start3A_47, %dma_start3A_48] : memref<10240x128xf32, #tpu.memory_space<hbm>> -> memref<10240x128xf32, #tpu.memory_space<hbm>>
      tpu.enqueue_indirect_dma source(%dma_start3A_49 : memref<10240x128xf32, #tpu.memory_space<hbm>>) target(%arg7 : memref<128x128xf32, #tpu.memory_space<vmem>>) offsets(%dma_start3A_46 : memref<128xi32, #tpu.memory_space<vmem>>) semaphore(%arg11 : memref<!tpu.dma_semaphore, #tpu.memory_space<semaphore_mem>>)
      %scan3A_50 = arith.constant 0 : i32
      %scan3A_51 = arith.constant 0 : i32
      %scan3A_52 = arith.constant 20 : i32
      %scan3A_53 = arith.addi %scan3A_51, %scan3A_52 : i32
      %scan3A_54 = arith.constant 1 : i32
      scf.for %scan3A_71 = %scan3A_51 to %scan3A_53 step %scan3A_54  : i32 {
        %mul3A_72 = arith.constant 2 : i32
        %mul3A_73 = arith.muli %scan3A_71, %mul3A_72 : i32
        %add3A_74 = arith.constant 1 : i32
        %add3A_75 = arith.addi %mul3A_73, %add3A_74 : i32
        %dma_start3A_76 = arith.constant 0 : i32
        %dma_start3A_77 = tpu.memref_slice %arg9[%add3A_75, %dma_start3A_76] : memref<40x128xi32, #tpu.memory_space<vmem>> -> memref<1x128xi32, #tpu.memory_space<vmem>>
        %dma_start3A_78 = tpu.memref_squeeze %dma_start3A_77 : memref<1x128xi32, #tpu.memory_space<vmem>> -> memref<128xi32, #tpu.memory_space<vmem>>
        %dma_start3A_79 = arith.constant 0 : i32
        %dma_start3A_80 = arith.constant 0 : i32
        %dma_start3A_81 = tpu.memref_slice %arg4[%dma_start3A_79, %dma_start3A_80] : memref<10240x128xf32, #tpu.memory_space<hbm>> -> memref<10240x128xf32, #tpu.memory_space<hbm>>
        tpu.enqueue_indirect_dma source(%dma_start3A_81 : memref<10240x128xf32, #tpu.memory_space<hbm>>) target(%arg8 : memref<128x128xf32, #tpu.memory_space<vmem>>) offsets(%dma_start3A_78 : memref<128xi32, #tpu.memory_space<vmem>>) semaphore(%arg12 : memref<!tpu.dma_semaphore, #tpu.memory_space<semaphore_mem>>)
        %dma_wait3A = arith.constant 0 : i32
        %dma_wait3A_82 = tpu.memref_slice %arg9[%mul3A_73, %dma_wait3A] : memref<40x128xi32, #tpu.memory_space<vmem>> -> memref<1x128xi32, #tpu.memory_space<vmem>>
        %dma_wait3A_83 = tpu.memref_squeeze %dma_wait3A_82 : memref<1x128xi32, #tpu.memory_space<vmem>> -> memref<128xi32, #tpu.memory_space<vmem>>
        %dma_wait3A_84 = arith.constant 0 : i32
        %dma_wait3A_85 = arith.constant 0 : i32
        %dma_wait3A_86 = tpu.memref_slice %arg4[%dma_wait3A_84, %dma_wait3A_85] : memref<10240x128xf32, #tpu.memory_space<hbm>> -> memref<10240x128xf32, #tpu.memory_space<hbm>>
        tpu.wait_indirect_dma semaphore(%arg11 : memref<!tpu.dma_semaphore, #tpu.memory_space<semaphore_mem>>) src(%dma_wait3A_86 : memref<10240x128xf32, #tpu.memory_space<hbm>>) dst(%arg7 : memref<128x128xf32, #tpu.memory_space<vmem>>)
        %dma_start3A_87 = arith.constant 0 : i32
        %dma_start3A_88 = tpu.memref_slice %arg10[%mul3A_73, %dma_start3A_87] : memref<40x128xi32, #tpu.memory_space<vmem>> -> memref<1x128xi32, #tpu.memory_space<vmem>>
        %dma_start3A_89 = tpu.memref_squeeze %dma_start3A_88 : memref<1x128xi32, #tpu.memory_space<vmem>> -> memref<128xi32, #tpu.memory_space<vmem>>
        %dma_start3A_90 = arith.constant 0 : i32
        %dma_start3A_91 = arith.constant 0 : i32
        %dma_start3A_92 = tpu.memref_slice %arg6[%dma_start3A_90, %dma_start3A_91] : memref<10240x128xf32, #tpu.memory_space<vmem_shared>> -> memref<10240x128xf32, #tpu.memory_space<vmem_shared>>
        tpu.enqueue_indirect_dma source(%arg7 : memref<128x128xf32, #tpu.memory_space<vmem>>) target(%dma_start3A_92 : memref<10240x128xf32, #tpu.memory_space<vmem_shared>>) offsets(%dma_start3A_89 : memref<128xi32, #tpu.memory_space<vmem>>) semaphore(%arg13 : memref<!tpu.dma_semaphore, #tpu.memory_space<semaphore_mem>>) {add = true}
        %add3A_93 = arith.constant 1 : i32
        %add3A_94 = arith.addi %mul3A_73, %add3A_93 : i32
        %dma_wait3A_95 = arith.constant 0 : i32
        %dma_wait3A_96 = tpu.memref_slice %arg9[%add3A_94, %dma_wait3A_95] : memref<40x128xi32, #tpu.memory_space<vmem>> -> memref<1x128xi32, #tpu.memory_space<vmem>>
        %dma_wait3A_97 = tpu.memref_squeeze %dma_wait3A_96 : memref<1x128xi32, #tpu.memory_space<vmem>> -> memref<128xi32, #tpu.memory_space<vmem>>
        %dma_wait3A_98 = arith.constant 0 : i32
        %dma_wait3A_99 = arith.constant 0 : i32
        %dma_wait3A_100 = tpu.memref_slice %arg4[%dma_wait3A_98, %dma_wait3A_99] : memref<10240x128xf32, #tpu.memory_space<hbm>> -> memref<10240x128xf32, #tpu.memory_space<hbm>>
        tpu.wait_indirect_dma semaphore(%arg12 : memref<!tpu.dma_semaphore, #tpu.memory_space<semaphore_mem>>) src(%dma_wait3A_100 : memref<10240x128xf32, #tpu.memory_space<hbm>>) dst(%arg8 : memref<128x128xf32, #tpu.memory_space<vmem>>)
        %add3A_101 = arith.constant 1 : i32
        %add3A_102 = arith.addi %mul3A_73, %add3A_101 : i32
        %dma_start3A_103 = arith.constant 0 : i32
        %dma_start3A_104 = tpu.memref_slice %arg10[%add3A_102, %dma_start3A_103] : memref<40x128xi32, #tpu.memory_space<vmem>> -> memref<1x128xi32, #tpu.memory_space<vmem>>
        %dma_start3A_105 = tpu.memref_squeeze %dma_start3A_104 : memref<1x128xi32, #tpu.memory_space<vmem>> -> memref<128xi32, #tpu.memory_space<vmem>>
        %dma_start3A_106 = arith.constant 0 : i32
        %dma_start3A_107 = arith.constant 0 : i32
        %dma_start3A_108 = tpu.memref_slice %arg6[%dma_start3A_106, %dma_start3A_107] : memref<10240x128xf32, #tpu.memory_space<vmem_shared>> -> memref<10240x128xf32, #tpu.memory_space<vmem_shared>>
        tpu.enqueue_indirect_dma source(%arg8 : memref<128x128xf32, #tpu.memory_space<vmem>>) target(%dma_start3A_108 : memref<10240x128xf32, #tpu.memory_space<vmem_shared>>) offsets(%dma_start3A_105 : memref<128xi32, #tpu.memory_space<vmem>>) semaphore(%arg14 : memref<!tpu.dma_semaphore, #tpu.memory_space<semaphore_mem>>) {add = true}
        %dma_wait3A_109 = arith.constant 0 : i32
        %dma_wait3A_110 = tpu.memref_slice %arg10[%mul3A_73, %dma_wait3A_109] : memref<40x128xi32, #tpu.memory_space<vmem>> -> memref<1x128xi32, #tpu.memory_space<vmem>>
        %dma_wait3A_111 = tpu.memref_squeeze %dma_wait3A_110 : memref<1x128xi32, #tpu.memory_space<vmem>> -> memref<128xi32, #tpu.memory_space<vmem>>
        %dma_wait3A_112 = arith.constant 0 : i32
        %dma_wait3A_113 = arith.constant 0 : i32
        %dma_wait3A_114 = tpu.memref_slice %arg6[%dma_wait3A_112, %dma_wait3A_113] : memref<10240x128xf32, #tpu.memory_space<vmem_shared>> -> memref<10240x128xf32, #tpu.memory_space<vmem_shared>>
        tpu.wait_indirect_dma semaphore(%arg13 : memref<!tpu.dma_semaphore, #tpu.memory_space<semaphore_mem>>) src(%arg7 : memref<128x128xf32, #tpu.memory_space<vmem>>) dst(%dma_wait3A_114 : memref<10240x128xf32, #tpu.memory_space<vmem_shared>>)
        %add3A_115 = arith.constant 1 : i32
        %add3A_116 = arith.addi %scan3A_71, %add3A_115 : i32
        %lt3A = arith.constant 20 : i32
        %lt3A_117 = arith.cmpi slt, %add3A_116, %lt3A : i32
        %convert_element_type3A_118 = arith.extui %lt3A_117 : i1 to i32
        %cond3A_119 = arith.constant 0 : i32
        %cond3A_120 = arith.cmpi ne, %convert_element_type3A_118, %cond3A_119 : i32
        scf.if %cond3A_120 {
          %add3A_129 = arith.constant 2 : i32
          %add3A_130 = arith.addi %mul3A_73, %add3A_129 : i32
          %dma_start3A_131 = arith.constant 0 : i32
          %dma_start3A_132 = tpu.memref_slice %arg9[%add3A_130, %dma_start3A_131] : memref<40x128xi32, #tpu.memory_space<vmem>> -> memref<1x128xi32, #tpu.memory_space<vmem>>
          %dma_start3A_133 = tpu.memref_squeeze %dma_start3A_132 : memref<1x128xi32, #tpu.memory_space<vmem>> -> memref<128xi32, #tpu.memory_space<vmem>>
          %dma_start3A_134 = arith.constant 0 : i32
          %dma_start3A_135 = arith.constant 0 : i32
          %dma_start3A_136 = tpu.memref_slice %arg4[%dma_start3A_134, %dma_start3A_135] : memref<10240x128xf32, #tpu.memory_space<hbm>> -> memref<10240x128xf32, #tpu.memory_space<hbm>>
          tpu.enqueue_indirect_dma source(%dma_start3A_136 : memref<10240x128xf32, #tpu.memory_space<hbm>>) target(%arg7 : memref<128x128xf32, #tpu.memory_space<vmem>>) offsets(%dma_start3A_133 : memref<128xi32, #tpu.memory_space<vmem>>) semaphore(%arg11 : memref<!tpu.dma_semaphore, #tpu.memory_space<semaphore_mem>>)
        } else {
        }
        %add3A_121 = arith.constant 1 : i32
        %add3A_122 = arith.addi %mul3A_73, %add3A_121 : i32
        %dma_wait3A_123 = arith.constant 0 : i32
        %dma_wait3A_124 = tpu.memref_slice %arg10[%add3A_122, %dma_wait3A_123] : memref<40x128xi32, #tpu.memory_space<vmem>> -> memref<1x128xi32, #tpu.memory_space<vmem>>
        %dma_wait3A_125 = tpu.memref_squeeze %dma_wait3A_124 : memref<1x128xi32, #tpu.memory_space<vmem>> -> memref<128xi32, #tpu.memory_space<vmem>>
        %dma_wait3A_126 = arith.constant 0 : i32
        %dma_wait3A_127 = arith.constant 0 : i32
        %dma_wait3A_128 = tpu.memref_slice %arg6[%dma_wait3A_126, %dma_wait3A_127] : memref<10240x128xf32, #tpu.memory_space<vmem_shared>> -> memref<10240x128xf32, #tpu.memory_space<vmem_shared>>
        tpu.wait_indirect_dma semaphore(%arg14 : memref<!tpu.dma_semaphore, #tpu.memory_space<semaphore_mem>>) src(%arg8 : memref<128x128xf32, #tpu.memory_space<vmem>>) dst(%dma_wait3A_128 : memref<10240x128xf32, #tpu.memory_space<vmem_shared>>)
      }
      %scan3A_55 = arith.constant 20 : i32
      %add3A_56 = arith.constant 80 : i32
      %add3A_57 = arith.addi %mul3A_13, %add3A_56 : i32
      "tpu.region"() ({
        %run_scoped3A = tpu.sem_alloc : memref<!tpu.dma_semaphore, #tpu.memory_space<semaphore_mem>>
        %dma_start3A_71 = arith.constant 0 : i32
        %dma_start3A_72 = arith.constant 0 : i32
        %dma_start3A_73 = tpu.memref_slice %arg9[%dma_start3A_71, %dma_start3A_72] : memref<40x128xi32, #tpu.memory_space<vmem>> -> memref<40x128xi32, #tpu.memory_space<vmem>>
        %dma_start3A_74 = arith.constant 0 : i32
        %dma_start3A_75 = tpu.memref_slice %arg2[%add3A_57, %dma_start3A_74] : memref<2560x128xi32, #tpu.memory_space<hbm>> -> memref<40x128xi32, #tpu.memory_space<hbm>>
        %dma_start3A_76 = arith.constant 0 : i32
        %dma_start3A_77 = arith.constant 0 : i32
        %dma_start3A_78 = tpu.memref_slice %arg9[%dma_start3A_76, %dma_start3A_77] : memref<40x128xi32, #tpu.memory_space<vmem>> -> memref<40x128xi32, #tpu.memory_space<vmem>>
        %dma_start3A_79 = arith.constant 0 : i32
        %dma_start3A_80 = tpu.memref_slice %arg2[%add3A_57, %dma_start3A_79] : memref<2560x128xi32, #tpu.memory_space<hbm>> -> memref<40x128xi32, #tpu.memory_space<hbm>>
        tpu.enqueue_dma source(%dma_start3A_80 : memref<40x128xi32, #tpu.memory_space<hbm>>) target(%dma_start3A_78 : memref<40x128xi32, #tpu.memory_space<vmem>>) target_semaphore(%run_scoped3A : memref<!tpu.dma_semaphore, #tpu.memory_space<semaphore_mem>>)
        %dma_wait3A = arith.constant 0 : i32
        %dma_wait3A_81 = arith.constant 0 : i32
        %dma_wait3A_82 = tpu.memref_slice %arg9[%dma_wait3A, %dma_wait3A_81] : memref<40x128xi32, #tpu.memory_space<vmem>> -> memref<40x128xi32, #tpu.memory_space<vmem>>
        %dma_wait3A_83 = arith.constant 0 : i32
        %dma_wait3A_84 = tpu.memref_slice %arg2[%add3A_57, %dma_wait3A_83] : memref<2560x128xi32, #tpu.memory_space<hbm>> -> memref<40x128xi32, #tpu.memory_space<hbm>>
        %dma_wait3A_85 = arith.constant 0 : i32
        %dma_wait3A_86 = arith.constant 0 : i32
        %dma_wait3A_87 = tpu.memref_slice %arg9[%dma_wait3A_85, %dma_wait3A_86] : memref<40x128xi32, #tpu.memory_space<vmem>> -> memref<40x128xi32, #tpu.memory_space<vmem>>
        %dma_wait3A_88 = arith.constant 0 : i32
        %dma_wait3A_89 = tpu.memref_slice %arg2[%add3A_57, %dma_wait3A_88] : memref<2560x128xi32, #tpu.memory_space<hbm>> -> memref<40x128xi32, #tpu.memory_space<hbm>>
        tpu.wait_dma2 semaphore(%run_scoped3A : memref<!tpu.dma_semaphore, #tpu.memory_space<semaphore_mem>>) src(%dma_wait3A_89 : memref<40x128xi32, #tpu.memory_space<hbm>>) dst(%dma_wait3A_87 : memref<40x128xi32, #tpu.memory_space<vmem>>)
        tpu.yield
      }) : () -> ()
      "tpu.region"() ({
        %run_scoped3A = tpu.sem_alloc : memref<!tpu.dma_semaphore, #tpu.memory_space<semaphore_mem>>
        %dma_start3A_71 = arith.constant 0 : i32
        %dma_start3A_72 = arith.constant 0 : i32
        %dma_start3A_73 = tpu.memref_slice %arg10[%dma_start3A_71, %dma_start3A_72] : memref<40x128xi32, #tpu.memory_space<vmem>> -> memref<40x128xi32, #tpu.memory_space<vmem>>
        %dma_start3A_74 = arith.constant 0 : i32
        %dma_start3A_75 = tpu.memref_slice %arg3[%add3A_57, %dma_start3A_74] : memref<2560x128xi32, #tpu.memory_space<hbm>> -> memref<40x128xi32, #tpu.memory_space<hbm>>
        %dma_start3A_76 = arith.constant 0 : i32
        %dma_start3A_77 = arith.constant 0 : i32
        %dma_start3A_78 = tpu.memref_slice %arg10[%dma_start3A_76, %dma_start3A_77] : memref<40x128xi32, #tpu.memory_space<vmem>> -> memref<40x128xi32, #tpu.memory_space<vmem>>
        %dma_start3A_79 = arith.constant 0 : i32
        %dma_start3A_80 = tpu.memref_slice %arg3[%add3A_57, %dma_start3A_79] : memref<2560x128xi32, #tpu.memory_space<hbm>> -> memref<40x128xi32, #tpu.memory_space<hbm>>
        tpu.enqueue_dma source(%dma_start3A_80 : memref<40x128xi32, #tpu.memory_space<hbm>>) target(%dma_start3A_78 : memref<40x128xi32, #tpu.memory_space<vmem>>) target_semaphore(%run_scoped3A : memref<!tpu.dma_semaphore, #tpu.memory_space<semaphore_mem>>)
        %dma_wait3A = arith.constant 0 : i32
        %dma_wait3A_81 = arith.constant 0 : i32
        %dma_wait3A_82 = tpu.memref_slice %arg10[%dma_wait3A, %dma_wait3A_81] : memref<40x128xi32, #tpu.memory_space<vmem>> -> memref<40x128xi32, #tpu.memory_space<vmem>>
        %dma_wait3A_83 = arith.constant 0 : i32
        %dma_wait3A_84 = tpu.memref_slice %arg3[%add3A_57, %dma_wait3A_83] : memref<2560x128xi32, #tpu.memory_space<hbm>> -> memref<40x128xi32, #tpu.memory_space<hbm>>
        %dma_wait3A_85 = arith.constant 0 : i32
        %dma_wait3A_86 = arith.constant 0 : i32
        %dma_wait3A_87 = tpu.memref_slice %arg10[%dma_wait3A_85, %dma_wait3A_86] : memref<40x128xi32, #tpu.memory_space<vmem>> -> memref<40x128xi32, #tpu.memory_space<vmem>>
        %dma_wait3A_88 = arith.constant 0 : i32
        %dma_wait3A_89 = tpu.memref_slice %arg3[%add3A_57, %dma_wait3A_88] : memref<2560x128xi32, #tpu.memory_space<hbm>> -> memref<40x128xi32, #tpu.memory_space<hbm>>
        tpu.wait_dma2 semaphore(%run_scoped3A : memref<!tpu.dma_semaphore, #tpu.memory_space<semaphore_mem>>) src(%dma_wait3A_89 : memref<40x128xi32, #tpu.memory_space<hbm>>) dst(%dma_wait3A_87 : memref<40x128xi32, #tpu.memory_space<vmem>>)
        tpu.yield
      }) : () -> ()
      %dma_start3A_58 = arith.constant 0 : i32
      %dma_start3A_59 = arith.constant 0 : i32
      %dma_start3A_60 = tpu.memref_slice %arg9[%dma_start3A_58, %dma_start3A_59] : memref<40x128xi32, #tpu.memory_space<vmem>> -> memref<1x128xi32, #tpu.memory_space<vmem>>
      %dma_start3A_61 = tpu.memref_squeeze %dma_start3A_60 : memref<1x128xi32, #tpu.memory_space<vmem>> -> memref<128xi32, #tpu.memory_space<vmem>>
      %dma_start3A_62 = arith.constant 0 : i32
      %dma_start3A_63 = arith.constant 0 : i32
      %dma_start3A_64 = tpu.memref_slice %arg4[%dma_start3A_62, %dma_start3A_63] : memref<10240x128xf32, #tpu.memory_space<hbm>> -> memref<10240x128xf32, #tpu.memory_space<hbm>>
      tpu.enqueue_indirect_dma source(%dma_start3A_64 : memref<10240x128xf32, #tpu.memory_space<hbm>>) target(%arg7 : memref<128x128xf32, #tpu.memory_space<vmem>>) offsets(%dma_start3A_61 : memref<128xi32, #tpu.memory_space<vmem>>) semaphore(%arg11 : memref<!tpu.dma_semaphore, #tpu.memory_space<semaphore_mem>>)
      %scan3A_65 = arith.constant 0 : i32
      %scan3A_66 = arith.constant 0 : i32
      %scan3A_67 = arith.constant 20 : i32
      %scan3A_68 = arith.addi %scan3A_66, %scan3A_67 : i32
      %scan3A_69 = arith.constant 1 : i32
      scf.for %scan3A_71 = %scan3A_66 to %scan3A_68 step %scan3A_69  : i32 {
        %mul3A_72 = arith.constant 2 : i32
        %mul3A_73 = arith.muli %scan3A_71, %mul3A_72 : i32
        %add3A_74 = arith.constant 1 : i32
        %add3A_75 = arith.addi %mul3A_73, %add3A_74 : i32
        %dma_start3A_76 = arith.constant 0 : i32
        %dma_start3A_77 = tpu.memref_slice %arg9[%add3A_75, %dma_start3A_76] : memref<40x128xi32, #tpu.memory_space<vmem>> -> memref<1x128xi32, #tpu.memory_space<vmem>>
        %dma_start3A_78 = tpu.memref_squeeze %dma_start3A_77 : memref<1x128xi32, #tpu.memory_space<vmem>> -> memref<128xi32, #tpu.memory_space<vmem>>
        %dma_start3A_79 = arith.constant 0 : i32
        %dma_start3A_80 = arith.constant 0 : i32
        %dma_start3A_81 = tpu.memref_slice %arg4[%dma_start3A_79, %dma_start3A_80] : memref<10240x128xf32, #tpu.memory_space<hbm>> -> memref<10240x128xf32, #tpu.memory_space<hbm>>
        tpu.enqueue_indirect_dma source(%dma_start3A_81 : memref<10240x128xf32, #tpu.memory_space<hbm>>) target(%arg8 : memref<128x128xf32, #tpu.memory_space<vmem>>) offsets(%dma_start3A_78 : memref<128xi32, #tpu.memory_space<vmem>>) semaphore(%arg12 : memref<!tpu.dma_semaphore, #tpu.memory_space<semaphore_mem>>)
        %dma_wait3A = arith.constant 0 : i32
        %dma_wait3A_82 = tpu.memref_slice %arg9[%mul3A_73, %dma_wait3A] : memref<40x128xi32, #tpu.memory_space<vmem>> -> memref<1x128xi32, #tpu.memory_space<vmem>>
        %dma_wait3A_83 = tpu.memref_squeeze %dma_wait3A_82 : memref<1x128xi32, #tpu.memory_space<vmem>> -> memref<128xi32, #tpu.memory_space<vmem>>
        %dma_wait3A_84 = arith.constant 0 : i32
        %dma_wait3A_85 = arith.constant 0 : i32
        %dma_wait3A_86 = tpu.memref_slice %arg4[%dma_wait3A_84, %dma_wait3A_85] : memref<10240x128xf32, #tpu.memory_space<hbm>> -> memref<10240x128xf32, #tpu.memory_space<hbm>>
        tpu.wait_indirect_dma semaphore(%arg11 : memref<!tpu.dma_semaphore, #tpu.memory_space<semaphore_mem>>) src(%dma_wait3A_86 : memref<10240x128xf32, #tpu.memory_space<hbm>>) dst(%arg7 : memref<128x128xf32, #tpu.memory_space<vmem>>)
        %dma_start3A_87 = arith.constant 0 : i32
        %dma_start3A_88 = tpu.memref_slice %arg10[%mul3A_73, %dma_start3A_87] : memref<40x128xi32, #tpu.memory_space<vmem>> -> memref<1x128xi32, #tpu.memory_space<vmem>>
        %dma_start3A_89 = tpu.memref_squeeze %dma_start3A_88 : memref<1x128xi32, #tpu.memory_space<vmem>> -> memref<128xi32, #tpu.memory_space<vmem>>
        %dma_start3A_90 = arith.constant 0 : i32
        %dma_start3A_91 = arith.constant 0 : i32
        %dma_start3A_92 = tpu.memref_slice %arg6[%dma_start3A_90, %dma_start3A_91] : memref<10240x128xf32, #tpu.memory_space<vmem_shared>> -> memref<10240x128xf32, #tpu.memory_space<vmem_shared>>
        tpu.enqueue_indirect_dma source(%arg7 : memref<128x128xf32, #tpu.memory_space<vmem>>) target(%dma_start3A_92 : memref<10240x128xf32, #tpu.memory_space<vmem_shared>>) offsets(%dma_start3A_89 : memref<128xi32, #tpu.memory_space<vmem>>) semaphore(%arg13 : memref<!tpu.dma_semaphore, #tpu.memory_space<semaphore_mem>>) {add = true}
        %add3A_93 = arith.constant 1 : i32
        %add3A_94 = arith.addi %mul3A_73, %add3A_93 : i32
        %dma_wait3A_95 = arith.constant 0 : i32
        %dma_wait3A_96 = tpu.memref_slice %arg9[%add3A_94, %dma_wait3A_95] : memref<40x128xi32, #tpu.memory_space<vmem>> -> memref<1x128xi32, #tpu.memory_space<vmem>>
        %dma_wait3A_97 = tpu.memref_squeeze %dma_wait3A_96 : memref<1x128xi32, #tpu.memory_space<vmem>> -> memref<128xi32, #tpu.memory_space<vmem>>
        %dma_wait3A_98 = arith.constant 0 : i32
        %dma_wait3A_99 = arith.constant 0 : i32
        %dma_wait3A_100 = tpu.memref_slice %arg4[%dma_wait3A_98, %dma_wait3A_99] : memref<10240x128xf32, #tpu.memory_space<hbm>> -> memref<10240x128xf32, #tpu.memory_space<hbm>>
        tpu.wait_indirect_dma semaphore(%arg12 : memref<!tpu.dma_semaphore, #tpu.memory_space<semaphore_mem>>) src(%dma_wait3A_100 : memref<10240x128xf32, #tpu.memory_space<hbm>>) dst(%arg8 : memref<128x128xf32, #tpu.memory_space<vmem>>)
        %add3A_101 = arith.constant 1 : i32
        %add3A_102 = arith.addi %mul3A_73, %add3A_101 : i32
        %dma_start3A_103 = arith.constant 0 : i32
        %dma_start3A_104 = tpu.memref_slice %arg10[%add3A_102, %dma_start3A_103] : memref<40x128xi32, #tpu.memory_space<vmem>> -> memref<1x128xi32, #tpu.memory_space<vmem>>
        %dma_start3A_105 = tpu.memref_squeeze %dma_start3A_104 : memref<1x128xi32, #tpu.memory_space<vmem>> -> memref<128xi32, #tpu.memory_space<vmem>>
        %dma_start3A_106 = arith.constant 0 : i32
        %dma_start3A_107 = arith.constant 0 : i32
        %dma_start3A_108 = tpu.memref_slice %arg6[%dma_start3A_106, %dma_start3A_107] : memref<10240x128xf32, #tpu.memory_space<vmem_shared>> -> memref<10240x128xf32, #tpu.memory_space<vmem_shared>>
        tpu.enqueue_indirect_dma source(%arg8 : memref<128x128xf32, #tpu.memory_space<vmem>>) target(%dma_start3A_108 : memref<10240x128xf32, #tpu.memory_space<vmem_shared>>) offsets(%dma_start3A_105 : memref<128xi32, #tpu.memory_space<vmem>>) semaphore(%arg14 : memref<!tpu.dma_semaphore, #tpu.memory_space<semaphore_mem>>) {add = true}
        %dma_wait3A_109 = arith.constant 0 : i32
        %dma_wait3A_110 = tpu.memref_slice %arg10[%mul3A_73, %dma_wait3A_109] : memref<40x128xi32, #tpu.memory_space<vmem>> -> memref<1x128xi32, #tpu.memory_space<vmem>>
        %dma_wait3A_111 = tpu.memref_squeeze %dma_wait3A_110 : memref<1x128xi32, #tpu.memory_space<vmem>> -> memref<128xi32, #tpu.memory_space<vmem>>
        %dma_wait3A_112 = arith.constant 0 : i32
        %dma_wait3A_113 = arith.constant 0 : i32
        %dma_wait3A_114 = tpu.memref_slice %arg6[%dma_wait3A_112, %dma_wait3A_113] : memref<10240x128xf32, #tpu.memory_space<vmem_shared>> -> memref<10240x128xf32, #tpu.memory_space<vmem_shared>>
        tpu.wait_indirect_dma semaphore(%arg13 : memref<!tpu.dma_semaphore, #tpu.memory_space<semaphore_mem>>) src(%arg7 : memref<128x128xf32, #tpu.memory_space<vmem>>) dst(%dma_wait3A_114 : memref<10240x128xf32, #tpu.memory_space<vmem_shared>>)
        %add3A_115 = arith.constant 1 : i32
        %add3A_116 = arith.addi %scan3A_71, %add3A_115 : i32
        %lt3A = arith.constant 20 : i32
        %lt3A_117 = arith.cmpi slt, %add3A_116, %lt3A : i32
        %convert_element_type3A_118 = arith.extui %lt3A_117 : i1 to i32
        %cond3A_119 = arith.constant 0 : i32
        %cond3A_120 = arith.cmpi ne, %convert_element_type3A_118, %cond3A_119 : i32
        scf.if %cond3A_120 {
          %add3A_129 = arith.constant 2 : i32
          %add3A_130 = arith.addi %mul3A_73, %add3A_129 : i32
          %dma_start3A_131 = arith.constant 0 : i32
          %dma_start3A_132 = tpu.memref_slice %arg9[%add3A_130, %dma_start3A_131] : memref<40x128xi32, #tpu.memory_space<vmem>> -> memref<1x128xi32, #tpu.memory_space<vmem>>
          %dma_start3A_133 = tpu.memref_squeeze %dma_start3A_132 : memref<1x128xi32, #tpu.memory_space<vmem>> -> memref<128xi32, #tpu.memory_space<vmem>>
          %dma_start3A_134 = arith.constant 0 : i32
          %dma_start3A_135 = arith.constant 0 : i32
          %dma_start3A_136 = tpu.memref_slice %arg4[%dma_start3A_134, %dma_start3A_135] : memref<10240x128xf32, #tpu.memory_space<hbm>> -> memref<10240x128xf32, #tpu.memory_space<hbm>>
          tpu.enqueue_indirect_dma source(%dma_start3A_136 : memref<10240x128xf32, #tpu.memory_space<hbm>>) target(%arg7 : memref<128x128xf32, #tpu.memory_space<vmem>>) offsets(%dma_start3A_133 : memref<128xi32, #tpu.memory_space<vmem>>) semaphore(%arg11 : memref<!tpu.dma_semaphore, #tpu.memory_space<semaphore_mem>>)
        } else {
        }
        %add3A_121 = arith.constant 1 : i32
        %add3A_122 = arith.addi %mul3A_73, %add3A_121 : i32
        %dma_wait3A_123 = arith.constant 0 : i32
        %dma_wait3A_124 = tpu.memref_slice %arg10[%add3A_122, %dma_wait3A_123] : memref<40x128xi32, #tpu.memory_space<vmem>> -> memref<1x128xi32, #tpu.memory_space<vmem>>
        %dma_wait3A_125 = tpu.memref_squeeze %dma_wait3A_124 : memref<1x128xi32, #tpu.memory_space<vmem>> -> memref<128xi32, #tpu.memory_space<vmem>>
        %dma_wait3A_126 = arith.constant 0 : i32
        %dma_wait3A_127 = arith.constant 0 : i32
        %dma_wait3A_128 = tpu.memref_slice %arg6[%dma_wait3A_126, %dma_wait3A_127] : memref<10240x128xf32, #tpu.memory_space<vmem_shared>> -> memref<10240x128xf32, #tpu.memory_space<vmem_shared>>
        tpu.wait_indirect_dma semaphore(%arg14 : memref<!tpu.dma_semaphore, #tpu.memory_space<semaphore_mem>>) src(%arg8 : memref<128x128xf32, #tpu.memory_space<vmem>>) dst(%dma_wait3A_128 : memref<10240x128xf32, #tpu.memory_space<vmem_shared>>)
      }
      %scan3A_70 = arith.constant 20 : i32
    } else {
    }
    %eq3A_16 = arith.constant 1 : i32
    %eq3A_17 = arith.cmpi eq, %arg0, %eq3A_16 : i32
    %convert_element_type3A_18 = arith.extui %eq3A_17 : i1 to i32
    %cond3A_19 = arith.constant 0 : i32
    %cond3A_20 = arith.cmpi ne, %convert_element_type3A_18, %cond3A_19 : i32
    scf.if %cond3A_20 {
      %add3A = arith.constant 120 : i32
      %add3A_28 = arith.addi %mul3A_13, %add3A : i32
      %add3A_29 = arith.constant 0 : i32
      %add3A_30 = arith.addi %add3A_28, %add3A_29 : i32
      "tpu.region"() ({
        %run_scoped3A = tpu.sem_alloc : memref<!tpu.dma_semaphore, #tpu.memory_space<semaphore_mem>>
        %dma_start3A_43 = arith.constant 0 : i32
        %dma_start3A_44 = arith.constant 0 : i32
        %dma_start3A_45 = tpu.memref_slice %arg9[%dma_start3A_43, %dma_start3A_44] : memref<40x128xi32, #tpu.memory_space<vmem>> -> memref<40x128xi32, #tpu.memory_space<vmem>>
        %dma_start3A_46 = arith.constant 0 : i32
        %dma_start3A_47 = tpu.memref_slice %arg2[%add3A_30, %dma_start3A_46] : memref<2560x128xi32, #tpu.memory_space<hbm>> -> memref<40x128xi32, #tpu.memory_space<hbm>>
        %dma_start3A_48 = arith.constant 0 : i32
        %dma_start3A_49 = arith.constant 0 : i32
        %dma_start3A_50 = tpu.memref_slice %arg9[%dma_start3A_48, %dma_start3A_49] : memref<40x128xi32, #tpu.memory_space<vmem>> -> memref<40x128xi32, #tpu.memory_space<vmem>>
        %dma_start3A_51 = arith.constant 0 : i32
        %dma_start3A_52 = tpu.memref_slice %arg2[%add3A_30, %dma_start3A_51] : memref<2560x128xi32, #tpu.memory_space<hbm>> -> memref<40x128xi32, #tpu.memory_space<hbm>>
        tpu.enqueue_dma source(%dma_start3A_52 : memref<40x128xi32, #tpu.memory_space<hbm>>) target(%dma_start3A_50 : memref<40x128xi32, #tpu.memory_space<vmem>>) target_semaphore(%run_scoped3A : memref<!tpu.dma_semaphore, #tpu.memory_space<semaphore_mem>>)
        %dma_wait3A = arith.constant 0 : i32
        %dma_wait3A_53 = arith.constant 0 : i32
        %dma_wait3A_54 = tpu.memref_slice %arg9[%dma_wait3A, %dma_wait3A_53] : memref<40x128xi32, #tpu.memory_space<vmem>> -> memref<40x128xi32, #tpu.memory_space<vmem>>
        %dma_wait3A_55 = arith.constant 0 : i32
        %dma_wait3A_56 = tpu.memref_slice %arg2[%add3A_30, %dma_wait3A_55] : memref<2560x128xi32, #tpu.memory_space<hbm>> -> memref<40x128xi32, #tpu.memory_space<hbm>>
        %dma_wait3A_57 = arith.constant 0 : i32
        %dma_wait3A_58 = arith.constant 0 : i32
        %dma_wait3A_59 = tpu.memref_slice %arg9[%dma_wait3A_57, %dma_wait3A_58] : memref<40x128xi32, #tpu.memory_space<vmem>> -> memref<40x128xi32, #tpu.memory_space<vmem>>
        %dma_wait3A_60 = arith.constant 0 : i32
        %dma_wait3A_61 = tpu.memref_slice %arg2[%add3A_30, %dma_wait3A_60] : memref<2560x128xi32, #tpu.memory_space<hbm>> -> memref<40x128xi32, #tpu.memory_space<hbm>>
        tpu.wait_dma2 semaphore(%run_scoped3A : memref<!tpu.dma_semaphore, #tpu.memory_space<semaphore_mem>>) src(%dma_wait3A_61 : memref<40x128xi32, #tpu.memory_space<hbm>>) dst(%dma_wait3A_59 : memref<40x128xi32, #tpu.memory_space<vmem>>)
        tpu.yield
      }) : () -> ()
      "tpu.region"() ({
        %run_scoped3A = tpu.sem_alloc : memref<!tpu.dma_semaphore, #tpu.memory_space<semaphore_mem>>
        %dma_start3A_43 = arith.constant 0 : i32
        %dma_start3A_44 = arith.constant 0 : i32
        %dma_start3A_45 = tpu.memref_slice %arg10[%dma_start3A_43, %dma_start3A_44] : memref<40x128xi32, #tpu.memory_space<vmem>> -> memref<40x128xi32, #tpu.memory_space<vmem>>
        %dma_start3A_46 = arith.constant 0 : i32
        %dma_start3A_47 = tpu.memref_slice %arg3[%add3A_30, %dma_start3A_46] : memref<2560x128xi32, #tpu.memory_space<hbm>> -> memref<40x128xi32, #tpu.memory_space<hbm>>
        %dma_start3A_48 = arith.constant 0 : i32
        %dma_start3A_49 = arith.constant 0 : i32
        %dma_start3A_50 = tpu.memref_slice %arg10[%dma_start3A_48, %dma_start3A_49] : memref<40x128xi32, #tpu.memory_space<vmem>> -> memref<40x128xi32, #tpu.memory_space<vmem>>
        %dma_start3A_51 = arith.constant 0 : i32
        %dma_start3A_52 = tpu.memref_slice %arg3[%add3A_30, %dma_start3A_51] : memref<2560x128xi32, #tpu.memory_space<hbm>> -> memref<40x128xi32, #tpu.memory_space<hbm>>
        tpu.enqueue_dma source(%dma_start3A_52 : memref<40x128xi32, #tpu.memory_space<hbm>>) target(%dma_start3A_50 : memref<40x128xi32, #tpu.memory_space<vmem>>) target_semaphore(%run_scoped3A : memref<!tpu.dma_semaphore, #tpu.memory_space<semaphore_mem>>)
        %dma_wait3A = arith.constant 0 : i32
        %dma_wait3A_53 = arith.constant 0 : i32
        %dma_wait3A_54 = tpu.memref_slice %arg10[%dma_wait3A, %dma_wait3A_53] : memref<40x128xi32, #tpu.memory_space<vmem>> -> memref<40x128xi32, #tpu.memory_space<vmem>>
        %dma_wait3A_55 = arith.constant 0 : i32
        %dma_wait3A_56 = tpu.memref_slice %arg3[%add3A_30, %dma_wait3A_55] : memref<2560x128xi32, #tpu.memory_space<hbm>> -> memref<40x128xi32, #tpu.memory_space<hbm>>
        %dma_wait3A_57 = arith.constant 0 : i32
        %dma_wait3A_58 = arith.constant 0 : i32
        %dma_wait3A_59 = tpu.memref_slice %arg10[%dma_wait3A_57, %dma_wait3A_58] : memref<40x128xi32, #tpu.memory_space<vmem>> -> memref<40x128xi32, #tpu.memory_space<vmem>>
        %dma_wait3A_60 = arith.constant 0 : i32
        %dma_wait3A_61 = tpu.memref_slice %arg3[%add3A_30, %dma_wait3A_60] : memref<2560x128xi32, #tpu.memory_space<hbm>> -> memref<40x128xi32, #tpu.memory_space<hbm>>
        tpu.wait_dma2 semaphore(%run_scoped3A : memref<!tpu.dma_semaphore, #tpu.memory_space<semaphore_mem>>) src(%dma_wait3A_61 : memref<40x128xi32, #tpu.memory_space<hbm>>) dst(%dma_wait3A_59 : memref<40x128xi32, #tpu.memory_space<vmem>>)
        tpu.yield
      }) : () -> ()
      %dma_start3A = arith.constant 0 : i32
      %dma_start3A_31 = arith.constant 0 : i32
      %dma_start3A_32 = tpu.memref_slice %arg9[%dma_start3A, %dma_start3A_31] : memref<40x128xi32, #tpu.memory_space<vmem>> -> memref<1x128xi32, #tpu.memory_space<vmem>>
      %dma_start3A_33 = tpu.memref_squeeze %dma_start3A_32 : memref<1x128xi32, #tpu.memory_space<vmem>> -> memref<128xi32, #tpu.memory_space<vmem>>
      %dma_start3A_34 = arith.constant 0 : i32
      %dma_start3A_35 = arith.constant 0 : i32
      %dma_start3A_36 = tpu.memref_slice %arg4[%dma_start3A_34, %dma_start3A_35] : memref<10240x128xf32, #tpu.memory_space<hbm>> -> memref<10240x128xf32, #tpu.memory_space<hbm>>
      tpu.enqueue_indirect_dma source(%dma_start3A_36 : memref<10240x128xf32, #tpu.memory_space<hbm>>) target(%arg7 : memref<128x128xf32, #tpu.memory_space<vmem>>) offsets(%dma_start3A_33 : memref<128xi32, #tpu.memory_space<vmem>>) semaphore(%arg11 : memref<!tpu.dma_semaphore, #tpu.memory_space<semaphore_mem>>)
      %scan3A_37 = arith.constant 0 : i32
      %scan3A_38 = arith.constant 0 : i32
      %scan3A_39 = arith.constant 20 : i32
      %scan3A_40 = arith.addi %scan3A_38, %scan3A_39 : i32
      %scan3A_41 = arith.constant 1 : i32
      scf.for %scan3A_43 = %scan3A_38 to %scan3A_40 step %scan3A_41  : i32 {
        %mul3A_44 = arith.constant 2 : i32
        %mul3A_45 = arith.muli %scan3A_43, %mul3A_44 : i32
        %add3A_46 = arith.constant 1 : i32
        %add3A_47 = arith.addi %mul3A_45, %add3A_46 : i32
        %dma_start3A_48 = arith.constant 0 : i32
        %dma_start3A_49 = tpu.memref_slice %arg9[%add3A_47, %dma_start3A_48] : memref<40x128xi32, #tpu.memory_space<vmem>> -> memref<1x128xi32, #tpu.memory_space<vmem>>
        %dma_start3A_50 = tpu.memref_squeeze %dma_start3A_49 : memref<1x128xi32, #tpu.memory_space<vmem>> -> memref<128xi32, #tpu.memory_space<vmem>>
        %dma_start3A_51 = arith.constant 0 : i32
        %dma_start3A_52 = arith.constant 0 : i32
        %dma_start3A_53 = tpu.memref_slice %arg4[%dma_start3A_51, %dma_start3A_52] : memref<10240x128xf32, #tpu.memory_space<hbm>> -> memref<10240x128xf32, #tpu.memory_space<hbm>>
        tpu.enqueue_indirect_dma source(%dma_start3A_53 : memref<10240x128xf32, #tpu.memory_space<hbm>>) target(%arg8 : memref<128x128xf32, #tpu.memory_space<vmem>>) offsets(%dma_start3A_50 : memref<128xi32, #tpu.memory_space<vmem>>) semaphore(%arg12 : memref<!tpu.dma_semaphore, #tpu.memory_space<semaphore_mem>>)
        %dma_wait3A = arith.constant 0 : i32
        %dma_wait3A_54 = tpu.memref_slice %arg9[%mul3A_45, %dma_wait3A] : memref<40x128xi32, #tpu.memory_space<vmem>> -> memref<1x128xi32, #tpu.memory_space<vmem>>
        %dma_wait3A_55 = tpu.memref_squeeze %dma_wait3A_54 : memref<1x128xi32, #tpu.memory_space<vmem>> -> memref<128xi32, #tpu.memory_space<vmem>>
        %dma_wait3A_56 = arith.constant 0 : i32
        %dma_wait3A_57 = arith.constant 0 : i32
        %dma_wait3A_58 = tpu.memref_slice %arg4[%dma_wait3A_56, %dma_wait3A_57] : memref<10240x128xf32, #tpu.memory_space<hbm>> -> memref<10240x128xf32, #tpu.memory_space<hbm>>
        tpu.wait_indirect_dma semaphore(%arg11 : memref<!tpu.dma_semaphore, #tpu.memory_space<semaphore_mem>>) src(%dma_wait3A_58 : memref<10240x128xf32, #tpu.memory_space<hbm>>) dst(%arg7 : memref<128x128xf32, #tpu.memory_space<vmem>>)
        %dma_start3A_59 = arith.constant 0 : i32
        %dma_start3A_60 = tpu.memref_slice %arg10[%mul3A_45, %dma_start3A_59] : memref<40x128xi32, #tpu.memory_space<vmem>> -> memref<1x128xi32, #tpu.memory_space<vmem>>
        %dma_start3A_61 = tpu.memref_squeeze %dma_start3A_60 : memref<1x128xi32, #tpu.memory_space<vmem>> -> memref<128xi32, #tpu.memory_space<vmem>>
        %dma_start3A_62 = arith.constant 0 : i32
        %dma_start3A_63 = arith.constant 0 : i32
        %dma_start3A_64 = tpu.memref_slice %arg6[%dma_start3A_62, %dma_start3A_63] : memref<10240x128xf32, #tpu.memory_space<vmem_shared>> -> memref<10240x128xf32, #tpu.memory_space<vmem_shared>>
        tpu.enqueue_indirect_dma source(%arg7 : memref<128x128xf32, #tpu.memory_space<vmem>>) target(%dma_start3A_64 : memref<10240x128xf32, #tpu.memory_space<vmem_shared>>) offsets(%dma_start3A_61 : memref<128xi32, #tpu.memory_space<vmem>>) semaphore(%arg13 : memref<!tpu.dma_semaphore, #tpu.memory_space<semaphore_mem>>) {add = true}
        %add3A_65 = arith.constant 1 : i32
        %add3A_66 = arith.addi %mul3A_45, %add3A_65 : i32
        %dma_wait3A_67 = arith.constant 0 : i32
        %dma_wait3A_68 = tpu.memref_slice %arg9[%add3A_66, %dma_wait3A_67] : memref<40x128xi32, #tpu.memory_space<vmem>> -> memref<1x128xi32, #tpu.memory_space<vmem>>
        %dma_wait3A_69 = tpu.memref_squeeze %dma_wait3A_68 : memref<1x128xi32, #tpu.memory_space<vmem>> -> memref<128xi32, #tpu.memory_space<vmem>>
        %dma_wait3A_70 = arith.constant 0 : i32
        %dma_wait3A_71 = arith.constant 0 : i32
        %dma_wait3A_72 = tpu.memref_slice %arg4[%dma_wait3A_70, %dma_wait3A_71] : memref<10240x128xf32, #tpu.memory_space<hbm>> -> memref<10240x128xf32, #tpu.memory_space<hbm>>
        tpu.wait_indirect_dma semaphore(%arg12 : memref<!tpu.dma_semaphore, #tpu.memory_space<semaphore_mem>>) src(%dma_wait3A_72 : memref<10240x128xf32, #tpu.memory_space<hbm>>) dst(%arg8 : memref<128x128xf32, #tpu.memory_space<vmem>>)
        %add3A_73 = arith.constant 1 : i32
        %add3A_74 = arith.addi %mul3A_45, %add3A_73 : i32
        %dma_start3A_75 = arith.constant 0 : i32
        %dma_start3A_76 = tpu.memref_slice %arg10[%add3A_74, %dma_start3A_75] : memref<40x128xi32, #tpu.memory_space<vmem>> -> memref<1x128xi32, #tpu.memory_space<vmem>>
        %dma_start3A_77 = tpu.memref_squeeze %dma_start3A_76 : memref<1x128xi32, #tpu.memory_space<vmem>> -> memref<128xi32, #tpu.memory_space<vmem>>
        %dma_start3A_78 = arith.constant 0 : i32
        %dma_start3A_79 = arith.constant 0 : i32
        %dma_start3A_80 = tpu.memref_slice %arg6[%dma_start3A_78, %dma_start3A_79] : memref<10240x128xf32, #tpu.memory_space<vmem_shared>> -> memref<10240x128xf32, #tpu.memory_space<vmem_shared>>
        tpu.enqueue_indirect_dma source(%arg8 : memref<128x128xf32, #tpu.memory_space<vmem>>) target(%dma_start3A_80 : memref<10240x128xf32, #tpu.memory_space<vmem_shared>>) offsets(%dma_start3A_77 : memref<128xi32, #tpu.memory_space<vmem>>) semaphore(%arg14 : memref<!tpu.dma_semaphore, #tpu.memory_space<semaphore_mem>>) {add = true}
        %dma_wait3A_81 = arith.constant 0 : i32
        %dma_wait3A_82 = tpu.memref_slice %arg10[%mul3A_45, %dma_wait3A_81] : memref<40x128xi32, #tpu.memory_space<vmem>> -> memref<1x128xi32, #tpu.memory_space<vmem>>
        %dma_wait3A_83 = tpu.memref_squeeze %dma_wait3A_82 : memref<1x128xi32, #tpu.memory_space<vmem>> -> memref<128xi32, #tpu.memory_space<vmem>>
        %dma_wait3A_84 = arith.constant 0 : i32
        %dma_wait3A_85 = arith.constant 0 : i32
        %dma_wait3A_86 = tpu.memref_slice %arg6[%dma_wait3A_84, %dma_wait3A_85] : memref<10240x128xf32, #tpu.memory_space<vmem_shared>> -> memref<10240x128xf32, #tpu.memory_space<vmem_shared>>
        tpu.wait_indirect_dma semaphore(%arg13 : memref<!tpu.dma_semaphore, #tpu.memory_space<semaphore_mem>>) src(%arg7 : memref<128x128xf32, #tpu.memory_space<vmem>>) dst(%dma_wait3A_86 : memref<10240x128xf32, #tpu.memory_space<vmem_shared>>)
        %add3A_87 = arith.constant 1 : i32
        %add3A_88 = arith.addi %scan3A_43, %add3A_87 : i32
        %lt3A = arith.constant 20 : i32
        %lt3A_89 = arith.cmpi slt, %add3A_88, %lt3A : i32
        %convert_element_type3A_90 = arith.extui %lt3A_89 : i1 to i32
        %cond3A_91 = arith.constant 0 : i32
        %cond3A_92 = arith.cmpi ne, %convert_element_type3A_90, %cond3A_91 : i32
        scf.if %cond3A_92 {
          %add3A_101 = arith.constant 2 : i32
          %add3A_102 = arith.addi %mul3A_45, %add3A_101 : i32
          %dma_start3A_103 = arith.constant 0 : i32
          %dma_start3A_104 = tpu.memref_slice %arg9[%add3A_102, %dma_start3A_103] : memref<40x128xi32, #tpu.memory_space<vmem>> -> memref<1x128xi32, #tpu.memory_space<vmem>>
          %dma_start3A_105 = tpu.memref_squeeze %dma_start3A_104 : memref<1x128xi32, #tpu.memory_space<vmem>> -> memref<128xi32, #tpu.memory_space<vmem>>
          %dma_start3A_106 = arith.constant 0 : i32
          %dma_start3A_107 = arith.constant 0 : i32
          %dma_start3A_108 = tpu.memref_slice %arg4[%dma_start3A_106, %dma_start3A_107] : memref<10240x128xf32, #tpu.memory_space<hbm>> -> memref<10240x128xf32, #tpu.memory_space<hbm>>
          tpu.enqueue_indirect_dma source(%dma_start3A_108 : memref<10240x128xf32, #tpu.memory_space<hbm>>) target(%arg7 : memref<128x128xf32, #tpu.memory_space<vmem>>) offsets(%dma_start3A_105 : memref<128xi32, #tpu.memory_space<vmem>>) semaphore(%arg11 : memref<!tpu.dma_semaphore, #tpu.memory_space<semaphore_mem>>)
        } else {
        }
        %add3A_93 = arith.constant 1 : i32
        %add3A_94 = arith.addi %mul3A_45, %add3A_93 : i32
        %dma_wait3A_95 = arith.constant 0 : i32
        %dma_wait3A_96 = tpu.memref_slice %arg10[%add3A_94, %dma_wait3A_95] : memref<40x128xi32, #tpu.memory_space<vmem>> -> memref<1x128xi32, #tpu.memory_space<vmem>>
        %dma_wait3A_97 = tpu.memref_squeeze %dma_wait3A_96 : memref<1x128xi32, #tpu.memory_space<vmem>> -> memref<128xi32, #tpu.memory_space<vmem>>
        %dma_wait3A_98 = arith.constant 0 : i32
        %dma_wait3A_99 = arith.constant 0 : i32
        %dma_wait3A_100 = tpu.memref_slice %arg6[%dma_wait3A_98, %dma_wait3A_99] : memref<10240x128xf32, #tpu.memory_space<vmem_shared>> -> memref<10240x128xf32, #tpu.memory_space<vmem_shared>>
        tpu.wait_indirect_dma semaphore(%arg14 : memref<!tpu.dma_semaphore, #tpu.memory_space<semaphore_mem>>) src(%arg8 : memref<128x128xf32, #tpu.memory_space<vmem>>) dst(%dma_wait3A_100 : memref<10240x128xf32, #tpu.memory_space<vmem_shared>>)
      }
      %scan3A_42 = arith.constant 20 : i32
    } else {
    }
    %barrier3A_21 = arith.constant 0 : index
    tpu.barrier barrier_id(%barrier3A_21)
    %scan3A_22 = arith.constant 0 : i32
    %scan3A_23 = arith.constant 0 : i32
    %scan3A_24 = arith.constant 5 : i32
    %scan3A_25 = arith.addi %scan3A_23, %scan3A_24 : i32
    %scan3A_26 = arith.constant 1 : i32
    scf.for %scan3A_28 = %scan3A_23 to %scan3A_25 step %scan3A_26  : i32 {
      %mul3A_29 = arith.constant 640 : i32
      %mul3A_30 = arith.muli %arg1, %mul3A_29 : i32
      %mul3A_31 = arith.constant 128 : i32
      %mul3A_32 = arith.muli %scan3A_28, %mul3A_31 : i32
      %add3A = arith.addi %mul3A_30, %mul3A_32 : i32
      "tpu.region"() ({
        %run_scoped3A = tpu.sem_alloc : memref<!tpu.dma_semaphore, #tpu.memory_space<semaphore_mem>>
        %dma_start3A = arith.constant 0 : i32
        %dma_start3A_33 = tpu.memref_slice %arg6[%add3A, %dma_start3A] : memref<10240x128xf32, #tpu.memory_space<vmem_shared>> -> memref<128x128xf32, #tpu.memory_space<vmem_shared>>
        %dma_start3A_34 = arith.constant 0 : i32
        %dma_start3A_35 = tpu.memref_slice %arg6[%add3A, %dma_start3A_34] : memref<10240x128xf32, #tpu.memory_space<vmem_shared>> -> memref<128x128xf32, #tpu.memory_space<vmem_shared>>
        tpu.enqueue_dma source(%dma_start3A_35 : memref<128x128xf32, #tpu.memory_space<vmem_shared>>) target(%arg7 : memref<128x128xf32, #tpu.memory_space<vmem>>) target_semaphore(%run_scoped3A : memref<!tpu.dma_semaphore, #tpu.memory_space<semaphore_mem>>)
        %dma_wait3A = arith.constant 0 : i32
        %dma_wait3A_36 = tpu.memref_slice %arg6[%add3A, %dma_wait3A] : memref<10240x128xf32, #tpu.memory_space<vmem_shared>> -> memref<128x128xf32, #tpu.memory_space<vmem_shared>>
        %dma_wait3A_37 = arith.constant 0 : i32
        %dma_wait3A_38 = tpu.memref_slice %arg6[%add3A, %dma_wait3A_37] : memref<10240x128xf32, #tpu.memory_space<vmem_shared>> -> memref<128x128xf32, #tpu.memory_space<vmem_shared>>
        tpu.wait_dma2 semaphore(%run_scoped3A : memref<!tpu.dma_semaphore, #tpu.memory_space<semaphore_mem>>) src(%dma_wait3A_38 : memref<128x128xf32, #tpu.memory_space<vmem_shared>>) dst(%arg7 : memref<128x128xf32, #tpu.memory_space<vmem>>)
        tpu.yield
      }) : () -> ()
      "tpu.region"() ({
        %run_scoped3A = tpu.sem_alloc : memref<!tpu.dma_semaphore, #tpu.memory_space<semaphore_mem>>
        %dma_start3A = arith.constant 0 : i32
        %dma_start3A_33 = tpu.memref_slice %arg5[%arg0, %add3A, %dma_start3A] : memref<2x10240x128xf32, #tpu.memory_space<hbm>> -> memref<1x128x128xf32, #tpu.memory_space<hbm>>
        %dma_start3A_34 = tpu.memref_squeeze %dma_start3A_33 : memref<1x128x128xf32, #tpu.memory_space<hbm>> -> memref<128x128xf32, #tpu.memory_space<hbm>>
        %dma_start3A_35 = arith.constant 0 : i32
        %dma_start3A_36 = tpu.memref_slice %arg5[%arg0, %add3A, %dma_start3A_35] : memref<2x10240x128xf32, #tpu.memory_space<hbm>> -> memref<1x128x128xf32, #tpu.memory_space<hbm>>
        %dma_start3A_37 = tpu.memref_squeeze %dma_start3A_36 : memref<1x128x128xf32, #tpu.memory_space<hbm>> -> memref<128x128xf32, #tpu.memory_space<hbm>>
        tpu.enqueue_dma source(%arg7 : memref<128x128xf32, #tpu.memory_space<vmem>>) target(%dma_start3A_37 : memref<128x128xf32, #tpu.memory_space<hbm>>) target_semaphore(%run_scoped3A : memref<!tpu.dma_semaphore, #tpu.memory_space<semaphore_mem>>)
        %dma_wait3A = arith.constant 0 : i32
        %dma_wait3A_38 = tpu.memref_slice %arg5[%arg0, %add3A, %dma_wait3A] : memref<2x10240x128xf32, #tpu.memory_space<hbm>> -> memref<1x128x128xf32, #tpu.memory_space<hbm>>
        %dma_wait3A_39 = tpu.memref_squeeze %dma_wait3A_38 : memref<1x128x128xf32, #tpu.memory_space<hbm>> -> memref<128x128xf32, #tpu.memory_space<hbm>>
        %dma_wait3A_40 = arith.constant 0 : i32
        %dma_wait3A_41 = tpu.memref_slice %arg5[%arg0, %add3A, %dma_wait3A_40] : memref<2x10240x128xf32, #tpu.memory_space<hbm>> -> memref<1x128x128xf32, #tpu.memory_space<hbm>>
        %dma_wait3A_42 = tpu.memref_squeeze %dma_wait3A_41 : memref<1x128x128xf32, #tpu.memory_space<hbm>> -> memref<128x128xf32, #tpu.memory_space<hbm>>
        tpu.wait_dma2 semaphore(%run_scoped3A : memref<!tpu.dma_semaphore, #tpu.memory_space<semaphore_mem>>) src(%arg7 : memref<128x128xf32, #tpu.memory_space<vmem>>) dst(%dma_wait3A_42 : memref<128x128xf32, #tpu.memory_space<hbm>>)
        tpu.yield
      }) : () -> ()
    }
    %scan3A_27 = arith.constant 5 : i32
    return
  }
}

module attributes {stable_mosaic.version = 14 : i64} {
  func.func @body(%arg0: i32, %arg1: memref<512x128xf32, #tpu.memory_space<vmem>>, %arg2: memref<512xf32, #tpu.memory_space<vmem>>, %arg3: memref<512xf32, #tpu.memory_space<vmem>>, %arg4: memref<128x128xf32, #tpu.memory_space<vmem>>, %arg5: memref<512xf32, #tpu.memory_space<vmem>>, %arg6: memref<512x128xf32, #tpu.memory_space<vmem>>) attributes {dimension_semantics = [#tpu.dimension_semantics<arbitrary>], iteration_bounds = array<i64: 20>, scalar_prefetch = 0 : i64, scratch_operands = 0 : i64, tpu.core_type = #tpu.core_type<tc>, window_params = [{transform_indices = @transform_0, window_bounds = array<i64: 512, 128>}, {transform_indices = @transform_1, window_bounds = array<i64: 512>}, {transform_indices = @transform_2, window_bounds = array<i64: 512>}, {pipeline_mode = #tpu.pipeline_mode<synchronous>, transform_indices = @transform_3, window_bounds = array<i64: 128, 128>}, {transform_indices = @transform_4, window_bounds = array<i64: 512>}, {transform_indices = @transform_5, window_bounds = array<i64: 512, 128>}]} {
    %get3A = arith.constant 0 : index
    %get3A_0 = vector.load %arg2[%get3A] : memref<512xf32, #tpu.memory_space<vmem>>, vector<512xf32>
    %add3A = arith.constant 1.000000e+00 : f32
    %add3A_1 = vector.broadcast %add3A : f32 to vector<512xf32>
    %add3A_2 = arith.addf %add3A_1, %get3A_0 : vector<512xf32>
    %get3A_3 = arith.constant 0 : index
    %get3A_4 = vector.load %arg3[%get3A_3] : memref<512xf32, #tpu.memory_space<vmem>>, vector<512xf32>
    %add3A_5 = arith.addf %add3A_2, %get3A_4 : vector<512xf32>
    %max3A = arith.constant 1.000000e+00 : f32
    %max3A_6 = vector.broadcast %max3A : f32 to vector<512xf32>
    %max3A_7 = arith.maximumf %add3A_5, %max3A_6 : vector<512xf32>
    %rsqrt3A = math.rsqrt %max3A_7 : vector<512xf32>
    %swap3A = arith.constant 0 : index
    %swap3A_8 = vector.load %arg5[%swap3A] : memref<512xf32, #tpu.memory_space<vmem>>, vector<512xf32>
    tpu.vector_store %arg5[%swap3A], %rsqrt3A {strides = array<i32>} : memref<512xf32, #tpu.memory_space<vmem>>, vector<512xf32>,
    %broadcast_in_dim3A = vector.shape_cast %rsqrt3A : vector<512xf32> to vector<512x1xf32>
    %get3A_9 = arith.constant 0 : index
    %get3A_10 = arith.constant 0 : index
    %get3A_11 = vector.load %arg1[%get3A_9, %get3A_10] : memref<512x128xf32, #tpu.memory_space<vmem>>, vector<512x128xf32>
    %get3A_12 = arith.constant 0 : index
    %get3A_13 = arith.constant 0 : index
    %get3A_14 = vector.load %arg4[%get3A_12, %get3A_13] : memref<128x128xf32, #tpu.memory_space<vmem>>, vector<128x128xf32>
    %dot_general3A = arith.constant dense<0.000000e+00> : vector<512x128xf32>
    %dot_general3A_15 = tpu.matmul %get3A_11, %get3A_14, %dot_general3A {dimension_numbers = #tpu.dot_dimension_numbers<[1], [0], [0], [1], [0, 0, 1, 1], [], []>, transpose_lhs_hint = false} : vector<512x128xf32>, vector<128x128xf32>, vector<512x128xf32> -> vector<512x128xf32>
    %mul3A = vector.broadcast %broadcast_in_dim3A : vector<512x1xf32> to vector<512x128xf32>
    %mul3A_16 = arith.mulf %mul3A, %dot_general3A_15 : vector<512x128xf32>
    %swap3A_17 = arith.constant 0 : index
    %swap3A_18 = arith.constant 0 : index
    %swap3A_19 = vector.load %arg6[%swap3A_17, %swap3A_18] : memref<512x128xf32, #tpu.memory_space<vmem>>, vector<512x128xf32>
    tpu.vector_store %arg6[%swap3A_17, %swap3A_18], %mul3A_16 {strides = array<i32>} : memref<512x128xf32, #tpu.memory_space<vmem>>, vector<512x128xf32>,
    return
  }
  func.func @transform_0(%arg0: i32) -> (i32, i32) {
    %c0_i32 = arith.constant 0 : i32
    %c0_i32_0 = arith.constant 0 : i32
    return %arg0, %c0_i32 : i32, i32
  }
  func.func @transform_1(%arg0: i32) -> i32 {
    %c0_i32 = arith.constant 0 : i32
    return %arg0 : i32
  }
  func.func @transform_2(%arg0: i32) -> i32 {
    %c0_i32 = arith.constant 0 : i32
    return %arg0 : i32
  }
  func.func @transform_3(%arg0: i32) -> (i32, i32) {
    %c0_i32 = arith.constant 0 : i32
    %c0_i32_0 = arith.constant 0 : i32
    %c0_i32_1 = arith.constant 0 : i32
    return %c0_i32, %c0_i32_0 : i32, i32
  }
  func.func @transform_4(%arg0: i32) -> i32 {
    %c0_i32 = arith.constant 0 : i32
    return %arg0 : i32
  }
  func.func @transform_5(%arg0: i32) -> (i32, i32) {
    %c0_i32 = arith.constant 0 : i32
    %c0_i32_0 = arith.constant 0 : i32
    return %arg0, %c0_i32 : i32, i32
  }
}

module attributes {stable_mosaic.version = 14 : i64} {
  func.func @body(%arg0: i32, %arg1: memref<1x512x128xf32, #tpu.memory_space<vmem>>, %arg2: memref<1x512x128xf32, #tpu.memory_space<vmem>>, %arg3: memref<512x128xf32, #tpu.memory_space<vmem>>, %arg4: memref<512xf32, #tpu.memory_space<vmem>>, %arg5: memref<128xf32, #tpu.memory_space<vmem>>, %arg6: memref<128x64xf32, #tpu.memory_space<vmem>>, %arg7: memref<512x128xf32, #tpu.memory_space<vmem>>) attributes {dimension_semantics = [#tpu.dimension_semantics<arbitrary>], iteration_bounds = array<i64: 20>, scalar_prefetch = 0 : i64, scratch_operands = 0 : i64, tpu.core_type = #tpu.core_type<tc>, window_params = [{transform_indices = @transform_0, window_bounds = array<i64: 1, 512, 128>}, {transform_indices = @transform_1, window_bounds = array<i64: 1, 512, 128>}, {transform_indices = @transform_2, window_bounds = array<i64: 512, 128>}, {transform_indices = @transform_3, window_bounds = array<i64: 512>}, {pipeline_mode = #tpu.pipeline_mode<synchronous>, transform_indices = @transform_4, window_bounds = array<i64: 128>}, {pipeline_mode = #tpu.pipeline_mode<synchronous>, transform_indices = @transform_5, window_bounds = array<i64: 128, 64>}, {transform_indices = @transform_6, window_bounds = array<i64: 512, 128>}]} {
    %get3A = arith.constant 0 : index
    %get3A_0 = vector.load %arg4[%get3A] : memref<512xf32, #tpu.memory_space<vmem>>, vector<512xf32>
    %broadcast_in_dim3A = vector.shape_cast %get3A_0 : vector<512xf32> to vector<512x1xf32>
    %get3A_1 = arith.constant 0 : index
    %get3A_2 = arith.constant 0 : index
    %get3A_3 = arith.constant 0 : index
    %get3A_4 = vector.load %arg1[%get3A_1, %get3A_2, %get3A_3] : memref<1x512x128xf32, #tpu.memory_space<vmem>>, vector<1x512x128xf32>
    %get3A_5 = vector.shape_cast %get3A_4 : vector<1x512x128xf32> to vector<512x128xf32>
    %get3A_6 = arith.constant 0 : index
    %get3A_7 = arith.constant 0 : index
    %get3A_8 = arith.constant 0 : index
    %get3A_9 = vector.load %arg2[%get3A_6, %get3A_7, %get3A_8] : memref<1x512x128xf32, #tpu.memory_space<vmem>>, vector<1x512x128xf32>
    %get3A_10 = vector.shape_cast %get3A_9 : vector<1x512x128xf32> to vector<512x128xf32>
    %add3A = arith.addf %get3A_5, %get3A_10 : vector<512x128xf32>
    %get3A_11 = arith.constant 0 : index
    %get3A_12 = arith.constant 0 : index
    %get3A_13 = vector.load %arg3[%get3A_11, %get3A_12] : memref<512x128xf32, #tpu.memory_space<vmem>>, vector<512x128xf32>
    %add3A_14 = arith.addf %add3A, %get3A_13 : vector<512x128xf32>
    %mul3A = vector.broadcast %broadcast_in_dim3A : vector<512x1xf32> to vector<512x128xf32>
    %mul3A_15 = arith.mulf %mul3A, %add3A_14 : vector<512x128xf32>
    %get3A_16 = arith.constant 0 : index
    %get3A_17 = vector.load %arg5[%get3A_16] : memref<128xf32, #tpu.memory_space<vmem>>, vector<128xf32>
    %broadcast_in_dim3A_18 = vector.shape_cast %get3A_17 : vector<128xf32> to vector<1x128xf32>
    %add3A_19 = vector.broadcast %broadcast_in_dim3A_18 : vector<1x128xf32> to vector<512x128xf32>
    %add3A_20 = arith.addf %mul3A_15, %add3A_19 : vector<512x128xf32>
    %max3A = arith.constant 0.000000e+00 : f32
    %max3A_21 = vector.broadcast %max3A : f32 to vector<512x128xf32>
    %max3A_22 = arith.maximumf %add3A_20, %max3A_21 : vector<512x128xf32>
    %broadcast_in_dim3A_23 = vector.shape_cast %get3A_0 : vector<512xf32> to vector<512x1xf32>
    %get3A_24 = arith.constant 0 : index
    %get3A_25 = arith.constant 0 : index
    %get3A_26 = vector.load %arg6[%get3A_24, %get3A_25] : memref<128x64xf32, #tpu.memory_space<vmem>>, vector<128x64xf32>
    %dot_general3A = arith.constant dense<0.000000e+00> : vector<512x64xf32>
    %dot_general3A_27 = tpu.matmul %max3A_22, %get3A_26, %dot_general3A {dimension_numbers = #tpu.dot_dimension_numbers<[1], [0], [0], [1], [0, 0, 1, 1], [], []>, transpose_lhs_hint = false} : vector<512x128xf32>, vector<128x64xf32>, vector<512x64xf32> -> vector<512x64xf32>
    %mul3A_28 = vector.broadcast %broadcast_in_dim3A_23 : vector<512x1xf32> to vector<512x64xf32>
    %mul3A_29 = arith.mulf %mul3A_28, %dot_general3A_27 : vector<512x64xf32>
    %swap3A = arith.constant 0 : index
    %swap3A_30 = arith.constant 0 : index
    %swap3A_31 = vector.load %arg7[%swap3A, %swap3A_30] : memref<512x128xf32, #tpu.memory_space<vmem>>, vector<512x64xf32>
    tpu.vector_store %arg7[%swap3A, %swap3A_30], %mul3A_29 {strides = array<i32>} : memref<512x128xf32, #tpu.memory_space<vmem>>, vector<512x64xf32>,
    %broadcast_in_dim3A_32 = arith.constant 0.000000e+00 : f32
    %broadcast_in_dim3A_33 = vector.broadcast %broadcast_in_dim3A_32 : f32 to vector<512x64xf32>
    %swap3A_34 = arith.constant 0 : index
    %swap3A_35 = arith.constant 64 : index
    %swap3A_36 = vector.load %arg7[%swap3A_34, %swap3A_35] : memref<512x128xf32, #tpu.memory_space<vmem>>, vector<512x64xf32>
    tpu.vector_store %arg7[%swap3A_34, %swap3A_35], %broadcast_in_dim3A_33 {strides = array<i32>} : memref<512x128xf32, #tpu.memory_space<vmem>>, vector<512x64xf32>,
    return
  }
  func.func @transform_0(%arg0: i32) -> (i32, i32, i32) {
    %c0_i32 = arith.constant 0 : i32
    %c0_i32_0 = arith.constant 0 : i32
    %c0_i32_1 = arith.constant 0 : i32
    return %c0_i32, %arg0, %c0_i32_0 : i32, i32, i32
  }
  func.func @transform_1(%arg0: i32) -> (i32, i32, i32) {
    %c1_i32 = arith.constant 1 : i32
    %c0_i32 = arith.constant 0 : i32
    %c0_i32_0 = arith.constant 0 : i32
    return %c1_i32, %arg0, %c0_i32 : i32, i32, i32
  }
  func.func @transform_2(%arg0: i32) -> (i32, i32) {
    %c0_i32 = arith.constant 0 : i32
    %c0_i32_0 = arith.constant 0 : i32
    return %arg0, %c0_i32 : i32, i32
  }
  func.func @transform_3(%arg0: i32) -> i32 {
    %c0_i32 = arith.constant 0 : i32
    return %arg0 : i32
  }
  func.func @transform_4(%arg0: i32) -> i32 {
    %c0_i32 = arith.constant 0 : i32
    %c0_i32_0 = arith.constant 0 : i32
    return %c0_i32 : i32
  }
  func.func @transform_5(%arg0: i32) -> (i32, i32) {
    %c0_i32 = arith.constant 0 : i32
    %c0_i32_0 = arith.constant 0 : i32
    %c0_i32_1 = arith.constant 0 : i32
    return %c0_i32, %c0_i32_0 : i32, i32
  }
  func.func @transform_6(%arg0: i32) -> (i32, i32) {
    %c0_i32 = arith.constant 0 : i32
    %c0_i32_0 = arith.constant 0 : i32
    return %arg0, %c0_i32 : i32, i32
  }
}

module attributes {stable_mosaic.version = 14 : i64} {
  func.func @body(%arg0: i32, %arg1: memref<1x512x128xf32, #tpu.memory_space<vmem>>, %arg2: memref<1x512x128xf32, #tpu.memory_space<vmem>>, %arg3: memref<512x128xf32, #tpu.memory_space<vmem>>, %arg4: memref<512xf32, #tpu.memory_space<vmem>>, %arg5: memref<64xf32, #tpu.memory_space<vmem>>, %arg6: memref<512x128xf32, #tpu.memory_space<vmem>>) attributes {dimension_semantics = [#tpu.dimension_semantics<arbitrary>], iteration_bounds = array<i64: 20>, scalar_prefetch = 0 : i64, scratch_operands = 0 : i64, tpu.core_type = #tpu.core_type<tc>, window_params = [{transform_indices = @transform_0, window_bounds = array<i64: 1, 512, 128>}, {transform_indices = @transform_1, window_bounds = array<i64: 1, 512, 128>}, {transform_indices = @transform_2, window_bounds = array<i64: 512, 128>}, {transform_indices = @transform_3, window_bounds = array<i64: 512>}, {pipeline_mode = #tpu.pipeline_mode<synchronous>, transform_indices = @transform_4, window_bounds = array<i64: 64>}, {transform_indices = @transform_5, window_bounds = array<i64: 512, 128>}]} {
    %get3A = arith.constant 0 : index
    %get3A_0 = arith.constant 0 : index
    %get3A_1 = arith.constant 0 : index
    %get3A_2 = vector.load %arg1[%get3A, %get3A_0, %get3A_1] : memref<1x512x128xf32, #tpu.memory_space<vmem>>, vector<1x512x64xf32>
    %get3A_3 = vector.shape_cast %get3A_2 : vector<1x512x64xf32> to vector<512x64xf32>
    %get3A_4 = arith.constant 0 : index
    %get3A_5 = arith.constant 0 : index
    %get3A_6 = arith.constant 0 : index
    %get3A_7 = vector.load %arg2[%get3A_4, %get3A_5, %get3A_6] : memref<1x512x128xf32, #tpu.memory_space<vmem>>, vector<1x512x64xf32>
    %get3A_8 = vector.shape_cast %get3A_7 : vector<1x512x64xf32> to vector<512x64xf32>
    %add3A = arith.addf %get3A_3, %get3A_8 : vector<512x64xf32>
    %get3A_9 = arith.constant 0 : index
    %get3A_10 = arith.constant 0 : index
    %get3A_11 = vector.load %arg3[%get3A_9, %get3A_10] : memref<512x128xf32, #tpu.memory_space<vmem>>, vector<512x64xf32>
    %add3A_12 = arith.addf %add3A, %get3A_11 : vector<512x64xf32>
    %get3A_13 = arith.constant 0 : index
    %get3A_14 = vector.load %arg4[%get3A_13] : memref<512xf32, #tpu.memory_space<vmem>>, vector<512xf32>
    %broadcast_in_dim3A = vector.shape_cast %get3A_14 : vector<512xf32> to vector<512x1xf32>
    %mul3A = vector.broadcast %broadcast_in_dim3A : vector<512x1xf32> to vector<512x64xf32>
    %mul3A_15 = arith.mulf %mul3A, %add3A_12 : vector<512x64xf32>
    %get3A_16 = arith.constant 0 : index
    %get3A_17 = vector.load %arg5[%get3A_16] : memref<64xf32, #tpu.memory_space<vmem>>, vector<64xf32>
    %broadcast_in_dim3A_18 = vector.shape_cast %get3A_17 : vector<64xf32> to vector<1x64xf32>
    %add3A_19 = vector.broadcast %broadcast_in_dim3A_18 : vector<1x64xf32> to vector<512x64xf32>
    %add3A_20 = arith.addf %mul3A_15, %add3A_19 : vector<512x64xf32>
    %swap3A = arith.constant 0 : index
    %swap3A_21 = arith.constant 0 : index
    %swap3A_22 = vector.load %arg6[%swap3A, %swap3A_21] : memref<512x128xf32, #tpu.memory_space<vmem>>, vector<512x64xf32>
    tpu.vector_store %arg6[%swap3A, %swap3A_21], %add3A_20 {strides = array<i32>} : memref<512x128xf32, #tpu.memory_space<vmem>>, vector<512x64xf32>,
    %broadcast_in_dim3A_23 = arith.constant 0.000000e+00 : f32
    %broadcast_in_dim3A_24 = vector.broadcast %broadcast_in_dim3A_23 : f32 to vector<512x64xf32>
    %swap3A_25 = arith.constant 0 : index
    %swap3A_26 = arith.constant 64 : index
    %swap3A_27 = vector.load %arg6[%swap3A_25, %swap3A_26] : memref<512x128xf32, #tpu.memory_space<vmem>>, vector<512x64xf32>
    tpu.vector_store %arg6[%swap3A_25, %swap3A_26], %broadcast_in_dim3A_24 {strides = array<i32>} : memref<512x128xf32, #tpu.memory_space<vmem>>, vector<512x64xf32>,
    return
  }
  func.func @transform_0(%arg0: i32) -> (i32, i32, i32) {
    %c0_i32 = arith.constant 0 : i32
    %c0_i32_0 = arith.constant 0 : i32
    %c0_i32_1 = arith.constant 0 : i32
    return %c0_i32, %arg0, %c0_i32_0 : i32, i32, i32
  }
  func.func @transform_1(%arg0: i32) -> (i32, i32, i32) {
    %c1_i32 = arith.constant 1 : i32
    %c0_i32 = arith.constant 0 : i32
    %c0_i32_0 = arith.constant 0 : i32
    return %c1_i32, %arg0, %c0_i32 : i32, i32, i32
  }
  func.func @transform_2(%arg0: i32) -> (i32, i32) {
    %c0_i32 = arith.constant 0 : i32
    %c0_i32_0 = arith.constant 0 : i32
    return %arg0, %c0_i32 : i32, i32
  }
  func.func @transform_3(%arg0: i32) -> i32 {
    %c0_i32 = arith.constant 0 : i32
    return %arg0 : i32
  }
  func.func @transform_4(%arg0: i32) -> i32 {
    %c0_i32 = arith.constant 0 : i32
    %c0_i32_0 = arith.constant 0 : i32
    return %c0_i32 : i32
  }
  func.func @transform_5(%arg0: i32) -> (i32, i32) {
    %c0_i32 = arith.constant 0 : i32
    %c0_i32_0 = arith.constant 0 : i32
    return %arg0, %c0_i32 : i32, i32
  }
}

module attributes {stable_mosaic.version = 14 : i64} {
  func.func @body(%arg0: i32, %arg1: memref<2048x128xf32, #tpu.memory_space<vmem>>, %arg2: memref<128x128xf32, #tpu.memory_space<vmem>>, %arg3: memref<128xf32, #tpu.memory_space<vmem>>, %arg4: memref<128x64xf32, #tpu.memory_space<vmem>>, %arg5: memref<64xf32, #tpu.memory_space<vmem>>, %arg6: memref<2048x64xf32, #tpu.memory_space<vmem>>) attributes {dimension_semantics = [#tpu.dimension_semantics<arbitrary>], iteration_bounds = array<i64: 8>, scalar_prefetch = 0 : i64, scratch_operands = 0 : i64, tpu.core_type = #tpu.core_type<tc>, window_params = [{transform_indices = @transform_0, window_bounds = array<i64: 2048, 128>}, {pipeline_mode = #tpu.pipeline_mode<synchronous>, transform_indices = @transform_1, window_bounds = array<i64: 128, 128>}, {pipeline_mode = #tpu.pipeline_mode<synchronous>, transform_indices = @transform_2, window_bounds = array<i64: 128>}, {pipeline_mode = #tpu.pipeline_mode<synchronous>, transform_indices = @transform_3, window_bounds = array<i64: 128, 64>}, {pipeline_mode = #tpu.pipeline_mode<synchronous>, transform_indices = @transform_4, window_bounds = array<i64: 64>}, {transform_indices = @transform_5, window_bounds = array<i64: 2048, 64>}]} {
    %get3A = arith.constant 0 : index
    %get3A_0 = arith.constant 0 : index
    %get3A_1 = vector.load %arg1[%get3A, %get3A_0] : memref<2048x128xf32, #tpu.memory_space<vmem>>, vector<2048x128xf32>
    %get3A_2 = arith.constant 0 : index
    %get3A_3 = arith.constant 0 : index
    %get3A_4 = vector.load %arg2[%get3A_2, %get3A_3] : memref<128x128xf32, #tpu.memory_space<vmem>>, vector<128x128xf32>
    %dot_general3A = arith.constant dense<0.000000e+00> : vector<2048x128xf32>
    %dot_general3A_5 = tpu.matmul %get3A_1, %get3A_4, %dot_general3A {dimension_numbers = #tpu.dot_dimension_numbers<[1], [0], [0], [1], [0, 0, 1, 1], [], []>, transpose_lhs_hint = false} : vector<2048x128xf32>, vector<128x128xf32>, vector<2048x128xf32> -> vector<2048x128xf32>
    %get3A_6 = arith.constant 0 : index
    %get3A_7 = vector.load %arg3[%get3A_6] : memref<128xf32, #tpu.memory_space<vmem>>, vector<128xf32>
    %broadcast_in_dim3A = vector.shape_cast %get3A_7 : vector<128xf32> to vector<1x128xf32>
    %add3A = vector.broadcast %broadcast_in_dim3A : vector<1x128xf32> to vector<2048x128xf32>
    %add3A_8 = arith.addf %dot_general3A_5, %add3A : vector<2048x128xf32>
    %max3A = arith.constant 0.000000e+00 : f32
    %max3A_9 = vector.broadcast %max3A : f32 to vector<2048x128xf32>
    %max3A_10 = arith.maximumf %add3A_8, %max3A_9 : vector<2048x128xf32>
    %get3A_11 = arith.constant 0 : index
    %get3A_12 = arith.constant 0 : index
    %get3A_13 = vector.load %arg4[%get3A_11, %get3A_12] : memref<128x64xf32, #tpu.memory_space<vmem>>, vector<128x64xf32>
    %dot_general3A_14 = arith.constant dense<0.000000e+00> : vector<2048x64xf32>
    %dot_general3A_15 = tpu.matmul %max3A_10, %get3A_13, %dot_general3A_14 {dimension_numbers = #tpu.dot_dimension_numbers<[1], [0], [0], [1], [0, 0, 1, 1], [], []>, transpose_lhs_hint = false} : vector<2048x128xf32>, vector<128x64xf32>, vector<2048x64xf32> -> vector<2048x64xf32>
    %get3A_16 = arith.constant 0 : index
    %get3A_17 = vector.load %arg5[%get3A_16] : memref<64xf32, #tpu.memory_space<vmem>>, vector<64xf32>
    %broadcast_in_dim3A_18 = vector.shape_cast %get3A_17 : vector<64xf32> to vector<1x64xf32>
    %add3A_19 = vector.broadcast %broadcast_in_dim3A_18 : vector<1x64xf32> to vector<2048x64xf32>
    %add3A_20 = arith.addf %dot_general3A_15, %add3A_19 : vector<2048x64xf32>
    %swap3A = arith.constant 0 : index
    %swap3A_21 = arith.constant 0 : index
    %swap3A_22 = vector.load %arg6[%swap3A, %swap3A_21] : memref<2048x64xf32, #tpu.memory_space<vmem>>, vector<2048x64xf32>
    tpu.vector_store %arg6[%swap3A, %swap3A_21], %add3A_20 {strides = array<i32>} : memref<2048x64xf32, #tpu.memory_space<vmem>>, vector<2048x64xf32>,
    return
  }
  func.func @transform_0(%arg0: i32) -> (i32, i32) {
    %c0_i32 = arith.constant 0 : i32
    %c0_i32_0 = arith.constant 0 : i32
    return %arg0, %c0_i32 : i32, i32
  }
  func.func @transform_1(%arg0: i32) -> (i32, i32) {
    %c0_i32 = arith.constant 0 : i32
    %c0_i32_0 = arith.constant 0 : i32
    %c0_i32_1 = arith.constant 0 : i32
    return %c0_i32, %c0_i32_0 : i32, i32
  }
  func.func @transform_2(%arg0: i32) -> i32 {
    %c0_i32 = arith.constant 0 : i32
    %c0_i32_0 = arith.constant 0 : i32
    return %c0_i32 : i32
  }
  func.func @transform_3(%arg0: i32) -> (i32, i32) {
    %c0_i32 = arith.constant 0 : i32
    %c0_i32_0 = arith.constant 0 : i32
    %c0_i32_1 = arith.constant 0 : i32
    return %c0_i32, %c0_i32_0 : i32, i32
  }
  func.func @transform_4(%arg0: i32) -> i32 {
    %c0_i32 = arith.constant 0 : i32
    %c0_i32_0 = arith.constant 0 : i32
    return %c0_i32 : i32
  }
  func.func @transform_5(%arg0: i32) -> (i32, i32) {
    %c0_i32 = arith.constant 0 : i32
    %c0_i32_0 = arith.constant 0 : i32
    return %arg0, %c0_i32 : i32, i32
  }
}

module attributes {stable_mosaic.version = 14 : i64} {
  func.func @body(%arg0: i32, %arg1: memref<2048x64xf32, #tpu.memory_space<vmem>>, %arg2: memref<2048x128xf32, #tpu.memory_space<vmem>>, %arg3: memref<64x64xf32, #tpu.memory_space<vmem>>, %arg4: memref<64xf32, #tpu.memory_space<vmem>>, %arg5: memref<64x64xf32, #tpu.memory_space<vmem>>, %arg6: memref<64xf32, #tpu.memory_space<vmem>>, %arg7: memref<192x128xf32, #tpu.memory_space<vmem>>, %arg8: memref<128xf32, #tpu.memory_space<vmem>>, %arg9: memref<128xf32, #tpu.memory_space<vmem>>, %arg10: memref<128xf32, #tpu.memory_space<vmem>>, %arg11: memref<128x64xf32, #tpu.memory_space<vmem>>, %arg12: memref<64xf32, #tpu.memory_space<vmem>>, %arg13: memref<64xf32, #tpu.memory_space<vmem>>, %arg14: memref<64xf32, #tpu.memory_space<vmem>>, %arg15: memref<128x128xf32, #tpu.memory_space<vmem>>, %arg16: memref<128xf32, #tpu.memory_space<vmem>>, %arg17: memref<128xf32, #tpu.memory_space<vmem>>, %arg18: memref<128xf32, #tpu.memory_space<vmem>>, %arg19: memref<128x64xf32, #tpu.memory_space<vmem>>, %arg20: memref<64xf32, #tpu.memory_space<vmem>>, %arg21: memref<64xf32, #tpu.memory_space<vmem>>, %arg22: memref<64xf32, #tpu.memory_space<vmem>>, %arg23: memref<64x32xf32, #tpu.memory_space<vmem>>, %arg24: memref<32xf32, #tpu.memory_space<vmem>>, %arg25: memref<32xf32, #tpu.memory_space<vmem>>, %arg26: memref<32xf32, #tpu.memory_space<vmem>>, %arg27: memref<32xf32, #tpu.memory_space<vmem>>, %arg28: memref<1xf32, #tpu.memory_space<vmem>>, %arg29: memref<2048xf32, #tpu.memory_space<vmem>>) attributes {dimension_semantics = [#tpu.dimension_semantics<arbitrary>], iteration_bounds = array<i64: 8>, scalar_prefetch = 0 : i64, scratch_operands = 0 : i64, tpu.core_type = #tpu.core_type<tc>, window_params = [{transform_indices = @transform_0, window_bounds = array<i64: 2048, 64>}, {transform_indices = @transform_1, window_bounds = array<i64: 2048, 128>}, {pipeline_mode = #tpu.pipeline_mode<synchronous>, transform_indices = @transform_2, window_bounds = array<i64: 64, 64>}, {pipeline_mode = #tpu.pipeline_mode<synchronous>, transform_indices = @transform_3, window_bounds = array<i64: 64>}, {pipeline_mode = #tpu.pipeline_mode<synchronous>, transform_indices = @transform_4, window_bounds = array<i64: 64, 64>}, {pipeline_mode = #tpu.pipeline_mode<synchronous>, transform_indices = @transform_5, window_bounds = array<i64: 64>}, {pipeline_mode = #tpu.pipeline_mode<synchronous>, transform_indices = @transform_6, window_bounds = array<i64: 192, 128>}, {pipeline_mode = #tpu.pipeline_mode<synchronous>, transform_indices = @transform_7, window_bounds = array<i64: 128>}, {pipeline_mode = #tpu.pipeline_mode<synchronous>, transform_indices = @transform_8, window_bounds = array<i64: 128>}, {pipeline_mode = #tpu.pipeline_mode<synchronous>, transform_indices = @transform_9, window_bounds = array<i64: 128>}, {pipeline_mode = #tpu.pipeline_mode<synchronous>, transform_indices = @transform_10, window_bounds = array<i64: 128, 64>}, {pipeline_mode = #tpu.pipeline_mode<synchronous>, transform_indices = @transform_11, window_bounds = array<i64: 64>}, {pipeline_mode = #tpu.pipeline_mode<synchronous>, transform_indices = @transform_12, window_bounds = array<i64: 64>}, {pipeline_mode = #tpu.pipeline_mode<synchronous>, transform_indices = @transform_13, window_bounds = array<i64: 64>}, {pipeline_mode = #tpu.pipeline_mode<synchronous>, transform_indices = @transform_14, window_bounds = array<i64: 128, 128>}, {pipeline_mode = #tpu.pipeline_mode<synchronous>, transform_indices = @transform_15, window_bounds = array<i64: 128>}, {pipeline_mode = #tpu.pipeline_mode<synchronous>, transform_indices = @transform_16, window_bounds = array<i64: 128>}, {pipeline_mode = #tpu.pipeline_mode<synchronous>, transform_indices = @transform_17, window_bounds = array<i64: 128>}, {pipeline_mode = #tpu.pipeline_mode<synchronous>, transform_indices = @transform_18, window_bounds = array<i64: 128, 64>}, {pipeline_mode = #tpu.pipeline_mode<synchronous>, transform_indices = @transform_19, window_bounds = array<i64: 64>}, {pipeline_mode = #tpu.pipeline_mode<synchronous>, transform_indices = @transform_20, window_bounds = array<i64: 64>}, {pipeline_mode = #tpu.pipeline_mode<synchronous>, transform_indices = @transform_21, window_bounds = array<i64: 64>}, {pipeline_mode = #tpu.pipeline_mode<synchronous>, transform_indices = @transform_22, window_bounds = array<i64: 64, 32>}, {pipeline_mode = #tpu.pipeline_mode<synchronous>, transform_indices = @transform_23, window_bounds = array<i64: 32>}, {pipeline_mode = #tpu.pipeline_mode<synchronous>, transform_indices = @transform_24, window_bounds = array<i64: 32>}, {pipeline_mode = #tpu.pipeline_mode<synchronous>, transform_indices = @transform_25, window_bounds = array<i64: 32>}, {pipeline_mode = #tpu.pipeline_mode<synchronous>, transform_indices = @transform_26, window_bounds = array<i64: 32>}, {pipeline_mode = #tpu.pipeline_mode<synchronous>, transform_indices = @transform_27, window_bounds = array<i64: 1>}, {transform_indices = @transform_28, window_bounds = array<i64: 2048>}]} {
    %get3A = arith.constant 0 : index
    %get3A_0 = arith.constant 0 : index
    %get3A_1 = vector.load %arg3[%get3A, %get3A_0] : memref<64x64xf32, #tpu.memory_space<vmem>>, vector<64x64xf32>
    %get3A_2 = arith.constant 0 : index
    %get3A_3 = vector.load %arg4[%get3A_2] : memref<64xf32, #tpu.memory_space<vmem>>, vector<64xf32>
    %get3A_4 = arith.constant 0 : index
    %get3A_5 = arith.constant 0 : index
    %get3A_6 = vector.load %arg5[%get3A_4, %get3A_5] : memref<64x64xf32, #tpu.memory_space<vmem>>, vector<64x64xf32>
    %get3A_7 = arith.constant 0 : index
    %get3A_8 = vector.load %arg6[%get3A_7] : memref<64xf32, #tpu.memory_space<vmem>>, vector<64xf32>
    %get3A_9 = arith.constant 0 : index
    %get3A_10 = arith.constant 0 : index
    %get3A_11 = vector.load %arg7[%get3A_9, %get3A_10] : memref<192x128xf32, #tpu.memory_space<vmem>>, vector<192x128xf32>
    %get3A_12 = arith.constant 0 : index
    %get3A_13 = vector.load %arg8[%get3A_12] : memref<128xf32, #tpu.memory_space<vmem>>, vector<128xf32>
    %get3A_14 = arith.constant 0 : index
    %get3A_15 = vector.load %arg9[%get3A_14] : memref<128xf32, #tpu.memory_space<vmem>>, vector<128xf32>
    %get3A_16 = arith.constant 0 : index
    %get3A_17 = vector.load %arg10[%get3A_16] : memref<128xf32, #tpu.memory_space<vmem>>, vector<128xf32>
    %get3A_18 = arith.constant 0 : index
    %get3A_19 = arith.constant 0 : index
    %get3A_20 = vector.load %arg11[%get3A_18, %get3A_19] : memref<128x64xf32, #tpu.memory_space<vmem>>, vector<128x64xf32>
    %get3A_21 = arith.constant 0 : index
    %get3A_22 = vector.load %arg12[%get3A_21] : memref<64xf32, #tpu.memory_space<vmem>>, vector<64xf32>
    %get3A_23 = arith.constant 0 : index
    %get3A_24 = vector.load %arg13[%get3A_23] : memref<64xf32, #tpu.memory_space<vmem>>, vector<64xf32>
    %get3A_25 = arith.constant 0 : index
    %get3A_26 = vector.load %arg14[%get3A_25] : memref<64xf32, #tpu.memory_space<vmem>>, vector<64xf32>
    %get3A_27 = arith.constant 0 : index
    %get3A_28 = arith.constant 0 : index
    %get3A_29 = vector.load %arg15[%get3A_27, %get3A_28] : memref<128x128xf32, #tpu.memory_space<vmem>>, vector<128x128xf32>
    %get3A_30 = arith.constant 0 : index
    %get3A_31 = vector.load %arg16[%get3A_30] : memref<128xf32, #tpu.memory_space<vmem>>, vector<128xf32>
    %get3A_32 = arith.constant 0 : index
    %get3A_33 = vector.load %arg17[%get3A_32] : memref<128xf32, #tpu.memory_space<vmem>>, vector<128xf32>
    %get3A_34 = arith.constant 0 : index
    %get3A_35 = vector.load %arg18[%get3A_34] : memref<128xf32, #tpu.memory_space<vmem>>, vector<128xf32>
    %get3A_36 = arith.constant 0 : index
    %get3A_37 = arith.constant 0 : index
    %get3A_38 = vector.load %arg19[%get3A_36, %get3A_37] : memref<128x64xf32, #tpu.memory_space<vmem>>, vector<128x64xf32>
    %get3A_39 = arith.constant 0 : index
    %get3A_40 = vector.load %arg20[%get3A_39] : memref<64xf32, #tpu.memory_space<vmem>>, vector<64xf32>
    %get3A_41 = arith.constant 0 : index
    %get3A_42 = vector.load %arg21[%get3A_41] : memref<64xf32, #tpu.memory_space<vmem>>, vector<64xf32>
    %get3A_43 = arith.constant 0 : index
    %get3A_44 = vector.load %arg22[%get3A_43] : memref<64xf32, #tpu.memory_space<vmem>>, vector<64xf32>
    %get3A_45 = arith.constant 0 : index
    %get3A_46 = arith.constant 0 : index
    %get3A_47 = vector.load %arg23[%get3A_45, %get3A_46] : memref<64x32xf32, #tpu.memory_space<vmem>>, vector<64x32xf32>
    %get3A_48 = arith.constant 0 : index
    %get3A_49 = vector.load %arg24[%get3A_48] : memref<32xf32, #tpu.memory_space<vmem>>, vector<32xf32>
    %get3A_50 = arith.constant 0 : index
    %get3A_51 = vector.load %arg25[%get3A_50] : memref<32xf32, #tpu.memory_space<vmem>>, vector<32xf32>
    %get3A_52 = arith.constant 0 : index
    %get3A_53 = vector.load %arg26[%get3A_52] : memref<32xf32, #tpu.memory_space<vmem>>, vector<32xf32>
    %get3A_54 = arith.constant 0 : index
    %get3A_55 = vector.load %arg27[%get3A_54] : memref<32xf32, #tpu.memory_space<vmem>>, vector<32xf32>
    %get3A_56 = arith.constant 0 : index
    %get3A_57 = vector.load %arg28[%get3A_56] : memref<1xf32, #tpu.memory_space<vmem>>, vector<1xf32>
    %get3A_58 = arith.constant 0 : index
    %get3A_59 = arith.constant 0 : index
    %get3A_60 = vector.load %arg1[%get3A_58, %get3A_59] : memref<2048x64xf32, #tpu.memory_space<vmem>>, vector<2048x64xf32>
    %get3A_61 = arith.constant 0 : index
    %get3A_62 = arith.constant 0 : index
    %get3A_63 = vector.load %arg2[%get3A_61, %get3A_62] : memref<2048x128xf32, #tpu.memory_space<vmem>>, vector<2048x128xf32>
    %slice3A = vector.extract_strided_slice %get3A_63 {offsets = [0, 0], sizes = [2048, 64], strides = [1, 1]} : vector<2048x128xf32> to vector<2048x64xf32>
    %dot_general3A = arith.constant dense<0.000000e+00> : vector<2048x64xf32>
    %dot_general3A_64 = tpu.matmul %slice3A, %get3A_1, %dot_general3A {dimension_numbers = #tpu.dot_dimension_numbers<[1], [0], [0], [1], [0, 0, 1, 1], [], []>, transpose_lhs_hint = false} : vector<2048x64xf32>, vector<64x64xf32>, vector<2048x64xf32> -> vector<2048x64xf32>
    %broadcast_in_dim3A = vector.shape_cast %get3A_3 : vector<64xf32> to vector<1x64xf32>
    %add3A = vector.broadcast %broadcast_in_dim3A : vector<1x64xf32> to vector<2048x64xf32>
    %add3A_65 = arith.addf %dot_general3A_64, %add3A : vector<2048x64xf32>
    %dot_general3A_66 = arith.constant dense<0.000000e+00> : vector<2048x64xf32>
    %dot_general3A_67 = tpu.matmul %add3A_65, %get3A_6, %dot_general3A_66 {dimension_numbers = #tpu.dot_dimension_numbers<[1], [0], [0], [1], [0, 0, 1, 1], [], []>, transpose_lhs_hint = false} : vector<2048x64xf32>, vector<64x64xf32>, vector<2048x64xf32> -> vector<2048x64xf32>
    %broadcast_in_dim3A_68 = vector.shape_cast %get3A_8 : vector<64xf32> to vector<1x64xf32>
    %add3A_69 = vector.broadcast %broadcast_in_dim3A_68 : vector<1x64xf32> to vector<2048x64xf32>
    %add3A_70 = arith.addf %dot_general3A_67, %add3A_69 : vector<2048x64xf32>
    %slice3A_71 = vector.extract_strided_slice %get3A_11 {offsets = [0, 0], sizes = [64, 128], strides = [1, 1]} : vector<192x128xf32> to vector<64x128xf32>
    %dot_general3A_72 = arith.constant dense<0.000000e+00> : vector<2048x128xf32>
    %dot_general3A_73 = tpu.matmul %slice3A, %slice3A_71, %dot_general3A_72 {dimension_numbers = #tpu.dot_dimension_numbers<[1], [0], [0], [1], [0, 0, 1, 1], [], []>, transpose_lhs_hint = false} : vector<2048x64xf32>, vector<64x128xf32>, vector<2048x128xf32> -> vector<2048x128xf32>
    %slice3A_74 = vector.extract_strided_slice %get3A_11 {offsets = [64, 0], sizes = [64, 128], strides = [1, 1]} : vector<192x128xf32> to vector<64x128xf32>
    %dot_general3A_75 = arith.constant dense<0.000000e+00> : vector<2048x128xf32>
    %dot_general3A_76 = tpu.matmul %get3A_60, %slice3A_74, %dot_general3A_75 {dimension_numbers = #tpu.dot_dimension_numbers<[1], [0], [0], [1], [0, 0, 1, 1], [], []>, transpose_lhs_hint = false} : vector<2048x64xf32>, vector<64x128xf32>, vector<2048x128xf32> -> vector<2048x128xf32>
    %add3A_77 = arith.addf %dot_general3A_73, %dot_general3A_76 : vector<2048x128xf32>
    %slice3A_78 = vector.extract_strided_slice %get3A_11 {offsets = [128, 0], sizes = [64, 128], strides = [1, 1]} : vector<192x128xf32> to vector<64x128xf32>
    %dot_general3A_79 = arith.constant dense<0.000000e+00> : vector<2048x128xf32>
    %dot_general3A_80 = tpu.matmul %add3A_70, %slice3A_78, %dot_general3A_79 {dimension_numbers = #tpu.dot_dimension_numbers<[1], [0], [0], [1], [0, 0, 1, 1], [], []>, transpose_lhs_hint = false} : vector<2048x64xf32>, vector<64x128xf32>, vector<2048x128xf32> -> vector<2048x128xf32>
    %add3A_81 = arith.addf %add3A_77, %dot_general3A_80 : vector<2048x128xf32>
    %broadcast_in_dim3A_82 = vector.shape_cast %get3A_13 : vector<128xf32> to vector<1x128xf32>
    %add3A_83 = vector.broadcast %broadcast_in_dim3A_82 : vector<1x128xf32> to vector<2048x128xf32>
    %add3A_84 = arith.addf %add3A_81, %add3A_83 : vector<2048x128xf32>
    %reduce_sum3A = arith.constant dense<0.000000e+00> : vector<2048xf32>
    %reduce_sum3A_85 = vector.multi_reduction <add>, %add3A_84, %reduce_sum3A [1] : vector<2048x128xf32> to vector<2048xf32>
    %broadcast_in_dim3A_86 = vector.shape_cast %reduce_sum3A_85 : vector<2048xf32> to vector<2048x1xf32>
    %div3A = arith.constant 1.280000e+02 : f32
    %div3A_87 = vector.broadcast %div3A : f32 to vector<2048x1xf32>
    %div3A_88 = arith.divf %broadcast_in_dim3A_86, %div3A_87 : vector<2048x1xf32>
    %sub3A = vector.broadcast %div3A_88 : vector<2048x1xf32> to vector<2048x128xf32>
    %sub3A_89 = arith.subf %add3A_84, %sub3A : vector<2048x128xf32>
    %integer_pow3A = arith.mulf %sub3A_89, %sub3A_89 : vector<2048x128xf32>
    %reduce_sum3A_90 = arith.constant dense<0.000000e+00> : vector<2048xf32>
    %reduce_sum3A_91 = vector.multi_reduction <add>, %integer_pow3A, %reduce_sum3A_90 [1] : vector<2048x128xf32> to vector<2048xf32>
    %broadcast_in_dim3A_92 = vector.shape_cast %reduce_sum3A_91 : vector<2048xf32> to vector<2048x1xf32>
    %div3A_93 = arith.constant 1.280000e+02 : f32
    %div3A_94 = vector.broadcast %div3A_93 : f32 to vector<2048x1xf32>
    %div3A_95 = arith.divf %broadcast_in_dim3A_92, %div3A_94 : vector<2048x1xf32>
    %sub3A_96 = vector.broadcast %div3A_88 : vector<2048x1xf32> to vector<2048x128xf32>
    %sub3A_97 = arith.subf %add3A_84, %sub3A_96 : vector<2048x128xf32>
    %add3A_98 = arith.constant 9.99999974E-6 : f32
    %add3A_99 = vector.broadcast %add3A_98 : f32 to vector<2048x1xf32>
    %add3A_100 = arith.addf %div3A_95, %add3A_99 : vector<2048x1xf32>
    %rsqrt3A = math.rsqrt %add3A_100 : vector<2048x1xf32>
    %mul3A = vector.broadcast %rsqrt3A : vector<2048x1xf32> to vector<2048x128xf32>
    %mul3A_101 = arith.mulf %sub3A_97, %mul3A : vector<2048x128xf32>
    %broadcast_in_dim3A_102 = vector.shape_cast %get3A_15 : vector<128xf32> to vector<1x128xf32>
    %mul3A_103 = vector.broadcast %broadcast_in_dim3A_102 : vector<1x128xf32> to vector<2048x128xf32>
    %mul3A_104 = arith.mulf %mul3A_101, %mul3A_103 : vector<2048x128xf32>
    %broadcast_in_dim3A_105 = vector.shape_cast %get3A_17 : vector<128xf32> to vector<1x128xf32>
    %add3A_106 = vector.broadcast %broadcast_in_dim3A_105 : vector<1x128xf32> to vector<2048x128xf32>
    %add3A_107 = arith.addf %mul3A_104, %add3A_106 : vector<2048x128xf32>
    %max3A = arith.constant 0.000000e+00 : f32
    %max3A_108 = vector.broadcast %max3A : f32 to vector<2048x128xf32>
    %max3A_109 = arith.maximumf %add3A_107, %max3A_108 : vector<2048x128xf32>
    %dot_general3A_110 = arith.constant dense<0.000000e+00> : vector<2048x64xf32>
    %dot_general3A_111 = tpu.matmul %max3A_109, %get3A_20, %dot_general3A_110 {dimension_numbers = #tpu.dot_dimension_numbers<[1], [0], [0], [1], [0, 0, 1, 1], [], []>, transpose_lhs_hint = false} : vector<2048x128xf32>, vector<128x64xf32>, vector<2048x64xf32> -> vector<2048x64xf32>
    %broadcast_in_dim3A_112 = vector.shape_cast %get3A_22 : vector<64xf32> to vector<1x64xf32>
    %add3A_113 = vector.broadcast %broadcast_in_dim3A_112 : vector<1x64xf32> to vector<2048x64xf32>
    %add3A_114 = arith.addf %dot_general3A_111, %add3A_113 : vector<2048x64xf32>
    %reduce_sum3A_115 = arith.constant dense<0.000000e+00> : vector<2048xf32>
    %reduce_sum3A_116 = vector.multi_reduction <add>, %add3A_114, %reduce_sum3A_115 [1] : vector<2048x64xf32> to vector<2048xf32>
    %broadcast_in_dim3A_117 = vector.shape_cast %reduce_sum3A_116 : vector<2048xf32> to vector<2048x1xf32>
    %div3A_118 = arith.constant 6.400000e+01 : f32
    %div3A_119 = vector.broadcast %div3A_118 : f32 to vector<2048x1xf32>
    %div3A_120 = arith.divf %broadcast_in_dim3A_117, %div3A_119 : vector<2048x1xf32>
    %sub3A_121 = vector.broadcast %div3A_120 : vector<2048x1xf32> to vector<2048x64xf32>
    %sub3A_122 = arith.subf %add3A_114, %sub3A_121 : vector<2048x64xf32>
    %integer_pow3A_123 = arith.mulf %sub3A_122, %sub3A_122 : vector<2048x64xf32>
    %reduce_sum3A_124 = arith.constant dense<0.000000e+00> : vector<2048xf32>
    %reduce_sum3A_125 = vector.multi_reduction <add>, %integer_pow3A_123, %reduce_sum3A_124 [1] : vector<2048x64xf32> to vector<2048xf32>
    %broadcast_in_dim3A_126 = vector.shape_cast %reduce_sum3A_125 : vector<2048xf32> to vector<2048x1xf32>
    %div3A_127 = arith.constant 6.400000e+01 : f32
    %div3A_128 = vector.broadcast %div3A_127 : f32 to vector<2048x1xf32>
    %div3A_129 = arith.divf %broadcast_in_dim3A_126, %div3A_128 : vector<2048x1xf32>
    %sub3A_130 = vector.broadcast %div3A_120 : vector<2048x1xf32> to vector<2048x64xf32>
    %sub3A_131 = arith.subf %add3A_114, %sub3A_130 : vector<2048x64xf32>
    %add3A_132 = arith.constant 9.99999974E-6 : f32
    %add3A_133 = vector.broadcast %add3A_132 : f32 to vector<2048x1xf32>
    %add3A_134 = arith.addf %div3A_129, %add3A_133 : vector<2048x1xf32>
    %rsqrt3A_135 = math.rsqrt %add3A_134 : vector<2048x1xf32>
    %mul3A_136 = vector.broadcast %rsqrt3A_135 : vector<2048x1xf32> to vector<2048x64xf32>
    %mul3A_137 = arith.mulf %sub3A_131, %mul3A_136 : vector<2048x64xf32>
    %broadcast_in_dim3A_138 = vector.shape_cast %get3A_24 : vector<64xf32> to vector<1x64xf32>
    %mul3A_139 = vector.broadcast %broadcast_in_dim3A_138 : vector<1x64xf32> to vector<2048x64xf32>
    %mul3A_140 = arith.mulf %mul3A_137, %mul3A_139 : vector<2048x64xf32>
    %broadcast_in_dim3A_141 = vector.shape_cast %get3A_26 : vector<64xf32> to vector<1x64xf32>
    %add3A_142 = vector.broadcast %broadcast_in_dim3A_141 : vector<1x64xf32> to vector<2048x64xf32>
    %add3A_143 = arith.addf %mul3A_140, %add3A_142 : vector<2048x64xf32>
    %slice3A_144 = vector.extract_strided_slice %get3A_29 {offsets = [0, 0], sizes = [64, 128], strides = [1, 1]} : vector<128x128xf32> to vector<64x128xf32>
    %dot_general3A_145 = arith.constant dense<0.000000e+00> : vector<2048x128xf32>
    %dot_general3A_146 = tpu.matmul %add3A_143, %slice3A_144, %dot_general3A_145 {dimension_numbers = #tpu.dot_dimension_numbers<[1], [0], [0], [1], [0, 0, 1, 1], [], []>, transpose_lhs_hint = false} : vector<2048x64xf32>, vector<64x128xf32>, vector<2048x128xf32> -> vector<2048x128xf32>
    %slice3A_147 = vector.extract_strided_slice %get3A_29 {offsets = [64, 0], sizes = [64, 128], strides = [1, 1]} : vector<128x128xf32> to vector<64x128xf32>
    %dot_general3A_148 = arith.constant dense<0.000000e+00> : vector<2048x128xf32>
    %dot_general3A_149 = tpu.matmul %get3A_60, %slice3A_147, %dot_general3A_148 {dimension_numbers = #tpu.dot_dimension_numbers<[1], [0], [0], [1], [0, 0, 1, 1], [], []>, transpose_lhs_hint = false} : vector<2048x64xf32>, vector<64x128xf32>, vector<2048x128xf32> -> vector<2048x128xf32>
    %add3A_150 = arith.addf %dot_general3A_146, %dot_general3A_149 : vector<2048x128xf32>
    %broadcast_in_dim3A_151 = vector.shape_cast %get3A_31 : vector<128xf32> to vector<1x128xf32>
    %add3A_152 = vector.broadcast %broadcast_in_dim3A_151 : vector<1x128xf32> to vector<2048x128xf32>
    %add3A_153 = arith.addf %add3A_150, %add3A_152 : vector<2048x128xf32>
    %reduce_sum3A_154 = arith.constant dense<0.000000e+00> : vector<2048xf32>
    %reduce_sum3A_155 = vector.multi_reduction <add>, %add3A_153, %reduce_sum3A_154 [1] : vector<2048x128xf32> to vector<2048xf32>
    %broadcast_in_dim3A_156 = vector.shape_cast %reduce_sum3A_155 : vector<2048xf32> to vector<2048x1xf32>
    %div3A_157 = arith.constant 1.280000e+02 : f32
    %div3A_158 = vector.broadcast %div3A_157 : f32 to vector<2048x1xf32>
    %div3A_159 = arith.divf %broadcast_in_dim3A_156, %div3A_158 : vector<2048x1xf32>
    %sub3A_160 = vector.broadcast %div3A_159 : vector<2048x1xf32> to vector<2048x128xf32>
    %sub3A_161 = arith.subf %add3A_153, %sub3A_160 : vector<2048x128xf32>
    %integer_pow3A_162 = arith.mulf %sub3A_161, %sub3A_161 : vector<2048x128xf32>
    %reduce_sum3A_163 = arith.constant dense<0.000000e+00> : vector<2048xf32>
    %reduce_sum3A_164 = vector.multi_reduction <add>, %integer_pow3A_162, %reduce_sum3A_163 [1] : vector<2048x128xf32> to vector<2048xf32>
    %broadcast_in_dim3A_165 = vector.shape_cast %reduce_sum3A_164 : vector<2048xf32> to vector<2048x1xf32>
    %div3A_166 = arith.constant 1.280000e+02 : f32
    %div3A_167 = vector.broadcast %div3A_166 : f32 to vector<2048x1xf32>
    %div3A_168 = arith.divf %broadcast_in_dim3A_165, %div3A_167 : vector<2048x1xf32>
    %sub3A_169 = vector.broadcast %div3A_159 : vector<2048x1xf32> to vector<2048x128xf32>
    %sub3A_170 = arith.subf %add3A_153, %sub3A_169 : vector<2048x128xf32>
    %add3A_171 = arith.constant 9.99999974E-6 : f32
    %add3A_172 = vector.broadcast %add3A_171 : f32 to vector<2048x1xf32>
    %add3A_173 = arith.addf %div3A_168, %add3A_172 : vector<2048x1xf32>
    %rsqrt3A_174 = math.rsqrt %add3A_173 : vector<2048x1xf32>
    %mul3A_175 = vector.broadcast %rsqrt3A_174 : vector<2048x1xf32> to vector<2048x128xf32>
    %mul3A_176 = arith.mulf %sub3A_170, %mul3A_175 : vector<2048x128xf32>
    %broadcast_in_dim3A_177 = vector.shape_cast %get3A_33 : vector<128xf32> to vector<1x128xf32>
    %mul3A_178 = vector.broadcast %broadcast_in_dim3A_177 : vector<1x128xf32> to vector<2048x128xf32>
    %mul3A_179 = arith.mulf %mul3A_176, %mul3A_178 : vector<2048x128xf32>
    %broadcast_in_dim3A_180 = vector.shape_cast %get3A_35 : vector<128xf32> to vector<1x128xf32>
    %add3A_181 = vector.broadcast %broadcast_in_dim3A_180 : vector<1x128xf32> to vector<2048x128xf32>
    %add3A_182 = arith.addf %mul3A_179, %add3A_181 : vector<2048x128xf32>
    %max3A_183 = arith.constant 0.000000e+00 : f32
    %max3A_184 = vector.broadcast %max3A_183 : f32 to vector<2048x128xf32>
    %max3A_185 = arith.maximumf %add3A_182, %max3A_184 : vector<2048x128xf32>
    %dot_general3A_186 = arith.constant dense<0.000000e+00> : vector<2048x64xf32>
    %dot_general3A_187 = tpu.matmul %max3A_185, %get3A_38, %dot_general3A_186 {dimension_numbers = #tpu.dot_dimension_numbers<[1], [0], [0], [1], [0, 0, 1, 1], [], []>, transpose_lhs_hint = false} : vector<2048x128xf32>, vector<128x64xf32>, vector<2048x64xf32> -> vector<2048x64xf32>
    %broadcast_in_dim3A_188 = vector.shape_cast %get3A_40 : vector<64xf32> to vector<1x64xf32>
    %add3A_189 = vector.broadcast %broadcast_in_dim3A_188 : vector<1x64xf32> to vector<2048x64xf32>
    %add3A_190 = arith.addf %dot_general3A_187, %add3A_189 : vector<2048x64xf32>
    %reduce_sum3A_191 = arith.constant dense<0.000000e+00> : vector<2048xf32>
    %reduce_sum3A_192 = vector.multi_reduction <add>, %add3A_190, %reduce_sum3A_191 [1] : vector<2048x64xf32> to vector<2048xf32>
    %broadcast_in_dim3A_193 = vector.shape_cast %reduce_sum3A_192 : vector<2048xf32> to vector<2048x1xf32>
    %div3A_194 = arith.constant 6.400000e+01 : f32
    %div3A_195 = vector.broadcast %div3A_194 : f32 to vector<2048x1xf32>
    %div3A_196 = arith.divf %broadcast_in_dim3A_193, %div3A_195 : vector<2048x1xf32>
    %sub3A_197 = vector.broadcast %div3A_196 : vector<2048x1xf32> to vector<2048x64xf32>
    %sub3A_198 = arith.subf %add3A_190, %sub3A_197 : vector<2048x64xf32>
    %integer_pow3A_199 = arith.mulf %sub3A_198, %sub3A_198 : vector<2048x64xf32>
    %reduce_sum3A_200 = arith.constant dense<0.000000e+00> : vector<2048xf32>
    %reduce_sum3A_201 = vector.multi_reduction <add>, %integer_pow3A_199, %reduce_sum3A_200 [1] : vector<2048x64xf32> to vector<2048xf32>
    %broadcast_in_dim3A_202 = vector.shape_cast %reduce_sum3A_201 : vector<2048xf32> to vector<2048x1xf32>
    %div3A_203 = arith.constant 6.400000e+01 : f32
    %div3A_204 = vector.broadcast %div3A_203 : f32 to vector<2048x1xf32>
    %div3A_205 = arith.divf %broadcast_in_dim3A_202, %div3A_204 : vector<2048x1xf32>
    %sub3A_206 = vector.broadcast %div3A_196 : vector<2048x1xf32> to vector<2048x64xf32>
    %sub3A_207 = arith.subf %add3A_190, %sub3A_206 : vector<2048x64xf32>
    %add3A_208 = arith.constant 9.99999974E-6 : f32
    %add3A_209 = vector.broadcast %add3A_208 : f32 to vector<2048x1xf32>
    %add3A_210 = arith.addf %div3A_205, %add3A_209 : vector<2048x1xf32>
    %rsqrt3A_211 = math.rsqrt %add3A_210 : vector<2048x1xf32>
    %mul3A_212 = vector.broadcast %rsqrt3A_211 : vector<2048x1xf32> to vector<2048x64xf32>
    %mul3A_213 = arith.mulf %sub3A_207, %mul3A_212 : vector<2048x64xf32>
    %broadcast_in_dim3A_214 = vector.shape_cast %get3A_42 : vector<64xf32> to vector<1x64xf32>
    %mul3A_215 = vector.broadcast %broadcast_in_dim3A_214 : vector<1x64xf32> to vector<2048x64xf32>
    %mul3A_216 = arith.mulf %mul3A_213, %mul3A_215 : vector<2048x64xf32>
    %broadcast_in_dim3A_217 = vector.shape_cast %get3A_44 : vector<64xf32> to vector<1x64xf32>
    %add3A_218 = vector.broadcast %broadcast_in_dim3A_217 : vector<1x64xf32> to vector<2048x64xf32>
    %add3A_219 = arith.addf %mul3A_216, %add3A_218 : vector<2048x64xf32>
    %max3A_220 = arith.constant 0.000000e+00 : f32
    %max3A_221 = vector.broadcast %max3A_220 : f32 to vector<2048x64xf32>
    %max3A_222 = arith.maximumf %add3A_219, %max3A_221 : vector<2048x64xf32>
    %dot_general3A_223 = arith.constant dense<0.000000e+00> : vector<2048x32xf32>
    %dot_general3A_224 = tpu.matmul %max3A_222, %get3A_47, %dot_general3A_223 {dimension_numbers = #tpu.dot_dimension_numbers<[1], [0], [0], [1], [0, 0, 1, 1], [], []>, transpose_lhs_hint = false} : vector<2048x64xf32>, vector<64x32xf32>, vector<2048x32xf32> -> vector<2048x32xf32>
    %broadcast_in_dim3A_225 = vector.shape_cast %get3A_49 : vector<32xf32> to vector<1x32xf32>
    %add3A_226 = vector.broadcast %broadcast_in_dim3A_225 : vector<1x32xf32> to vector<2048x32xf32>
    %add3A_227 = arith.addf %dot_general3A_224, %add3A_226 : vector<2048x32xf32>
    %reduce_sum3A_228 = arith.constant dense<0.000000e+00> : vector<2048xf32>
    %reduce_sum3A_229 = vector.multi_reduction <add>, %add3A_227, %reduce_sum3A_228 [1] : vector<2048x32xf32> to vector<2048xf32>
    %broadcast_in_dim3A_230 = vector.shape_cast %reduce_sum3A_229 : vector<2048xf32> to vector<2048x1xf32>
    %div3A_231 = arith.constant 3.200000e+01 : f32
    %div3A_232 = vector.broadcast %div3A_231 : f32 to vector<2048x1xf32>
    %div3A_233 = arith.divf %broadcast_in_dim3A_230, %div3A_232 : vector<2048x1xf32>
    %sub3A_234 = vector.broadcast %div3A_233 : vector<2048x1xf32> to vector<2048x32xf32>
    %sub3A_235 = arith.subf %add3A_227, %sub3A_234 : vector<2048x32xf32>
    %integer_pow3A_236 = arith.mulf %sub3A_235, %sub3A_235 : vector<2048x32xf32>
    %reduce_sum3A_237 = arith.constant dense<0.000000e+00> : vector<2048xf32>
    %reduce_sum3A_238 = vector.multi_reduction <add>, %integer_pow3A_236, %reduce_sum3A_237 [1] : vector<2048x32xf32> to vector<2048xf32>
    %broadcast_in_dim3A_239 = vector.shape_cast %reduce_sum3A_238 : vector<2048xf32> to vector<2048x1xf32>
    %div3A_240 = arith.constant 3.200000e+01 : f32
    %div3A_241 = vector.broadcast %div3A_240 : f32 to vector<2048x1xf32>
    %div3A_242 = arith.divf %broadcast_in_dim3A_239, %div3A_241 : vector<2048x1xf32>
    %sub3A_243 = vector.broadcast %div3A_233 : vector<2048x1xf32> to vector<2048x32xf32>
    %sub3A_244 = arith.subf %add3A_227, %sub3A_243 : vector<2048x32xf32>
    %add3A_245 = arith.constant 9.99999974E-6 : f32
    %add3A_246 = vector.broadcast %add3A_245 : f32 to vector<2048x1xf32>
    %add3A_247 = arith.addf %div3A_242, %add3A_246 : vector<2048x1xf32>
    %rsqrt3A_248 = math.rsqrt %add3A_247 : vector<2048x1xf32>
    %mul3A_249 = vector.broadcast %rsqrt3A_248 : vector<2048x1xf32> to vector<2048x32xf32>
    %mul3A_250 = arith.mulf %sub3A_244, %mul3A_249 : vector<2048x32xf32>
    %broadcast_in_dim3A_251 = vector.shape_cast %get3A_51 : vector<32xf32> to vector<1x32xf32>
    %mul3A_252 = vector.broadcast %broadcast_in_dim3A_251 : vector<1x32xf32> to vector<2048x32xf32>
    %mul3A_253 = arith.mulf %mul3A_250, %mul3A_252 : vector<2048x32xf32>
    %broadcast_in_dim3A_254 = vector.shape_cast %get3A_53 : vector<32xf32> to vector<1x32xf32>
    %add3A_255 = vector.broadcast %broadcast_in_dim3A_254 : vector<1x32xf32> to vector<2048x32xf32>
    %add3A_256 = arith.addf %mul3A_253, %add3A_255 : vector<2048x32xf32>
    %max3A_257 = arith.constant 0.000000e+00 : f32
    %max3A_258 = vector.broadcast %max3A_257 : f32 to vector<2048x32xf32>
    %max3A_259 = arith.maximumf %add3A_256, %max3A_258 : vector<2048x32xf32>
    %broadcast_in_dim3A_260 = vector.shape_cast %get3A_55 : vector<32xf32> to vector<1x32xf32>
    %mul3A_261 = vector.broadcast %broadcast_in_dim3A_260 : vector<1x32xf32> to vector<2048x32xf32>
    %mul3A_262 = arith.mulf %max3A_259, %mul3A_261 : vector<2048x32xf32>
    %reduce_sum3A_263 = arith.constant dense<0.000000e+00> : vector<2048xf32>
    %reduce_sum3A_264 = vector.multi_reduction <add>, %mul3A_262, %reduce_sum3A_263 [1] : vector<2048x32xf32> to vector<2048xf32>
    %squeeze3A = vector.extract %get3A_57[0] : f32 from vector<1xf32>
    %add3A_265 = vector.broadcast %squeeze3A : f32 to vector<2048xf32>
    %add3A_266 = arith.addf %reduce_sum3A_264, %add3A_265 : vector<2048xf32>
    %neg3A = arith.constant 0.000000e+00 : f32
    %neg3A_267 = vector.broadcast %neg3A : f32 to vector<2048xf32>
    %neg3A_268 = arith.subf %neg3A_267, %add3A_266 : vector<2048xf32>
    %exp3A = math.exp %neg3A_268 : vector<2048xf32>
    %add3A_269 = arith.constant 1.000000e+00 : f32
    %add3A_270 = vector.broadcast %add3A_269 : f32 to vector<2048xf32>
    %add3A_271 = arith.addf %add3A_270, %exp3A : vector<2048xf32>
    %div3A_272 = arith.constant 1.000000e+00 : f32
    %div3A_273 = vector.broadcast %div3A_272 : f32 to vector<2048xf32>
    %div3A_274 = arith.divf %div3A_273, %add3A_271 : vector<2048xf32>
    %swap3A = arith.constant 0 : index
    %swap3A_275 = vector.load %arg29[%swap3A] : memref<2048xf32, #tpu.memory_space<vmem>>, vector<2048xf32>
    tpu.vector_store %arg29[%swap3A], %div3A_274 {strides = array<i32>} : memref<2048xf32, #tpu.memory_space<vmem>>, vector<2048xf32>,
    return
  }
  func.func @transform_0(%arg0: i32) -> (i32, i32) {
    %c0_i32 = arith.constant 0 : i32
    %c0_i32_0 = arith.constant 0 : i32
    return %arg0, %c0_i32 : i32, i32
  }
  func.func @transform_1(%arg0: i32) -> (i32, i32) {
    %c0_i32 = arith.constant 0 : i32
    %c0_i32_0 = arith.constant 0 : i32
    return %arg0, %c0_i32 : i32, i32
  }
  func.func @transform_2(%arg0: i32) -> (i32, i32) {
    %c0_i32 = arith.constant 0 : i32
    %c0_i32_0 = arith.constant 0 : i32
    %c0_i32_1 = arith.constant 0 : i32
    return %c0_i32, %c0_i32_0 : i32, i32
  }
  func.func @transform_3(%arg0: i32) -> i32 {
    %c0_i32 = arith.constant 0 : i32
    %c0_i32_0 = arith.constant 0 : i32
    return %c0_i32 : i32
  }
  func.func @transform_4(%arg0: i32) -> (i32, i32) {
    %c0_i32 = arith.constant 0 : i32
    %c0_i32_0 = arith.constant 0 : i32
    %c0_i32_1 = arith.constant 0 : i32
    return %c0_i32, %c0_i32_0 : i32, i32
  }
  func.func @transform_5(%arg0: i32) -> i32 {
    %c0_i32 = arith.constant 0 : i32
    %c0_i32_0 = arith.constant 0 : i32
    return %c0_i32 : i32
  }
  func.func @transform_6(%arg0: i32) -> (i32, i32) {
    %c0_i32 = arith.constant 0 : i32
    %c0_i32_0 = arith.constant 0 : i32
    %c0_i32_1 = arith.constant 0 : i32
    return %c0_i32, %c0_i32_0 : i32, i32
  }
  func.func @transform_7(%arg0: i32) -> i32 {
    %c0_i32 = arith.constant 0 : i32
    %c0_i32_0 = arith.constant 0 : i32
    return %c0_i32 : i32
  }
  func.func @transform_8(%arg0: i32) -> i32 {
    %c0_i32 = arith.constant 0 : i32
    %c0_i32_0 = arith.constant 0 : i32
    return %c0_i32 : i32
  }
  func.func @transform_9(%arg0: i32) -> i32 {
    %c0_i32 = arith.constant 0 : i32
    %c0_i32_0 = arith.constant 0 : i32
    return %c0_i32 : i32
  }
  func.func @transform_10(%arg0: i32) -> (i32, i32) {
    %c0_i32 = arith.constant 0 : i32
    %c0_i32_0 = arith.constant 0 : i32
    %c0_i32_1 = arith.constant 0 : i32
    return %c0_i32, %c0_i32_0 : i32, i32
  }
  func.func @transform_11(%arg0: i32) -> i32 {
    %c0_i32 = arith.constant 0 : i32
    %c0_i32_0 = arith.constant 0 : i32
    return %c0_i32 : i32
  }
  func.func @transform_12(%arg0: i32) -> i32 {
    %c0_i32 = arith.constant 0 : i32
    %c0_i32_0 = arith.constant 0 : i32
    return %c0_i32 : i32
  }
  func.func @transform_13(%arg0: i32) -> i32 {
    %c0_i32 = arith.constant 0 : i32
    %c0_i32_0 = arith.constant 0 : i32
    return %c0_i32 : i32
  }
  func.func @transform_14(%arg0: i32) -> (i32, i32) {
    %c0_i32 = arith.constant 0 : i32
    %c0_i32_0 = arith.constant 0 : i32
    %c0_i32_1 = arith.constant 0 : i32
    return %c0_i32, %c0_i32_0 : i32, i32
  }
  func.func @transform_15(%arg0: i32) -> i32 {
    %c0_i32 = arith.constant 0 : i32
    %c0_i32_0 = arith.constant 0 : i32
    return %c0_i32 : i32
  }
  func.func @transform_16(%arg0: i32) -> i32 {
    %c0_i32 = arith.constant 0 : i32
    %c0_i32_0 = arith.constant 0 : i32
    return %c0_i32 : i32
  }
  func.func @transform_17(%arg0: i32) -> i32 {
    %c0_i32 = arith.constant 0 : i32
    %c0_i32_0 = arith.constant 0 : i32
    return %c0_i32 : i32
  }
  func.func @transform_18(%arg0: i32) -> (i32, i32) {
    %c0_i32 = arith.constant 0 : i32
    %c0_i32_0 = arith.constant 0 : i32
    %c0_i32_1 = arith.constant 0 : i32
    return %c0_i32, %c0_i32_0 : i32, i32
  }
  func.func @transform_19(%arg0: i32) -> i32 {
    %c0_i32 = arith.constant 0 : i32
    %c0_i32_0 = arith.constant 0 : i32
    return %c0_i32 : i32
  }
  func.func @transform_20(%arg0: i32) -> i32 {
    %c0_i32 = arith.constant 0 : i32
    %c0_i32_0 = arith.constant 0 : i32
    return %c0_i32 : i32
  }
  func.func @transform_21(%arg0: i32) -> i32 {
    %c0_i32 = arith.constant 0 : i32
    %c0_i32_0 = arith.constant 0 : i32
    return %c0_i32 : i32
  }
  func.func @transform_22(%arg0: i32) -> (i32, i32) {
    %c0_i32 = arith.constant 0 : i32
    %c0_i32_0 = arith.constant 0 : i32
    %c0_i32_1 = arith.constant 0 : i32
    return %c0_i32, %c0_i32_0 : i32, i32
  }
  func.func @transform_23(%arg0: i32) -> i32 {
    %c0_i32 = arith.constant 0 : i32
    %c0_i32_0 = arith.constant 0 : i32
    return %c0_i32 : i32
  }
  func.func @transform_24(%arg0: i32) -> i32 {
    %c0_i32 = arith.constant 0 : i32
    %c0_i32_0 = arith.constant 0 : i32
    return %c0_i32 : i32
  }
  func.func @transform_25(%arg0: i32) -> i32 {
    %c0_i32 = arith.constant 0 : i32
    %c0_i32_0 = arith.constant 0 : i32
    return %c0_i32 : i32
  }
  func.func @transform_26(%arg0: i32) -> i32 {
    %c0_i32 = arith.constant 0 : i32
    %c0_i32_0 = arith.constant 0 : i32
    return %c0_i32 : i32
  }
  func.func @transform_27(%arg0: i32) -> i32 {
    %c0_i32 = arith.constant 0 : i32
    %c0_i32_0 = arith.constant 0 : i32
    return %c0_i32 : i32
  }
  func.func @transform_28(%arg0: i32) -> i32 {
    %c0_i32 = arith.constant 0 : i32
    return %arg0 : i32
  }
}

</mosaic_0001>

<sc_bundles>
// kernel: kernel.11.cloned.1.call-start
scs
__scs_entry_jumppad:
0x0: {  	(pc) =	sbr.rel $0x88, $3  }
0x1: {  	(tag) =	ssettag $0x0;
	lr =	simm.s32 $0x1  }
0x2: {  	[smem:$0x3F7B] =	sst lr;
	_ =	strace $0xD0000000  }
0x3: {  	_ = 	snop  }
0x4: {  	_ = 	snop  }
0x5: {  	_ = 	snop  }
0x6: {  	_ = 	snop  }
0x7: {  	_ = 	snop  }
__scs_overlays_trampoline_lowered:
0x8: {  	[smem:$0x3F8A] =	sst s0  }
0x9: {  	[smem:$0x3F8B] =	sst s1  }
0xa: {  	[smem:$0x3F8C] =	sst s2  }
0xb: {  	[smem:$0x3F8D] =	sst s3  }
0xc: {  	[smem:$0x3F8E] =	sst s4  }
0xd: {  	[smem:$0x3F8F] =	sst s5  }
0xe: {  	[smem:$0x3F90] =	sst s6  }
0xf: {  	[smem:$0x3F91] =	sst s7  }
0x10: {  	[smem:$0x3F92] =	sst s8  }
0x11: {  	[smem:$0x3F93] =	sst s9;
	s0 =	simm.s32 @!p0 $0x0  }
0x12: {  	s1 =	sld [smem:$0x3F79];
	s0 =	simm.s32 @p0 $0x1  }
0x13: {  	[smem:$0x3F94] =	sst s0;
	s0 =	simm.s32 @!p1 $0x0  }
0x14: {  	s2 =	sld [smem:$0x3F78];
	s0 =	simm.s32 @p1 $0x1  }
0x15: {  	[smem:$0x3F95] =	sst s0;
	s0 =	simm.s32 @!p2 $0x0  }
0x16: {  	s3 =	sld [smem:$0x3FDB];
	s0 =	simm.s32 @p2 $0x1  }
0x17: {  	s4 =	simm.s32 $0x1BF5;
	[smem:$0x3F97] =	sst s0  }
0x18: {  	s0 =	sld [smem:$0x3F7A];
	_ =	swait.ge [sflag:s4], $0x0  }
0x19: {  	s7 =	sld [smem:$0x3F7B]  }
0x1a: {  	s8 =	sadd.s32 $0xFFFFE003, lr  }
0x1b: {  	s9 =	sadd.s32 $0xFFFFFEF7, lr;
	s5 =	simm.s32 $0xFFFFFFFF;
	p2 =	slt.u32 s8, $0xFFFFF086  }
0x1c: {  	p1 =	slt.u32 s9, $0xF7A;
	s5 =	simm.s32 @!p2 $0x0  }
0x1d: {  	s5 =	simm.s32 @p1 $0x1;
	p0 =	seq.s32 s7, s2  }
0x1e: {  	s7 =	smul.u32 @!p0 $0xF7A, s2;
	p2 =	seq.s32 @!p0 s5, $0x0  }
0x1f: {  	s9 =	smul.u32 $0xF7A, s1;
	s8 =	simm.s32 @!p0 $0x1BF5;
	p2 =	por !p2, p0  }
0x20: {  	[sflag:s8] =	ssyncset.s32 @!p0 $0xFFFFF086;
	s6 =	sadd.s32 @!p0 s3, s7;
	s7 =	simm.s32 @!p0 $0x108  }
0x21: {  	s3 =	sadd.s32 s3, s9;
	s6 =	sadd.s32 @!p0 $0x88, s6;
	s7 =	simm.s32 @p2 $0x1082  }
0x22: {  	[simem:s7], [sflag:s8] =	dma.local @!p0 [hbm:s6], $0xF7A  }
0x23: {  	s9 =	sor.u32 $0xD0000000, s2;
	s6 =	simm.s32 $0x108;
	_ =	swait.ge @!p0 [sflag:s8], $0x0  }
0x24: {  	s3 =	sadd.s32 $0x88, s3;
	s6 =	simm.s32 @!p1 $0x1082;
	[sflag:s4] =	ssyncset.s32 $0xFFFFF086  }
0x25: {  	[simem:s6], [sflag:s4] =	dma.local [hbm:s3], $0xF7A  }
0x26: {  	[smem:$0x3F7B] =	sst s1;
	(tag) =	ssettag s2;
	_ =	strace s9  }
0x27: {  	s1 =	sld [smem:$0x3F8B]  }
0x28: {  	s2 =	sld [smem:$0x3F8C]  }
0x29: {  	s4 =	sld [smem:$0x3F8E]  }
0x2a: {  	p0 =	seq.s32 s5, $0x0;
	s5 =	sld [smem:$0x3F8F]  }
0x2b: {  	s6 =	sld [smem:$0x3F90]  }
0x2c: {  	s7 =	sld [smem:$0x3F91]  }
0x2d: {  	s3 =	simm.s32 $0x108;
	s8 =	sld [smem:$0x3F92]  }
0x2e: {  	s3 =	simm.s32 @!p0 $0x1082;
	s9 =	sld [smem:$0x3F93]  }
0x2f: {  	lr =	sadd.s32 s0, s3;
	s0 =	sld [smem:$0x3F8A]  }
0x30: {  	s3 =	sld [smem:$0x3F8D]  }
0x31: {  	[smem:$0x3F96] =	sst s10  }
0x32: {  	s10 =	sld [smem:$0x3F94];
	_ =	sdelay $0x3  }
0x33: {  	p0 =	seq.s32 s10, $0x1;
	s10 =	sld [smem:$0x3F96];
	_ =	sdelay $0x3  }
0x34: {  	[smem:$0x3F96] =	sst s10  }
0x35: {  	s10 =	sld [smem:$0x3F95];
	_ =	sdelay $0x3  }
0x36: {  	p1 =	seq.s32 s10, $0x1;
	s10 =	sld [smem:$0x3F96];
	_ =	sdelay $0x3  }
0x37: {  	[smem:$0x3F96] =	sst s10  }
0x38: {  	s10 =	sld [smem:$0x3F97]  }
0x39: {  	_ = 	snop;
	(pc) =	sbr.ind lr, $3  }
0x3a: {  	_ = 	snop  }
0x3b: {  	_ = 	snop  }
0x3c: {  	p2 =	seq.s32 s10, $0x1;
	s10 =	sld [smem:$0x3F96]  }
0x3d: {  	_ =	shalt  }
0x3e: {  	_ =	shalt  }
0x3f: {  	_ =	shalt  }
0x40: {  	_ =	shalt  }
0x41: {  	_ =	shalt  }
0x42: {  	_ =	shalt  }
0x43: {  	_ =	shalt  }
0x44: {  	_ =	shalt  }
0x45: {  	_ =	shalt  }
0x46: {  	_ =	shalt  }
0x47: {  	_ =	shalt  }
0x48: {  	_ =	shalt  }
0x49: {  	_ =	shalt  }
0x4a: {  	_ =	shalt  }
0x4b: {  	_ =	shalt  }
0x4c: {  	_ =	shalt  }
0x4d: {  	_ =	shalt  }
0x4e: {  	_ =	shalt  }
0x4f: {  	_ =	shalt  }
0x50: {  	_ =	shalt  }
0x51: {  	_ =	shalt  }
0x52: {  	_ =	shalt  }
0x53: {  	_ =	shalt  }
0x54: {  	_ =	shalt  }
0x55: {  	_ =	shalt  }
0x56: {  	_ =	shalt  }
0x57: {  	_ =	shalt  }
0x58: {  	_ =	shalt  }
0x59: {  	_ =	shalt  }
0x5a: {  	_ =	shalt  }
0x5b: {  	_ =	shalt  }
0x5c: {  	_ =	shalt  }
0x5d: {  	_ =	shalt  }
0x5e: {  	_ =	shalt  }
0x5f: {  	_ =	shalt  }
0x60: {  	_ =	shalt  }
0x61: {  	_ =	shalt  }
0x62: {  	_ =	shalt  }
0x63: {  	_ =	shalt  }
0x64: {  	_ =	shalt  }
0x65: {  	_ =	shalt  }
0x66: {  	_ =	shalt  }
0x67: {  	_ =	shalt  }
0x68: {  	_ =	shalt  }
0x69: {  	_ =	shalt  }
0x6a: {  	_ =	shalt  }
0x6b: {  	_ =	shalt  }
0x6c: {  	_ =	shalt  }
0x6d: {  	_ =	shalt  }
0x6e: {  	_ =	shalt  }
0x6f: {  	_ =	shalt  }
0x70: {  	_ =	shalt  }
0x71: {  	_ =	shalt  }
0x72: {  	_ =	shalt  }
0x73: {  	_ =	shalt  }
0x74: {  	_ =	shalt  }
0x75: {  	_ =	shalt  }
0x76: {  	_ =	shalt  }
0x77: {  	_ =	shalt  }
0x78: {  	_ =	shalt  }
0x79: {  	_ =	shalt  }
0x7a: {  	_ =	shalt  }
0x7b: {  	_ =	shalt  }
0x7c: {  	_ =	shalt  }
0x7d: {  	_ =	shalt  }
0x7e: {  	_ =	shalt  }
0x7f: {  	_ =	shalt  }
0x80: {  	_ =	shalt  }
0x81: {  	_ =	shalt  }
0x82: {  	_ =	shalt  }
0x83: {  	_ =	shalt  }
0x84: {  	_ =	shalt  }
0x85: {  	_ =	shalt  }
0x86: {  	_ =	shalt  }
0x87: {  	_ =	shalt  }
.Lfunc_end0:
.L_simem_size_0:
called_computation_lowered:
.L_overlay_start_0:
0x88: {  	s2 =	sld [smem:$0x3FD9]  }
0x89: {  	s3 =	sld [smem:$0x3FFE];
	_ =	sdelay $0x1  }
0x8a: {  	s1 =	srdreg.scid  }
0x8b: {  	s0 =	sand.u32 $0x1, s1  }
0x8c: {  	s16 =	sshll.u32 s0, $0xA;
	s2 =	sadd.s32 s3, s2  }
0x8d: {  	s2 =	sadd.s32 s2, s16  }
0x8e: {  	[smem:$0x3FA2] =	sst s2  }
0x8f: {  	_ = 	snop  }
0x90: {  	(tm) =	ssettm $0x1  }
0x91: {  	s17 =	sld [smem:$0x3FFB];
	_ =	sdelay $0x3  }
0x92: {  	_ =	strace s17  }
0x93: {  	s2 =	sld [smem:$0x3FFC];
	_ =	sdelay $0x3  }
0x94: {  	_ =	strace s2  }
0x95: {  	s2 =	sld [smem:$0x3FFD];
	_ =	sdelay $0x3  }
0x96: {  	_ =	strace s2  }
0x97: {  	_ =	strace $0x8FFFFFFF  }
0x98: {  	s18 =	sld [smem:$0x3FDB];
	_ =	sdelay $0x1  }
0x99: {  	s19 =	simm.s32 $_scs_section_size  }
0x9a: {  	s4 =	simm.s32 $_size__tile_overlayer_lowered;
	s5 =	simm.s32 $_tile_overlayer_lowered  }
0x9b: {  	s22 =	simm.s32 $0x1BFF;
	s21 =	sshll.u32 s5, $0x1;
	s2 =	sadd.s32 s19, s18  }
0x9c: {  	s6 =	simm.s32 $0x0;
	s20 =	sshll.u32 s4, $0x1;
	s4 =	sadd.s32 s21, s2  }
0x9d: {  	[timem:s6], [sflag:s22] =	dma.local [hbm:s4], s20  }
0x9e: {  	_ =	swait.ge [sflag:s22], s20  }
0x9f: {  	s3 =	ssub.s32 $0x0, s20;
	[sflag:s22] =	ssyncset.done $0x0  }
0xa0: {  	[sflag:s22] =	ssyncadd.s32 s3;
	_ =	sdelay $0x1  }
0xa1: {  	s23 =	simm.s32 $0x1B8B  }
0xa2: {  	_ =	swait.ge [sflag:s23], $0x1  }
0xa3: {  	[sflag:s23] =	ssyncset.done $0x0  }
0xa4: {  	s25 =	simm.s32 $0x1B8E;
	s24 =	sld [smem:$0x3FFE];
	[sflag:s23] =	ssyncadd.s32 $0xFFFFFFFF  }
0xa5: {  	s26 =	simm.s32 $execute0_lowered;
	[smem:$0x3FD2] =	sst s25  }
0xa6: {  	s4 =	sshll.u32 s26, $0x1;
	_ =	strace $0x80000046;
	[dreg:$0x1] =	wrdreg $0xFFFFFFFF  }
0xa7: {  	s28 =	simm.s32 $_size_execute0_lowered;
	s2 =	sadd.s32 s2, s4;
	[dreg:$0x0] =	wrdreg $0x0  }
0xa8: {  	s4 =	sshll.u32 s28, $0x1;
	[dreg:$0x2] =	wrdreg s2  }
0xa9: {  	[dreg:$0x3] =	wrdreg s4  }
0xaa: {  	[dreg:$0x4] =	wrdreg $0xC0  }
0xab: {  	_ =	task [dreg:s6], $0x5FFFF  }
0xac: {  	[dreg:$0x1] =	wrdreg $0xFFFFFFFF  }
0xad: {  	[dreg:$0x0] =	wrdreg $0x60  }
0xae: {  	[dreg:$0x2] =	wrdreg s24  }
0xaf: {  	[dreg:$0x3] =	wrdreg $0x0  }
0xb0: {  	[dreg:$0x4] =	wrdreg $0x9  }
0xb1: {  	_ =	task.clear_ibuf [dreg:s6], $0x5FFFF;
	_ =	strace $0x90000046  }
0xb2: {  	s29 =	simm.s32 $0x9;
	_ =	strace $0x80000048  }
0xb3: {  	_ =	swait.ge [sflag:s29], $0x1  }
0xb4: {  	[sflag:s29] =	ssyncadd.s32 $0xFFFFFFFF  }
0xb5: {  	_ =	strace $0x90000048  }
0xb6: {  	_ =	sfence  }
0xb7: {  	s30 =	sld [smem:$0x0];
	_ =	sdelay $0x2  }
0xb8: {  	s31 =	sshll.u32 s1, $0xD;
	s1 =	sshrl.u32 s1, $0x2  }
0xb9: {  	s3 =	sand.u32 $0x4000, s31;
	s1 =	sadd.s32 s1, s30  }
0xba: {  	s0 =	sor.u32 s3, s0;
	s1 =	sshll.u32 s1, $0x11  }
0xbb: {  	s0 =	sor.u32 s1, s0  }
0xbc: {  	s0 =	sadd.s32 $0x8F2B, s0  }
0xbd: {  	[sflag:s0] =	ssyncadd.remote.s32 $0x1  }
0xbe: {  	_ =	sfence.sel $0xFFFF  }
0xbf: {  	[dreg:$0x0] =	wrdreg $0xFFFFFFFF;
	(pc) =	sbr.abs _section_cstart, $3  }
0xc0: {  	[dreg:$0x1] =	wrdreg $0xFFFFFFFF  }
0xc1: {  	_ =	task.clear_ibuf [dreg:s6], $0x2FFFF;
	_ =	strace $0x9FFFFFFF  }
0xc2: {  	(tm) =	ssettm $0x7FFFFFFF  }
0xc3: {  	_ =	shalt  }
tec
execute0_lowered:
.L_overlay_start_1:
0x0: {  	(tag) =	ssettag $0x1  }
0x1: {  	s4 =	rddreg [dreg:$0x0]  }
0x2: {  	s2 =	rddreg [dreg:$0x1]  }
0x3: {  	s0 =	rddreg [dreg:$0x2];
	s3 =	srdreg.scid  }
0x4: {  	s1 =	stileid.u32;
	s10 =	simm.s32 $0x580;
	s11 =	simm.s32 $0x80  }
0x5: {  	s12 =	simm.s32 $0x500;
	s5 =	sand.u32 $0x1, s3;
	s7 =	smul.u32 $0x280, s1  }
0x6: {  	s6 =	sshll.u32 s1, $0x1;
	s3 =	simm.s32 $0x0;
	s8 =	smul.u32 $0x2800, s5  }
0x7: {  	s13 =	simm.s32 $0x0;
	s6 =	sor.u32 s5, s6;
	[smem:$0x7FF] =	sst s3  }
0x8: {  	s5 =	ssub.s32 $0x2, s5;
	s6 =	smul.u32 $0x500, s6;
	s8 =	sadd.s32 s7, s8  }
0x9: {  	_ =	strace $0x80000047;
	s9 =	sshrl.u32 s5, $0x1;
	s8 =	sshrl.u32 s8, $0x3  }
0xa: {  	s9 =	ssub.s32 s5, s9;
	s6 =	sadd.s32 s6, s4;
	s8 =	sadd.s32 s8, s4  }
0xb: {  	s4 =	sadd.s32 s7, s2;
	s5 =	sadd.s32 $0x7400, s6;
	s7 =	smax.u32 s9, $0x1  }
0xc: {  	v0 =	vimm.f32 $0.0e+00;
	v1 =	vimm.f32 $1.000000000e+00;
	s9 =	simm.s32 $0x1;
	s6 =	sadd.s32 $0x1B400, s8;
	s8 =	simm.s32 $0x280  }
.LBB2_1:
0xd: {  	[tilespmem:$0x280] =	vst v0  }
0xe: {  	[tilespmem:$0x290] =	vst v0  }
0xf: {  	[tilespmem:$0x2A0] =	vst v0  }
0x10: {  	[tilespmem:$0x2B0] =	vst v0  }
0x11: {  	[tilespmem:$0x2C0] =	vst v0  }
0x12: {  	[tilespmem:$0x2D0] =	vst v0  }
0x13: {  	[tilespmem:$0x2E0] =	vst v0  }
0x14: {  	[tilespmem:$0x2F0] =	vst v0  }
0x15: {  	[tilespmem:$0x300] =	vst v0  }
0x16: {  	[tilespmem:$0x310] =	vst v0  }
0x17: {  	[tilespmem:$0x320] =	vst v0  }
0x18: {  	[tilespmem:$0x330] =	vst v0  }
0x19: {  	[tilespmem:$0x340] =	vst v0  }
0x1a: {  	[tilespmem:$0x350] =	vst v0  }
0x1b: {  	[tilespmem:$0x360] =	vst v0  }
0x1c: {  	[tilespmem:$0x370] =	vst v0  }
0x1d: {  	[tilespmem:$0x380] =	vst v0  }
0x1e: {  	[tilespmem:$0x390] =	vst v0  }
0x1f: {  	[tilespmem:$0x3A0] =	vst v0  }
0x20: {  	[tilespmem:$0x3B0] =	vst v0  }
0x21: {  	[tilespmem:$0x3C0] =	vst v0  }
0x22: {  	[tilespmem:$0x3D0] =	vst v0  }
0x23: {  	[tilespmem:$0x3E0] =	vst v0  }
0x24: {  	[tilespmem:$0x3F0] =	vst v0  }
0x25: {  	[tilespmem:$0x400] =	vst v0  }
0x26: {  	[tilespmem:$0x410] =	vst v0  }
0x27: {  	[tilespmem:$0x420] =	vst v0  }
0x28: {  	[tilespmem:$0x430] =	vst v0  }
0x29: {  	[tilespmem:$0x440] =	vst v0  }
0x2a: {  	[tilespmem:$0x450] =	vst v0  }
0x2b: {  	[tilespmem:$0x460] =	vst v0  }
0x2c: {  	[tilespmem:$0x470] =	vst v0  }
0x2d: {  	[tilespmem:$0x480] =	vst v0  }
0x2e: {  	[tilespmem:$0x490] =	vst v0  }
0x2f: {  	[tilespmem:$0x4A0] =	vst v0  }
0x30: {  	[tilespmem:$0x4B0] =	vst v0  }
0x31: {  	[tilespmem:$0x4C0] =	vst v0  }
0x32: {  	[tilespmem:$0x4D0] =	vst v0  }
0x33: {  	[tilespmem:$0x4E0] =	vst v0  }
0x34: {  	[tilespmem:$0x4F0] =	vst v0  }
0x35: {  	[tilespmem:$0x500] =	vst v1  }
0x36: {  	[tilespmem:$0x510] =	vst v1  }
0x37: {  	[tilespmem:$0x520] =	vst v1  }
0x38: {  	[tilespmem:$0x530] =	vst v1  }
0x39: {  	[tilespmem:$0x540] =	vst v1  }
0x3a: {  	[tilespmem:$0x550] =	vst v1  }
0x3b: {  	[tilespmem:$0x560] =	vst v1  }
0x3c: {  	[tilespmem:$0x570] =	vst v1  }
0x3d: {  	[spmem:s4] =	stream.linear.scatter [tilespmem:s8], [sflag:$0x1], $0x280, $0x38;
	[tilespmem:$0x2D80] =	vst v63  }
0x3e: {  	_ =	swait.ge [sflag:s9], $0x280  }
0x3f: {  	[sflag:s9] =	ssyncset.done $0x0  }
0x40: {  	[sflag:s9] =	ssyncadd.s32 $0xFFFFFD80  }
0x41: {  	[tilespmem:s10], [sflag:$0x1] =	stream.linear.gather [hbm4b:s5+s3], $0x2800, $0x38;
	[tilespmem:$0x2D80] =	vst v63  }
0x42: {  	_ =	swait.ge [sflag:s9], $0x2800  }
0x43: {  	[sflag:s9] =	ssyncset.done $0x0  }
0x44: {  	[sflag:s9] =	ssyncadd.s32 $0xFFFFD800  }
0x45: {  	s14 =	simm.s32 $0x580;
	[bflag:$0x0] =	sbarrier.arrive $0xFFFF  }
0x46: {  	[spmem:s2] =	stream.indirect.scatter.add.f32 [tilespmem:s12], [sflag:$0x1], $0x1, s14, s11, $0xb8;
	[tilespmem:$0x2D80] =	vst v63  }
0x47: {  	s14 =	simm.s32 $0x200;
	_ =	swait.ge [sflag:s9], $0x80  }
.LBB2_2:
0x48: {  	s15 =	sshra.s32 s14, $0x2;
	[sflag:s9] =	ssyncset.done $0x0;
	p0 =	sne.s32 s14, $0x9E00  }
.Ltmp0:
0x49: {  	s15 =	sadd.s32 $0x580, s15;
	[sflag:s9] =	ssyncadd.s32 $0xFFFFFF80;
	(pc) =	sbr.rel @p0 .LBB2_2-.Ltmp0, $3  }
0x4a: {  	[spmem:s2] =	stream.indirect.scatter.add.f32 [tilespmem:s12], [sflag:$0x1], $0x1, s15, s11, $0xb8;
	[tilespmem:$0x2D80] =	vst v63  }
0x4b: {  	s14 =	sadd.s32 $0x200, s14;
	_ =	sdelay $0x1  }
0x4c: {  	_ =	swait.ge [sflag:s9], $0x80  }
0x4d: {  	[sflag:s9] =	ssyncset.done $0x0  }
0x4e: {  	[sflag:s9] =	ssyncadd.s32 $0xFFFFFF80  }
0x4f: {  	[bflag:$0x0] =	sbarrier.arrive $0xFFFF  }
0x50: {  	[tilespmem:s8], [sflag:$0x1] =	stream.linear.gather [spmem:s4], $0x280, $0x38;
	[tilespmem:$0x2D80] =	vst v63  }
0x51: {  	s13 =	sadd.s32 $0x1, s13;
	_ =	swait.ge [sflag:s9], $0x280  }
0x52: {  	p0 =	sne.s32 s13, s7;
	[sflag:s9] =	ssyncset.done $0x0  }
.Ltmp1:
0x53: {  	[sflag:s9] =	ssyncadd.s32 $0xFFFFFD80;
	(pc) =	sbr.rel @p0 .LBB2_1-.Ltmp1, $4  }
0x54: {  	[hbm4b:s6+s3] =	stream.linear.scatter [tilespmem:s8], [sflag:$0x1], $0x280, $0x38;
	[tilespmem:$0x2D80] =	vst v63  }
0x55: {  	_ =	swait.ge [sflag:s9], $0x280  }
0x56: {  	[sflag:s9] =	ssyncset.done $0x0  }
0x57: {  	[sflag:s9] =	ssyncadd.s32 $0xFFFFFD80  }
0x58: {  	_ =	sfence.sel $0x180000  }
0x59: {  	[bflag:$0x0] =	sbarrier.arrive $0xFFFF  }
0x5a: {  	p0 =	sne.s32 s1, $0x0;
	_ =	strace $0x90000047  }
0x5b: {  	s0 =	sadd.s32 @!p0 $0x100000, s0;
	[bflag:$0x2] =	sbarrier.arrive $0xFFFF  }
0x5c: {  	[sflag:s0] =	ssyncadd.tile.s32 @!p0 $0x1;
	_ =	shalt  }
.Lfunc_end2:
_tile_overlayer_lowered:
.L_overlay_start_2:
0x5d: {  	(tag) =	ssettag $0x2  }
0x5e: {  	s0 =	rddreg [dreg:$0x0];
	s2 =	stileid.u32  }
0x5f: {  	s1 =	rddreg [dreg:$0x1];
	p0 =	sne.s32 s2, $0x0  }
0x60: {  	s3 =	rddreg [dreg:$0x2];
	[bflag:$0x3] =	sbarrier.arrive $0xFFFF;
	s2 =	simm.s32 @!p0 $0x1C01  }
0x61: {  	[timem:s3], [sflag:s2] =	dma.local @!p0 [hbm:s0], s1  }
0x62: {  	s0 =	simm.s32 @!p0 $0x1  }
0x63: {  	_ =	swait.ge @!p0 [sflag:s0], s1  }
0x64: {  	s1 =	ssub.s32 @!p0 $0x0, s1;
	[sflag:s0] =	ssyncset.done @!p0 $0x0  }
0x65: {  	[sflag:s0] =	ssyncadd.s32 @!p0 s1  }
0x66: {  	[bflag:$0x3] =	sbarrier.arrive $0xFFFF  }
0x67: {  	_ =	shalt  }

// kernel: kernel.14.cloned.1.call-start
scs
__scs_entry_jumppad:
0x0: {  	(pc) =	sbr.rel $0x88, $3  }
0x1: {  	(tag) =	ssettag $0x0;
	lr =	simm.s32 $0x1  }
0x2: {  	[smem:$0x3F7B] =	sst lr;
	_ =	strace $0xD0000000  }
0x3: {  	_ = 	snop  }
0x4: {  	_ = 	snop  }
0x5: {  	_ = 	snop  }
0x6: {  	_ = 	snop  }
0x7: {  	_ = 	snop  }
__scs_overlays_trampoline_lowered:
0x8: {  	[smem:$0x3F8A] =	sst s0  }
0x9: {  	[smem:$0x3F8B] =	sst s1  }
0xa: {  	[smem:$0x3F8C] =	sst s2  }
0xb: {  	[smem:$0x3F8D] =	sst s3  }
0xc: {  	[smem:$0x3F8E] =	sst s4  }
0xd: {  	[smem:$0x3F8F] =	sst s5  }
0xe: {  	[smem:$0x3F90] =	sst s6  }
0xf: {  	[smem:$0x3F91] =	sst s7  }
0x10: {  	[smem:$0x3F92] =	sst s8  }
0x11: {  	[smem:$0x3F93] =	sst s9;
	s0 =	simm.s32 @!p0 $0x0  }
0x12: {  	s1 =	sld [smem:$0x3F79];
	s0 =	simm.s32 @p0 $0x1  }
0x13: {  	[smem:$0x3F94] =	sst s0;
	s0 =	simm.s32 @!p1 $0x0  }
0x14: {  	s2 =	sld [smem:$0x3F78];
	s0 =	simm.s32 @p1 $0x1  }
0x15: {  	[smem:$0x3F95] =	sst s0;
	s0 =	simm.s32 @!p2 $0x0  }
0x16: {  	s3 =	sld [smem:$0x3FDB];
	s0 =	simm.s32 @p2 $0x1  }
0x17: {  	s4 =	simm.s32 $0x1BF5;
	[smem:$0x3F97] =	sst s0  }
0x18: {  	s0 =	sld [smem:$0x3F7A];
	_ =	swait.ge [sflag:s4], $0x0  }
0x19: {  	s7 =	sld [smem:$0x3F7B]  }
0x1a: {  	s8 =	sadd.s32 $0xFFFFE003, lr  }
0x1b: {  	s9 =	sadd.s32 $0xFFFFFEF7, lr;
	s5 =	simm.s32 $0xFFFFFFFF;
	p2 =	slt.u32 s8, $0xFFFFF086  }
0x1c: {  	p1 =	slt.u32 s9, $0xF7A;
	s5 =	simm.s32 @!p2 $0x0  }
0x1d: {  	s5 =	simm.s32 @p1 $0x1;
	p0 =	seq.s32 s7, s2  }
0x1e: {  	s7 =	smul.u32 @!p0 $0xF7A, s2;
	p2 =	seq.s32 @!p0 s5, $0x0  }
0x1f: {  	s9 =	smul.u32 $0xF7A, s1;
	s8 =	simm.s32 @!p0 $0x1BF5;
	p2 =	por !p2, p0  }
0x20: {  	[sflag:s8] =	ssyncset.s32 @!p0 $0xFFFFF086;
	s6 =	sadd.s32 @!p0 s3, s7;
	s7 =	simm.s32 @!p0 $0x108  }
0x21: {  	s3 =	sadd.s32 s3, s9;
	s6 =	sadd.s32 @!p0 $0x88, s6;
	s7 =	simm.s32 @p2 $0x1082  }
0x22: {  	[simem:s7], [sflag:s8] =	dma.local @!p0 [hbm:s6], $0xF7A  }
0x23: {  	s9 =	sor.u32 $0xD0000000, s2;
	s6 =	simm.s32 $0x108;
	_ =	swait.ge @!p0 [sflag:s8], $0x0  }
0x24: {  	s3 =	sadd.s32 $0x88, s3;
	s6 =	simm.s32 @!p1 $0x1082;
	[sflag:s4] =	ssyncset.s32 $0xFFFFF086  }
0x25: {  	[simem:s6], [sflag:s4] =	dma.local [hbm:s3], $0xF7A  }
0x26: {  	[smem:$0x3F7B] =	sst s1;
	(tag) =	ssettag s2;
	_ =	strace s9  }
0x27: {  	s1 =	sld [smem:$0x3F8B]  }
0x28: {  	s2 =	sld [smem:$0x3F8C]  }
0x29: {  	s4 =	sld [smem:$0x3F8E]  }
0x2a: {  	p0 =	seq.s32 s5, $0x0;
	s5 =	sld [smem:$0x3F8F]  }
0x2b: {  	s6 =	sld [smem:$0x3F90]  }
0x2c: {  	s7 =	sld [smem:$0x3F91]  }
0x2d: {  	s3 =	simm.s32 $0x108;
	s8 =	sld [smem:$0x3F92]  }
0x2e: {  	s3 =	simm.s32 @!p0 $0x1082;
	s9 =	sld [smem:$0x3F93]  }
0x2f: {  	lr =	sadd.s32 s0, s3;
	s0 =	sld [smem:$0x3F8A]  }
0x30: {  	s3 =	sld [smem:$0x3F8D]  }
0x31: {  	[smem:$0x3F96] =	sst s10  }
0x32: {  	s10 =	sld [smem:$0x3F94];
	_ =	sdelay $0x3  }
0x33: {  	p0 =	seq.s32 s10, $0x1;
	s10 =	sld [smem:$0x3F96];
	_ =	sdelay $0x3  }
0x34: {  	[smem:$0x3F96] =	sst s10  }
0x35: {  	s10 =	sld [smem:$0x3F95];
	_ =	sdelay $0x3  }
0x36: {  	p1 =	seq.s32 s10, $0x1;
	s10 =	sld [smem:$0x3F96];
	_ =	sdelay $0x3  }
0x37: {  	[smem:$0x3F96] =	sst s10  }
0x38: {  	s10 =	sld [smem:$0x3F97]  }
0x39: {  	_ = 	snop;
	(pc) =	sbr.ind lr, $3  }
0x3a: {  	_ = 	snop  }
0x3b: {  	_ = 	snop  }
0x3c: {  	p2 =	seq.s32 s10, $0x1;
	s10 =	sld [smem:$0x3F96]  }
0x3d: {  	_ =	shalt  }
0x3e: {  	_ =	shalt  }
0x3f: {  	_ =	shalt  }
0x40: {  	_ =	shalt  }
0x41: {  	_ =	shalt  }
0x42: {  	_ =	shalt  }
0x43: {  	_ =	shalt  }
0x44: {  	_ =	shalt  }
0x45: {  	_ =	shalt  }
0x46: {  	_ =	shalt  }
0x47: {  	_ =	shalt  }
0x48: {  	_ =	shalt  }
0x49: {  	_ =	shalt  }
0x4a: {  	_ =	shalt  }
0x4b: {  	_ =	shalt  }
0x4c: {  	_ =	shalt  }
0x4d: {  	_ =	shalt  }
0x4e: {  	_ =	shalt  }
0x4f: {  	_ =	shalt  }
0x50: {  	_ =	shalt  }
0x51: {  	_ =	shalt  }
0x52: {  	_ =	shalt  }
0x53: {  	_ =	shalt  }
0x54: {  	_ =	shalt  }
0x55: {  	_ =	shalt  }
0x56: {  	_ =	shalt  }
0x57: {  	_ =	shalt  }
0x58: {  	_ =	shalt  }
0x59: {  	_ =	shalt  }
0x5a: {  	_ =	shalt  }
0x5b: {  	_ =	shalt  }
0x5c: {  	_ =	shalt  }
0x5d: {  	_ =	shalt  }
0x5e: {  	_ =	shalt  }
0x5f: {  	_ =	shalt  }
0x60: {  	_ =	shalt  }
0x61: {  	_ =	shalt  }
0x62: {  	_ =	shalt  }
0x63: {  	_ =	shalt  }
0x64: {  	_ =	shalt  }
0x65: {  	_ =	shalt  }
0x66: {  	_ =	shalt  }
0x67: {  	_ =	shalt  }
0x68: {  	_ =	shalt  }
0x69: {  	_ =	shalt  }
0x6a: {  	_ =	shalt  }
0x6b: {  	_ =	shalt  }
0x6c: {  	_ =	shalt  }
0x6d: {  	_ =	shalt  }
0x6e: {  	_ =	shalt  }
0x6f: {  	_ =	shalt  }
0x70: {  	_ =	shalt  }
0x71: {  	_ =	shalt  }
0x72: {  	_ =	shalt  }
0x73: {  	_ =	shalt  }
0x74: {  	_ =	shalt  }
0x75: {  	_ =	shalt  }
0x76: {  	_ =	shalt  }
0x77: {  	_ =	shalt  }
0x78: {  	_ =	shalt  }
0x79: {  	_ =	shalt  }
0x7a: {  	_ =	shalt  }
0x7b: {  	_ =	shalt  }
0x7c: {  	_ =	shalt  }
0x7d: {  	_ =	shalt  }
0x7e: {  	_ =	shalt  }
0x7f: {  	_ =	shalt  }
0x80: {  	_ =	shalt  }
0x81: {  	_ =	shalt  }
0x82: {  	_ =	shalt  }
0x83: {  	_ =	shalt  }
0x84: {  	_ =	shalt  }
0x85: {  	_ =	shalt  }
0x86: {  	_ =	shalt  }
0x87: {  	_ =	shalt  }
.Lfunc_end0:
.L_simem_size_0:
called_computation.1_lowered:
.L_overlay_start_0:
0x88: {  	s2 =	sld [smem:$0x3FD9]  }
0x89: {  	s3 =	sld [smem:$0x3FFE];
	_ =	sdelay $0x1  }
0x8a: {  	s1 =	srdreg.scid  }
0x8b: {  	s0 =	sand.u32 $0x1, s1  }
0x8c: {  	s16 =	sshll.u32 s0, $0xA;
	s2 =	sadd.s32 s3, s2  }
0x8d: {  	s2 =	sadd.s32 s2, s16  }
0x8e: {  	[smem:$0x3FA2] =	sst s2  }
0x8f: {  	_ = 	snop  }
0x90: {  	(tm) =	ssettm $0x1  }
0x91: {  	s17 =	sld [smem:$0x3FFB];
	_ =	sdelay $0x3  }
0x92: {  	_ =	strace s17  }
0x93: {  	s2 =	sld [smem:$0x3FFC];
	_ =	sdelay $0x3  }
0x94: {  	_ =	strace s2  }
0x95: {  	s2 =	sld [smem:$0x3FFD];
	_ =	sdelay $0x3  }
0x96: {  	_ =	strace s2  }
0x97: {  	_ =	strace $0x8FFFFFFF  }
0x98: {  	s18 =	sld [smem:$0x3FDB];
	_ =	sdelay $0x1  }
0x99: {  	s19 =	simm.s32 $_scs_section_size  }
0x9a: {  	s4 =	simm.s32 $_size__tile_overlayer_lowered;
	s5 =	simm.s32 $_tile_overlayer_lowered  }
0x9b: {  	s22 =	simm.s32 $0x1BFF;
	s21 =	sshll.u32 s5, $0x1;
	s2 =	sadd.s32 s19, s18  }
0x9c: {  	s6 =	simm.s32 $0x0;
	s20 =	sshll.u32 s4, $0x1;
	s4 =	sadd.s32 s21, s2  }
0x9d: {  	[timem:s6], [sflag:s22] =	dma.local [hbm:s4], s20  }
0x9e: {  	_ =	swait.ge [sflag:s22], s20  }
0x9f: {  	s3 =	ssub.s32 $0x0, s20;
	[sflag:s22] =	ssyncset.done $0x0  }
0xa0: {  	[sflag:s22] =	ssyncadd.s32 s3;
	_ =	sdelay $0x1  }
0xa1: {  	s23 =	simm.s32 $0x1B8B  }
0xa2: {  	_ =	swait.ge [sflag:s23], $0x1  }
0xa3: {  	[sflag:s23] =	ssyncset.done $0x0  }
0xa4: {  	s25 =	simm.s32 $0x1B8E;
	s24 =	sld [smem:$0x3FFE];
	[sflag:s23] =	ssyncadd.s32 $0xFFFFFFFF  }
0xa5: {  	s26 =	simm.s32 $execute0_lowered;
	[smem:$0x3FD2] =	sst s25  }
0xa6: {  	s4 =	sshll.u32 s26, $0x1;
	_ =	strace $0x80000049;
	[dreg:$0x1] =	wrdreg $0xFFFFFFFF  }
0xa7: {  	s28 =	simm.s32 $_size_execute0_lowered;
	s2 =	sadd.s32 s2, s4;
	[dreg:$0x0] =	wrdreg $0x0  }
0xa8: {  	s4 =	sshll.u32 s28, $0x1;
	[dreg:$0x2] =	wrdreg s2  }
0xa9: {  	[dreg:$0x3] =	wrdreg s4  }
0xaa: {  	[dreg:$0x4] =	wrdreg $0xC0  }
0xab: {  	_ =	task [dreg:s6], $0x5FFFF  }
0xac: {  	[dreg:$0x1] =	wrdreg $0xFFFFFFFF  }
0xad: {  	[dreg:$0x0] =	wrdreg $0x60  }
0xae: {  	[dreg:$0x2] =	wrdreg s24  }
0xaf: {  	[dreg:$0x3] =	wrdreg $0x0  }
0xb0: {  	[dreg:$0x4] =	wrdreg $0x9  }
0xb1: {  	_ =	task.clear_ibuf [dreg:s6], $0x5FFFF;
	_ =	strace $0x90000049  }
0xb2: {  	s29 =	simm.s32 $0x9;
	_ =	strace $0x8000004B  }
0xb3: {  	_ =	swait.ge [sflag:s29], $0x1  }
0xb4: {  	[sflag:s29] =	ssyncadd.s32 $0xFFFFFFFF  }
0xb5: {  	_ =	strace $0x9000004B  }
0xb6: {  	_ =	sfence  }
0xb7: {  	s30 =	sld [smem:$0x0];
	_ =	sdelay $0x2  }
0xb8: {  	s31 =	sshll.u32 s1, $0xD;
	s1 =	sshrl.u32 s1, $0x2  }
0xb9: {  	s3 =	sand.u32 $0x4000, s31;
	s1 =	sadd.s32 s1, s30  }
0xba: {  	s0 =	sor.u32 s3, s0;
	s1 =	sshll.u32 s1, $0x11  }
0xbb: {  	s0 =	sor.u32 s1, s0  }
0xbc: {  	s0 =	sadd.s32 $0x8F2B, s0  }
0xbd: {  	[sflag:s0] =	ssyncadd.remote.s32 $0x1  }
0xbe: {  	_ =	sfence.sel $0xFFFF  }
0xbf: {  	[dreg:$0x0] =	wrdreg $0xFFFFFFFF;
	(pc) =	sbr.abs _section_cstart, $3  }
0xc0: {  	[dreg:$0x1] =	wrdreg $0xFFFFFFFF  }
0xc1: {  	_ =	task.clear_ibuf [dreg:s6], $0x2FFFF;
	_ =	strace $0x9FFFFFFF  }
0xc2: {  	(tm) =	ssettm $0x7FFFFFFF  }
0xc3: {  	_ =	shalt  }
tec
execute0_lowered:
.L_overlay_start_1:
0x0: {  	(tag) =	ssettag $0x1  }
0x1: {  	s0 =	rddreg [dreg:$0x0]  }
0x2: {  	s1 =	rddreg [dreg:$0x1]  }
0x3: {  	s3 =	simm.s32 $0x0;
	s2 =	srdreg.scid;
	s12 =	stileid.u32  }
0x4: {  	s29 =	simm.s32 $0x14000;
	s30 =	simm.s32 $0x5;
	s31 =	simm.s32 $0x1C000  }
0x5: {  	[smem:$0x7FF] =	sst s3;
	s2 =	sand.u32 $0x1, s2;
	s7 =	smul.u32 $0x50000, s12  }
0x6: {  	s6 =	sadd.s32 $0x11400, s0;
	s8 =	sadd.s32 $0x7400, s0;
	s10 =	smul.u32 $0x5000, s12  }
0x7: {  	s4 =	sadd.s32 $0x1B400, s0;
	s0 =	sadd.s32 $0x43400, s0;
	s17 =	smul.u32 $0xA00, s12  }
0x8: {  	s21 =	smul.u32 $0x14000, s12;
	_ =	strace $0x8000004A;
	s5 =	ssub.s32 $0x2, s2  }
0x9: {  	p0 =	seq.s32 s2, $0x1;
	s2 =	smul.u32 $0x140000, s2;
	s9 =	sshrl.u32 s5, $0x1  }
0xa: {  	s16 =	sshrl.u32 s7, $0x2;
	s10 =	sshrl.u32 s10, $0x3;
	s13 =	sadd.s32 s6, s17  }
0xb: {  	s7 =	sadd.s32 s8, s17;
	s23 =	sadd.s32 $0x4000, s21;
	s17 =	sadd.s32 $0x8000, s21  }
0xc: {  	s9 =	ssub.s32 s5, s9;
	s5 =	sadd.s32 s16, s1;
	[dreg:$0x3] =	wrdreg s13  }
0xd: {  	s11 =	sadd.s32 $0x280, s10;
	[dreg:$0x4] =	wrdreg s7;
	s20 =	sadd.s32 $0x500, s10  }
0xe: {  	s10 =	sadd.s32 $0x780, s10;
	s13 =	sadd.s32 s2, s21;
	s18 =	sadd.s32 s6, s11  }
0xf: {  	s14 =	sadd.s32 s2, s23;
	s19 =	sadd.s32 s8, s11;
	[dreg:$0x5] =	wrdreg s18  }
0x10: {  	s24 =	sadd.s32 s2, s17;
	s22 =	sadd.s32 s6, s20;
	[dreg:$0x6] =	wrdreg s19  }
0x11: {  	s7 =	sadd.s32 s8, s20;
	s6 =	sadd.s32 s6, s10;
	[dreg:$0x7] =	wrdreg s22  }
0x12: {  	s12 =	sadd.s32 s8, s10;
	s9 =	smax.u32 s9, $0x1;
	[dreg:$0x8] =	wrdreg s7  }
0x13: {  	s8 =	sshrl.u32 s14, $0x3;
	s15 =	sadd.s32 $0x4000, s5;
	[dreg:$0x9] =	wrdreg s6  }
0x14: {  	s10 =	sshrl.u32 s24, $0x3;
	s28 =	sadd.s32 $0x10000, s5;
	[dreg:$0xa] =	wrdreg s12  }
0x15: {  	s14 =	simm.s32 $0x0;
	[dreg:$0xb] =	wrdreg s9;
	s7 =	sshrl.u32 s13, $0x3  }
0x16: {  	[dreg:$0xc] =	wrdreg s15;
	s16 =	sadd.s32 s0, s8;
	s18 =	sadd.s32 $0xC000, s21  }
0x17: {  	s19 =	sadd.s32 $0x10000, s21;
	s10 =	sadd.s32 s0, s10;
	s21 =	sadd.s32 $0x8000, s5  }
0x18: {  	s22 =	sadd.s32 s23, s1;
	s23 =	sadd.s32 s17, s1;
	s6 =	simm.s32 $0x18000  }
0x19: {  	s8 =	simm.s32 $0x2;
	s9 =	simm.s32 $0x3;
	s12 =	simm.s32 $0x1E700  }
0x1a: {  	s13 =	simm.s32 $0x1E780;
	s7 =	sadd.s32 s0, s7;
	[dreg:$0xe] =	wrdreg s16  }
0x1b: {  	s25 =	sadd.s32 s2, s18;
	s2 =	sadd.s32 s2, s19;
	[dreg:$0xf] =	wrdreg s10  }
.Ltmp0:
0x1c: {  	s24 =	sadd.s32 s18, s1;
	s10 =	simm.s32 $0x4;
	(pc) =	sbr.rel .LBB2_1-.Ltmp0, $4  }
0x1d: {  	[dreg:$0xd] =	wrdreg s7;
	s11 =	sshrl.u32 s25, $0x3;
	s2 =	sshrl.u32 s2, $0x3  }
0x1e: {  	s25 =	sadd.s32 s19, s1;
	s7 =	simm.s32 $0x1;
	s26 =	sadd.s32 s0, s11  }
0x1f: {  	s20 =	sadd.s32 s0, s2;
	s0 =	simm.s32 $0x1D400;
	s2 =	simm.s32 $0x80  }
0x20: {  	v0 =	vimm.f32 $0.0e+00;
	s11 =	simm.s32 $0x1D380;
	[dreg:$0x10] =	wrdreg s26;
	s26 =	sadd.s32 $0xC000, s5  }
.LBB2_10:
0x21: {  	s16 =	sadd.s32 $0x1C080, s15;
	[sflag:s10] =	ssyncadd.s32 $0xFFFFC000  }
0x22: {  	[tilespmem:s6], [sflag:$0x2] =	stream.indirect.gather [hbm4b:s4+s2], $0x80, s16, s2, $0xb8;
	[tilespmem:$0x1E800] =	vst v63  }
0x23: {  	_ =	swait.ge [sflag:s7], $0x4000  }
0x24: {  	[sflag:s7] =	ssyncset.done $0x0  }
0x25: {  	s17 =	sadd.s32 $0x1D400, s15;
	[sflag:s7] =	ssyncadd.s32 $0xFFFFC000  }
0x26: {  	[spmem:s1] =	stream.indirect.scatter.add.f32 [tilespmem:s29], [sflag:$0x3], $0x80, s17, s2, $0xb8;
	[tilespmem:$0x1E800] =	vst v63  }
0x27: {  	_ =	swait.ge [sflag:s8], $0x4000  }
0x28: {  	[sflag:s8] =	ssyncset.done $0x0  }
0x29: {  	s18 =	sadd.s32 $0x1D480, s15;
	[sflag:s8] =	ssyncadd.s32 $0xFFFFC000  }
0x2a: {  	[spmem:s1] =	stream.indirect.scatter.add.f32 [tilespmem:s6], [sflag:$0x4], $0x80, s18, s2, $0xb8;
	[tilespmem:$0x1E800] =	vst v63  }
0x2b: {  	_ =	swait.ge [sflag:s9], $0x4000  }
0x2c: {  	[sflag:s9] =	ssyncset.done $0x0  }
0x2d: {  	s19 =	sadd.s32 $0x1C100, s15;
	[sflag:s9] =	ssyncadd.s32 $0xFFFFC000  }
0x2e: {  	[tilespmem:s29], [sflag:$0x1] =	stream.indirect.gather [hbm4b:s4+s2], $0x80, s19, s2, $0xb8;
	[tilespmem:$0x1E800] =	vst v63  }
0x2f: {  	_ =	swait.ge [sflag:s10], $0x4000  }
0x30: {  	[sflag:s10] =	ssyncset.done $0x0  }
0x31: {  	[sflag:s10] =	ssyncadd.s32 $0xFFFFC000  }
.LBB2_14:
0x32: {  	[tilespmem:s6], [sflag:$0x2] =	stream.indirect.gather [hbm4b:s4+s2], $0x80, s11, s2, $0xb8;
	[tilespmem:$0x1E800] =	vst v63  }
0x33: {  	_ =	swait.ge [sflag:s7], $0x4000  }
0x34: {  	[sflag:s7] =	ssyncset.done $0x0  }
0x35: {  	[sflag:s7] =	ssyncadd.s32 $0xFFFFC000  }
0x36: {  	[spmem:s1] =	stream.indirect.scatter.add.f32 [tilespmem:s29], [sflag:$0x3], $0x80, s12, s2, $0xb8;
	[tilespmem:$0x1E800] =	vst v63  }
0x37: {  	_ =	swait.ge [sflag:s8], $0x4000  }
0x38: {  	[sflag:s8] =	ssyncset.done $0x0  }
0x39: {  	[sflag:s8] =	ssyncadd.s32 $0xFFFFC000  }
0x3a: {  	[spmem:s1] =	stream.indirect.scatter.add.f32 [tilespmem:s6], [sflag:$0x4], $0x80, s13, s2, $0xb8;
	[tilespmem:$0x1E800] =	vst v63  }
0x3b: {  	_ =	swait.ge [sflag:s9], $0x4000  }
0x3c: {  	[sflag:s9] =	ssyncset.done $0x0  }
0x3d: {  	[sflag:s9] =	ssyncadd.s32 $0xFFFFC000  }
0x3e: {  	_ =	swait.ge [sflag:s10], $0x4000  }
0x3f: {  	[sflag:s10] =	ssyncset.done $0x0  }
0x40: {  	[sflag:s10] =	ssyncadd.s32 $0xFFFFC000  }
0x41: {  	[bflag:$0x0] =	sbarrier.arrive $0xFFFF  }
0x42: {  	[tilespmem:s29], [sflag:$0x5] =	stream.linear.gather [spmem:s5], $0x4000, $0x38;
	[tilespmem:$0x1E800] =	vst v63  }
0x43: {  	_ =	swait.ge [sflag:s30], $0x4000  }
0x44: {  	[sflag:s30] =	ssyncset.done $0x0  }
0x45: {  	s15 =	rddreg [dreg:$0xd];
	[sflag:s30] =	ssyncadd.s32 $0xFFFFC000  }
0x46: {  	[hbm4b:s15+s3] =	stream.linear.scatter [tilespmem:s29], [sflag:$0x5], $0x4000, $0x38;
	[tilespmem:$0x1E800] =	vst v63  }
0x47: {  	_ =	swait.ge [sflag:s30], $0x4000  }
0x48: {  	[sflag:s30] =	ssyncset.done $0x0  }
0x49: {  	[sflag:s30] =	ssyncadd.s32 $0xFFFFC000  }
0x4a: {  	[tilespmem:s29], [sflag:$0x5] =	stream.linear.gather [spmem:s22], $0x4000, $0x38;
	[tilespmem:$0x1E800] =	vst v63  }
0x4b: {  	_ =	swait.ge [sflag:s30], $0x4000  }
0x4c: {  	[sflag:s30] =	ssyncset.done $0x0  }
0x4d: {  	s16 =	rddreg [dreg:$0xe];
	[sflag:s30] =	ssyncadd.s32 $0xFFFFC000  }
0x4e: {  	[hbm4b:s16+s3] =	stream.linear.scatter [tilespmem:s29], [sflag:$0x5], $0x4000, $0x38;
	[tilespmem:$0x1E800] =	vst v63  }
0x4f: {  	_ =	swait.ge [sflag:s30], $0x4000  }
0x50: {  	[sflag:s30] =	ssyncset.done $0x0  }
0x51: {  	[sflag:s30] =	ssyncadd.s32 $0xFFFFC000  }
0x52: {  	[tilespmem:s29], [sflag:$0x5] =	stream.linear.gather [spmem:s23], $0x4000, $0x38;
	[tilespmem:$0x1E800] =	vst v63  }
0x53: {  	_ =	swait.ge [sflag:s30], $0x4000  }
0x54: {  	[sflag:s30] =	ssyncset.done $0x0  }
0x55: {  	s17 =	rddreg [dreg:$0xf];
	[sflag:s30] =	ssyncadd.s32 $0xFFFFC000  }
0x56: {  	[hbm4b:s17+s3] =	stream.linear.scatter [tilespmem:s29], [sflag:$0x5], $0x4000, $0x38;
	[tilespmem:$0x1E800] =	vst v63  }
0x57: {  	_ =	swait.ge [sflag:s30], $0x4000  }
0x58: {  	[sflag:s30] =	ssyncset.done $0x0  }
0x59: {  	[sflag:s30] =	ssyncadd.s32 $0xFFFFC000  }
0x5a: {  	[tilespmem:s29], [sflag:$0x5] =	stream.linear.gather [spmem:s24], $0x4000, $0x38;
	[tilespmem:$0x1E800] =	vst v63  }
0x5b: {  	_ =	swait.ge [sflag:s30], $0x4000  }
0x5c: {  	[sflag:s30] =	ssyncset.done $0x0  }
0x5d: {  	s18 =	rddreg [dreg:$0x10];
	[sflag:s30] =	ssyncadd.s32 $0xFFFFC000  }
0x5e: {  	[hbm4b:s18+s3] =	stream.linear.scatter [tilespmem:s29], [sflag:$0x5], $0x4000, $0x38;
	[tilespmem:$0x1E800] =	vst v63  }
0x5f: {  	_ =	swait.ge [sflag:s30], $0x4000  }
0x60: {  	[sflag:s30] =	ssyncset.done $0x0  }
0x61: {  	[sflag:s30] =	ssyncadd.s32 $0xFFFFC000  }
0x62: {  	[tilespmem:s29], [sflag:$0x5] =	stream.linear.gather [spmem:s25], $0x4000, $0x38;
	[tilespmem:$0x1E800] =	vst v63  }
0x63: {  	_ =	swait.ge [sflag:s30], $0x4000  }
0x64: {  	[sflag:s30] =	ssyncset.done $0x0  }
0x65: {  	[sflag:s30] =	ssyncadd.s32 $0xFFFFC000  }
0x66: {  	[hbm4b:s20+s3] =	stream.linear.scatter [tilespmem:s29], [sflag:$0x5], $0x4000, $0x38;
	[tilespmem:$0x1E800] =	vst v63  }
0x67: {  	_ =	swait.ge [sflag:s30], $0x4000  }
0x68: {  	s14 =	sadd.s32 $0x1, s14;
	s19 =	rddreg [dreg:$0xb]  }
0x69: {  	p1 =	sne.s32 s14, s19  }
.Ltmp1:
0x6a: {  	_ = 	snop;
	(pc) =	sbr.rel @!p1 .LBB2_15-.Ltmp1, $3  }
0x6b: {  	_ =	sdelay $0x1  }
0x6c: {  	[sflag:s30] =	ssyncset.done $0x0  }
0x6d: {  	[sflag:s30] =	ssyncadd.s32 $0xFFFFC000  }
.LBB2_1:
0x6e: {  	s15 =	sand.u32 $0xFE00, s3  }
0x6f: {  	s16 =	sand.u32 $0x70, s3;
	s17 =	sshrl.u32 s15, $0x2  }
0x70: {  	s15 =	simm.s32 $0x40;
	s17 =	sor.u32 s16, s17;
	s16 =	simm.s32 $0x0  }
.LBB2_2:
0x71: {  	p1 =	sne.s32 s15, $0xFFC0  }
0x72: {  	[tilespmem:s17+$0x14000] =	vst v0;
	s16 =	sadd.s32 $0x10, s16;
	s17 =	smov.u32 s15;
	s15 =	sadd.s32 $0x40, s15  }
.Ltmp2:
0x73: {  	(pc) =	sbr.rel @p1 .LBB2_2-.Ltmp2, $4  }
0x74: {  	_ = 	snop  }
0x75: {  	s17 =	sand.u32 $0xFE00, s17  }
0x76: {  	s18 =	sand.u32 $0x70, s16;
	s17 =	sshrl.u32 s17, $0x2  }
0x77: {  	s17 =	sor.u32 s18, s17  }
0x78: {  	[tilespmem:s17+$0x14000] =	vst v0  }
0x79: {  	[spmem:s5] =	stream.linear.scatter [tilespmem:s29], [sflag:$0x5], $0x4000, $0x38;
	[tilespmem:$0x1E800] =	vst v63  }
0x7a: {  	_ =	swait.ge [sflag:s30], $0x4000  }
0x7b: {  	[sflag:s30] =	ssyncset.done $0x0  }
0x7c: {  	s15 =	rddreg [dreg:$0xc];
	[sflag:s30] =	ssyncadd.s32 $0xFFFFC000  }
0x7d: {  	[spmem:s15] =	stream.linear.scatter [tilespmem:s29], [sflag:$0x5], $0x4000, $0x38;
	[tilespmem:$0x1E800] =	vst v63  }
0x7e: {  	_ =	swait.ge [sflag:s30], $0x4000  }
0x7f: {  	[sflag:s30] =	ssyncset.done $0x0  }
0x80: {  	[sflag:s30] =	ssyncadd.s32 $0xFFFFC000  }
0x81: {  	[spmem:s21] =	stream.linear.scatter [tilespmem:s29], [sflag:$0x5], $0x4000, $0x38;
	[tilespmem:$0x1E800] =	vst v63  }
0x82: {  	_ =	swait.ge [sflag:s30], $0x4000  }
0x83: {  	[sflag:s30] =	ssyncset.done $0x0  }
0x84: {  	[sflag:s30] =	ssyncadd.s32 $0xFFFFC000  }
0x85: {  	[spmem:s26] =	stream.linear.scatter [tilespmem:s29], [sflag:$0x5], $0x4000, $0x38;
	[tilespmem:$0x1E800] =	vst v63  }
0x86: {  	_ =	swait.ge [sflag:s30], $0x4000  }
0x87: {  	[sflag:s30] =	ssyncset.done $0x0  }
0x88: {  	[sflag:s30] =	ssyncadd.s32 $0xFFFFC000  }
0x89: {  	[spmem:s28] =	stream.linear.scatter [tilespmem:s29], [sflag:$0x5], $0x4000, $0x38;
	[tilespmem:$0x1E800] =	vst v63  }
.Ltmp3:
0x8a: {  	_ =	swait.ge [sflag:s30], $0x4000;
	(pc) =	sbr.rel @!p0 .LBB2_4-.Ltmp3, $4  }
0x8b: {  	[sflag:s30] =	ssyncset.done $0x0  }
0x8c: {  	[sflag:s30] =	ssyncadd.s32 $0xFFFFC000  }
0x8d: {  	[bflag:$0x0] =	sbarrier.arrive $0xFFFF  }
0x8e: {  	s15 =	simm.s32 $0x0  }
0x8f: {  	s16 =	rddreg [dreg:$0x9]  }
0x90: {  	[tilespmem:s31], [sflag:$0x5] =	stream.linear.gather [hbm4b:s16+s15], $0x1400, $0x38;
	[tilespmem:$0x1E800] =	vst v63  }
0x91: {  	_ =	swait.ge [sflag:s30], $0x1400  }
0x92: {  	[sflag:s30] =	ssyncset.done $0x0  }
0x93: {  	s19 =	rddreg [dreg:$0xa];
	[sflag:s30] =	ssyncadd.s32 $0xFFFFEC00  }
0x94: {  	[tilespmem:s0], [sflag:$0x5] =	stream.linear.gather [hbm4b:s19+s15], $0x1400, $0x38;
	[tilespmem:$0x1E800] =	vst v63  }
0x95: {  	_ =	swait.ge [sflag:s30], $0x1400  }
0x96: {  	[sflag:s30] =	ssyncset.done $0x0  }
0x97: {  	[sflag:s30] =	ssyncadd.s32 $0xFFFFEC00  }
0x98: {  	[tilespmem:s29], [sflag:$0x1] =	stream.indirect.gather [hbm4b:s4+s2], $0x80, s31, s2, $0xb8;
	[tilespmem:$0x1E800] =	vst v63  }
0x99: {  	s16 =	simm.s32 $0x1C080  }
0x9a: {  	[tilespmem:s6], [sflag:$0x2] =	stream.indirect.gather [hbm4b:s4+s2], $0x80, s16, s2, $0xb8;
	[tilespmem:$0x1E800] =	vst v63  }
0x9b: {  	_ =	swait.ge [sflag:s7], $0x4000  }
0x9c: {  	[sflag:s7] =	ssyncset.done $0x0  }
0x9d: {  	s17 =	simm.s32 $0x1D400;
	[sflag:s7] =	ssyncadd.s32 $0xFFFFC000  }
0x9e: {  	[spmem:s1] =	stream.indirect.scatter.add.f32 [tilespmem:s29], [sflag:$0x3], $0x80, s17, s2, $0xb8;
	[tilespmem:$0x1E800] =	vst v63  }
0x9f: {  	_ =	swait.ge [sflag:s8], $0x4000  }
0xa0: {  	[sflag:s8] =	ssyncset.done $0x0  }
0xa1: {  	s18 =	simm.s32 $0x1D480;
	[sflag:s8] =	ssyncadd.s32 $0xFFFFC000  }
0xa2: {  	[spmem:s1] =	stream.indirect.scatter.add.f32 [tilespmem:s6], [sflag:$0x4], $0x80, s18, s2, $0xb8;
	[tilespmem:$0x1E800] =	vst v63  }
0xa3: {  	_ =	swait.ge [sflag:s9], $0x4000  }
0xa4: {  	[sflag:s9] =	ssyncset.done $0x0  }
0xa5: {  	s19 =	simm.s32 $0x1C100;
	[sflag:s9] =	ssyncadd.s32 $0xFFFFC000  }
0xa6: {  	[tilespmem:s29], [sflag:$0x1] =	stream.indirect.gather [hbm4b:s4+s2], $0x80, s19, s2, $0xb8;
	[tilespmem:$0x1E800] =	vst v63  }
0xa7: {  	_ =	swait.ge [sflag:s10], $0x4000  }
0xa8: {  	s15 =	simm.s32 $0x100;
	s16 =	simm.s32 $0x800;
	[sflag:s10] =	ssyncset.done $0x0  }
.LBB2_12:
0xa9: {  	s17 =	sadd.s32 $0x1C080, s15  }
0xaa: {  	[sflag:s10] =	ssyncadd.s32 $0xFFFFC000;
	s18 =	smov.u32 s16;
	s19 =	sadd.s32 $0x400, s16  }
0xab: {  	[tilespmem:s6], [sflag:$0x2] =	stream.indirect.gather [hbm4b:s4+s2], $0x80, s17, s2, $0xb8;
	[tilespmem:$0x1E800] =	vst v63  }
0xac: {  	p1 =	sne.s32 s16, $0x4800;
	_ =	swait.ge [sflag:s7], $0x4000  }
0xad: {  	[sflag:s7] =	ssyncset.done $0x0  }
0xae: {  	s16 =	sadd.s32 $0x1D400, s15;
	[sflag:s7] =	ssyncadd.s32 $0xFFFFC000  }
0xaf: {  	[spmem:s1] =	stream.indirect.scatter.add.f32 [tilespmem:s29], [sflag:$0x3], $0x80, s16, s2, $0xb8;
	[tilespmem:$0x1E800] =	vst v63  }
0xb0: {  	_ =	swait.ge [sflag:s8], $0x4000  }
0xb1: {  	[sflag:s8] =	ssyncset.done $0x0  }
0xb2: {  	s16 =	sadd.s32 $0x1D480, s15;
	[sflag:s8] =	ssyncadd.s32 $0xFFFFC000  }
0xb3: {  	[spmem:s1] =	stream.indirect.scatter.add.f32 [tilespmem:s6], [sflag:$0x4], $0x80, s16, s2, $0xb8;
	[tilespmem:$0x1E800] =	vst v63  }
0xb4: {  	_ =	swait.ge [sflag:s9], $0x4000  }
.Ltmp4:
0xb5: {  	[sflag:s9] =	ssyncset.done $0x0;
	(pc) =	sbr.rel @p1 .LBB2_12-.Ltmp4, $4  }
0xb6: {  	s15 =	sadd.s32 $0x1C100, s15;
	[sflag:s9] =	ssyncadd.s32 $0xFFFFC000  }
0xb7: {  	[tilespmem:s29], [sflag:$0x1] =	stream.indirect.gather [hbm4b:s4+s2], $0x80, s15, s2, $0xb8;
	[tilespmem:$0x1E800] =	vst v63  }
0xb8: {  	_ =	swait.ge [sflag:s10], $0x4000  }
0xb9: {  	s16 =	smov.u32 s19;
	s15 =	sshra.s32 s18, $0x2;
	[sflag:s10] =	ssyncset.done $0x0  }
0xba: {  	s16 =	sadd.s32 $0x1C080, s15;
	[sflag:s10] =	ssyncadd.s32 $0xFFFFC000  }
0xbb: {  	[tilespmem:s6], [sflag:$0x2] =	stream.indirect.gather [hbm4b:s4+s2], $0x80, s16, s2, $0xb8;
	[tilespmem:$0x1E800] =	vst v63  }
0xbc: {  	_ =	swait.ge [sflag:s7], $0x4000  }
0xbd: {  	[sflag:s7] =	ssyncset.done $0x0  }
0xbe: {  	s17 =	sadd.s32 $0x1D400, s15;
	[sflag:s7] =	ssyncadd.s32 $0xFFFFC000  }
0xbf: {  	[spmem:s1] =	stream.indirect.scatter.add.f32 [tilespmem:s29], [sflag:$0x3], $0x80, s17, s2, $0xb8;
	[tilespmem:$0x1E800] =	vst v63  }
0xc0: {  	_ =	swait.ge [sflag:s8], $0x4000  }
0xc1: {  	[sflag:s8] =	ssyncset.done $0x0  }
0xc2: {  	s18 =	sadd.s32 $0x1D480, s15;
	[sflag:s8] =	ssyncadd.s32 $0xFFFFC000  }
0xc3: {  	[spmem:s1] =	stream.indirect.scatter.add.f32 [tilespmem:s6], [sflag:$0x4], $0x80, s18, s2, $0xb8;
	[tilespmem:$0x1E800] =	vst v63  }
0xc4: {  	_ =	swait.ge [sflag:s9], $0x4000  }
0xc5: {  	[sflag:s9] =	ssyncset.done $0x0  }
.Ltmp5:
0xc6: {  	s19 =	sadd.s32 $0x1C100, s15;
	[sflag:s9] =	ssyncadd.s32 $0xFFFFC000;
	(pc) =	sbr.rel .LBB2_14-.Ltmp5, $4  }
0xc7: {  	[tilespmem:s29], [sflag:$0x1] =	stream.indirect.gather [hbm4b:s4+s2], $0x80, s19, s2, $0xb8;
	[tilespmem:$0x1E800] =	vst v63  }
0xc8: {  	_ =	swait.ge [sflag:s10], $0x4000  }
0xc9: {  	[sflag:s10] =	ssyncset.done $0x0  }
0xca: {  	[sflag:s10] =	ssyncadd.s32 $0xFFFFC000  }
.LBB2_4:
0xcb: {  	s16 =	rddreg [dreg:$0x3]  }
0xcc: {  	[tilespmem:s31], [sflag:$0x5] =	stream.linear.gather [hbm4b:s16+s15], $0x1400, $0x38;
	[tilespmem:$0x1E800] =	vst v63  }
0xcd: {  	_ =	swait.ge [sflag:s30], $0x1400  }
0xce: {  	[sflag:s30] =	ssyncset.done $0x0  }
0xcf: {  	s19 =	rddreg [dreg:$0x4];
	[sflag:s30] =	ssyncadd.s32 $0xFFFFEC00  }
0xd0: {  	[tilespmem:s0], [sflag:$0x5] =	stream.linear.gather [hbm4b:s19+s15], $0x1400, $0x38;
	[tilespmem:$0x1E800] =	vst v63  }
0xd1: {  	_ =	swait.ge [sflag:s30], $0x1400  }
0xd2: {  	[sflag:s30] =	ssyncset.done $0x0  }
0xd3: {  	[sflag:s30] =	ssyncadd.s32 $0xFFFFEC00  }
0xd4: {  	[tilespmem:s29], [sflag:$0x1] =	stream.indirect.gather [hbm4b:s4+s2], $0x80, s31, s2, $0xb8;
	[tilespmem:$0x1E800] =	vst v63  }
0xd5: {  	s16 =	simm.s32 $0x1C080  }
0xd6: {  	[tilespmem:s6], [sflag:$0x2] =	stream.indirect.gather [hbm4b:s4+s2], $0x80, s16, s2, $0xb8;
	[tilespmem:$0x1E800] =	vst v63  }
0xd7: {  	_ =	swait.ge [sflag:s7], $0x4000  }
0xd8: {  	[sflag:s7] =	ssyncset.done $0x0  }
0xd9: {  	s17 =	simm.s32 $0x1D400;
	[sflag:s7] =	ssyncadd.s32 $0xFFFFC000  }
0xda: {  	[spmem:s1] =	stream.indirect.scatter.add.f32 [tilespmem:s29], [sflag:$0x3], $0x80, s17, s2, $0xb8;
	[tilespmem:$0x1E800] =	vst v63  }
0xdb: {  	_ =	swait.ge [sflag:s8], $0x4000  }
0xdc: {  	[sflag:s8] =	ssyncset.done $0x0  }
0xdd: {  	s18 =	simm.s32 $0x1D480;
	[sflag:s8] =	ssyncadd.s32 $0xFFFFC000  }
0xde: {  	[spmem:s1] =	stream.indirect.scatter.add.f32 [tilespmem:s6], [sflag:$0x4], $0x80, s18, s2, $0xb8;
	[tilespmem:$0x1E800] =	vst v63  }
0xdf: {  	_ =	swait.ge [sflag:s9], $0x4000  }
0xe0: {  	[sflag:s9] =	ssyncset.done $0x0  }
0xe1: {  	s19 =	simm.s32 $0x1C100;
	[sflag:s9] =	ssyncadd.s32 $0xFFFFC000  }
0xe2: {  	[tilespmem:s29], [sflag:$0x1] =	stream.indirect.gather [hbm4b:s4+s2], $0x80, s19, s2, $0xb8;
	[tilespmem:$0x1E800] =	vst v63  }
0xe3: {  	_ =	swait.ge [sflag:s10], $0x4000  }
0xe4: {  	s15 =	simm.s32 $0x100;
	s16 =	simm.s32 $0x800;
	[sflag:s10] =	ssyncset.done $0x0  }
.LBB2_5:
0xe5: {  	s17 =	sadd.s32 $0x1C080, s15  }
0xe6: {  	[sflag:s10] =	ssyncadd.s32 $0xFFFFC000;
	s18 =	smov.u32 s16;
	s19 =	sadd.s32 $0x400, s16  }
0xe7: {  	[tilespmem:s6], [sflag:$0x2] =	stream.indirect.gather [hbm4b:s4+s2], $0x80, s17, s2, $0xb8;
	[tilespmem:$0x1E800] =	vst v63  }
0xe8: {  	p1 =	sne.s32 s16, $0x4800;
	_ =	swait.ge [sflag:s7], $0x4000  }
0xe9: {  	[sflag:s7] =	ssyncset.done $0x0  }
0xea: {  	s16 =	sadd.s32 $0x1D400, s15;
	[sflag:s7] =	ssyncadd.s32 $0xFFFFC000  }
0xeb: {  	[spmem:s1] =	stream.indirect.scatter.add.f32 [tilespmem:s29], [sflag:$0x3], $0x80, s16, s2, $0xb8;
	[tilespmem:$0x1E800] =	vst v63  }
0xec: {  	_ =	swait.ge [sflag:s8], $0x4000  }
0xed: {  	[sflag:s8] =	ssyncset.done $0x0  }
0xee: {  	s16 =	sadd.s32 $0x1D480, s15;
	[sflag:s8] =	ssyncadd.s32 $0xFFFFC000  }
0xef: {  	[spmem:s1] =	stream.indirect.scatter.add.f32 [tilespmem:s6], [sflag:$0x4], $0x80, s16, s2, $0xb8;
	[tilespmem:$0x1E800] =	vst v63  }
0xf0: {  	_ =	swait.ge [sflag:s9], $0x4000  }
.Ltmp6:
0xf1: {  	[sflag:s9] =	ssyncset.done $0x0;
	(pc) =	sbr.rel @p1 .LBB2_5-.Ltmp6, $4  }
0xf2: {  	s15 =	sadd.s32 $0x1C100, s15;
	[sflag:s9] =	ssyncadd.s32 $0xFFFFC000  }
0xf3: {  	[tilespmem:s29], [sflag:$0x1] =	stream.indirect.gather [hbm4b:s4+s2], $0x80, s15, s2, $0xb8;
	[tilespmem:$0x1E800] =	vst v63  }
0xf4: {  	_ =	swait.ge [sflag:s10], $0x4000  }
0xf5: {  	s16 =	smov.u32 s19;
	s15 =	sshra.s32 s18, $0x2;
	[sflag:s10] =	ssyncset.done $0x0  }
0xf6: {  	s16 =	sadd.s32 $0x1C080, s15;
	[sflag:s10] =	ssyncadd.s32 $0xFFFFC000  }
0xf7: {  	[tilespmem:s6], [sflag:$0x2] =	stream.indirect.gather [hbm4b:s4+s2], $0x80, s16, s2, $0xb8;
	[tilespmem:$0x1E800] =	vst v63  }
0xf8: {  	_ =	swait.ge [sflag:s7], $0x4000  }
0xf9: {  	[sflag:s7] =	ssyncset.done $0x0  }
0xfa: {  	s18 =	sadd.s32 $0x1D400, s15;
	[sflag:s7] =	ssyncadd.s32 $0xFFFFC000  }
0xfb: {  	[spmem:s1] =	stream.indirect.scatter.add.f32 [tilespmem:s29], [sflag:$0x3], $0x80, s18, s2, $0xb8;
	[tilespmem:$0x1E800] =	vst v63  }
0xfc: {  	_ =	swait.ge [sflag:s8], $0x4000  }
0xfd: {  	[sflag:s8] =	ssyncset.done $0x0  }
0xfe: {  	s19 =	sadd.s32 $0x1D480, s15;
	[sflag:s8] =	ssyncadd.s32 $0xFFFFC000  }
0xff: {  	[spmem:s1] =	stream.indirect.scatter.add.f32 [tilespmem:s6], [sflag:$0x4], $0x80, s19, s2, $0xb8;
	[tilespmem:$0x1E800] =	vst v63  }
0x100: {  	_ =	swait.ge [sflag:s9], $0x4000  }
0x101: {  	[sflag:s9] =	ssyncset.done $0x0  }
0x102: {  	s16 =	sadd.s32 $0x1C100, s15;
	[sflag:s9] =	ssyncadd.s32 $0xFFFFC000  }
0x103: {  	[tilespmem:s29], [sflag:$0x1] =	stream.indirect.gather [hbm4b:s4+s2], $0x80, s16, s2, $0xb8;
	[tilespmem:$0x1E800] =	vst v63  }
0x104: {  	_ =	swait.ge [sflag:s10], $0x4000  }
0x105: {  	[sflag:s10] =	ssyncset.done $0x0  }
0x106: {  	[sflag:s10] =	ssyncadd.s32 $0xFFFFC000  }
0x107: {  	[tilespmem:s6], [sflag:$0x2] =	stream.indirect.gather [hbm4b:s4+s2], $0x80, s11, s2, $0xb8;
	[tilespmem:$0x1E800] =	vst v63  }
0x108: {  	_ =	swait.ge [sflag:s7], $0x4000  }
0x109: {  	[sflag:s7] =	ssyncset.done $0x0  }
0x10a: {  	[sflag:s7] =	ssyncadd.s32 $0xFFFFC000  }
0x10b: {  	[spmem:s1] =	stream.indirect.scatter.add.f32 [tilespmem:s29], [sflag:$0x3], $0x80, s12, s2, $0xb8;
	[tilespmem:$0x1E800] =	vst v63  }
0x10c: {  	_ =	swait.ge [sflag:s8], $0x4000  }
0x10d: {  	[sflag:s8] =	ssyncset.done $0x0  }
0x10e: {  	[sflag:s8] =	ssyncadd.s32 $0xFFFFC000  }
0x10f: {  	[spmem:s1] =	stream.indirect.scatter.add.f32 [tilespmem:s6], [sflag:$0x4], $0x80, s13, s2, $0xb8;
	[tilespmem:$0x1E800] =	vst v63  }
0x110: {  	_ =	swait.ge [sflag:s9], $0x4000  }
0x111: {  	[sflag:s9] =	ssyncset.done $0x0  }
0x112: {  	[sflag:s9] =	ssyncadd.s32 $0xFFFFC000  }
0x113: {  	_ =	swait.ge [sflag:s10], $0x4000  }
0x114: {  	[sflag:s10] =	ssyncset.done $0x0  }
0x115: {  	s17 =	simm.s32 $0x0;
	s18 =	rddreg [dreg:$0x5];
	[sflag:s10] =	ssyncadd.s32 $0xFFFFC000  }
0x116: {  	[tilespmem:s31], [sflag:$0x5] =	stream.linear.gather [hbm4b:s18+s17], $0x1400, $0x38;
	[tilespmem:$0x1E800] =	vst v63  }
0x117: {  	_ =	swait.ge [sflag:s30], $0x1400  }
0x118: {  	[sflag:s30] =	ssyncset.done $0x0  }
0x119: {  	s19 =	rddreg [dreg:$0x6];
	[sflag:s30] =	ssyncadd.s32 $0xFFFFEC00  }
0x11a: {  	[tilespmem:s0], [sflag:$0x5] =	stream.linear.gather [hbm4b:s19+s17], $0x1400, $0x38;
	[tilespmem:$0x1E800] =	vst v63  }
0x11b: {  	_ =	swait.ge [sflag:s30], $0x1400  }
0x11c: {  	[sflag:s30] =	ssyncset.done $0x0  }
0x11d: {  	[sflag:s30] =	ssyncadd.s32 $0xFFFFEC00  }
0x11e: {  	[tilespmem:s29], [sflag:$0x1] =	stream.indirect.gather [hbm4b:s4+s2], $0x80, s31, s2, $0xb8;
	[tilespmem:$0x1E800] =	vst v63  }
0x11f: {  	s16 =	simm.s32 $0x1C080  }
0x120: {  	[tilespmem:s6], [sflag:$0x2] =	stream.indirect.gather [hbm4b:s4+s2], $0x80, s16, s2, $0xb8;
	[tilespmem:$0x1E800] =	vst v63  }
0x121: {  	_ =	swait.ge [sflag:s7], $0x4000  }
0x122: {  	[sflag:s7] =	ssyncset.done $0x0  }
0x123: {  	s17 =	simm.s32 $0x1D400;
	[sflag:s7] =	ssyncadd.s32 $0xFFFFC000  }
0x124: {  	[spmem:s1] =	stream.indirect.scatter.add.f32 [tilespmem:s29], [sflag:$0x3], $0x80, s17, s2, $0xb8;
	[tilespmem:$0x1E800] =	vst v63  }
0x125: {  	_ =	swait.ge [sflag:s8], $0x4000  }
0x126: {  	[sflag:s8] =	ssyncset.done $0x0  }
0x127: {  	s18 =	simm.s32 $0x1D480;
	[sflag:s8] =	ssyncadd.s32 $0xFFFFC000  }
0x128: {  	[spmem:s1] =	stream.indirect.scatter.add.f32 [tilespmem:s6], [sflag:$0x4], $0x80, s18, s2, $0xb8;
	[tilespmem:$0x1E800] =	vst v63  }
0x129: {  	_ =	swait.ge [sflag:s9], $0x4000  }
0x12a: {  	[sflag:s9] =	ssyncset.done $0x0  }
0x12b: {  	s19 =	simm.s32 $0x1C100;
	[sflag:s9] =	ssyncadd.s32 $0xFFFFC000  }
0x12c: {  	[tilespmem:s29], [sflag:$0x1] =	stream.indirect.gather [hbm4b:s4+s2], $0x80, s19, s2, $0xb8;
	[tilespmem:$0x1E800] =	vst v63  }
0x12d: {  	_ =	swait.ge [sflag:s10], $0x4000  }
0x12e: {  	s15 =	simm.s32 $0x100;
	s16 =	simm.s32 $0x800;
	[sflag:s10] =	ssyncset.done $0x0  }
.LBB2_7:
0x12f: {  	s17 =	sadd.s32 $0x1C080, s15  }
0x130: {  	[sflag:s10] =	ssyncadd.s32 $0xFFFFC000;
	s18 =	smov.u32 s16;
	s19 =	sadd.s32 $0x400, s16  }
0x131: {  	[tilespmem:s6], [sflag:$0x2] =	stream.indirect.gather [hbm4b:s4+s2], $0x80, s17, s2, $0xb8;
	[tilespmem:$0x1E800] =	vst v63  }
0x132: {  	p1 =	sne.s32 s16, $0x4800;
	_ =	swait.ge [sflag:s7], $0x4000  }
0x133: {  	[sflag:s7] =	ssyncset.done $0x0  }
0x134: {  	s16 =	sadd.s32 $0x1D400, s15;
	[sflag:s7] =	ssyncadd.s32 $0xFFFFC000  }
0x135: {  	[spmem:s1] =	stream.indirect.scatter.add.f32 [tilespmem:s29], [sflag:$0x3], $0x80, s16, s2, $0xb8;
	[tilespmem:$0x1E800] =	vst v63  }
0x136: {  	_ =	swait.ge [sflag:s8], $0x4000  }
0x137: {  	[sflag:s8] =	ssyncset.done $0x0  }
0x138: {  	s16 =	sadd.s32 $0x1D480, s15;
	[sflag:s8] =	ssyncadd.s32 $0xFFFFC000  }
0x139: {  	[spmem:s1] =	stream.indirect.scatter.add.f32 [tilespmem:s6], [sflag:$0x4], $0x80, s16, s2, $0xb8;
	[tilespmem:$0x1E800] =	vst v63  }
0x13a: {  	_ =	swait.ge [sflag:s9], $0x4000  }
.Ltmp7:
0x13b: {  	[sflag:s9] =	ssyncset.done $0x0;
	(pc) =	sbr.rel @p1 .LBB2_7-.Ltmp7, $4  }
0x13c: {  	s15 =	sadd.s32 $0x1C100, s15;
	[sflag:s9] =	ssyncadd.s32 $0xFFFFC000  }
0x13d: {  	[tilespmem:s29], [sflag:$0x1] =	stream.indirect.gather [hbm4b:s4+s2], $0x80, s15, s2, $0xb8;
	[tilespmem:$0x1E800] =	vst v63  }
0x13e: {  	_ =	swait.ge [sflag:s10], $0x4000  }
0x13f: {  	s16 =	smov.u32 s19;
	s15 =	sshra.s32 s18, $0x2;
	[sflag:s10] =	ssyncset.done $0x0  }
0x140: {  	s16 =	sadd.s32 $0x1C080, s15;
	[sflag:s10] =	ssyncadd.s32 $0xFFFFC000  }
0x141: {  	[tilespmem:s6], [sflag:$0x2] =	stream.indirect.gather [hbm4b:s4+s2], $0x80, s16, s2, $0xb8;
	[tilespmem:$0x1E800] =	vst v63  }
0x142: {  	_ =	swait.ge [sflag:s7], $0x4000  }
0x143: {  	[sflag:s7] =	ssyncset.done $0x0  }
0x144: {  	s18 =	sadd.s32 $0x1D400, s15;
	[sflag:s7] =	ssyncadd.s32 $0xFFFFC000  }
0x145: {  	[spmem:s1] =	stream.indirect.scatter.add.f32 [tilespmem:s29], [sflag:$0x3], $0x80, s18, s2, $0xb8;
	[tilespmem:$0x1E800] =	vst v63  }
0x146: {  	_ =	swait.ge [sflag:s8], $0x4000  }
0x147: {  	[sflag:s8] =	ssyncset.done $0x0  }
0x148: {  	s19 =	sadd.s32 $0x1D480, s15;
	[sflag:s8] =	ssyncadd.s32 $0xFFFFC000  }
0x149: {  	[spmem:s1] =	stream.indirect.scatter.add.f32 [tilespmem:s6], [sflag:$0x4], $0x80, s19, s2, $0xb8;
	[tilespmem:$0x1E800] =	vst v63  }
0x14a: {  	_ =	swait.ge [sflag:s9], $0x4000  }
0x14b: {  	[sflag:s9] =	ssyncset.done $0x0  }
0x14c: {  	s16 =	sadd.s32 $0x1C100, s15;
	[sflag:s9] =	ssyncadd.s32 $0xFFFFC000  }
0x14d: {  	[tilespmem:s29], [sflag:$0x1] =	stream.indirect.gather [hbm4b:s4+s2], $0x80, s16, s2, $0xb8;
	[tilespmem:$0x1E800] =	vst v63  }
0x14e: {  	_ =	swait.ge [sflag:s10], $0x4000  }
0x14f: {  	[sflag:s10] =	ssyncset.done $0x0  }
0x150: {  	[sflag:s10] =	ssyncadd.s32 $0xFFFFC000  }
0x151: {  	[tilespmem:s6], [sflag:$0x2] =	stream.indirect.gather [hbm4b:s4+s2], $0x80, s11, s2, $0xb8;
	[tilespmem:$0x1E800] =	vst v63  }
0x152: {  	_ =	swait.ge [sflag:s7], $0x4000  }
0x153: {  	[sflag:s7] =	ssyncset.done $0x0  }
0x154: {  	[sflag:s7] =	ssyncadd.s32 $0xFFFFC000  }
0x155: {  	[spmem:s1] =	stream.indirect.scatter.add.f32 [tilespmem:s29], [sflag:$0x3], $0x80, s12, s2, $0xb8;
	[tilespmem:$0x1E800] =	vst v63  }
0x156: {  	_ =	swait.ge [sflag:s8], $0x4000  }
0x157: {  	[sflag:s8] =	ssyncset.done $0x0  }
0x158: {  	[sflag:s8] =	ssyncadd.s32 $0xFFFFC000  }
0x159: {  	[spmem:s1] =	stream.indirect.scatter.add.f32 [tilespmem:s6], [sflag:$0x4], $0x80, s13, s2, $0xb8;
	[tilespmem:$0x1E800] =	vst v63  }
0x15a: {  	_ =	swait.ge [sflag:s9], $0x4000  }
0x15b: {  	[sflag:s9] =	ssyncset.done $0x0  }
0x15c: {  	[sflag:s9] =	ssyncadd.s32 $0xFFFFC000  }
0x15d: {  	_ =	swait.ge [sflag:s10], $0x4000  }
0x15e: {  	[sflag:s10] =	ssyncset.done $0x0  }
0x15f: {  	s17 =	simm.s32 $0x0;
	s18 =	rddreg [dreg:$0x7];
	[sflag:s10] =	ssyncadd.s32 $0xFFFFC000  }
0x160: {  	[tilespmem:s31], [sflag:$0x5] =	stream.linear.gather [hbm4b:s18+s17], $0x1400, $0x38;
	[tilespmem:$0x1E800] =	vst v63  }
0x161: {  	_ =	swait.ge [sflag:s30], $0x1400  }
0x162: {  	[sflag:s30] =	ssyncset.done $0x0  }
0x163: {  	s19 =	rddreg [dreg:$0x8];
	[sflag:s30] =	ssyncadd.s32 $0xFFFFEC00  }
0x164: {  	[tilespmem:s0], [sflag:$0x5] =	stream.linear.gather [hbm4b:s19+s17], $0x1400, $0x38;
	[tilespmem:$0x1E800] =	vst v63  }
0x165: {  	_ =	swait.ge [sflag:s30], $0x1400  }
0x166: {  	[sflag:s30] =	ssyncset.done $0x0  }
0x167: {  	[sflag:s30] =	ssyncadd.s32 $0xFFFFEC00  }
0x168: {  	[tilespmem:s29], [sflag:$0x1] =	stream.indirect.gather [hbm4b:s4+s2], $0x80, s31, s2, $0xb8;
	[tilespmem:$0x1E800] =	vst v63  }
0x169: {  	s16 =	simm.s32 $0x1C080  }
0x16a: {  	[tilespmem:s6], [sflag:$0x2] =	stream.indirect.gather [hbm4b:s4+s2], $0x80, s16, s2, $0xb8;
	[tilespmem:$0x1E800] =	vst v63  }
0x16b: {  	_ =	swait.ge [sflag:s7], $0x4000  }
0x16c: {  	[sflag:s7] =	ssyncset.done $0x0  }
0x16d: {  	s17 =	simm.s32 $0x1D400;
	[sflag:s7] =	ssyncadd.s32 $0xFFFFC000  }
0x16e: {  	[spmem:s1] =	stream.indirect.scatter.add.f32 [tilespmem:s29], [sflag:$0x3], $0x80, s17, s2, $0xb8;
	[tilespmem:$0x1E800] =	vst v63  }
0x16f: {  	_ =	swait.ge [sflag:s8], $0x4000  }
0x170: {  	[sflag:s8] =	ssyncset.done $0x0  }
0x171: {  	s18 =	simm.s32 $0x1D480;
	[sflag:s8] =	ssyncadd.s32 $0xFFFFC000  }
0x172: {  	[spmem:s1] =	stream.indirect.scatter.add.f32 [tilespmem:s6], [sflag:$0x4], $0x80, s18, s2, $0xb8;
	[tilespmem:$0x1E800] =	vst v63  }
0x173: {  	_ =	swait.ge [sflag:s9], $0x4000  }
0x174: {  	[sflag:s9] =	ssyncset.done $0x0  }
0x175: {  	s19 =	simm.s32 $0x1C100;
	[sflag:s9] =	ssyncadd.s32 $0xFFFFC000  }
0x176: {  	[tilespmem:s29], [sflag:$0x1] =	stream.indirect.gather [hbm4b:s4+s2], $0x80, s19, s2, $0xb8;
	[tilespmem:$0x1E800] =	vst v63  }
0x177: {  	_ =	swait.ge [sflag:s10], $0x4000  }
0x178: {  	s15 =	simm.s32 $0x100;
	s16 =	simm.s32 $0x800;
	[sflag:s10] =	ssyncset.done $0x0  }
.LBB2_9:
0x179: {  	s17 =	sadd.s32 $0x1C080, s15  }
0x17a: {  	[sflag:s10] =	ssyncadd.s32 $0xFFFFC000;
	s18 =	smov.u32 s16;
	s19 =	sadd.s32 $0x400, s16  }
0x17b: {  	[tilespmem:s6], [sflag:$0x2] =	stream.indirect.gather [hbm4b:s4+s2], $0x80, s17, s2, $0xb8;
	[tilespmem:$0x1E800] =	vst v63  }
0x17c: {  	p1 =	seq.s32 s16, $0x4800;
	_ =	swait.ge [sflag:s7], $0x4000  }
0x17d: {  	[sflag:s7] =	ssyncset.done $0x0  }
0x17e: {  	s16 =	sadd.s32 $0x1D400, s15;
	[sflag:s7] =	ssyncadd.s32 $0xFFFFC000  }
0x17f: {  	[spmem:s1] =	stream.indirect.scatter.add.f32 [tilespmem:s29], [sflag:$0x3], $0x80, s16, s2, $0xb8;
	[tilespmem:$0x1E800] =	vst v63  }
0x180: {  	_ =	swait.ge [sflag:s8], $0x4000  }
0x181: {  	[sflag:s8] =	ssyncset.done $0x0  }
0x182: {  	s16 =	sadd.s32 $0x1D480, s15;
	[sflag:s8] =	ssyncadd.s32 $0xFFFFC000  }
0x183: {  	[spmem:s1] =	stream.indirect.scatter.add.f32 [tilespmem:s6], [sflag:$0x4], $0x80, s16, s2, $0xb8;
	[tilespmem:$0x1E800] =	vst v63  }
0x184: {  	_ =	swait.ge [sflag:s9], $0x4000  }
.Ltmp8:
0x185: {  	[sflag:s9] =	ssyncset.done $0x0;
	(pc) =	sbr.rel @!p1 .LBB2_9-.Ltmp8, $4  }
0x186: {  	s15 =	sadd.s32 $0x1C100, s15;
	[sflag:s9] =	ssyncadd.s32 $0xFFFFC000  }
0x187: {  	[tilespmem:s29], [sflag:$0x1] =	stream.indirect.gather [hbm4b:s4+s2], $0x80, s15, s2, $0xb8;
	[tilespmem:$0x1E800] =	vst v63  }
0x188: {  	_ =	swait.ge [sflag:s10], $0x4000  }
0x189: {  	s16 =	smov.u32 s19;
	s15 =	sshra.s32 s18, $0x2;
	[sflag:s10] =	ssyncset.done $0x0  }
.Ltmp9:
0x18a: {  	_ = 	snop;
	(pc) =	sbr.rel .LBB2_10-.Ltmp9, $1  }
0x18b: {  	_ =	sdelay $0x3  }
.LBB2_15:
0x18c: {  	_ =	sfence.sel $0x180000  }
0x18d: {  	[bflag:$0x0] =	sbarrier.arrive $0xFFFF  }
0x18e: {  	_ =	strace $0x9000004A  }
0x18f: {  	s0 =	stileid.u32;
	[bflag:$0x2] =	sbarrier.arrive $0xFFFF  }
0x190: {  	p0 =	sne.s32 s0, $0x0;
	s0 =	rddreg [dreg:$0x2]  }
0x191: {  	s0 =	sadd.s32 @!p0 $0x100000, s0  }
0x192: {  	[sflag:s0] =	ssyncadd.tile.s32 @!p0 $0x1;
	_ =	shalt  }
.Lfunc_end2:
_tile_overlayer_lowered:
.L_overlay_start_2:
0x193: {  	(tag) =	ssettag $0x2  }
0x194: {  	s0 =	rddreg [dreg:$0x0];
	s2 =	stileid.u32  }
0x195: {  	s1 =	rddreg [dreg:$0x1];
	p0 =	sne.s32 s2, $0x0  }
0x196: {  	s3 =	rddreg [dreg:$0x2];
	[bflag:$0x3] =	sbarrier.arrive $0xFFFF;
	s2 =	simm.s32 @!p0 $0x1C05  }
0x197: {  	[timem:s3], [sflag:s2] =	dma.local @!p0 [hbm:s0], s1  }
0x198: {  	s0 =	simm.s32 @!p0 $0x5  }
0x199: {  	_ =	swait.ge @!p0 [sflag:s0], s1  }
0x19a: {  	s1 =	ssub.s32 @!p0 $0x0, s1;
	[sflag:s0] =	ssyncset.done @!p0 $0x0  }
0x19b: {  	[sflag:s0] =	ssyncadd.s32 @!p0 s1  }
0x19c: {  	[bflag:$0x3] =	sbarrier.arrive $0xFFFF  }
0x19d: {  	_ =	shalt  }

// kernel: kernel.17.cloned.1.call-start
scs
__scs_entry_jumppad:
0x0: {  	(pc) =	sbr.rel $0x88, $3  }
0x1: {  	(tag) =	ssettag $0x0;
	lr =	simm.s32 $0x1  }
0x2: {  	[smem:$0x3F7B] =	sst lr;
	_ =	strace $0xD0000000  }
0x3: {  	_ = 	snop  }
0x4: {  	_ = 	snop  }
0x5: {  	_ = 	snop  }
0x6: {  	_ = 	snop  }
0x7: {  	_ = 	snop  }
__scs_overlays_trampoline_lowered:
0x8: {  	[smem:$0x3F8A] =	sst s0  }
0x9: {  	[smem:$0x3F8B] =	sst s1  }
0xa: {  	[smem:$0x3F8C] =	sst s2  }
0xb: {  	[smem:$0x3F8D] =	sst s3  }
0xc: {  	[smem:$0x3F8E] =	sst s4  }
0xd: {  	[smem:$0x3F8F] =	sst s5  }
0xe: {  	[smem:$0x3F90] =	sst s6  }
0xf: {  	[smem:$0x3F91] =	sst s7  }
0x10: {  	[smem:$0x3F92] =	sst s8  }
0x11: {  	[smem:$0x3F93] =	sst s9;
	s0 =	simm.s32 @!p0 $0x0  }
0x12: {  	s1 =	sld [smem:$0x3F79];
	s0 =	simm.s32 @p0 $0x1  }
0x13: {  	[smem:$0x3F94] =	sst s0;
	s0 =	simm.s32 @!p1 $0x0  }
0x14: {  	s2 =	sld [smem:$0x3F78];
	s0 =	simm.s32 @p1 $0x1  }
0x15: {  	[smem:$0x3F95] =	sst s0;
	s0 =	simm.s32 @!p2 $0x0  }
0x16: {  	s3 =	sld [smem:$0x3FDB];
	s0 =	simm.s32 @p2 $0x1  }
0x17: {  	s4 =	simm.s32 $0x1BF5;
	[smem:$0x3F97] =	sst s0  }
0x18: {  	s0 =	sld [smem:$0x3F7A];
	_ =	swait.ge [sflag:s4], $0x0  }
0x19: {  	s7 =	sld [smem:$0x3F7B]  }
0x1a: {  	s8 =	sadd.s32 $0xFFFFE003, lr  }
0x1b: {  	s9 =	sadd.s32 $0xFFFFFEF7, lr;
	s5 =	simm.s32 $0xFFFFFFFF;
	p2 =	slt.u32 s8, $0xFFFFF086  }
0x1c: {  	p1 =	slt.u32 s9, $0xF7A;
	s5 =	simm.s32 @!p2 $0x0  }
0x1d: {  	s5 =	simm.s32 @p1 $0x1;
	p0 =	seq.s32 s7, s2  }
0x1e: {  	s7 =	smul.u32 @!p0 $0xF7A, s2;
	p2 =	seq.s32 @!p0 s5, $0x0  }
0x1f: {  	s9 =	smul.u32 $0xF7A, s1;
	s8 =	simm.s32 @!p0 $0x1BF5;
	p2 =	por !p2, p0  }
0x20: {  	[sflag:s8] =	ssyncset.s32 @!p0 $0xFFFFF086;
	s6 =	sadd.s32 @!p0 s3, s7;
	s7 =	simm.s32 @!p0 $0x108  }
0x21: {  	s3 =	sadd.s32 s3, s9;
	s6 =	sadd.s32 @!p0 $0x88, s6;
	s7 =	simm.s32 @p2 $0x1082  }
0x22: {  	[simem:s7], [sflag:s8] =	dma.local @!p0 [hbm:s6], $0xF7A  }
0x23: {  	s9 =	sor.u32 $0xD0000000, s2;
	s6 =	simm.s32 $0x108;
	_ =	swait.ge @!p0 [sflag:s8], $0x0  }
0x24: {  	s3 =	sadd.s32 $0x88, s3;
	s6 =	simm.s32 @!p1 $0x1082;
	[sflag:s4] =	ssyncset.s32 $0xFFFFF086  }
0x25: {  	[simem:s6], [sflag:s4] =	dma.local [hbm:s3], $0xF7A  }
0x26: {  	[smem:$0x3F7B] =	sst s1;
	(tag) =	ssettag s2;
	_ =	strace s9  }
0x27: {  	s1 =	sld [smem:$0x3F8B]  }
0x28: {  	s2 =	sld [smem:$0x3F8C]  }
0x29: {  	s4 =	sld [smem:$0x3F8E]  }
0x2a: {  	p0 =	seq.s32 s5, $0x0;
	s5 =	sld [smem:$0x3F8F]  }
0x2b: {  	s6 =	sld [smem:$0x3F90]  }
0x2c: {  	s7 =	sld [smem:$0x3F91]  }
0x2d: {  	s3 =	simm.s32 $0x108;
	s8 =	sld [smem:$0x3F92]  }
0x2e: {  	s3 =	simm.s32 @!p0 $0x1082;
	s9 =	sld [smem:$0x3F93]  }
0x2f: {  	lr =	sadd.s32 s0, s3;
	s0 =	sld [smem:$0x3F8A]  }
0x30: {  	s3 =	sld [smem:$0x3F8D]  }
0x31: {  	[smem:$0x3F96] =	sst s10  }
0x32: {  	s10 =	sld [smem:$0x3F94];
	_ =	sdelay $0x3  }
0x33: {  	p0 =	seq.s32 s10, $0x1;
	s10 =	sld [smem:$0x3F96];
	_ =	sdelay $0x3  }
0x34: {  	[smem:$0x3F96] =	sst s10  }
0x35: {  	s10 =	sld [smem:$0x3F95];
	_ =	sdelay $0x3  }
0x36: {  	p1 =	seq.s32 s10, $0x1;
	s10 =	sld [smem:$0x3F96];
	_ =	sdelay $0x3  }
0x37: {  	[smem:$0x3F96] =	sst s10  }
0x38: {  	s10 =	sld [smem:$0x3F97]  }
0x39: {  	_ = 	snop;
	(pc) =	sbr.ind lr, $3  }
0x3a: {  	_ = 	snop  }
0x3b: {  	_ = 	snop  }
0x3c: {  	p2 =	seq.s32 s10, $0x1;
	s10 =	sld [smem:$0x3F96]  }
0x3d: {  	_ =	shalt  }
0x3e: {  	_ =	shalt  }
0x3f: {  	_ =	shalt  }
0x40: {  	_ =	shalt  }
0x41: {  	_ =	shalt  }
0x42: {  	_ =	shalt  }
0x43: {  	_ =	shalt  }
0x44: {  	_ =	shalt  }
0x45: {  	_ =	shalt  }
0x46: {  	_ =	shalt  }
0x47: {  	_ =	shalt  }
0x48: {  	_ =	shalt  }
0x49: {  	_ =	shalt  }
0x4a: {  	_ =	shalt  }
0x4b: {  	_ =	shalt  }
0x4c: {  	_ =	shalt  }
0x4d: {  	_ =	shalt  }
0x4e: {  	_ =	shalt  }
0x4f: {  	_ =	shalt  }
0x50: {  	_ =	shalt  }
0x51: {  	_ =	shalt  }
0x52: {  	_ =	shalt  }
0x53: {  	_ =	shalt  }
0x54: {  	_ =	shalt  }
0x55: {  	_ =	shalt  }
0x56: {  	_ =	shalt  }
0x57: {  	_ =	shalt  }
0x58: {  	_ =	shalt  }
0x59: {  	_ =	shalt  }
0x5a: {  	_ =	shalt  }
0x5b: {  	_ =	shalt  }
0x5c: {  	_ =	shalt  }
0x5d: {  	_ =	shalt  }
0x5e: {  	_ =	shalt  }
0x5f: {  	_ =	shalt  }
0x60: {  	_ =	shalt  }
0x61: {  	_ =	shalt  }
0x62: {  	_ =	shalt  }
0x63: {  	_ =	shalt  }
0x64: {  	_ =	shalt  }
0x65: {  	_ =	shalt  }
0x66: {  	_ =	shalt  }
0x67: {  	_ =	shalt  }
0x68: {  	_ =	shalt  }
0x69: {  	_ =	shalt  }
0x6a: {  	_ =	shalt  }
0x6b: {  	_ =	shalt  }
0x6c: {  	_ =	shalt  }
0x6d: {  	_ =	shalt  }
0x6e: {  	_ =	shalt  }
0x6f: {  	_ =	shalt  }
0x70: {  	_ =	shalt  }
0x71: {  	_ =	shalt  }
0x72: {  	_ =	shalt  }
0x73: {  	_ =	shalt  }
0x74: {  	_ =	shalt  }
0x75: {  	_ =	shalt  }
0x76: {  	_ =	shalt  }
0x77: {  	_ =	shalt  }
0x78: {  	_ =	shalt  }
0x79: {  	_ =	shalt  }
0x7a: {  	_ =	shalt  }
0x7b: {  	_ =	shalt  }
0x7c: {  	_ =	shalt  }
0x7d: {  	_ =	shalt  }
0x7e: {  	_ =	shalt  }
0x7f: {  	_ =	shalt  }
0x80: {  	_ =	shalt  }
0x81: {  	_ =	shalt  }
0x82: {  	_ =	shalt  }
0x83: {  	_ =	shalt  }
0x84: {  	_ =	shalt  }
0x85: {  	_ =	shalt  }
0x86: {  	_ =	shalt  }
0x87: {  	_ =	shalt  }
.Lfunc_end0:
.L_simem_size_0:
called_computation.2_lowered:
.L_overlay_start_0:
0x88: {  	s2 =	sld [smem:$0x3FD9]  }
0x89: {  	s3 =	sld [smem:$0x3FFE];
	_ =	sdelay $0x1  }
0x8a: {  	s1 =	srdreg.scid  }
0x8b: {  	s0 =	sand.u32 $0x1, s1  }
0x8c: {  	s16 =	sshll.u32 s0, $0xA;
	s2 =	sadd.s32 s3, s2  }
0x8d: {  	s2 =	sadd.s32 s2, s16  }
0x8e: {  	[smem:$0x3FA2] =	sst s2  }
0x8f: {  	_ = 	snop  }
0x90: {  	(tm) =	ssettm $0x1  }
0x91: {  	s17 =	sld [smem:$0x3FFB];
	_ =	sdelay $0x3  }
0x92: {  	_ =	strace s17  }
0x93: {  	s2 =	sld [smem:$0x3FFC];
	_ =	sdelay $0x3  }
0x94: {  	_ =	strace s2  }
0x95: {  	s2 =	sld [smem:$0x3FFD];
	_ =	sdelay $0x3  }
0x96: {  	_ =	strace s2  }
0x97: {  	_ =	strace $0x8FFFFFFF  }
0x98: {  	s18 =	sld [smem:$0x3FDB];
	_ =	sdelay $0x1  }
0x99: {  	s19 =	simm.s32 $_scs_section_size  }
0x9a: {  	s4 =	simm.s32 $_size__tile_overlayer_lowered;
	s5 =	simm.s32 $_tile_overlayer_lowered  }
0x9b: {  	s22 =	simm.s32 $0x1BFF;
	s21 =	sshll.u32 s5, $0x1;
	s2 =	sadd.s32 s19, s18  }
0x9c: {  	s6 =	simm.s32 $0x0;
	s20 =	sshll.u32 s4, $0x1;
	s4 =	sadd.s32 s21, s2  }
0x9d: {  	[timem:s6], [sflag:s22] =	dma.local [hbm:s4], s20  }
0x9e: {  	_ =	swait.ge [sflag:s22], s20  }
0x9f: {  	s3 =	ssub.s32 $0x0, s20;
	[sflag:s22] =	ssyncset.done $0x0  }
0xa0: {  	[sflag:s22] =	ssyncadd.s32 s3;
	_ =	sdelay $0x1  }
0xa1: {  	s23 =	simm.s32 $0x1B8B  }
0xa2: {  	_ =	swait.ge [sflag:s23], $0x1  }
0xa3: {  	[sflag:s23] =	ssyncset.done $0x0  }
0xa4: {  	s25 =	simm.s32 $0x1B8E;
	s24 =	sld [smem:$0x3FFE];
	[sflag:s23] =	ssyncadd.s32 $0xFFFFFFFF  }
0xa5: {  	s26 =	simm.s32 $execute0_lowered;
	[smem:$0x3FD2] =	sst s25  }
0xa6: {  	s4 =	sshll.u32 s26, $0x1;
	_ =	strace $0x8000004C;
	[dreg:$0x1] =	wrdreg $0xFFFFFFFF  }
0xa7: {  	s28 =	simm.s32 $_size_execute0_lowered;
	s2 =	sadd.s32 s2, s4;
	[dreg:$0x0] =	wrdreg $0x0  }
0xa8: {  	s4 =	sshll.u32 s28, $0x1;
	[dreg:$0x2] =	wrdreg s2  }
0xa9: {  	[dreg:$0x3] =	wrdreg s4  }
0xaa: {  	[dreg:$0x4] =	wrdreg $0xC0  }
0xab: {  	_ =	task [dreg:s6], $0x5FFFF  }
0xac: {  	[dreg:$0x1] =	wrdreg $0xFFFFFFFF  }
0xad: {  	[dreg:$0x0] =	wrdreg $0x60  }
0xae: {  	[dreg:$0x2] =	wrdreg s24  }
0xaf: {  	[dreg:$0x3] =	wrdreg $0x0  }
0xb0: {  	[dreg:$0x4] =	wrdreg $0x9  }
0xb1: {  	_ =	task.clear_ibuf [dreg:s6], $0x5FFFF;
	_ =	strace $0x9000004C  }
0xb2: {  	s29 =	simm.s32 $0x9;
	_ =	strace $0x8000004E  }
0xb3: {  	_ =	swait.ge [sflag:s29], $0x1  }
0xb4: {  	[sflag:s29] =	ssyncadd.s32 $0xFFFFFFFF  }
0xb5: {  	_ =	strace $0x9000004E  }
0xb6: {  	_ =	sfence  }
0xb7: {  	s30 =	sld [smem:$0x0];
	_ =	sdelay $0x2  }
0xb8: {  	s31 =	sshll.u32 s1, $0xD;
	s1 =	sshrl.u32 s1, $0x2  }
0xb9: {  	s3 =	sand.u32 $0x4000, s31;
	s1 =	sadd.s32 s1, s30  }
0xba: {  	s0 =	sor.u32 s3, s0;
	s1 =	sshll.u32 s1, $0x11  }
0xbb: {  	s0 =	sor.u32 s1, s0  }
0xbc: {  	s0 =	sadd.s32 $0x8F2B, s0  }
0xbd: {  	[sflag:s0] =	ssyncadd.remote.s32 $0x1  }
0xbe: {  	_ =	sfence.sel $0xFFFF  }
0xbf: {  	[dreg:$0x0] =	wrdreg $0xFFFFFFFF;
	(pc) =	sbr.abs _section_cstart, $3  }
0xc0: {  	[dreg:$0x1] =	wrdreg $0xFFFFFFFF  }
0xc1: {  	_ =	task.clear_ibuf [dreg:s6], $0x2FFFF;
	_ =	strace $0x9FFFFFFF  }
0xc2: {  	(tm) =	ssettm $0x7FFFFFFF  }
0xc3: {  	_ =	shalt  }
tec
execute0_lowered:
.L_overlay_start_1:
0x0: {  	(tag) =	ssettag $0x1  }
0x1: {  	s0 =	rddreg [dreg:$0x0]  }
0x2: {  	s1 =	rddreg [dreg:$0x1]  }
0x3: {  	s3 =	simm.s32 $0x0;
	s2 =	srdreg.scid;
	s12 =	stileid.u32  }
0x4: {  	s29 =	simm.s32 $0x14000;
	s30 =	simm.s32 $0x5;
	s31 =	simm.s32 $0x1C000  }
0x5: {  	[smem:$0x7FF] =	sst s3;
	s2 =	sand.u32 $0x1, s2;
	s7 =	smul.u32 $0x50000, s12  }
0x6: {  	s6 =	sadd.s32 $0x11400, s0;
	s8 =	sadd.s32 $0x7400, s0;
	s10 =	smul.u32 $0x5000, s12  }
0x7: {  	s4 =	sadd.s32 $0x1B400, s0;
	s0 =	sadd.s32 $0x43400, s0;
	s17 =	smul.u32 $0xA00, s12  }
0x8: {  	s21 =	smul.u32 $0x14000, s12;
	_ =	strace $0x8000004D;
	s5 =	ssub.s32 $0x2, s2  }
0x9: {  	p0 =	seq.s32 s2, $0x1;
	s2 =	smul.u32 $0x140000, s2;
	s9 =	sshrl.u32 s5, $0x1  }
0xa: {  	s16 =	sshrl.u32 s7, $0x2;
	s10 =	sshrl.u32 s10, $0x3;
	s13 =	sadd.s32 s6, s17  }
0xb: {  	s7 =	sadd.s32 s8, s17;
	s23 =	sadd.s32 $0x4000, s21;
	s17 =	sadd.s32 $0x8000, s21  }
0xc: {  	s9 =	ssub.s32 s5, s9;
	s5 =	sadd.s32 s16, s1;
	[dreg:$0x3] =	wrdreg s13  }
0xd: {  	s11 =	sadd.s32 $0x280, s10;
	[dreg:$0x4] =	wrdreg s7;
	s20 =	sadd.s32 $0x500, s10  }
0xe: {  	s10 =	sadd.s32 $0x780, s10;
	s13 =	sadd.s32 s2, s21;
	s18 =	sadd.s32 s6, s11  }
0xf: {  	s14 =	sadd.s32 s2, s23;
	s19 =	sadd.s32 s8, s11;
	[dreg:$0x5] =	wrdreg s18  }
0x10: {  	s24 =	sadd.s32 s2, s17;
	s22 =	sadd.s32 s6, s20;
	[dreg:$0x6] =	wrdreg s19  }
0x11: {  	s7 =	sadd.s32 s8, s20;
	s6 =	sadd.s32 s6, s10;
	[dreg:$0x7] =	wrdreg s22  }
0x12: {  	s12 =	sadd.s32 s8, s10;
	s9 =	smax.u32 s9, $0x1;
	[dreg:$0x8] =	wrdreg s7  }
0x13: {  	s8 =	sshrl.u32 s14, $0x3;
	s15 =	sadd.s32 $0x4000, s5;
	[dreg:$0x9] =	wrdreg s6  }
0x14: {  	s10 =	sshrl.u32 s24, $0x3;
	s28 =	sadd.s32 $0x10000, s5;
	[dreg:$0xa] =	wrdreg s12  }
0x15: {  	s14 =	simm.s32 $0x0;
	[dreg:$0xb] =	wrdreg s9;
	s7 =	sshrl.u32 s13, $0x3  }
0x16: {  	[dreg:$0xc] =	wrdreg s15;
	s16 =	sadd.s32 s0, s8;
	s18 =	sadd.s32 $0xC000, s21  }
0x17: {  	s19 =	sadd.s32 $0x10000, s21;
	s10 =	sadd.s32 s0, s10;
	s21 =	sadd.s32 $0x8000, s5  }
0x18: {  	s22 =	sadd.s32 s23, s1;
	s23 =	sadd.s32 s17, s1;
	s6 =	simm.s32 $0x18000  }
0x19: {  	s8 =	simm.s32 $0x2;
	s9 =	simm.s32 $0x3;
	s12 =	simm.s32 $0x1E700  }
0x1a: {  	s13 =	simm.s32 $0x1E780;
	s7 =	sadd.s32 s0, s7;
	[dreg:$0xe] =	wrdreg s16  }
0x1b: {  	s25 =	sadd.s32 s2, s18;
	s2 =	sadd.s32 s2, s19;
	[dreg:$0xf] =	wrdreg s10  }
.Ltmp0:
0x1c: {  	s24 =	sadd.s32 s18, s1;
	s10 =	simm.s32 $0x4;
	(pc) =	sbr.rel .LBB2_1-.Ltmp0, $4  }
0x1d: {  	[dreg:$0xd] =	wrdreg s7;
	s11 =	sshrl.u32 s25, $0x3;
	s2 =	sshrl.u32 s2, $0x3  }
0x1e: {  	s25 =	sadd.s32 s19, s1;
	s7 =	simm.s32 $0x1;
	s26 =	sadd.s32 s0, s11  }
0x1f: {  	s20 =	sadd.s32 s0, s2;
	s0 =	simm.s32 $0x1D400;
	s2 =	simm.s32 $0x80  }
0x20: {  	v0 =	vimm.f32 $0.0e+00;
	s11 =	simm.s32 $0x1D380;
	[dreg:$0x10] =	wrdreg s26;
	s26 =	sadd.s32 $0xC000, s5  }
.LBB2_10:
0x21: {  	s16 =	sadd.s32 $0x1C080, s15;
	[sflag:s10] =	ssyncadd.s32 $0xFFFFC000  }
0x22: {  	[tilespmem:s6], [sflag:$0x2] =	stream.indirect.gather [hbm4b:s4+s2], $0x80, s16, s2, $0xb8;
	[tilespmem:$0x1E800] =	vst v63  }
0x23: {  	_ =	swait.ge [sflag:s7], $0x4000  }
0x24: {  	[sflag:s7] =	ssyncset.done $0x0  }
0x25: {  	s17 =	sadd.s32 $0x1D400, s15;
	[sflag:s7] =	ssyncadd.s32 $0xFFFFC000  }
0x26: {  	[spmem:s1] =	stream.indirect.scatter.add.f32 [tilespmem:s29], [sflag:$0x3], $0x80, s17, s2, $0xb8;
	[tilespmem:$0x1E800] =	vst v63  }
0x27: {  	_ =	swait.ge [sflag:s8], $0x4000  }
0x28: {  	[sflag:s8] =	ssyncset.done $0x0  }
0x29: {  	s18 =	sadd.s32 $0x1D480, s15;
	[sflag:s8] =	ssyncadd.s32 $0xFFFFC000  }
0x2a: {  	[spmem:s1] =	stream.indirect.scatter.add.f32 [tilespmem:s6], [sflag:$0x4], $0x80, s18, s2, $0xb8;
	[tilespmem:$0x1E800] =	vst v63  }
0x2b: {  	_ =	swait.ge [sflag:s9], $0x4000  }
0x2c: {  	[sflag:s9] =	ssyncset.done $0x0  }
0x2d: {  	s19 =	sadd.s32 $0x1C100, s15;
	[sflag:s9] =	ssyncadd.s32 $0xFFFFC000  }
0x2e: {  	[tilespmem:s29], [sflag:$0x1] =	stream.indirect.gather [hbm4b:s4+s2], $0x80, s19, s2, $0xb8;
	[tilespmem:$0x1E800] =	vst v63  }
0x2f: {  	_ =	swait.ge [sflag:s10], $0x4000  }
0x30: {  	[sflag:s10] =	ssyncset.done $0x0  }
0x31: {  	[sflag:s10] =	ssyncadd.s32 $0xFFFFC000  }
.LBB2_14:
0x32: {  	[tilespmem:s6], [sflag:$0x2] =	stream.indirect.gather [hbm4b:s4+s2], $0x80, s11, s2, $0xb8;
	[tilespmem:$0x1E800] =	vst v63  }
0x33: {  	_ =	swait.ge [sflag:s7], $0x4000  }
0x34: {  	[sflag:s7] =	ssyncset.done $0x0  }
0x35: {  	[sflag:s7] =	ssyncadd.s32 $0xFFFFC000  }
0x36: {  	[spmem:s1] =	stream.indirect.scatter.add.f32 [tilespmem:s29], [sflag:$0x3], $0x80, s12, s2, $0xb8;
	[tilespmem:$0x1E800] =	vst v63  }
0x37: {  	_ =	swait.ge [sflag:s8], $0x4000  }
0x38: {  	[sflag:s8] =	ssyncset.done $0x0  }
0x39: {  	[sflag:s8] =	ssyncadd.s32 $0xFFFFC000  }
0x3a: {  	[spmem:s1] =	stream.indirect.scatter.add.f32 [tilespmem:s6], [sflag:$0x4], $0x80, s13, s2, $0xb8;
	[tilespmem:$0x1E800] =	vst v63  }
0x3b: {  	_ =	swait.ge [sflag:s9], $0x4000  }
0x3c: {  	[sflag:s9] =	ssyncset.done $0x0  }
0x3d: {  	[sflag:s9] =	ssyncadd.s32 $0xFFFFC000  }
0x3e: {  	_ =	swait.ge [sflag:s10], $0x4000  }
0x3f: {  	[sflag:s10] =	ssyncset.done $0x0  }
0x40: {  	[sflag:s10] =	ssyncadd.s32 $0xFFFFC000  }
0x41: {  	[bflag:$0x0] =	sbarrier.arrive $0xFFFF  }
0x42: {  	[tilespmem:s29], [sflag:$0x5] =	stream.linear.gather [spmem:s5], $0x4000, $0x38;
	[tilespmem:$0x1E800] =	vst v63  }
0x43: {  	_ =	swait.ge [sflag:s30], $0x4000  }
0x44: {  	[sflag:s30] =	ssyncset.done $0x0  }
0x45: {  	s15 =	rddreg [dreg:$0xd];
	[sflag:s30] =	ssyncadd.s32 $0xFFFFC000  }
0x46: {  	[hbm4b:s15+s3] =	stream.linear.scatter [tilespmem:s29], [sflag:$0x5], $0x4000, $0x38;
	[tilespmem:$0x1E800] =	vst v63  }
0x47: {  	_ =	swait.ge [sflag:s30], $0x4000  }
0x48: {  	[sflag:s30] =	ssyncset.done $0x0  }
0x49: {  	[sflag:s30] =	ssyncadd.s32 $0xFFFFC000  }
0x4a: {  	[tilespmem:s29], [sflag:$0x5] =	stream.linear.gather [spmem:s22], $0x4000, $0x38;
	[tilespmem:$0x1E800] =	vst v63  }
0x4b: {  	_ =	swait.ge [sflag:s30], $0x4000  }
0x4c: {  	[sflag:s30] =	ssyncset.done $0x0  }
0x4d: {  	s16 =	rddreg [dreg:$0xe];
	[sflag:s30] =	ssyncadd.s32 $0xFFFFC000  }
0x4e: {  	[hbm4b:s16+s3] =	stream.linear.scatter [tilespmem:s29], [sflag:$0x5], $0x4000, $0x38;
	[tilespmem:$0x1E800] =	vst v63  }
0x4f: {  	_ =	swait.ge [sflag:s30], $0x4000  }
0x50: {  	[sflag:s30] =	ssyncset.done $0x0  }
0x51: {  	[sflag:s30] =	ssyncadd.s32 $0xFFFFC000  }
0x52: {  	[tilespmem:s29], [sflag:$0x5] =	stream.linear.gather [spmem:s23], $0x4000, $0x38;
	[tilespmem:$0x1E800] =	vst v63  }
0x53: {  	_ =	swait.ge [sflag:s30], $0x4000  }
0x54: {  	[sflag:s30] =	ssyncset.done $0x0  }
0x55: {  	s17 =	rddreg [dreg:$0xf];
	[sflag:s30] =	ssyncadd.s32 $0xFFFFC000  }
0x56: {  	[hbm4b:s17+s3] =	stream.linear.scatter [tilespmem:s29], [sflag:$0x5], $0x4000, $0x38;
	[tilespmem:$0x1E800] =	vst v63  }
0x57: {  	_ =	swait.ge [sflag:s30], $0x4000  }
0x58: {  	[sflag:s30] =	ssyncset.done $0x0  }
0x59: {  	[sflag:s30] =	ssyncadd.s32 $0xFFFFC000  }
0x5a: {  	[tilespmem:s29], [sflag:$0x5] =	stream.linear.gather [spmem:s24], $0x4000, $0x38;
	[tilespmem:$0x1E800] =	vst v63  }
0x5b: {  	_ =	swait.ge [sflag:s30], $0x4000  }
0x5c: {  	[sflag:s30] =	ssyncset.done $0x0  }
0x5d: {  	s18 =	rddreg [dreg:$0x10];
	[sflag:s30] =	ssyncadd.s32 $0xFFFFC000  }
0x5e: {  	[hbm4b:s18+s3] =	stream.linear.scatter [tilespmem:s29], [sflag:$0x5], $0x4000, $0x38;
	[tilespmem:$0x1E800] =	vst v63  }
0x5f: {  	_ =	swait.ge [sflag:s30], $0x4000  }
0x60: {  	[sflag:s30] =	ssyncset.done $0x0  }
0x61: {  	[sflag:s30] =	ssyncadd.s32 $0xFFFFC000  }
0x62: {  	[tilespmem:s29], [sflag:$0x5] =	stream.linear.gather [spmem:s25], $0x4000, $0x38;
	[tilespmem:$0x1E800] =	vst v63  }
0x63: {  	_ =	swait.ge [sflag:s30], $0x4000  }
0x64: {  	[sflag:s30] =	ssyncset.done $0x0  }
0x65: {  	[sflag:s30] =	ssyncadd.s32 $0xFFFFC000  }
0x66: {  	[hbm4b:s20+s3] =	stream.linear.scatter [tilespmem:s29], [sflag:$0x5], $0x4000, $0x38;
	[tilespmem:$0x1E800] =	vst v63  }
0x67: {  	_ =	swait.ge [sflag:s30], $0x4000  }
0x68: {  	s14 =	sadd.s32 $0x1, s14;
	s19 =	rddreg [dreg:$0xb]  }
0x69: {  	p1 =	sne.s32 s14, s19  }
.Ltmp1:
0x6a: {  	_ = 	snop;
	(pc) =	sbr.rel @!p1 .LBB2_15-.Ltmp1, $3  }
0x6b: {  	_ =	sdelay $0x1  }
0x6c: {  	[sflag:s30] =	ssyncset.done $0x0  }
0x6d: {  	[sflag:s30] =	ssyncadd.s32 $0xFFFFC000  }
.LBB2_1:
0x6e: {  	s15 =	sand.u32 $0xFE00, s3  }
0x6f: {  	s16 =	sand.u32 $0x70, s3;
	s17 =	sshrl.u32 s15, $0x2  }
0x70: {  	s15 =	simm.s32 $0x40;
	s17 =	sor.u32 s16, s17;
	s16 =	simm.s32 $0x0  }
.LBB2_2:
0x71: {  	p1 =	sne.s32 s15, $0xFFC0  }
0x72: {  	[tilespmem:s17+$0x14000] =	vst v0;
	s16 =	sadd.s32 $0x10, s16;
	s17 =	smov.u32 s15;
	s15 =	sadd.s32 $0x40, s15  }
.Ltmp2:
0x73: {  	(pc) =	sbr.rel @p1 .LBB2_2-.Ltmp2, $4  }
0x74: {  	_ = 	snop  }
0x75: {  	s17 =	sand.u32 $0xFE00, s17  }
0x76: {  	s18 =	sand.u32 $0x70, s16;
	s17 =	sshrl.u32 s17, $0x2  }
0x77: {  	s17 =	sor.u32 s18, s17  }
0x78: {  	[tilespmem:s17+$0x14000] =	vst v0  }
0x79: {  	[spmem:s5] =	stream.linear.scatter [tilespmem:s29], [sflag:$0x5], $0x4000, $0x38;
	[tilespmem:$0x1E800] =	vst v63  }
0x7a: {  	_ =	swait.ge [sflag:s30], $0x4000  }
0x7b: {  	[sflag:s30] =	ssyncset.done $0x0  }
0x7c: {  	s15 =	rddreg [dreg:$0xc];
	[sflag:s30] =	ssyncadd.s32 $0xFFFFC000  }
0x7d: {  	[spmem:s15] =	stream.linear.scatter [tilespmem:s29], [sflag:$0x5], $0x4000, $0x38;
	[tilespmem:$0x1E800] =	vst v63  }
0x7e: {  	_ =	swait.ge [sflag:s30], $0x4000  }
0x7f: {  	[sflag:s30] =	ssyncset.done $0x0  }
0x80: {  	[sflag:s30] =	ssyncadd.s32 $0xFFFFC000  }
0x81: {  	[spmem:s21] =	stream.linear.scatter [tilespmem:s29], [sflag:$0x5], $0x4000, $0x38;
	[tilespmem:$0x1E800] =	vst v63  }
0x82: {  	_ =	swait.ge [sflag:s30], $0x4000  }
0x83: {  	[sflag:s30] =	ssyncset.done $0x0  }
0x84: {  	[sflag:s30] =	ssyncadd.s32 $0xFFFFC000  }
0x85: {  	[spmem:s26] =	stream.linear.scatter [tilespmem:s29], [sflag:$0x5], $0x4000, $0x38;
	[tilespmem:$0x1E800] =	vst v63  }
0x86: {  	_ =	swait.ge [sflag:s30], $0x4000  }
0x87: {  	[sflag:s30] =	ssyncset.done $0x0  }
0x88: {  	[sflag:s30] =	ssyncadd.s32 $0xFFFFC000  }
0x89: {  	[spmem:s28] =	stream.linear.scatter [tilespmem:s29], [sflag:$0x5], $0x4000, $0x38;
	[tilespmem:$0x1E800] =	vst v63  }
.Ltmp3:
0x8a: {  	_ =	swait.ge [sflag:s30], $0x4000;
	(pc) =	sbr.rel @!p0 .LBB2_4-.Ltmp3, $4  }
0x8b: {  	[sflag:s30] =	ssyncset.done $0x0  }
0x8c: {  	[sflag:s30] =	ssyncadd.s32 $0xFFFFC000  }
0x8d: {  	[bflag:$0x0] =	sbarrier.arrive $0xFFFF  }
0x8e: {  	s15 =	simm.s32 $0x0  }
0x8f: {  	s16 =	rddreg [dreg:$0x9]  }
0x90: {  	[tilespmem:s31], [sflag:$0x5] =	stream.linear.gather [hbm4b:s16+s15], $0x1400, $0x38;
	[tilespmem:$0x1E800] =	vst v63  }
0x91: {  	_ =	swait.ge [sflag:s30], $0x1400  }
0x92: {  	[sflag:s30] =	ssyncset.done $0x0  }
0x93: {  	s19 =	rddreg [dreg:$0xa];
	[sflag:s30] =	ssyncadd.s32 $0xFFFFEC00  }
0x94: {  	[tilespmem:s0], [sflag:$0x5] =	stream.linear.gather [hbm4b:s19+s15], $0x1400, $0x38;
	[tilespmem:$0x1E800] =	vst v63  }
0x95: {  	_ =	swait.ge [sflag:s30], $0x1400  }
0x96: {  	[sflag:s30] =	ssyncset.done $0x0  }
0x97: {  	[sflag:s30] =	ssyncadd.s32 $0xFFFFEC00  }
0x98: {  	[tilespmem:s29], [sflag:$0x1] =	stream.indirect.gather [hbm4b:s4+s2], $0x80, s31, s2, $0xb8;
	[tilespmem:$0x1E800] =	vst v63  }
0x99: {  	s16 =	simm.s32 $0x1C080  }
0x9a: {  	[tilespmem:s6], [sflag:$0x2] =	stream.indirect.gather [hbm4b:s4+s2], $0x80, s16, s2, $0xb8;
	[tilespmem:$0x1E800] =	vst v63  }
0x9b: {  	_ =	swait.ge [sflag:s7], $0x4000  }
0x9c: {  	[sflag:s7] =	ssyncset.done $0x0  }
0x9d: {  	s17 =	simm.s32 $0x1D400;
	[sflag:s7] =	ssyncadd.s32 $0xFFFFC000  }
0x9e: {  	[spmem:s1] =	stream.indirect.scatter.add.f32 [tilespmem:s29], [sflag:$0x3], $0x80, s17, s2, $0xb8;
	[tilespmem:$0x1E800] =	vst v63  }
0x9f: {  	_ =	swait.ge [sflag:s8], $0x4000  }
0xa0: {  	[sflag:s8] =	ssyncset.done $0x0  }
0xa1: {  	s18 =	simm.s32 $0x1D480;
	[sflag:s8] =	ssyncadd.s32 $0xFFFFC000  }
0xa2: {  	[spmem:s1] =	stream.indirect.scatter.add.f32 [tilespmem:s6], [sflag:$0x4], $0x80, s18, s2, $0xb8;
	[tilespmem:$0x1E800] =	vst v63  }
0xa3: {  	_ =	swait.ge [sflag:s9], $0x4000  }
0xa4: {  	[sflag:s9] =	ssyncset.done $0x0  }
0xa5: {  	s19 =	simm.s32 $0x1C100;
	[sflag:s9] =	ssyncadd.s32 $0xFFFFC000  }
0xa6: {  	[tilespmem:s29], [sflag:$0x1] =	stream.indirect.gather [hbm4b:s4+s2], $0x80, s19, s2, $0xb8;
	[tilespmem:$0x1E800] =	vst v63  }
0xa7: {  	_ =	swait.ge [sflag:s10], $0x4000  }
0xa8: {  	s15 =	simm.s32 $0x100;
	s16 =	simm.s32 $0x800;
	[sflag:s10] =	ssyncset.done $0x0  }
.LBB2_12:
0xa9: {  	s17 =	sadd.s32 $0x1C080, s15  }
0xaa: {  	[sflag:s10] =	ssyncadd.s32 $0xFFFFC000;
	s18 =	smov.u32 s16;
	s19 =	sadd.s32 $0x400, s16  }
0xab: {  	[tilespmem:s6], [sflag:$0x2] =	stream.indirect.gather [hbm4b:s4+s2], $0x80, s17, s2, $0xb8;
	[tilespmem:$0x1E800] =	vst v63  }
0xac: {  	p1 =	sne.s32 s16, $0x4800;
	_ =	swait.ge [sflag:s7], $0x4000  }
0xad: {  	[sflag:s7] =	ssyncset.done $0x0  }
0xae: {  	s16 =	sadd.s32 $0x1D400, s15;
	[sflag:s7] =	ssyncadd.s32 $0xFFFFC000  }
0xaf: {  	[spmem:s1] =	stream.indirect.scatter.add.f32 [tilespmem:s29], [sflag:$0x3], $0x80, s16, s2, $0xb8;
	[tilespmem:$0x1E800] =	vst v63  }
0xb0: {  	_ =	swait.ge [sflag:s8], $0x4000  }
0xb1: {  	[sflag:s8] =	ssyncset.done $0x0  }
0xb2: {  	s16 =	sadd.s32 $0x1D480, s15;
	[sflag:s8] =	ssyncadd.s32 $0xFFFFC000  }
0xb3: {  	[spmem:s1] =	stream.indirect.scatter.add.f32 [tilespmem:s6], [sflag:$0x4], $0x80, s16, s2, $0xb8;
	[tilespmem:$0x1E800] =	vst v63  }
0xb4: {  	_ =	swait.ge [sflag:s9], $0x4000  }
.Ltmp4:
0xb5: {  	[sflag:s9] =	ssyncset.done $0x0;
	(pc) =	sbr.rel @p1 .LBB2_12-.Ltmp4, $4  }
0xb6: {  	s15 =	sadd.s32 $0x1C100, s15;
	[sflag:s9] =	ssyncadd.s32 $0xFFFFC000  }
0xb7: {  	[tilespmem:s29], [sflag:$0x1] =	stream.indirect.gather [hbm4b:s4+s2], $0x80, s15, s2, $0xb8;
	[tilespmem:$0x1E800] =	vst v63  }
0xb8: {  	_ =	swait.ge [sflag:s10], $0x4000  }
0xb9: {  	s16 =	smov.u32 s19;
	s15 =	sshra.s32 s18, $0x2;
	[sflag:s10] =	ssyncset.done $0x0  }
0xba: {  	s16 =	sadd.s32 $0x1C080, s15;
	[sflag:s10] =	ssyncadd.s32 $0xFFFFC000  }
0xbb: {  	[tilespmem:s6], [sflag:$0x2] =	stream.indirect.gather [hbm4b:s4+s2], $0x80, s16, s2, $0xb8;
	[tilespmem:$0x1E800] =	vst v63  }
0xbc: {  	_ =	swait.ge [sflag:s7], $0x4000  }
0xbd: {  	[sflag:s7] =	ssyncset.done $0x0  }
0xbe: {  	s17 =	sadd.s32 $0x1D400, s15;
	[sflag:s7] =	ssyncadd.s32 $0xFFFFC000  }
0xbf: {  	[spmem:s1] =	stream.indirect.scatter.add.f32 [tilespmem:s29], [sflag:$0x3], $0x80, s17, s2, $0xb8;
	[tilespmem:$0x1E800] =	vst v63  }
0xc0: {  	_ =	swait.ge [sflag:s8], $0x4000  }
0xc1: {  	[sflag:s8] =	ssyncset.done $0x0  }
0xc2: {  	s18 =	sadd.s32 $0x1D480, s15;
	[sflag:s8] =	ssyncadd.s32 $0xFFFFC000  }
0xc3: {  	[spmem:s1] =	stream.indirect.scatter.add.f32 [tilespmem:s6], [sflag:$0x4], $0x80, s18, s2, $0xb8;
	[tilespmem:$0x1E800] =	vst v63  }
0xc4: {  	_ =	swait.ge [sflag:s9], $0x4000  }
0xc5: {  	[sflag:s9] =	ssyncset.done $0x0  }
.Ltmp5:
0xc6: {  	s19 =	sadd.s32 $0x1C100, s15;
	[sflag:s9] =	ssyncadd.s32 $0xFFFFC000;
	(pc) =	sbr.rel .LBB2_14-.Ltmp5, $4  }
0xc7: {  	[tilespmem:s29], [sflag:$0x1] =	stream.indirect.gather [hbm4b:s4+s2], $0x80, s19, s2, $0xb8;
	[tilespmem:$0x1E800] =	vst v63  }
0xc8: {  	_ =	swait.ge [sflag:s10], $0x4000  }
0xc9: {  	[sflag:s10] =	ssyncset.done $0x0  }
0xca: {  	[sflag:s10] =	ssyncadd.s32 $0xFFFFC000  }
.LBB2_4:
0xcb: {  	s16 =	rddreg [dreg:$0x3]  }
0xcc: {  	[tilespmem:s31], [sflag:$0x5] =	stream.linear.gather [hbm4b:s16+s15], $0x1400, $0x38;
	[tilespmem:$0x1E800] =	vst v63  }
0xcd: {  	_ =	swait.ge [sflag:s30], $0x1400  }
0xce: {  	[sflag:s30] =	ssyncset.done $0x0  }
0xcf: {  	s19 =	rddreg [dreg:$0x4];
	[sflag:s30] =	ssyncadd.s32 $0xFFFFEC00  }
0xd0: {  	[tilespmem:s0], [sflag:$0x5] =	stream.linear.gather [hbm4b:s19+s15], $0x1400, $0x38;
	[tilespmem:$0x1E800] =	vst v63  }
0xd1: {  	_ =	swait.ge [sflag:s30], $0x1400  }
0xd2: {  	[sflag:s30] =	ssyncset.done $0x0  }
0xd3: {  	[sflag:s30] =	ssyncadd.s32 $0xFFFFEC00  }
0xd4: {  	[tilespmem:s29], [sflag:$0x1] =	stream.indirect.gather [hbm4b:s4+s2], $0x80, s31, s2, $0xb8;
	[tilespmem:$0x1E800] =	vst v63  }
0xd5: {  	s16 =	simm.s32 $0x1C080  }
0xd6: {  	[tilespmem:s6], [sflag:$0x2] =	stream.indirect.gather [hbm4b:s4+s2], $0x80, s16, s2, $0xb8;
	[tilespmem:$0x1E800] =	vst v63  }
0xd7: {  	_ =	swait.ge [sflag:s7], $0x4000  }
0xd8: {  	[sflag:s7] =	ssyncset.done $0x0  }
0xd9: {  	s17 =	simm.s32 $0x1D400;
	[sflag:s7] =	ssyncadd.s32 $0xFFFFC000  }
0xda: {  	[spmem:s1] =	stream.indirect.scatter.add.f32 [tilespmem:s29], [sflag:$0x3], $0x80, s17, s2, $0xb8;
	[tilespmem:$0x1E800] =	vst v63  }
0xdb: {  	_ =	swait.ge [sflag:s8], $0x4000  }
0xdc: {  	[sflag:s8] =	ssyncset.done $0x0  }
0xdd: {  	s18 =	simm.s32 $0x1D480;
	[sflag:s8] =	ssyncadd.s32 $0xFFFFC000  }
0xde: {  	[spmem:s1] =	stream.indirect.scatter.add.f32 [tilespmem:s6], [sflag:$0x4], $0x80, s18, s2, $0xb8;
	[tilespmem:$0x1E800] =	vst v63  }
0xdf: {  	_ =	swait.ge [sflag:s9], $0x4000  }
0xe0: {  	[sflag:s9] =	ssyncset.done $0x0  }
0xe1: {  	s19 =	simm.s32 $0x1C100;
	[sflag:s9] =	ssyncadd.s32 $0xFFFFC000  }
0xe2: {  	[tilespmem:s29], [sflag:$0x1] =	stream.indirect.gather [hbm4b:s4+s2], $0x80, s19, s2, $0xb8;
	[tilespmem:$0x1E800] =	vst v63  }
0xe3: {  	_ =	swait.ge [sflag:s10], $0x4000  }
0xe4: {  	s15 =	simm.s32 $0x100;
	s16 =	simm.s32 $0x800;
	[sflag:s10] =	ssyncset.done $0x0  }
.LBB2_5:
0xe5: {  	s17 =	sadd.s32 $0x1C080, s15  }
0xe6: {  	[sflag:s10] =	ssyncadd.s32 $0xFFFFC000;
	s18 =	smov.u32 s16;
	s19 =	sadd.s32 $0x400, s16  }
0xe7: {  	[tilespmem:s6], [sflag:$0x2] =	stream.indirect.gather [hbm4b:s4+s2], $0x80, s17, s2, $0xb8;
	[tilespmem:$0x1E800] =	vst v63  }
0xe8: {  	p1 =	sne.s32 s16, $0x4800;
	_ =	swait.ge [sflag:s7], $0x4000  }
0xe9: {  	[sflag:s7] =	ssyncset.done $0x0  }
0xea: {  	s16 =	sadd.s32 $0x1D400, s15;
	[sflag:s7] =	ssyncadd.s32 $0xFFFFC000  }
0xeb: {  	[spmem:s1] =	stream.indirect.scatter.add.f32 [tilespmem:s29], [sflag:$0x3], $0x80, s16, s2, $0xb8;
	[tilespmem:$0x1E800] =	vst v63  }
0xec: {  	_ =	swait.ge [sflag:s8], $0x4000  }
0xed: {  	[sflag:s8] =	ssyncset.done $0x0  }
0xee: {  	s16 =	sadd.s32 $0x1D480, s15;
	[sflag:s8] =	ssyncadd.s32 $0xFFFFC000  }
0xef: {  	[spmem:s1] =	stream.indirect.scatter.add.f32 [tilespmem:s6], [sflag:$0x4], $0x80, s16, s2, $0xb8;
	[tilespmem:$0x1E800] =	vst v63  }
0xf0: {  	_ =	swait.ge [sflag:s9], $0x4000  }
.Ltmp6:
0xf1: {  	[sflag:s9] =	ssyncset.done $0x0;
	(pc) =	sbr.rel @p1 .LBB2_5-.Ltmp6, $4  }
0xf2: {  	s15 =	sadd.s32 $0x1C100, s15;
	[sflag:s9] =	ssyncadd.s32 $0xFFFFC000  }
0xf3: {  	[tilespmem:s29], [sflag:$0x1] =	stream.indirect.gather [hbm4b:s4+s2], $0x80, s15, s2, $0xb8;
	[tilespmem:$0x1E800] =	vst v63  }
0xf4: {  	_ =	swait.ge [sflag:s10], $0x4000  }
0xf5: {  	s16 =	smov.u32 s19;
	s15 =	sshra.s32 s18, $0x2;
	[sflag:s10] =	ssyncset.done $0x0  }
0xf6: {  	s16 =	sadd.s32 $0x1C080, s15;
	[sflag:s10] =	ssyncadd.s32 $0xFFFFC000  }
0xf7: {  	[tilespmem:s6], [sflag:$0x2] =	stream.indirect.gather [hbm4b:s4+s2], $0x80, s16, s2, $0xb8;
	[tilespmem:$0x1E800] =	vst v63  }
0xf8: {  	_ =	swait.ge [sflag:s7], $0x4000  }
0xf9: {  	[sflag:s7] =	ssyncset.done $0x0  }
0xfa: {  	s18 =	sadd.s32 $0x1D400, s15;
	[sflag:s7] =	ssyncadd.s32 $0xFFFFC000  }
0xfb: {  	[spmem:s1] =	stream.indirect.scatter.add.f32 [tilespmem:s29], [sflag:$0x3], $0x80, s18, s2, $0xb8;
	[tilespmem:$0x1E800] =	vst v63  }
0xfc: {  	_ =	swait.ge [sflag:s8], $0x4000  }
0xfd: {  	[sflag:s8] =	ssyncset.done $0x0  }
0xfe: {  	s19 =	sadd.s32 $0x1D480, s15;
	[sflag:s8] =	ssyncadd.s32 $0xFFFFC000  }
0xff: {  	[spmem:s1] =	stream.indirect.scatter.add.f32 [tilespmem:s6], [sflag:$0x4], $0x80, s19, s2, $0xb8;
	[tilespmem:$0x1E800] =	vst v63  }
0x100: {  	_ =	swait.ge [sflag:s9], $0x4000  }
0x101: {  	[sflag:s9] =	ssyncset.done $0x0  }
0x102: {  	s16 =	sadd.s32 $0x1C100, s15;
	[sflag:s9] =	ssyncadd.s32 $0xFFFFC000  }
0x103: {  	[tilespmem:s29], [sflag:$0x1] =	stream.indirect.gather [hbm4b:s4+s2], $0x80, s16, s2, $0xb8;
	[tilespmem:$0x1E800] =	vst v63  }
0x104: {  	_ =	swait.ge [sflag:s10], $0x4000  }
0x105: {  	[sflag:s10] =	ssyncset.done $0x0  }
0x106: {  	[sflag:s10] =	ssyncadd.s32 $0xFFFFC000  }
0x107: {  	[tilespmem:s6], [sflag:$0x2] =	stream.indirect.gather [hbm4b:s4+s2], $0x80, s11, s2, $0xb8;
	[tilespmem:$0x1E800] =	vst v63  }
0x108: {  	_ =	swait.ge [sflag:s7], $0x4000  }
0x109: {  	[sflag:s7] =	ssyncset.done $0x0  }
0x10a: {  	[sflag:s7] =	ssyncadd.s32 $0xFFFFC000  }
0x10b: {  	[spmem:s1] =	stream.indirect.scatter.add.f32 [tilespmem:s29], [sflag:$0x3], $0x80, s12, s2, $0xb8;
	[tilespmem:$0x1E800] =	vst v63  }
0x10c: {  	_ =	swait.ge [sflag:s8], $0x4000  }
0x10d: {  	[sflag:s8] =	ssyncset.done $0x0  }
0x10e: {  	[sflag:s8] =	ssyncadd.s32 $0xFFFFC000  }
0x10f: {  	[spmem:s1] =	stream.indirect.scatter.add.f32 [tilespmem:s6], [sflag:$0x4], $0x80, s13, s2, $0xb8;
	[tilespmem:$0x1E800] =	vst v63  }
0x110: {  	_ =	swait.ge [sflag:s9], $0x4000  }
0x111: {  	[sflag:s9] =	ssyncset.done $0x0  }
0x112: {  	[sflag:s9] =	ssyncadd.s32 $0xFFFFC000  }
0x113: {  	_ =	swait.ge [sflag:s10], $0x4000  }
0x114: {  	[sflag:s10] =	ssyncset.done $0x0  }
0x115: {  	s17 =	simm.s32 $0x0;
	s18 =	rddreg [dreg:$0x5];
	[sflag:s10] =	ssyncadd.s32 $0xFFFFC000  }
0x116: {  	[tilespmem:s31], [sflag:$0x5] =	stream.linear.gather [hbm4b:s18+s17], $0x1400, $0x38;
	[tilespmem:$0x1E800] =	vst v63  }
0x117: {  	_ =	swait.ge [sflag:s30], $0x1400  }
0x118: {  	[sflag:s30] =	ssyncset.done $0x0  }
0x119: {  	s19 =	rddreg [dreg:$0x6];
	[sflag:s30] =	ssyncadd.s32 $0xFFFFEC00  }
0x11a: {  	[tilespmem:s0], [sflag:$0x5] =	stream.linear.gather [hbm4b:s19+s17], $0x1400, $0x38;
	[tilespmem:$0x1E800] =	vst v63  }
0x11b: {  	_ =	swait.ge [sflag:s30], $0x1400  }
0x11c: {  	[sflag:s30] =	ssyncset.done $0x0  }
0x11d: {  	[sflag:s30] =	ssyncadd.s32 $0xFFFFEC00  }
0x11e: {  	[tilespmem:s29], [sflag:$0x1] =	stream.indirect.gather [hbm4b:s4+s2], $0x80, s31, s2, $0xb8;
	[tilespmem:$0x1E800] =	vst v63  }
0x11f: {  	s16 =	simm.s32 $0x1C080  }
0x120: {  	[tilespmem:s6], [sflag:$0x2] =	stream.indirect.gather [hbm4b:s4+s2], $0x80, s16, s2, $0xb8;
	[tilespmem:$0x1E800] =	vst v63  }
0x121: {  	_ =	swait.ge [sflag:s7], $0x4000  }
0x122: {  	[sflag:s7] =	ssyncset.done $0x0  }
0x123: {  	s17 =	simm.s32 $0x1D400;
	[sflag:s7] =	ssyncadd.s32 $0xFFFFC000  }
0x124: {  	[spmem:s1] =	stream.indirect.scatter.add.f32 [tilespmem:s29], [sflag:$0x3], $0x80, s17, s2, $0xb8;
	[tilespmem:$0x1E800] =	vst v63  }
0x125: {  	_ =	swait.ge [sflag:s8], $0x4000  }
0x126: {  	[sflag:s8] =	ssyncset.done $0x0  }
0x127: {  	s18 =	simm.s32 $0x1D480;
	[sflag:s8] =	ssyncadd.s32 $0xFFFFC000  }
0x128: {  	[spmem:s1] =	stream.indirect.scatter.add.f32 [tilespmem:s6], [sflag:$0x4], $0x80, s18, s2, $0xb8;
	[tilespmem:$0x1E800] =	vst v63  }
0x129: {  	_ =	swait.ge [sflag:s9], $0x4000  }
0x12a: {  	[sflag:s9] =	ssyncset.done $0x0  }
0x12b: {  	s19 =	simm.s32 $0x1C100;
	[sflag:s9] =	ssyncadd.s32 $0xFFFFC000  }
0x12c: {  	[tilespmem:s29], [sflag:$0x1] =	stream.indirect.gather [hbm4b:s4+s2], $0x80, s19, s2, $0xb8;
	[tilespmem:$0x1E800] =	vst v63  }
0x12d: {  	_ =	swait.ge [sflag:s10], $0x4000  }
0x12e: {  	s15 =	simm.s32 $0x100;
	s16 =	simm.s32 $0x800;
	[sflag:s10] =	ssyncset.done $0x0  }
.LBB2_7:
0x12f: {  	s17 =	sadd.s32 $0x1C080, s15  }
0x130: {  	[sflag:s10] =	ssyncadd.s32 $0xFFFFC000;
	s18 =	smov.u32 s16;
	s19 =	sadd.s32 $0x400, s16  }
0x131: {  	[tilespmem:s6], [sflag:$0x2] =	stream.indirect.gather [hbm4b:s4+s2], $0x80, s17, s2, $0xb8;
	[tilespmem:$0x1E800] =	vst v63  }
0x132: {  	p1 =	sne.s32 s16, $0x4800;
	_ =	swait.ge [sflag:s7], $0x4000  }
0x133: {  	[sflag:s7] =	ssyncset.done $0x0  }
0x134: {  	s16 =	sadd.s32 $0x1D400, s15;
	[sflag:s7] =	ssyncadd.s32 $0xFFFFC000  }
0x135: {  	[spmem:s1] =	stream.indirect.scatter.add.f32 [tilespmem:s29], [sflag:$0x3], $0x80, s16, s2, $0xb8;
	[tilespmem:$0x1E800] =	vst v63  }
0x136: {  	_ =	swait.ge [sflag:s8], $0x4000  }
0x137: {  	[sflag:s8] =	ssyncset.done $0x0  }
0x138: {  	s16 =	sadd.s32 $0x1D480, s15;
	[sflag:s8] =	ssyncadd.s32 $0xFFFFC000  }
0x139: {  	[spmem:s1] =	stream.indirect.scatter.add.f32 [tilespmem:s6], [sflag:$0x4], $0x80, s16, s2, $0xb8;
	[tilespmem:$0x1E800] =	vst v63  }
0x13a: {  	_ =	swait.ge [sflag:s9], $0x4000  }
.Ltmp7:
0x13b: {  	[sflag:s9] =	ssyncset.done $0x0;
	(pc) =	sbr.rel @p1 .LBB2_7-.Ltmp7, $4  }
0x13c: {  	s15 =	sadd.s32 $0x1C100, s15;
	[sflag:s9] =	ssyncadd.s32 $0xFFFFC000  }
0x13d: {  	[tilespmem:s29], [sflag:$0x1] =	stream.indirect.gather [hbm4b:s4+s2], $0x80, s15, s2, $0xb8;
	[tilespmem:$0x1E800] =	vst v63  }
0x13e: {  	_ =	swait.ge [sflag:s10], $0x4000  }
0x13f: {  	s16 =	smov.u32 s19;
	s15 =	sshra.s32 s18, $0x2;
	[sflag:s10] =	ssyncset.done $0x0  }
0x140: {  	s16 =	sadd.s32 $0x1C080, s15;
	[sflag:s10] =	ssyncadd.s32 $0xFFFFC000  }
0x141: {  	[tilespmem:s6], [sflag:$0x2] =	stream.indirect.gather [hbm4b:s4+s2], $0x80, s16, s2, $0xb8;
	[tilespmem:$0x1E800] =	vst v63  }
0x142: {  	_ =	swait.ge [sflag:s7], $0x4000  }
0x143: {  	[sflag:s7] =	ssyncset.done $0x0  }
0x144: {  	s18 =	sadd.s32 $0x1D400, s15;
	[sflag:s7] =	ssyncadd.s32 $0xFFFFC000  }
0x145: {  	[spmem:s1] =	stream.indirect.scatter.add.f32 [tilespmem:s29], [sflag:$0x3], $0x80, s18, s2, $0xb8;
	[tilespmem:$0x1E800] =	vst v63  }
0x146: {  	_ =	swait.ge [sflag:s8], $0x4000  }
0x147: {  	[sflag:s8] =	ssyncset.done $0x0  }
0x148: {  	s19 =	sadd.s32 $0x1D480, s15;
	[sflag:s8] =	ssyncadd.s32 $0xFFFFC000  }
0x149: {  	[spmem:s1] =	stream.indirect.scatter.add.f32 [tilespmem:s6], [sflag:$0x4], $0x80, s19, s2, $0xb8;
	[tilespmem:$0x1E800] =	vst v63  }
0x14a: {  	_ =	swait.ge [sflag:s9], $0x4000  }
0x14b: {  	[sflag:s9] =	ssyncset.done $0x0  }
0x14c: {  	s16 =	sadd.s32 $0x1C100, s15;
	[sflag:s9] =	ssyncadd.s32 $0xFFFFC000  }
0x14d: {  	[tilespmem:s29], [sflag:$0x1] =	stream.indirect.gather [hbm4b:s4+s2], $0x80, s16, s2, $0xb8;
	[tilespmem:$0x1E800] =	vst v63  }
0x14e: {  	_ =	swait.ge [sflag:s10], $0x4000  }
0x14f: {  	[sflag:s10] =	ssyncset.done $0x0  }
0x150: {  	[sflag:s10] =	ssyncadd.s32 $0xFFFFC000  }
0x151: {  	[tilespmem:s6], [sflag:$0x2] =	stream.indirect.gather [hbm4b:s4+s2], $0x80, s11, s2, $0xb8;
	[tilespmem:$0x1E800] =	vst v63  }
0x152: {  	_ =	swait.ge [sflag:s7], $0x4000  }
0x153: {  	[sflag:s7] =	ssyncset.done $0x0  }
0x154: {  	[sflag:s7] =	ssyncadd.s32 $0xFFFFC000  }
0x155: {  	[spmem:s1] =	stream.indirect.scatter.add.f32 [tilespmem:s29], [sflag:$0x3], $0x80, s12, s2, $0xb8;
	[tilespmem:$0x1E800] =	vst v63  }
0x156: {  	_ =	swait.ge [sflag:s8], $0x4000  }
0x157: {  	[sflag:s8] =	ssyncset.done $0x0  }
0x158: {  	[sflag:s8] =	ssyncadd.s32 $0xFFFFC000  }
0x159: {  	[spmem:s1] =	stream.indirect.scatter.add.f32 [tilespmem:s6], [sflag:$0x4], $0x80, s13, s2, $0xb8;
	[tilespmem:$0x1E800] =	vst v63  }
0x15a: {  	_ =	swait.ge [sflag:s9], $0x4000  }
0x15b: {  	[sflag:s9] =	ssyncset.done $0x0  }
0x15c: {  	[sflag:s9] =	ssyncadd.s32 $0xFFFFC000  }
0x15d: {  	_ =	swait.ge [sflag:s10], $0x4000  }
0x15e: {  	[sflag:s10] =	ssyncset.done $0x0  }
0x15f: {  	s17 =	simm.s32 $0x0;
	s18 =	rddreg [dreg:$0x7];
	[sflag:s10] =	ssyncadd.s32 $0xFFFFC000  }
0x160: {  	[tilespmem:s31], [sflag:$0x5] =	stream.linear.gather [hbm4b:s18+s17], $0x1400, $0x38;
	[tilespmem:$0x1E800] =	vst v63  }
0x161: {  	_ =	swait.ge [sflag:s30], $0x1400  }
0x162: {  	[sflag:s30] =	ssyncset.done $0x0  }
0x163: {  	s19 =	rddreg [dreg:$0x8];
	[sflag:s30] =	ssyncadd.s32 $0xFFFFEC00  }
0x164: {  	[tilespmem:s0], [sflag:$0x5] =	stream.linear.gather [hbm4b:s19+s17], $0x1400, $0x38;
	[tilespmem:$0x1E800] =	vst v63  }
0x165: {  	_ =	swait.ge [sflag:s30], $0x1400  }
0x166: {  	[sflag:s30] =	ssyncset.done $0x0  }
0x167: {  	[sflag:s30] =	ssyncadd.s32 $0xFFFFEC00  }
0x168: {  	[tilespmem:s29], [sflag:$0x1] =	stream.indirect.gather [hbm4b:s4+s2], $0x80, s31, s2, $0xb8;
	[tilespmem:$0x1E800] =	vst v63  }
0x169: {  	s16 =	simm.s32 $0x1C080  }
0x16a: {  	[tilespmem:s6], [sflag:$0x2] =	stream.indirect.gather [hbm4b:s4+s2], $0x80, s16, s2, $0xb8;
	[tilespmem:$0x1E800] =	vst v63  }
0x16b: {  	_ =	swait.ge [sflag:s7], $0x4000  }
0x16c: {  	[sflag:s7] =	ssyncset.done $0x0  }
0x16d: {  	s17 =	simm.s32 $0x1D400;
	[sflag:s7] =	ssyncadd.s32 $0xFFFFC000  }
0x16e: {  	[spmem:s1] =	stream.indirect.scatter.add.f32 [tilespmem:s29], [sflag:$0x3], $0x80, s17, s2, $0xb8;
	[tilespmem:$0x1E800] =	vst v63  }
0x16f: {  	_ =	swait.ge [sflag:s8], $0x4000  }
0x170: {  	[sflag:s8] =	ssyncset.done $0x0  }
0x171: {  	s18 =	simm.s32 $0x1D480;
	[sflag:s8] =	ssyncadd.s32 $0xFFFFC000  }
0x172: {  	[spmem:s1] =	stream.indirect.scatter.add.f32 [tilespmem:s6], [sflag:$0x4], $0x80, s18, s2, $0xb8;
	[tilespmem:$0x1E800] =	vst v63  }
0x173: {  	_ =	swait.ge [sflag:s9], $0x4000  }
0x174: {  	[sflag:s9] =	ssyncset.done $0x0  }
0x175: {  	s19 =	simm.s32 $0x1C100;
	[sflag:s9] =	ssyncadd.s32 $0xFFFFC000  }
0x176: {  	[tilespmem:s29], [sflag:$0x1] =	stream.indirect.gather [hbm4b:s4+s2], $0x80, s19, s2, $0xb8;
	[tilespmem:$0x1E800] =	vst v63  }
0x177: {  	_ =	swait.ge [sflag:s10], $0x4000  }
0x178: {  	s15 =	simm.s32 $0x100;
	s16 =	simm.s32 $0x800;
	[sflag:s10] =	ssyncset.done $0x0  }
.LBB2_9:
0x179: {  	s17 =	sadd.s32 $0x1C080, s15  }
0x17a: {  	[sflag:s10] =	ssyncadd.s32 $0xFFFFC000;
	s18 =	smov.u32 s16;
	s19 =	sadd.s32 $0x400, s16  }
0x17b: {  	[tilespmem:s6], [sflag:$0x2] =	stream.indirect.gather [hbm4b:s4+s2], $0x80, s17, s2, $0xb8;
	[tilespmem:$0x1E800] =	vst v63  }
0x17c: {  	p1 =	seq.s32 s16, $0x4800;
	_ =	swait.ge [sflag:s7], $0x4000  }
0x17d: {  	[sflag:s7] =	ssyncset.done $0x0  }
0x17e: {  	s16 =	sadd.s32 $0x1D400, s15;
	[sflag:s7] =	ssyncadd.s32 $0xFFFFC000  }
0x17f: {  	[spmem:s1] =	stream.indirect.scatter.add.f32 [tilespmem:s29], [sflag:$0x3], $0x80, s16, s2, $0xb8;
	[tilespmem:$0x1E800] =	vst v63  }
0x180: {  	_ =	swait.ge [sflag:s8], $0x4000  }
0x181: {  	[sflag:s8] =	ssyncset.done $0x0  }
0x182: {  	s16 =	sadd.s32 $0x1D480, s15;
	[sflag:s8] =	ssyncadd.s32 $0xFFFFC000  }
0x183: {  	[spmem:s1] =	stream.indirect.scatter.add.f32 [tilespmem:s6], [sflag:$0x4], $0x80, s16, s2, $0xb8;
	[tilespmem:$0x1E800] =	vst v63  }
0x184: {  	_ =	swait.ge [sflag:s9], $0x4000  }
.Ltmp8:
0x185: {  	[sflag:s9] =	ssyncset.done $0x0;
	(pc) =	sbr.rel @!p1 .LBB2_9-.Ltmp8, $4  }
0x186: {  	s15 =	sadd.s32 $0x1C100, s15;
	[sflag:s9] =	ssyncadd.s32 $0xFFFFC000  }
0x187: {  	[tilespmem:s29], [sflag:$0x1] =	stream.indirect.gather [hbm4b:s4+s2], $0x80, s15, s2, $0xb8;
	[tilespmem:$0x1E800] =	vst v63  }
0x188: {  	_ =	swait.ge [sflag:s10], $0x4000  }
0x189: {  	s16 =	smov.u32 s19;
	s15 =	sshra.s32 s18, $0x2;
	[sflag:s10] =	ssyncset.done $0x0  }
.Ltmp9:
0x18a: {  	_ = 	snop;
	(pc) =	sbr.rel .LBB2_10-.Ltmp9, $1  }
0x18b: {  	_ =	sdelay $0x3  }
.LBB2_15:
0x18c: {  	_ =	sfence.sel $0x180000  }
0x18d: {  	[bflag:$0x0] =	sbarrier.arrive $0xFFFF  }
0x18e: {  	_ =	strace $0x9000004D  }
0x18f: {  	s0 =	stileid.u32;
	[bflag:$0x2] =	sbarrier.arrive $0xFFFF  }
0x190: {  	p0 =	sne.s32 s0, $0x0;
	s0 =	rddreg [dreg:$0x2]  }
0x191: {  	s0 =	sadd.s32 @!p0 $0x100000, s0  }
0x192: {  	[sflag:s0] =	ssyncadd.tile.s32 @!p0 $0x1;
	_ =	shalt  }
.Lfunc_end2:
_tile_overlayer_lowered:
.L_overlay_start_2:
0x193: {  	(tag) =	ssettag $0x2  }
0x194: {  	s0 =	rddreg [dreg:$0x0];
	s2 =	stileid.u32  }
0x195: {  	s1 =	rddreg [dreg:$0x1];
	p0 =	sne.s32 s2, $0x0  }
0x196: {  	s3 =	rddreg [dreg:$0x2];
	[bflag:$0x3] =	sbarrier.arrive $0xFFFF;
	s2 =	simm.s32 @!p0 $0x1C05  }
0x197: {  	[timem:s3], [sflag:s2] =	dma.local @!p0 [hbm:s0], s1  }
0x198: {  	s0 =	simm.s32 @!p0 $0x5  }
0x199: {  	_ =	swait.ge @!p0 [sflag:s0], s1  }
0x19a: {  	s1 =	ssub.s32 @!p0 $0x0, s1;
	[sflag:s0] =	ssyncset.done @!p0 $0x0  }
0x19b: {  	[sflag:s0] =	ssyncadd.s32 @!p0 s1  }
0x19c: {  	[bflag:$0x3] =	sbarrier.arrive $0xFFFF  }
0x19d: {  	_ =	shalt  }

// kernel: kernel.20.cloned.1.call-start
scs
__scs_entry_jumppad:
0x0: {  	(pc) =	sbr.rel $0x88, $3  }
0x1: {  	(tag) =	ssettag $0x0;
	lr =	simm.s32 $0x1  }
0x2: {  	[smem:$0x3F7B] =	sst lr;
	_ =	strace $0xD0000000  }
0x3: {  	_ = 	snop  }
0x4: {  	_ = 	snop  }
0x5: {  	_ = 	snop  }
0x6: {  	_ = 	snop  }
0x7: {  	_ = 	snop  }
__scs_overlays_trampoline_lowered:
0x8: {  	[smem:$0x3F8A] =	sst s0  }
0x9: {  	[smem:$0x3F8B] =	sst s1  }
0xa: {  	[smem:$0x3F8C] =	sst s2  }
0xb: {  	[smem:$0x3F8D] =	sst s3  }
0xc: {  	[smem:$0x3F8E] =	sst s4  }
0xd: {  	[smem:$0x3F8F] =	sst s5  }
0xe: {  	[smem:$0x3F90] =	sst s6  }
0xf: {  	[smem:$0x3F91] =	sst s7  }
0x10: {  	[smem:$0x3F92] =	sst s8  }
0x11: {  	[smem:$0x3F93] =	sst s9;
	s0 =	simm.s32 @!p0 $0x0  }
0x12: {  	s1 =	sld [smem:$0x3F79];
	s0 =	simm.s32 @p0 $0x1  }
0x13: {  	[smem:$0x3F94] =	sst s0;
	s0 =	simm.s32 @!p1 $0x0  }
0x14: {  	s2 =	sld [smem:$0x3F78];
	s0 =	simm.s32 @p1 $0x1  }
0x15: {  	[smem:$0x3F95] =	sst s0;
	s0 =	simm.s32 @!p2 $0x0  }
0x16: {  	s3 =	sld [smem:$0x3FDB];
	s0 =	simm.s32 @p2 $0x1  }
0x17: {  	s4 =	simm.s32 $0x1BF5;
	[smem:$0x3F97] =	sst s0  }
0x18: {  	s0 =	sld [smem:$0x3F7A];
	_ =	swait.ge [sflag:s4], $0x0  }
0x19: {  	s7 =	sld [smem:$0x3F7B]  }
0x1a: {  	s8 =	sadd.s32 $0xFFFFE003, lr  }
0x1b: {  	s9 =	sadd.s32 $0xFFFFFEF7, lr;
	s5 =	simm.s32 $0xFFFFFFFF;
	p2 =	slt.u32 s8, $0xFFFFF086  }
0x1c: {  	p1 =	slt.u32 s9, $0xF7A;
	s5 =	simm.s32 @!p2 $0x0  }
0x1d: {  	s5 =	simm.s32 @p1 $0x1;
	p0 =	seq.s32 s7, s2  }
0x1e: {  	s7 =	smul.u32 @!p0 $0xF7A, s2;
	p2 =	seq.s32 @!p0 s5, $0x0  }
0x1f: {  	s9 =	smul.u32 $0xF7A, s1;
	s8 =	simm.s32 @!p0 $0x1BF5;
	p2 =	por !p2, p0  }
0x20: {  	[sflag:s8] =	ssyncset.s32 @!p0 $0xFFFFF086;
	s6 =	sadd.s32 @!p0 s3, s7;
	s7 =	simm.s32 @!p0 $0x108  }
0x21: {  	s3 =	sadd.s32 s3, s9;
	s6 =	sadd.s32 @!p0 $0x88, s6;
	s7 =	simm.s32 @p2 $0x1082  }
0x22: {  	[simem:s7], [sflag:s8] =	dma.local @!p0 [hbm:s6], $0xF7A  }
0x23: {  	s9 =	sor.u32 $0xD0000000, s2;
	s6 =	simm.s32 $0x108;
	_ =	swait.ge @!p0 [sflag:s8], $0x0  }
0x24: {  	s3 =	sadd.s32 $0x88, s3;
	s6 =	simm.s32 @!p1 $0x1082;
	[sflag:s4] =	ssyncset.s32 $0xFFFFF086  }
0x25: {  	[simem:s6], [sflag:s4] =	dma.local [hbm:s3], $0xF7A  }
0x26: {  	[smem:$0x3F7B] =	sst s1;
	(tag) =	ssettag s2;
	_ =	strace s9  }
0x27: {  	s1 =	sld [smem:$0x3F8B]  }
0x28: {  	s2 =	sld [smem:$0x3F8C]  }
0x29: {  	s4 =	sld [smem:$0x3F8E]  }
0x2a: {  	p0 =	seq.s32 s5, $0x0;
	s5 =	sld [smem:$0x3F8F]  }
0x2b: {  	s6 =	sld [smem:$0x3F90]  }
0x2c: {  	s7 =	sld [smem:$0x3F91]  }
0x2d: {  	s3 =	simm.s32 $0x108;
	s8 =	sld [smem:$0x3F92]  }
0x2e: {  	s3 =	simm.s32 @!p0 $0x1082;
	s9 =	sld [smem:$0x3F93]  }
0x2f: {  	lr =	sadd.s32 s0, s3;
	s0 =	sld [smem:$0x3F8A]  }
0x30: {  	s3 =	sld [smem:$0x3F8D]  }
0x31: {  	[smem:$0x3F96] =	sst s10  }
0x32: {  	s10 =	sld [smem:$0x3F94];
	_ =	sdelay $0x3  }
0x33: {  	p0 =	seq.s32 s10, $0x1;
	s10 =	sld [smem:$0x3F96];
	_ =	sdelay $0x3  }
0x34: {  	[smem:$0x3F96] =	sst s10  }
0x35: {  	s10 =	sld [smem:$0x3F95];
	_ =	sdelay $0x3  }
0x36: {  	p1 =	seq.s32 s10, $0x1;
	s10 =	sld [smem:$0x3F96];
	_ =	sdelay $0x3  }
0x37: {  	[smem:$0x3F96] =	sst s10  }
0x38: {  	s10 =	sld [smem:$0x3F97]  }
0x39: {  	_ = 	snop;
	(pc) =	sbr.ind lr, $3  }
0x3a: {  	_ = 	snop  }
0x3b: {  	_ = 	snop  }
0x3c: {  	p2 =	seq.s32 s10, $0x1;
	s10 =	sld [smem:$0x3F96]  }
0x3d: {  	_ =	shalt  }
0x3e: {  	_ =	shalt  }
0x3f: {  	_ =	shalt  }
0x40: {  	_ =	shalt  }
0x41: {  	_ =	shalt  }
0x42: {  	_ =	shalt  }
0x43: {  	_ =	shalt  }
0x44: {  	_ =	shalt  }
0x45: {  	_ =	shalt  }
0x46: {  	_ =	shalt  }
0x47: {  	_ =	shalt  }
0x48: {  	_ =	shalt  }
0x49: {  	_ =	shalt  }
0x4a: {  	_ =	shalt  }
0x4b: {  	_ =	shalt  }
0x4c: {  	_ =	shalt  }
0x4d: {  	_ =	shalt  }
0x4e: {  	_ =	shalt  }
0x4f: {  	_ =	shalt  }
0x50: {  	_ =	shalt  }
0x51: {  	_ =	shalt  }
0x52: {  	_ =	shalt  }
0x53: {  	_ =	shalt  }
0x54: {  	_ =	shalt  }
0x55: {  	_ =	shalt  }
0x56: {  	_ =	shalt  }
0x57: {  	_ =	shalt  }
0x58: {  	_ =	shalt  }
0x59: {  	_ =	shalt  }
0x5a: {  	_ =	shalt  }
0x5b: {  	_ =	shalt  }
0x5c: {  	_ =	shalt  }
0x5d: {  	_ =	shalt  }
0x5e: {  	_ =	shalt  }
0x5f: {  	_ =	shalt  }
0x60: {  	_ =	shalt  }
0x61: {  	_ =	shalt  }
0x62: {  	_ =	shalt  }
0x63: {  	_ =	shalt  }
0x64: {  	_ =	shalt  }
0x65: {  	_ =	shalt  }
0x66: {  	_ =	shalt  }
0x67: {  	_ =	shalt  }
0x68: {  	_ =	shalt  }
0x69: {  	_ =	shalt  }
0x6a: {  	_ =	shalt  }
0x6b: {  	_ =	shalt  }
0x6c: {  	_ =	shalt  }
0x6d: {  	_ =	shalt  }
0x6e: {  	_ =	shalt  }
0x6f: {  	_ =	shalt  }
0x70: {  	_ =	shalt  }
0x71: {  	_ =	shalt  }
0x72: {  	_ =	shalt  }
0x73: {  	_ =	shalt  }
0x74: {  	_ =	shalt  }
0x75: {  	_ =	shalt  }
0x76: {  	_ =	shalt  }
0x77: {  	_ =	shalt  }
0x78: {  	_ =	shalt  }
0x79: {  	_ =	shalt  }
0x7a: {  	_ =	shalt  }
0x7b: {  	_ =	shalt  }
0x7c: {  	_ =	shalt  }
0x7d: {  	_ =	shalt  }
0x7e: {  	_ =	shalt  }
0x7f: {  	_ =	shalt  }
0x80: {  	_ =	shalt  }
0x81: {  	_ =	shalt  }
0x82: {  	_ =	shalt  }
0x83: {  	_ =	shalt  }
0x84: {  	_ =	shalt  }
0x85: {  	_ =	shalt  }
0x86: {  	_ =	shalt  }
0x87: {  	_ =	shalt  }
.Lfunc_end0:
.L_simem_size_0:
called_computation.3_lowered:
.L_overlay_start_0:
0x88: {  	s2 =	sld [smem:$0x3FD9]  }
0x89: {  	s3 =	sld [smem:$0x3FFE];
	_ =	sdelay $0x1  }
0x8a: {  	s1 =	srdreg.scid  }
0x8b: {  	s0 =	sand.u32 $0x1, s1  }
0x8c: {  	s17 =	sshll.u32 s0, $0xA;
	s2 =	sadd.s32 s3, s2  }
0x8d: {  	s2 =	sadd.s32 s2, s17  }
0x8e: {  	[smem:$0x3FA2] =	sst s2  }
0x8f: {  	_ = 	snop  }
0x90: {  	s2 =	sld [smem:$0x3FC6];
	(tm) =	ssettm $0x1  }
0x91: {  	s18 =	sld [smem:$0x3FFB];
	_ =	sdelay $0x3  }
0x92: {  	_ =	strace s18  }
0x93: {  	s3 =	sld [smem:$0x3FFC];
	_ =	sdelay $0x3  }
0x94: {  	_ =	strace s3  }
0x95: {  	s3 =	sld [smem:$0x3FFD];
	_ =	sdelay $0x3  }
0x96: {  	_ =	strace s3  }
0x97: {  	_ =	strace $0x8FFFFFFF  }
0x98: {  	s19 =	sld [smem:$0x3FDB];
	_ =	sdelay $0x1  }
0x99: {  	s4 =	simm.s32 $_scs_section_size  }
0x9a: {  	s5 =	simm.s32 $_size__tile_overlayer_lowered;
	s6 =	simm.s32 $_tile_overlayer_lowered  }
0x9b: {  	s22 =	simm.s32 $0x1BFF;
	s21 =	sshll.u32 s6, $0x1;
	s3 =	sadd.s32 s4, s19  }
0x9c: {  	s7 =	simm.s32 $0x0;
	s20 =	sshll.u32 s5, $0x1;
	s5 =	sadd.s32 s21, s3  }
0x9d: {  	[timem:s7], [sflag:s22] =	dma.local [hbm:s5], s20  }
0x9e: {  	_ =	swait.ge [sflag:s22], s20  }
0x9f: {  	s4 =	ssub.s32 $0x0, s20;
	[sflag:s22] =	ssyncset.done $0x0  }
0xa0: {  	[sflag:s22] =	ssyncadd.s32 s4;
	_ =	sdelay $0x1  }
0xa1: {  	s23 =	simm.s32 $0x1B8B  }
0xa2: {  	_ =	swait.ge [sflag:s23], $0x1  }
0xa3: {  	[sflag:s23] =	ssyncset.done $0x0  }
0xa4: {  	s25 =	simm.s32 $0x1B8E;
	s24 =	sld [smem:$0x3FFE];
	[sflag:s23] =	ssyncadd.s32 $0xFFFFFFFF  }
0xa5: {  	s26 =	simm.s32 $execute0_lowered;
	[smem:$0x3FD2] =	sst s25  }
0xa6: {  	s5 =	sshll.u32 s26, $0x1;
	_ =	strace $0x8000004F;
	[dreg:$0x1] =	wrdreg $0xFFFFFFFF  }
0xa7: {  	s28 =	simm.s32 $_size_execute0_lowered;
	s3 =	sadd.s32 s3, s5;
	[dreg:$0x0] =	wrdreg $0x0  }
0xa8: {  	s5 =	sshll.u32 s28, $0x1;
	[dreg:$0x2] =	wrdreg s3  }
0xa9: {  	[dreg:$0x3] =	wrdreg s5  }
0xaa: {  	[dreg:$0x4] =	wrdreg $0xC0  }
0xab: {  	_ =	task [dreg:s7], $0x5FFFF  }
0xac: {  	[dreg:$0x1] =	wrdreg $0xFFFFFFFF  }
0xad: {  	[dreg:$0x0] =	wrdreg $0x60  }
0xae: {  	[dreg:$0x2] =	wrdreg s24  }
0xaf: {  	[dreg:$0x3] =	wrdreg s2  }
0xb0: {  	[dreg:$0x4] =	wrdreg $0x9  }
0xb1: {  	_ =	task.clear_ibuf [dreg:s7], $0x5FFFF;
	_ =	strace $0x9000004F  }
0xb2: {  	s29 =	simm.s32 $0x9;
	_ =	strace $0x80000051  }
0xb3: {  	_ =	swait.ge [sflag:s29], $0x1  }
0xb4: {  	[sflag:s29] =	ssyncadd.s32 $0xFFFFFFFF  }
0xb5: {  	_ =	strace $0x90000051  }
0xb6: {  	_ =	sfence  }
0xb7: {  	s30 =	sld [smem:$0x0];
	_ =	sdelay $0x2  }
0xb8: {  	s31 =	sshll.u32 s1, $0xD;
	s1 =	sshrl.u32 s1, $0x2  }
0xb9: {  	s3 =	sand.u32 $0x4000, s31;
	s1 =	sadd.s32 s1, s30  }
0xba: {  	s0 =	sor.u32 s3, s0;
	s1 =	sshll.u32 s1, $0x11  }
0xbb: {  	s0 =	sor.u32 s1, s0  }
0xbc: {  	s0 =	sadd.s32 $0x8F2B, s0  }
0xbd: {  	[sflag:s0] =	ssyncadd.remote.s32 $0x1  }
0xbe: {  	_ =	sfence.sel $0xFFFF  }
0xbf: {  	[dreg:$0x0] =	wrdreg $0xFFFFFFFF;
	(pc) =	sbr.abs _section_cstart, $3  }
0xc0: {  	[dreg:$0x1] =	wrdreg $0xFFFFFFFF  }
0xc1: {  	_ =	task.clear_ibuf [dreg:s7], $0x2FFFF;
	_ =	strace $0x9FFFFFFF  }
0xc2: {  	(tm) =	ssettm $0x7FFFFFFF  }
0xc3: {  	_ =	shalt  }
tec
execute0_lowered:
.L_overlay_start_1:
0x0: {  	(tag) =	ssettag $0x1  }
0x1: {  	s1 =	srdreg.scid  }
0x2: {  	s8 =	rddreg [dreg:$0x0];
	s0 =	stileid.u32;
	s12 =	sand.u32 $0x1, s1  }
0x3: {  	s3 =	rddreg [dreg:$0x1];
	s4 =	sshll.u32 s0, $0xA;
	s5 =	sshll.u32 s12, $0x9  }
0x4: {  	s2 =	simm.s32 $0x0;
	s1 =	rddreg [dreg:$0x2];
	s9 =	sor.u32 s5, s4  }
0x5: {  	[smem:$0x7FF] =	sst s2;
	s4 =	sshrl.u32 s9, $0x3  }
0x6: {  	_ =	strace $0x80000050;
	s4 =	sadd.s32 s3, s4;
	s3 =	simm.s32 $0x1  }
0x7: {  	[tilespmem:s2], [sflag:$0x1] =	stream.linear.gather [hbm4b:s4+s2], $0x200, $0x38;
	[tilespmem:$0x4200] =	vst v63  }
0x8: {  	_ =	swait.ge [sflag:s3], $0x200  }
0x9: {  	s6 =	simm.s32 $0x80;
	[sflag:s3] =	ssyncset.done $0x0  }
0xa: {  	s7 =	simm.s32 $0x200;
	s5 =	sadd.s32 $0x7400, s8;
	[sflag:s3] =	ssyncadd.s32 $0xFFFFFE00  }
0xb: {  	[tilespmem:s7], [sflag:$0x1] =	stream.indirect.gather [hbm4b:s5+s6], $0x80, s2, s6, $0xb8;
	[tilespmem:$0x4200] =	vst v63  }
0xc: {  	s9 =	sshll.u32 s9, $0x4;
	_ =	swait.ge [sflag:s3], $0x4000  }
0xd: {  	s13 =	sadd.s32 s9, s8;
	[sflag:s3] =	ssyncset.done $0x0  }
0xe: {  	s8 =	sadd.s32 $0x2F400, s13;
	[sflag:s3] =	ssyncadd.s32 $0xFFFFC000  }
0xf: {  	[hbm4b:s8+s2] =	stream.linear.scatter [tilespmem:s7], [sflag:$0x1], $0x4000, $0x38;
	[tilespmem:$0x4200] =	vst v63  }
0x10: {  	_ =	swait.ge [sflag:s3], $0x4000  }
0x11: {  	[sflag:s3] =	ssyncset.done $0x0  }
0x12: {  	[sflag:s3] =	ssyncadd.s32 $0xFFFFC000  }
0x13: {  	[tilespmem:s7], [sflag:$0x1] =	stream.indirect.gather [hbm4b:s5+s6], $0x80, s6, s6, $0xb8;
	[tilespmem:$0x4200] =	vst v63  }
0x14: {  	_ =	swait.ge [sflag:s3], $0x4000  }
0x15: {  	[sflag:s3] =	ssyncset.done $0x0  }
0x16: {  	s9 =	sadd.s32 $0x2FC00, s13;
	[sflag:s3] =	ssyncadd.s32 $0xFFFFC000  }
0x17: {  	[hbm4b:s9+s2] =	stream.linear.scatter [tilespmem:s7], [sflag:$0x1], $0x4000, $0x38;
	[tilespmem:$0x4200] =	vst v63  }
0x18: {  	_ =	swait.ge [sflag:s3], $0x4000  }
0x19: {  	[sflag:s3] =	ssyncset.done $0x0  }
0x1a: {  	s10 =	simm.s32 $0x100;
	[sflag:s3] =	ssyncadd.s32 $0xFFFFC000  }
0x1b: {  	[tilespmem:s7], [sflag:$0x1] =	stream.indirect.gather [hbm4b:s5+s6], $0x80, s10, s6, $0xb8;
	[tilespmem:$0x4200] =	vst v63  }
0x1c: {  	_ =	swait.ge [sflag:s3], $0x4000  }
0x1d: {  	[sflag:s3] =	ssyncset.done $0x0  }
0x1e: {  	s14 =	ssub.s32 $0x2, s12;
	s11 =	sadd.s32 $0x30400, s13;
	[sflag:s3] =	ssyncadd.s32 $0xFFFFC000  }
0x1f: {  	[hbm4b:s11+s2] =	stream.linear.scatter [tilespmem:s7], [sflag:$0x1], $0x4000, $0x38;
	[tilespmem:$0x4200] =	vst v63  }
0x20: {  	s15 =	sshrl.u32 s14, $0x1;
	_ =	swait.ge [sflag:s3], $0x4000  }
0x21: {  	s14 =	ssub.s32 s14, s15;
	[sflag:s3] =	ssyncset.done $0x0  }
0x22: {  	s12 =	simm.s32 $0x180;
	s14 =	smax.u32 s14, $0x1;
	[sflag:s3] =	ssyncadd.s32 $0xFFFFC000  }
0x23: {  	[tilespmem:s7], [sflag:$0x1] =	stream.indirect.gather [hbm4b:s5+s6], $0x80, s12, s6, $0xb8;
	[tilespmem:$0x4200] =	vst v63  }
0x24: {  	p0 =	sne.s32 s14, $0x1;
	_ =	swait.ge [sflag:s3], $0x4000  }
.Ltmp0:
0x25: {  	[sflag:s3] =	ssyncset.done $0x0;
	(pc) =	sbr.rel @!p0 .LBB2_2-.Ltmp0, $4  }
0x26: {  	s13 =	sadd.s32 $0x30C00, s13;
	[sflag:s3] =	ssyncadd.s32 $0xFFFFC000  }
0x27: {  	[hbm4b:s13+s2] =	stream.linear.scatter [tilespmem:s7], [sflag:$0x1], $0x4000, $0x38;
	[tilespmem:$0x4200] =	vst v63  }
0x28: {  	_ =	swait.ge [sflag:s3], $0x4000  }
0x29: {  	s14 =	sadd.s32 $0xFFFFFFFF, s14;
	[sflag:s3] =	ssyncset.done $0x0  }
.LBB2_1:
0x2a: {  	p0 =	sne.s32 s14, $0x1;
	s14 =	sadd.s32 $0xFFFFFFFF, s14;
	[sflag:s3] =	ssyncadd.s32 $0xFFFFC000  }
0x2b: {  	[tilespmem:s2], [sflag:$0x1] =	stream.linear.gather [hbm4b:s4+s2], $0x200, $0x38;
	[tilespmem:$0x4200] =	vst v63  }
0x2c: {  	_ =	swait.ge [sflag:s3], $0x200  }
0x2d: {  	[sflag:s3] =	ssyncset.done $0x0  }
0x2e: {  	[sflag:s3] =	ssyncadd.s32 $0xFFFFFE00  }
0x2f: {  	[tilespmem:s7], [sflag:$0x1] =	stream.indirect.gather [hbm4b:s5+s6], $0x80, s2, s6, $0xb8;
	[tilespmem:$0x4200] =	vst v63  }
0x30: {  	_ =	swait.ge [sflag:s3], $0x4000  }
0x31: {  	[sflag:s3] =	ssyncset.done $0x0  }
0x32: {  	[sflag:s3] =	ssyncadd.s32 $0xFFFFC000  }
0x33: {  	[hbm4b:s8+s2] =	stream.linear.scatter [tilespmem:s7], [sflag:$0x1], $0x4000, $0x38;
	[tilespmem:$0x4200] =	vst v63  }
0x34: {  	_ =	swait.ge [sflag:s3], $0x4000  }
0x35: {  	[sflag:s3] =	ssyncset.done $0x0  }
0x36: {  	[sflag:s3] =	ssyncadd.s32 $0xFFFFC000  }
0x37: {  	[tilespmem:s7], [sflag:$0x1] =	stream.indirect.gather [hbm4b:s5+s6], $0x80, s6, s6, $0xb8;
	[tilespmem:$0x4200] =	vst v63  }
0x38: {  	_ =	swait.ge [sflag:s3], $0x4000  }
0x39: {  	[sflag:s3] =	ssyncset.done $0x0  }
0x3a: {  	[sflag:s3] =	ssyncadd.s32 $0xFFFFC000  }
0x3b: {  	[hbm4b:s9+s2] =	stream.linear.scatter [tilespmem:s7], [sflag:$0x1], $0x4000, $0x38;
	[tilespmem:$0x4200] =	vst v63  }
0x3c: {  	_ =	swait.ge [sflag:s3], $0x4000  }
0x3d: {  	[sflag:s3] =	ssyncset.done $0x0  }
0x3e: {  	[sflag:s3] =	ssyncadd.s32 $0xFFFFC000  }
0x3f: {  	[tilespmem:s7], [sflag:$0x1] =	stream.indirect.gather [hbm4b:s5+s6], $0x80, s10, s6, $0xb8;
	[tilespmem:$0x4200] =	vst v63  }
0x40: {  	_ =	swait.ge [sflag:s3], $0x4000  }
0x41: {  	[sflag:s3] =	ssyncset.done $0x0  }
0x42: {  	[sflag:s3] =	ssyncadd.s32 $0xFFFFC000  }
0x43: {  	[hbm4b:s11+s2] =	stream.linear.scatter [tilespmem:s7], [sflag:$0x1], $0x4000, $0x38;
	[tilespmem:$0x4200] =	vst v63  }
0x44: {  	_ =	swait.ge [sflag:s3], $0x4000  }
0x45: {  	[sflag:s3] =	ssyncset.done $0x0  }
0x46: {  	[sflag:s3] =	ssyncadd.s32 $0xFFFFC000  }
0x47: {  	[tilespmem:s7], [sflag:$0x1] =	stream.indirect.gather [hbm4b:s5+s6], $0x80, s12, s6, $0xb8;
	[tilespmem:$0x4200] =	vst v63  }
0x48: {  	_ =	swait.ge [sflag:s3], $0x4000  }
.Ltmp1:
0x49: {  	[sflag:s3] =	ssyncset.done $0x0;
	(pc) =	sbr.rel @p0 .LBB2_1-.Ltmp1, $4  }
0x4a: {  	[sflag:s3] =	ssyncadd.s32 $0xFFFFC000  }
0x4b: {  	[hbm4b:s13+s2] =	stream.linear.scatter [tilespmem:s7], [sflag:$0x1], $0x4000, $0x38;
	[tilespmem:$0x4200] =	vst v63  }
0x4c: {  	_ =	swait.ge [sflag:s3], $0x4000  }
0x4d: {  	[sflag:s3] =	ssyncset.done $0x0  }
.LBB2_2:
0x4e: {  	[sflag:s3] =	ssyncadd.s32 $0xFFFFC000  }
0x4f: {  	_ =	sfence.sel $0x180000  }
0x50: {  	[bflag:$0x0] =	sbarrier.arrive $0xFFFF  }
0x51: {  	p0 =	sne.s32 s0, $0x0;
	_ =	strace $0x90000050  }
0x52: {  	s0 =	sadd.s32 @!p0 $0x100000, s1;
	[bflag:$0x2] =	sbarrier.arrive $0xFFFF  }
0x53: {  	[sflag:s0] =	ssyncadd.tile.s32 @!p0 $0x1;
	_ =	shalt  }
.Lfunc_end2:
_tile_overlayer_lowered:
.L_overlay_start_2:
0x54: {  	(tag) =	ssettag $0x2  }
0x55: {  	s0 =	rddreg [dreg:$0x0];
	s2 =	stileid.u32  }
0x56: {  	s1 =	rddreg [dreg:$0x1];
	p0 =	sne.s32 s2, $0x0  }
0x57: {  	s3 =	rddreg [dreg:$0x2];
	[bflag:$0x3] =	sbarrier.arrive $0xFFFF;
	s2 =	simm.s32 @!p0 $0x1C01  }
0x58: {  	[timem:s3], [sflag:s2] =	dma.local @!p0 [hbm:s0], s1  }
0x59: {  	s0 =	simm.s32 @!p0 $0x1  }
0x5a: {  	_ =	swait.ge @!p0 [sflag:s0], s1  }
0x5b: {  	s1 =	ssub.s32 @!p0 $0x0, s1;
	[sflag:s0] =	ssyncset.done @!p0 $0x0  }
0x5c: {  	[sflag:s0] =	ssyncadd.s32 @!p0 s1  }
0x5d: {  	[bflag:$0x3] =	sbarrier.arrive $0xFFFF  }
0x5e: {  	_ =	shalt  }

</sc_bundles>
